<compile_context>
chip_gen: v7x
topology: tpu7x:2x2x1
jax: 0.10.2.dev20260603
libtpu: 0.0.44.dev20260713+nightly
codegen_flags: <defaults>
</compile_context>

<pallas_src>
import jax
import jax.numpy as jnp
import numpy as np
from jax import lax
from jax.experimental import pallas as pl
from jax.experimental.pallas import tpu as pltpu
from jax.experimental.pallas import tpu_sc as plsc

B = 256
FEAT = 128
K1 = 1501
KPAD = 1536
CHUNK = 128
NCHUNK = KPAD // CHUNK
NSUB = 4
SUBROWS = CHUNK // NSUB
NDATA = 100000
T_TEMP = 0.07
EPS = 1e-07

NC = 2
NS = 16
NW = NC * NS
B_PER_W = B // NW

NBUF = 3

QROWS = 4000
NQBLK = NDATA // QROWS


def _embed_body(fs_ref, ft_ref, ws_ref, bs_ref, wt_ref, bt_ref, es_ref, et_ref):
    dn = (((1,), (1,)), ((), ()))
    es = lax.dot_general(fs_ref[...], ws_ref[...], dn,
                         preferred_element_type=jnp.float32) + bs_ref[...]
    et = lax.dot_general(ft_ref[...], wt_ref[...], dn,
                         preferred_element_type=jnp.float32) + bt_ref[...]
    es = es / jnp.sqrt(jnp.sum(es * es, axis=1, keepdims=True))
    et = et / jnp.sqrt(jnp.sum(et * et, axis=1, keepdims=True))
    es_ref[...] = _pack_pairs(es)
    et_ref[...] = _pack_pairs(et)


def _pack_pairs(x):
    b = lax.bitcast_convert_type(x, jnp.int32)
    return ((_bf16_hi(b[:, 0:64]) >> 16) & 0xFFFF) | _bf16_hi(b[:, 64:128])


def _embed(f_s, f_t, W_s, b_s, W_t, b_t):
    return pl.pallas_call(
        _embed_body,
        out_shape=(jax.ShapeDtypeStruct((B, FEAT // 2), jnp.int32),
                   jax.ShapeDtypeStruct((B, FEAT // 2), jnp.int32)),
    )(f_s, f_t, W_s, b_s.reshape(1, FEAT), W_t, b_t.reshape(1, FEAT))


def _bf16_hi(x_i32):
    return (x_i32 + 0x8000) & jnp.int32(-0x10000)


def _pack_body(m1_ref, m2_ref, q_ref):
    q_ref[...] = jnp.concatenate(
        [_pack_pairs(m1_ref[...]), _pack_pairs(m2_ref[...])], axis=1)


def _pack(memory_v1, memory_v2):
    return pl.pallas_call(
        _pack_body,
        grid=(NQBLK,),
        in_specs=[pl.BlockSpec((QROWS, FEAT), lambda i: (i, 0)),
                  pl.BlockSpec((QROWS, FEAT), lambda i: (i, 0))],
        out_specs=pl.BlockSpec((QROWS, FEAT), lambda i: (i, 0)),
        out_shape=jax.ShapeDtypeStruct((NDATA, FEAT), jnp.int32),
    )(memory_v1, memory_v2)


def _dot_chunk(rows_ref, e_s, e_t, d1_ref, d2_ref, c):
    base = c * CHUNK
    lane = lax.iota(jnp.int32, 16)

    def grp_body(g, _):
        r0 = g * 16
        acc1v = jnp.zeros((16,), jnp.float32)
        acc2v = jnp.zeros((16,), jnp.float32)
        for rr in range(16):
            r = r0 + rr
            p2 = [plsc.bitcast(rows_ref[r, pl.ds(16 * j, 16)], jnp.bfloat16) * e_t[j]
                  for j in range(4)]
            p1 = [plsc.bitcast(rows_ref[r, pl.ds(64 + 16 * j, 16)], jnp.bfloat16) * e_s[j]
                  for j in range(4)]
            a2 = (p2[0] + p2[1]) + (p2[2] + p2[3])
            a1 = (p1[0] + p1[1]) + (p1[2] + p1[3])
            a2lo, a2hi = plsc.unpack(a2, format=plsc.PackFormat.INTERLEAVED)
            a1lo, a1hi = plsc.unpack(a1, format=plsc.PackFormat.INTERLEAVED)
            acc2v = jnp.where(lane == rr, jnp.sum(a2lo + a2hi), acc2v)
            acc1v = jnp.where(lane == rr, jnp.sum(a1lo + a1hi), acc1v)
        d1_ref[pl.ds(base + r0, 16)] = acc1v
        d2_ref[pl.ds(base + r0, 16)] = acc2v
        return _

    lax.fori_loop(0, CHUNK // 16, grp_body, None)


def _sc_body(qtab, ci3, es, et, d1_out, d2_out,
             idx_v, ra0, ra1, ra2, ev_s, ev_t, d1_v, d2_v,
             sa0, sa1, sa2):
    cid = lax.axis_index("c")
    sid = lax.axis_index("s")
    wid = sid * NC + cid
    bufs = ((ra0, sa0), (ra1, sa1), (ra2, sa2))

    def issue(c, p):
        ra, sa = bufs[p]
        pltpu.async_copy(qtab.at[idx_v.at[c]], ra, sa)

    def do_b(i, _):
        b = wid * B_PER_W + i
        pltpu.sync_copy(ci3.at[b], idx_v)
        pltpu.sync_copy(es.at[b], ev_s)
        pltpu.sync_copy(et.at[b], ev_t)
        e_s = [plsc.bitcast(ev_s[pl.ds(16 * j, 16)], jnp.bfloat16) for j in range(4)]
        e_t = [plsc.bitcast(ev_t[pl.ds(16 * j, 16)], jnp.bfloat16) for j in range(4)]

        for p in range(NBUF - 1):
            issue(p, p)

        def do_grp(g, _):
            for p in range(NBUF):
                c = NBUF * g + p
                cn = c + (NBUF - 1)

                @pl.when(cn < NCHUNK)
                def _prefetch():
                    issue(cn, (p + NBUF - 1) % NBUF)

                ra, sa = bufs[p]
                pltpu.make_async_copy(qtab.at[idx_v.at[c]], ra, sa).wait()
                _dot_chunk(ra, e_s, e_t, d1_v, d2_v, c)
            return _

        lax.fori_loop(0, NCHUNK // NBUF, do_grp, None)
        pltpu.sync_copy(d1_v, d1_out.at[b])
        pltpu.sync_copy(d2_v, d2_out.at[b])
        return _

    lax.fori_loop(0, B_PER_W, do_b, None)


def _sc_dots(qtab, ci3, es, et):
    f = pl.kernel(
        _sc_body,
        out_type=(jax.ShapeDtypeStruct((B, KPAD), jnp.float32),
                  jax.ShapeDtypeStruct((B, KPAD), jnp.float32)),
        mesh=plsc.VectorSubcoreMesh(core_axis_name="c", subcore_axis_name="s"),
        compiler_params=pltpu.CompilerParams(needs_layout_passes=False),
        scratch_types=[
            pltpu.VMEM((NCHUNK, CHUNK), jnp.int32),
            pltpu.VMEM((CHUNK, FEAT), jnp.int32),
            pltpu.VMEM((CHUNK, FEAT), jnp.int32),
            pltpu.VMEM((CHUNK, FEAT), jnp.int32),
            pltpu.VMEM((FEAT // 2,), jnp.int32),
            pltpu.VMEM((FEAT // 2,), jnp.int32),
            pltpu.VMEM((KPAD,), jnp.float32),
            pltpu.VMEM((KPAD,), jnp.float32),
            pltpu.SemaphoreType.DMA,
            pltpu.SemaphoreType.DMA,
            pltpu.SemaphoreType.DMA,
        ],
    )
    return f(qtab, ci3, es, et)


def _loss_body(d1_ref, d2_ref, out_ref):
    m = float(K1 - 1)
    c = m / float(NDATA)
    kidx = lax.broadcasted_iota(jnp.int32, (B, KPAD), 1)
    total = jnp.float32(0.0)
    for d in (d1_ref[...], d2_ref[...]):
        p = jnp.exp(d * (1.0 / T_TEMP))
        denom = p + (c + EPS)
        pos = jnp.log(p / denom)
        neg = jnp.log(c / denom)
        term = jnp.where(kidx == 0, pos, jnp.where(kidx < K1, neg, 0.0))
        total = total + jnp.sum(term)
    out_ref[...] = jnp.full((1, 1), -total / B, jnp.float32)


def _loss(d1, d2):
    return pl.pallas_call(
        _loss_body,
        out_shape=jax.ShapeDtypeStruct((1, 1), jnp.float32),
    )(d1, d2)


def kernel(f_s, f_t, W_s, b_s, W_t, b_t, memory_v1, memory_v2, idx, contrast_idx):
    es, et = _embed(f_s, f_t, W_s, b_s, W_t, b_t)
    qtab = _pack(memory_v1, memory_v2)
    ci3 = jnp.pad(contrast_idx, ((0, 0), (0, KPAD - K1))).reshape(B, NCHUNK, CHUNK)
    d1, d2 = _sc_dots(qtab, ci3, es, et)
    return _loss(d1, d2).reshape(1)

# --- scband reference (transcript-rebuilt; emitter-appended) ---
"""Pipeline reference for scband-crdloss-66580583022760 (READ-ONLY COPY).

The authoritative reference and input builder live on the scoring server;
editing this copy changes nothing except your own understanding.
"""

import jax, jax.numpy as jnp
import numpy as np

B = 256
S_DIM = 2048
T_DIM = 2048
FEAT = 128
NDATA = 100000
NCE_K = 1500
T_TEMP = 0.07
EPS = 1e-07


def setup_inputs(seed: int = 0) -> dict:
    key = jax.random.key(seed)
    ks = jax.random.split(key, 12)
    f_s = jax.random.normal(ks[0], (B, S_DIM), dtype=jnp.float32)
    f_t = jax.random.normal(ks[1], (B, T_DIM), dtype=jnp.float32)
    idx = jax.random.randint(ks[2], (B,), 0, NDATA, dtype=jnp.int32)
    contrast_idx = jax.random.randint(ks[3], (B, NCE_K + 1), 0, NDATA, dtype=jnp.int32)
    bnd_s = 1.0 / np.sqrt(S_DIM)
    bnd_t = 1.0 / np.sqrt(T_DIM)
    W_s = jax.random.uniform(ks[4], (FEAT, S_DIM), jnp.float32, -bnd_s, bnd_s)
    b_s = jax.random.uniform(ks[5], (FEAT,), jnp.float32, -bnd_s, bnd_s)
    W_t = jax.random.uniform(ks[6], (FEAT, T_DIM), jnp.float32, -bnd_t, bnd_t)
    b_t = jax.random.uniform(ks[7], (FEAT,), jnp.float32, -bnd_t, bnd_t)
    stdv = 1.0 / np.sqrt(FEAT / 3.0)
    memory_v1 = jax.random.uniform(ks[8], (NDATA, FEAT), jnp.float32, -stdv, stdv)
    memory_v2 = jax.random.uniform(ks[9], (NDATA, FEAT), jnp.float32, -stdv, stdv)
    return {"f_s": f_s, "f_t": f_t, "W_s": W_s, "b_s": b_s, "W_t": W_t,
            "b_t": b_t, "memory_v1": memory_v1, "memory_v2": memory_v2,
            "idx": idx, "contrast_idx": contrast_idx}


def _l2norm(x):
    norm = jnp.power(jnp.sum(jnp.power(x, 2), axis=1, keepdims=True), 0.5)
    return x / norm


def _contrast_loss(x, n_data):
    # x: [B, K+1, 1], faithful to ContrastLoss (Eq 18)
    bsz = x.shape[0]
    m = x.shape[1] - 1
    Pn = 1.0 / float(n_data)
    P_pos = x[:, 0]                         # [B, 1]
    log_D1 = jnp.log(P_pos / (P_pos + m * Pn + EPS))
    P_neg = x[:, 1:]                        # [B, m, 1]
    log_D0 = jnp.log((m * Pn) / (P_neg + m * Pn + EPS))
    loss = -(jnp.sum(log_D1, axis=0) + jnp.sum(log_D0.reshape(-1, 1), axis=0)) / bsz
    return loss                              # shape [1]


def reference(f_s, f_t, W_s, b_s, W_t, b_t, memory_v1, memory_v2, idx, contrast_idx):
    # Embed + L2 normalize (Embed module)
    es = _l2norm(f_s.reshape(f_s.shape[0], -1) @ W_s.T + b_s)
    et = _l2norm(f_t.reshape(f_t.shape[0], -1) @ W_t.T + b_t)
    # ContrastMemory: gather from memory banks (detached), bmm, exp(./T)
    # NOTE: when contrast_idx is provided, the torch code uses it as-is.
    w1 = jax.lax.stop_gradient(jnp.take(memory_v1, contrast_idx, axis=0))  # [B, K+1, F]
    out_v2 = jnp.exp(jnp.einsum('bkf,bf->bk', w1, et) / T_TEMP)[..., None]
    w2 = jax.lax.stop_gradient(jnp.take(memory_v2, contrast_idx, axis=0))  # [B, K+1, F]
    out_v1 = jnp.exp(jnp.einsum('bkf,bf->bk', w2, es) / T_TEMP)[..., None]
    # Note: this torch variant does NOT divide by Z (normalization constants
    # params[2]/params[3] are set but never applied to out_v1/out_v2).
    s_loss = _contrast_loss(out_v1, NDATA)
    t_loss = _contrast_loss(out_v2, NDATA)
    return s_loss + t_loss  # shape [1]

if __name__ == "__main__":
    import jax
    _d = setup_inputs()
    print(jax.jit(kernel)(*tuple(_d.values())))

</pallas_src>

<mosaic_0001>
#map = affine_map<(d0, d1) -> (0, 0)>
#map1 = affine_map<(d0, d1) -> (0, 0, 0)>
module attributes {stable_mosaic.version = 14 : i64} {
  func.func @_sc_body(%arg0: i32, %arg1: i32, %arg2: memref<100000x128xi32, #tpu.memory_space<hbm>>, %arg3: memref<256x12x128xi32, #tpu.memory_space<hbm>>, %arg4: memref<256x64xi32, #tpu.memory_space<hbm>>, %arg5: memref<256x64xi32, #tpu.memory_space<hbm>>, %arg6: memref<256x1536xf32, #tpu.memory_space<hbm>>, %arg7: memref<256x1536xf32, #tpu.memory_space<hbm>>, %arg8: memref<12x128xi32, #tpu.memory_space<vmem>>, %arg9: memref<128x128xi32, #tpu.memory_space<vmem>>, %arg10: memref<128x128xi32, #tpu.memory_space<vmem>>, %arg11: memref<128x128xi32, #tpu.memory_space<vmem>>, %arg12: memref<64xi32, #tpu.memory_space<vmem>>, %arg13: memref<64xi32, #tpu.memory_space<vmem>>, %arg14: memref<1536xf32, #tpu.memory_space<vmem>>, %arg15: memref<1536xf32, #tpu.memory_space<vmem>>, %arg16: memref<!tpu.dma_semaphore, #tpu.memory_space<semaphore_mem>>, %arg17: memref<!tpu.dma_semaphore, #tpu.memory_space<semaphore_mem>>, %arg18: memref<!tpu.dma_semaphore, #tpu.memory_space<semaphore_mem>>) attributes {dimension_semantics = [#tpu.dimension_semantics<core_parallel>, #tpu.dimension_semantics<subcore_parallel>], iteration_bounds = array<i64: 2, 16>, scalar_prefetch = 0 : i64, scratch_operands = 11 : i64, tpu.core_type = #tpu.core_type<sc_vector_subcore>, window_params = [{transform_indices = #map}, {transform_indices = #map1}, {transform_indices = #map}, {transform_indices = #map}, {transform_indices = #map}, {transform_indices = #map}]} {
    %mul3A = arith.constant 2 : i32
    %mul3A_0 = arith.muli %arg1, %mul3A : i32
    %add3A = arith.addi %mul3A_0, %arg0 : i32
    %scan3A = arith.constant 0 : i32
    %scan3A_1 = arith.constant 8 : i32
    %scan3A_2 = arith.addi %scan3A, %scan3A_1 : i32
    %scan3A_3 = arith.constant 1 : i32
    scf.for %scan3A_5 = %scan3A to %scan3A_2 step %scan3A_3  : i32 {
      %mul3A_6 = arith.constant 8 : i32
      %mul3A_7 = arith.muli %add3A, %mul3A_6 : i32
      %add3A_8 = arith.addi %mul3A_7, %scan3A_5 : i32
      "tpu.region"() ({
        %run_scoped3A = tpu.sem_alloc : memref<!tpu.dma_semaphore, #tpu.memory_space<semaphore_mem>>
        %dma_start3A_49 = arith.constant 0 : i32
        %dma_start3A_50 = arith.constant 0 : i32
        %dma_start3A_51 = tpu.memref_slice %arg3[%add3A_8, %dma_start3A_49, %dma_start3A_50] : memref<256x12x128xi32, #tpu.memory_space<hbm>> -> memref<1x12x128xi32, #tpu.memory_space<hbm>>
        %dma_start3A_52 = tpu.memref_squeeze %dma_start3A_51 : memref<1x12x128xi32, #tpu.memory_space<hbm>> -> memref<12x128xi32, #tpu.memory_space<hbm>>
        %dma_start3A_53 = arith.constant 0 : i32
        %dma_start3A_54 = arith.constant 0 : i32
        %dma_start3A_55 = tpu.memref_slice %arg3[%add3A_8, %dma_start3A_53, %dma_start3A_54] : memref<256x12x128xi32, #tpu.memory_space<hbm>> -> memref<1x12x128xi32, #tpu.memory_space<hbm>>
        %dma_start3A_56 = tpu.memref_squeeze %dma_start3A_55 : memref<1x12x128xi32, #tpu.memory_space<hbm>> -> memref<12x128xi32, #tpu.memory_space<hbm>>
        tpu.enqueue_dma source(%dma_start3A_56 : memref<12x128xi32, #tpu.memory_space<hbm>>) target(%arg8 : memref<12x128xi32, #tpu.memory_space<vmem>>) target_semaphore(%run_scoped3A : memref<!tpu.dma_semaphore, #tpu.memory_space<semaphore_mem>>)
        %dma_wait3A = arith.constant 0 : i32
        %dma_wait3A_57 = arith.constant 0 : i32
        %dma_wait3A_58 = tpu.memref_slice %arg3[%add3A_8, %dma_wait3A, %dma_wait3A_57] : memref<256x12x128xi32, #tpu.memory_space<hbm>> -> memref<1x12x128xi32, #tpu.memory_space<hbm>>
        %dma_wait3A_59 = tpu.memref_squeeze %dma_wait3A_58 : memref<1x12x128xi32, #tpu.memory_space<hbm>> -> memref<12x128xi32, #tpu.memory_space<hbm>>
        %dma_wait3A_60 = arith.constant 0 : i32
        %dma_wait3A_61 = arith.constant 0 : i32
        %dma_wait3A_62 = tpu.memref_slice %arg3[%add3A_8, %dma_wait3A_60, %dma_wait3A_61] : memref<256x12x128xi32, #tpu.memory_space<hbm>> -> memref<1x12x128xi32, #tpu.memory_space<hbm>>
        %dma_wait3A_63 = tpu.memref_squeeze %dma_wait3A_62 : memref<1x12x128xi32, #tpu.memory_space<hbm>> -> memref<12x128xi32, #tpu.memory_space<hbm>>
        tpu.wait_dma2 semaphore(%run_scoped3A : memref<!tpu.dma_semaphore, #tpu.memory_space<semaphore_mem>>) src(%dma_wait3A_63 : memref<12x128xi32, #tpu.memory_space<hbm>>) dst(%arg8 : memref<12x128xi32, #tpu.memory_space<vmem>>)
        tpu.yield
      }) : () -> ()
      "tpu.region"() ({
        %run_scoped3A = tpu.sem_alloc : memref<!tpu.dma_semaphore, #tpu.memory_space<semaphore_mem>>
        %dma_start3A_49 = arith.constant 0 : i32
        %dma_start3A_50 = tpu.memref_slice %arg4[%add3A_8, %dma_start3A_49] : memref<256x64xi32, #tpu.memory_space<hbm>> -> memref<1x64xi32, #tpu.memory_space<hbm>>
        %dma_start3A_51 = tpu.memref_squeeze %dma_start3A_50 : memref<1x64xi32, #tpu.memory_space<hbm>> -> memref<64xi32, #tpu.memory_space<hbm>>
        %dma_start3A_52 = arith.constant 0 : i32
        %dma_start3A_53 = tpu.memref_slice %arg4[%add3A_8, %dma_start3A_52] : memref<256x64xi32, #tpu.memory_space<hbm>> -> memref<1x64xi32, #tpu.memory_space<hbm>>
        %dma_start3A_54 = tpu.memref_squeeze %dma_start3A_53 : memref<1x64xi32, #tpu.memory_space<hbm>> -> memref<64xi32, #tpu.memory_space<hbm>>
        tpu.enqueue_dma source(%dma_start3A_54 : memref<64xi32, #tpu.memory_space<hbm>>) target(%arg12 : memref<64xi32, #tpu.memory_space<vmem>>) target_semaphore(%run_scoped3A : memref<!tpu.dma_semaphore, #tpu.memory_space<semaphore_mem>>)
        %dma_wait3A = arith.constant 0 : i32
        %dma_wait3A_55 = tpu.memref_slice %arg4[%add3A_8, %dma_wait3A] : memref<256x64xi32, #tpu.memory_space<hbm>> -> memref<1x64xi32, #tpu.memory_space<hbm>>
        %dma_wait3A_56 = tpu.memref_squeeze %dma_wait3A_55 : memref<1x64xi32, #tpu.memory_space<hbm>> -> memref<64xi32, #tpu.memory_space<hbm>>
        %dma_wait3A_57 = arith.constant 0 : i32
        %dma_wait3A_58 = tpu.memref_slice %arg4[%add3A_8, %dma_wait3A_57] : memref<256x64xi32, #tpu.memory_space<hbm>> -> memref<1x64xi32, #tpu.memory_space<hbm>>
        %dma_wait3A_59 = tpu.memref_squeeze %dma_wait3A_58 : memref<1x64xi32, #tpu.memory_space<hbm>> -> memref<64xi32, #tpu.memory_space<hbm>>
        tpu.wait_dma2 semaphore(%run_scoped3A : memref<!tpu.dma_semaphore, #tpu.memory_space<semaphore_mem>>) src(%dma_wait3A_59 : memref<64xi32, #tpu.memory_space<hbm>>) dst(%arg12 : memref<64xi32, #tpu.memory_space<vmem>>)
        tpu.yield
      }) : () -> ()
      "tpu.region"() ({
        %run_scoped3A = tpu.sem_alloc : memref<!tpu.dma_semaphore, #tpu.memory_space<semaphore_mem>>
        %dma_start3A_49 = arith.constant 0 : i32
        %dma_start3A_50 = tpu.memref_slice %arg5[%add3A_8, %dma_start3A_49] : memref<256x64xi32, #tpu.memory_space<hbm>> -> memref<1x64xi32, #tpu.memory_space<hbm>>
        %dma_start3A_51 = tpu.memref_squeeze %dma_start3A_50 : memref<1x64xi32, #tpu.memory_space<hbm>> -> memref<64xi32, #tpu.memory_space<hbm>>
        %dma_start3A_52 = arith.constant 0 : i32
        %dma_start3A_53 = tpu.memref_slice %arg5[%add3A_8, %dma_start3A_52] : memref<256x64xi32, #tpu.memory_space<hbm>> -> memref<1x64xi32, #tpu.memory_space<hbm>>
        %dma_start3A_54 = tpu.memref_squeeze %dma_start3A_53 : memref<1x64xi32, #tpu.memory_space<hbm>> -> memref<64xi32, #tpu.memory_space<hbm>>
        tpu.enqueue_dma source(%dma_start3A_54 : memref<64xi32, #tpu.memory_space<hbm>>) target(%arg13 : memref<64xi32, #tpu.memory_space<vmem>>) target_semaphore(%run_scoped3A : memref<!tpu.dma_semaphore, #tpu.memory_space<semaphore_mem>>)
        %dma_wait3A = arith.constant 0 : i32
        %dma_wait3A_55 = tpu.memref_slice %arg5[%add3A_8, %dma_wait3A] : memref<256x64xi32, #tpu.memory_space<hbm>> -> memref<1x64xi32, #tpu.memory_space<hbm>>
        %dma_wait3A_56 = tpu.memref_squeeze %dma_wait3A_55 : memref<1x64xi32, #tpu.memory_space<hbm>> -> memref<64xi32, #tpu.memory_space<hbm>>
        %dma_wait3A_57 = arith.constant 0 : i32
        %dma_wait3A_58 = tpu.memref_slice %arg5[%add3A_8, %dma_wait3A_57] : memref<256x64xi32, #tpu.memory_space<hbm>> -> memref<1x64xi32, #tpu.memory_space<hbm>>
        %dma_wait3A_59 = tpu.memref_squeeze %dma_wait3A_58 : memref<1x64xi32, #tpu.memory_space<hbm>> -> memref<64xi32, #tpu.memory_space<hbm>>
        tpu.wait_dma2 semaphore(%run_scoped3A : memref<!tpu.dma_semaphore, #tpu.memory_space<semaphore_mem>>) src(%dma_wait3A_59 : memref<64xi32, #tpu.memory_space<hbm>>) dst(%arg13 : memref<64xi32, #tpu.memory_space<vmem>>)
        tpu.yield
      }) : () -> ()
      %get3A = arith.constant 0 : index
      %get3A_9 = tpu.vector_load %arg12[%get3A] {strides = array<i32>} : memref<64xi32, #tpu.memory_space<vmem>>, vector<16xi32>,
      %bitcast3A = vector.bitcast %get3A_9 : vector<16xi32> to vector<32xbf16>
      %get3A_10 = arith.constant 16 : index
      %get3A_11 = tpu.vector_load %arg12[%get3A_10] {strides = array<i32>} : memref<64xi32, #tpu.memory_space<vmem>>, vector<16xi32>,
      %bitcast3A_12 = vector.bitcast %get3A_11 : vector<16xi32> to vector<32xbf16>
      %get3A_13 = arith.constant 32 : index
      %get3A_14 = tpu.vector_load %arg12[%get3A_13] {strides = array<i32>} : memref<64xi32, #tpu.memory_space<vmem>>, vector<16xi32>,
      %bitcast3A_15 = vector.bitcast %get3A_14 : vector<16xi32> to vector<32xbf16>
      %get3A_16 = arith.constant 48 : index
      %get3A_17 = tpu.vector_load %arg12[%get3A_16] {strides = array<i32>} : memref<64xi32, #tpu.memory_space<vmem>>, vector<16xi32>,
      %bitcast3A_18 = vector.bitcast %get3A_17 : vector<16xi32> to vector<32xbf16>
      %get3A_19 = arith.constant 0 : index
      %get3A_20 = tpu.vector_load %arg13[%get3A_19] {strides = array<i32>} : memref<64xi32, #tpu.memory_space<vmem>>, vector<16xi32>,
      %bitcast3A_21 = vector.bitcast %get3A_20 : vector<16xi32> to vector<32xbf16>
      %get3A_22 = arith.constant 16 : index
      %get3A_23 = tpu.vector_load %arg13[%get3A_22] {strides = array<i32>} : memref<64xi32, #tpu.memory_space<vmem>>, vector<16xi32>,
      %bitcast3A_24 = vector.bitcast %get3A_23 : vector<16xi32> to vector<32xbf16>
      %get3A_25 = arith.constant 32 : index
      %get3A_26 = tpu.vector_load %arg13[%get3A_25] {strides = array<i32>} : memref<64xi32, #tpu.memory_space<vmem>>, vector<16xi32>,
      %bitcast3A_27 = vector.bitcast %get3A_26 : vector<16xi32> to vector<32xbf16>
      %get3A_28 = arith.constant 48 : index
      %get3A_29 = tpu.vector_load %arg13[%get3A_28] {strides = array<i32>} : memref<64xi32, #tpu.memory_space<vmem>>, vector<16xi32>,
      %bitcast3A_30 = vector.bitcast %get3A_29 : vector<16xi32> to vector<32xbf16>
      %dma_start3A = arith.constant 0 : i32
      %dma_start3A_31 = arith.constant 0 : i32
      %dma_start3A_32 = tpu.memref_slice %arg8[%dma_start3A, %dma_start3A_31] : memref<12x128xi32, #tpu.memory_space<vmem>> -> memref<1x128xi32, #tpu.memory_space<vmem>>
      %dma_start3A_33 = tpu.memref_squeeze %dma_start3A_32 : memref<1x128xi32, #tpu.memory_space<vmem>> -> memref<128xi32, #tpu.memory_space<vmem>>
      %dma_start3A_34 = arith.constant 0 : i32
      %dma_start3A_35 = arith.constant 0 : i32
      %dma_start3A_36 = tpu.memref_slice %arg2[%dma_start3A_34, %dma_start3A_35] : memref<100000x128xi32, #tpu.memory_space<hbm>> -> memref<100000x128xi32, #tpu.memory_space<hbm>>
      tpu.enqueue_indirect_dma source(%dma_start3A_36 : memref<100000x128xi32, #tpu.memory_space<hbm>>) target(%arg9 : memref<128x128xi32, #tpu.memory_space<vmem>>) offsets(%dma_start3A_33 : memref<128xi32, #tpu.memory_space<vmem>>) semaphore(%arg16 : memref<!tpu.dma_semaphore, #tpu.memory_space<semaphore_mem>>)
      %dma_start3A_37 = arith.constant 1 : i32
      %dma_start3A_38 = arith.constant 0 : i32
      %dma_start3A_39 = tpu.memref_slice %arg8[%dma_start3A_37, %dma_start3A_38] : memref<12x128xi32, #tpu.memory_space<vmem>> -> memref<1x128xi32, #tpu.memory_space<vmem>>
      %dma_start3A_40 = tpu.memref_squeeze %dma_start3A_39 : memref<1x128xi32, #tpu.memory_space<vmem>> -> memref<128xi32, #tpu.memory_space<vmem>>
      %dma_start3A_41 = arith.constant 0 : i32
      %dma_start3A_42 = arith.constant 0 : i32
      %dma_start3A_43 = tpu.memref_slice %arg2[%dma_start3A_41, %dma_start3A_42] : memref<100000x128xi32, #tpu.memory_space<hbm>> -> memref<100000x128xi32, #tpu.memory_space<hbm>>
      tpu.enqueue_indirect_dma source(%dma_start3A_43 : memref<100000x128xi32, #tpu.memory_space<hbm>>) target(%arg10 : memref<128x128xi32, #tpu.memory_space<vmem>>) offsets(%dma_start3A_40 : memref<128xi32, #tpu.memory_space<vmem>>) semaphore(%arg17 : memref<!tpu.dma_semaphore, #tpu.memory_space<semaphore_mem>>)
      %scan3A_44 = arith.constant 0 : i32
      %scan3A_45 = arith.constant 4 : i32
      %scan3A_46 = arith.addi %scan3A_44, %scan3A_45 : i32
      %scan3A_47 = arith.constant 1 : i32
      scf.for %scan3A_49 = %scan3A_44 to %scan3A_46 step %scan3A_47  : i32 {
        %mul3A_50 = arith.constant 3 : i32
        %mul3A_51 = arith.muli %mul3A_50, %scan3A_49 : i32
        %add3A_52 = arith.constant 0 : i32
        %add3A_53 = arith.addi %mul3A_51, %add3A_52 : i32
        %add3A_54 = arith.constant 2 : i32
        %add3A_55 = arith.addi %add3A_53, %add3A_54 : i32
        %lt3A = arith.constant 12 : i32
        %lt3A_56 = arith.cmpi slt, %add3A_55, %lt3A : i32
        %convert_element_type3A = arith.extui %lt3A_56 : i1 to i32
        %cond3A = arith.constant 0 : i32
        %cond3A_57 = arith.cmpi ne, %convert_element_type3A, %cond3A : i32
        scf.if %cond3A_57 {
          %dma_start3A_120 = arith.constant 0 : i32
          %dma_start3A_121 = tpu.memref_slice %arg8[%add3A_55, %dma_start3A_120] : memref<12x128xi32, #tpu.memory_space<vmem>> -> memref<1x128xi32, #tpu.memory_space<vmem>>
          %dma_start3A_122 = tpu.memref_squeeze %dma_start3A_121 : memref<1x128xi32, #tpu.memory_space<vmem>> -> memref<128xi32, #tpu.memory_space<vmem>>
          %dma_start3A_123 = arith.constant 0 : i32
          %dma_start3A_124 = arith.constant 0 : i32
          %dma_start3A_125 = tpu.memref_slice %arg2[%dma_start3A_123, %dma_start3A_124] : memref<100000x128xi32, #tpu.memory_space<hbm>> -> memref<100000x128xi32, #tpu.memory_space<hbm>>
          tpu.enqueue_indirect_dma source(%dma_start3A_125 : memref<100000x128xi32, #tpu.memory_space<hbm>>) target(%arg11 : memref<128x128xi32, #tpu.memory_space<vmem>>) offsets(%dma_start3A_122 : memref<128xi32, #tpu.memory_space<vmem>>) semaphore(%arg18 : memref<!tpu.dma_semaphore, #tpu.memory_space<semaphore_mem>>)
        } else {
        }
        %dma_wait3A = arith.constant 0 : i32
        %dma_wait3A_58 = tpu.memref_slice %arg8[%add3A_53, %dma_wait3A] : memref<12x128xi32, #tpu.memory_space<vmem>> -> memref<1x128xi32, #tpu.memory_space<vmem>>
        %dma_wait3A_59 = tpu.memref_squeeze %dma_wait3A_58 : memref<1x128xi32, #tpu.memory_space<vmem>> -> memref<128xi32, #tpu.memory_space<vmem>>
        %dma_wait3A_60 = arith.constant 0 : i32
        %dma_wait3A_61 = arith.constant 0 : i32
        %dma_wait3A_62 = tpu.memref_slice %arg2[%dma_wait3A_60, %dma_wait3A_61] : memref<100000x128xi32, #tpu.memory_space<hbm>> -> memref<100000x128xi32, #tpu.memory_space<hbm>>
        tpu.wait_indirect_dma semaphore(%arg16 : memref<!tpu.dma_semaphore, #tpu.memory_space<semaphore_mem>>) src(%dma_wait3A_62 : memref<100000x128xi32, #tpu.memory_space<hbm>>) dst(%arg9 : memref<128x128xi32, #tpu.memory_space<vmem>>)
        %mul3A_63 = arith.constant 128 : i32
        %mul3A_64 = arith.muli %add3A_53, %mul3A_63 : i32
        %iota3A = tpu.iota {dimensions = array<i32: 0>} : vector<16xi32>
        %scan3A_65 = arith.constant 0 : i32
        %scan3A_66 = arith.constant 8 : i32
        %scan3A_67 = arith.addi %scan3A_65, %scan3A_66 : i32
        %scan3A_68 = arith.constant 1 : i32
        scf.for %scan3A_120 = %scan3A_65 to %scan3A_67 step %scan3A_68  : i32 {
          %mul3A_121 = arith.constant 16 : i32
          %mul3A_122 = arith.muli %scan3A_120, %mul3A_121 : i32
          %broadcast_in_dim3A = arith.constant 0.000000e+00 : f32
          %broadcast_in_dim3A_123 = vector.broadcast %broadcast_in_dim3A : f32 to vector<16xf32>
          %broadcast_in_dim3A_124 = arith.constant 0.000000e+00 : f32
          %broadcast_in_dim3A_125 = vector.broadcast %broadcast_in_dim3A_124 : f32 to vector<16xf32>
          %add3A_126 = arith.constant 0 : i32
          %add3A_127 = arith.addi %mul3A_122, %add3A_126 : i32
          %get3A_128 = arith.index_cast %add3A_127 : i32 to index
          %get3A_129 = arith.constant 0 : index
          %get3A_130 = tpu.vector_load %arg9[%get3A_128, %get3A_129] {strides = array<i32>} : memref<128x128xi32, #tpu.memory_space<vmem>>, vector<16xi32>,
          %bitcast3A_131 = vector.bitcast %get3A_130 : vector<16xi32> to vector<32xbf16>
          %mul3A_132 = arith.mulf %bitcast3A_131, %bitcast3A_21 : vector<32xbf16>
          %get3A_133 = arith.index_cast %add3A_127 : i32 to index
          %get3A_134 = arith.constant 16 : index
          %get3A_135 = tpu.vector_load %arg9[%get3A_133, %get3A_134] {strides = array<i32>} : memref<128x128xi32, #tpu.memory_space<vmem>>, vector<16xi32>,
          %bitcast3A_136 = vector.bitcast %get3A_135 : vector<16xi32> to vector<32xbf16>
          %mul3A_137 = arith.mulf %bitcast3A_136, %bitcast3A_24 : vector<32xbf16>
          %get3A_138 = arith.index_cast %add3A_127 : i32 to index
          %get3A_139 = arith.constant 32 : index
          %get3A_140 = tpu.vector_load %arg9[%get3A_138, %get3A_139] {strides = array<i32>} : memref<128x128xi32, #tpu.memory_space<vmem>>, vector<16xi32>,
          %bitcast3A_141 = vector.bitcast %get3A_140 : vector<16xi32> to vector<32xbf16>
          %mul3A_142 = arith.mulf %bitcast3A_141, %bitcast3A_27 : vector<32xbf16>
          %get3A_143 = arith.index_cast %add3A_127 : i32 to index
          %get3A_144 = arith.constant 48 : index
          %get3A_145 = tpu.vector_load %arg9[%get3A_143, %get3A_144] {strides = array<i32>} : memref<128x128xi32, #tpu.memory_space<vmem>>, vector<16xi32>,
          %bitcast3A_146 = vector.bitcast %get3A_145 : vector<16xi32> to vector<32xbf16>
          %mul3A_147 = arith.mulf %bitcast3A_146, %bitcast3A_30 : vector<32xbf16>
          %get3A_148 = arith.index_cast %add3A_127 : i32 to index
          %get3A_149 = arith.constant 64 : index
          %get3A_150 = tpu.vector_load %arg9[%get3A_148, %get3A_149] {strides = array<i32>} : memref<128x128xi32, #tpu.memory_space<vmem>>, vector<16xi32>,
          %bitcast3A_151 = vector.bitcast %get3A_150 : vector<16xi32> to vector<32xbf16>
          %mul3A_152 = arith.mulf %bitcast3A_151, %bitcast3A : vector<32xbf16>
          %get3A_153 = arith.index_cast %add3A_127 : i32 to index
          %get3A_154 = arith.constant 80 : index
          %get3A_155 = tpu.vector_load %arg9[%get3A_153, %get3A_154] {strides = array<i32>} : memref<128x128xi32, #tpu.memory_space<vmem>>, vector<16xi32>,
          %bitcast3A_156 = vector.bitcast %get3A_155 : vector<16xi32> to vector<32xbf16>
          %mul3A_157 = arith.mulf %bitcast3A_156, %bitcast3A_12 : vector<32xbf16>
          %get3A_158 = arith.index_cast %add3A_127 : i32 to index
          %get3A_159 = arith.constant 96 : index
          %get3A_160 = tpu.vector_load %arg9[%get3A_158, %get3A_159] {strides = array<i32>} : memref<128x128xi32, #tpu.memory_space<vmem>>, vector<16xi32>,
          %bitcast3A_161 = vector.bitcast %get3A_160 : vector<16xi32> to vector<32xbf16>
          %mul3A_162 = arith.mulf %bitcast3A_161, %bitcast3A_15 : vector<32xbf16>
          %get3A_163 = arith.index_cast %add3A_127 : i32 to index
          %get3A_164 = arith.constant 112 : index
          %get3A_165 = tpu.vector_load %arg9[%get3A_163, %get3A_164] {strides = array<i32>} : memref<128x128xi32, #tpu.memory_space<vmem>>, vector<16xi32>,
          %bitcast3A_166 = vector.bitcast %get3A_165 : vector<16xi32> to vector<32xbf16>
          %mul3A_167 = arith.mulf %bitcast3A_166, %bitcast3A_18 : vector<32xbf16>
          %add3A_168 = arith.addf %mul3A_132, %mul3A_137 : vector<32xbf16>
          %add3A_169 = arith.addf %mul3A_142, %mul3A_147 : vector<32xbf16>
          %add3A_170 = arith.addf %add3A_168, %add3A_169 : vector<32xbf16>
          %add3A_171 = arith.addf %mul3A_152, %mul3A_157 : vector<32xbf16>
          %add3A_172 = arith.addf %mul3A_162, %mul3A_167 : vector<32xbf16>
          %add3A_173 = arith.addf %add3A_171, %add3A_172 : vector<32xbf16>
          %unpack3A = tpu.unpack_subelements %add3A_170, 0 {pack_format = #tpu.pack_format<interleaved>} : vector<32xbf16> -> vector<16xf32>
          %unpack3A_174 = tpu.unpack_subelements %add3A_170, 1 {pack_format = #tpu.pack_format<interleaved>} : vector<32xbf16> -> vector<16xf32>
          %unpack3A_175 = tpu.unpack_subelements %add3A_173, 0 {pack_format = #tpu.pack_format<interleaved>} : vector<32xbf16> -> vector<16xf32>
          %unpack3A_176 = tpu.unpack_subelements %add3A_173, 1 {pack_format = #tpu.pack_format<interleaved>} : vector<32xbf16> -> vector<16xf32>
          %eq3A = arith.constant 0 : i32
          %eq3A_177 = vector.broadcast %eq3A : i32 to vector<16xi32>
          %eq3A_178 = arith.cmpi eq, %iota3A, %eq3A_177 : vector<16xi32>
          %add3A_179 = arith.addf %unpack3A, %unpack3A_174 : vector<16xf32>
          %reduce_sum3A = arith.constant true
          %reduce_sum3A_180 = vector.broadcast %reduce_sum3A : i1 to vector<16xi1>
          %reduce_sum3A_181 = tpu.scan <sum>, %add3A_179 masked %reduce_sum3A_180 : vector<16xf32>, vector<16xi1> -> vector<16xf32>
          %reduce_sum3A_182 = vector.extract %reduce_sum3A_181[15] : f32 from vector<16xf32>
          %broadcast_in_dim3A_183 = vector.broadcast %reduce_sum3A_182 : f32 to vector<16xf32>
          %select_n3A = arith.select %eq3A_178, %broadcast_in_dim3A_183, %broadcast_in_dim3A_125 : vector<16xi1>, vector<16xf32>
          %eq3A_184 = arith.constant 0 : i32
          %eq3A_185 = vector.broadcast %eq3A_184 : i32 to vector<16xi32>
          %eq3A_186 = arith.cmpi eq, %iota3A, %eq3A_185 : vector<16xi32>
          %add3A_187 = arith.addf %unpack3A_175, %unpack3A_176 : vector<16xf32>
          %reduce_sum3A_188 = arith.constant true
          %reduce_sum3A_189 = vector.broadcast %reduce_sum3A_188 : i1 to vector<16xi1>
          %reduce_sum3A_190 = tpu.scan <sum>, %add3A_187 masked %reduce_sum3A_189 : vector<16xf32>, vector<16xi1> -> vector<16xf32>
          %reduce_sum3A_191 = vector.extract %reduce_sum3A_190[15] : f32 from vector<16xf32>
          %broadcast_in_dim3A_192 = vector.broadcast %reduce_sum3A_191 : f32 to vector<16xf32>
          %select_n3A_193 = arith.select %eq3A_186, %broadcast_in_dim3A_192, %broadcast_in_dim3A_123 : vector<16xi1>, vector<16xf32>
          %add3A_194 = arith.constant 1 : i32
          %add3A_195 = arith.addi %mul3A_122, %add3A_194 : i32
          %get3A_196 = arith.index_cast %add3A_195 : i32 to index
          %get3A_197 = arith.constant 0 : index
          %get3A_198 = tpu.vector_load %arg9[%get3A_196, %get3A_197] {strides = array<i32>} : memref<128x128xi32, #tpu.memory_space<vmem>>, vector<16xi32>,
          %bitcast3A_199 = vector.bitcast %get3A_198 : vector<16xi32> to vector<32xbf16>
          %mul3A_200 = arith.mulf %bitcast3A_199, %bitcast3A_21 : vector<32xbf16>
          %get3A_201 = arith.index_cast %add3A_195 : i32 to index
          %get3A_202 = arith.constant 16 : index
          %get3A_203 = tpu.vector_load %arg9[%get3A_201, %get3A_202] {strides = array<i32>} : memref<128x128xi32, #tpu.memory_space<vmem>>, vector<16xi32>,
          %bitcast3A_204 = vector.bitcast %get3A_203 : vector<16xi32> to vector<32xbf16>
          %mul3A_205 = arith.mulf %bitcast3A_204, %bitcast3A_24 : vector<32xbf16>
          %get3A_206 = arith.index_cast %add3A_195 : i32 to index
          %get3A_207 = arith.constant 32 : index
          %get3A_208 = tpu.vector_load %arg9[%get3A_206, %get3A_207] {strides = array<i32>} : memref<128x128xi32, #tpu.memory_space<vmem>>, vector<16xi32>,
          %bitcast3A_209 = vector.bitcast %get3A_208 : vector<16xi32> to vector<32xbf16>
          %mul3A_210 = arith.mulf %bitcast3A_209, %bitcast3A_27 : vector<32xbf16>
          %get3A_211 = arith.index_cast %add3A_195 : i32 to index
          %get3A_212 = arith.constant 48 : index
          %get3A_213 = tpu.vector_load %arg9[%get3A_211, %get3A_212] {strides = array<i32>} : memref<128x128xi32, #tpu.memory_space<vmem>>, vector<16xi32>,
          %bitcast3A_214 = vector.bitcast %get3A_213 : vector<16xi32> to vector<32xbf16>
          %mul3A_215 = arith.mulf %bitcast3A_214, %bitcast3A_30 : vector<32xbf16>
          %get3A_216 = arith.index_cast %add3A_195 : i32 to index
          %get3A_217 = arith.constant 64 : index
          %get3A_218 = tpu.vector_load %arg9[%get3A_216, %get3A_217] {strides = array<i32>} : memref<128x128xi32, #tpu.memory_space<vmem>>, vector<16xi32>,
          %bitcast3A_219 = vector.bitcast %get3A_218 : vector<16xi32> to vector<32xbf16>
          %mul3A_220 = arith.mulf %bitcast3A_219, %bitcast3A : vector<32xbf16>
          %get3A_221 = arith.index_cast %add3A_195 : i32 to index
          %get3A_222 = arith.constant 80 : index
          %get3A_223 = tpu.vector_load %arg9[%get3A_221, %get3A_222] {strides = array<i32>} : memref<128x128xi32, #tpu.memory_space<vmem>>, vector<16xi32>,
          %bitcast3A_224 = vector.bitcast %get3A_223 : vector<16xi32> to vector<32xbf16>
          %mul3A_225 = arith.mulf %bitcast3A_224, %bitcast3A_12 : vector<32xbf16>
          %get3A_226 = arith.index_cast %add3A_195 : i32 to index
          %get3A_227 = arith.constant 96 : index
          %get3A_228 = tpu.vector_load %arg9[%get3A_226, %get3A_227] {strides = array<i32>} : memref<128x128xi32, #tpu.memory_space<vmem>>, vector<16xi32>,
          %bitcast3A_229 = vector.bitcast %get3A_228 : vector<16xi32> to vector<32xbf16>
          %mul3A_230 = arith.mulf %bitcast3A_229, %bitcast3A_15 : vector<32xbf16>
          %get3A_231 = arith.index_cast %add3A_195 : i32 to index
          %get3A_232 = arith.constant 112 : index
          %get3A_233 = tpu.vector_load %arg9[%get3A_231, %get3A_232] {strides = array<i32>} : memref<128x128xi32, #tpu.memory_space<vmem>>, vector<16xi32>,
          %bitcast3A_234 = vector.bitcast %get3A_233 : vector<16xi32> to vector<32xbf16>
          %mul3A_235 = arith.mulf %bitcast3A_234, %bitcast3A_18 : vector<32xbf16>
          %add3A_236 = arith.addf %mul3A_200, %mul3A_205 : vector<32xbf16>
          %add3A_237 = arith.addf %mul3A_210, %mul3A_215 : vector<32xbf16>
          %add3A_238 = arith.addf %add3A_236, %add3A_237 : vector<32xbf16>
          %add3A_239 = arith.addf %mul3A_220, %mul3A_225 : vector<32xbf16>
          %add3A_240 = arith.addf %mul3A_230, %mul3A_235 : vector<32xbf16>
          %add3A_241 = arith.addf %add3A_239, %add3A_240 : vector<32xbf16>
          %unpack3A_242 = tpu.unpack_subelements %add3A_238, 0 {pack_format = #tpu.pack_format<interleaved>} : vector<32xbf16> -> vector<16xf32>
          %unpack3A_243 = tpu.unpack_subelements %add3A_238, 1 {pack_format = #tpu.pack_format<interleaved>} : vector<32xbf16> -> vector<16xf32>
          %unpack3A_244 = tpu.unpack_subelements %add3A_241, 0 {pack_format = #tpu.pack_format<interleaved>} : vector<32xbf16> -> vector<16xf32>
          %unpack3A_245 = tpu.unpack_subelements %add3A_241, 1 {pack_format = #tpu.pack_format<interleaved>} : vector<32xbf16> -> vector<16xf32>
          %eq3A_246 = arith.constant 1 : i32
          %eq3A_247 = vector.broadcast %eq3A_246 : i32 to vector<16xi32>
          %eq3A_248 = arith.cmpi eq, %iota3A, %eq3A_247 : vector<16xi32>
          %add3A_249 = arith.addf %unpack3A_242, %unpack3A_243 : vector<16xf32>
          %reduce_sum3A_250 = arith.constant true
          %reduce_sum3A_251 = vector.broadcast %reduce_sum3A_250 : i1 to vector<16xi1>
          %reduce_sum3A_252 = tpu.scan <sum>, %add3A_249 masked %reduce_sum3A_251 : vector<16xf32>, vector<16xi1> -> vector<16xf32>
          %reduce_sum3A_253 = vector.extract %reduce_sum3A_252[15] : f32 from vector<16xf32>
          %broadcast_in_dim3A_254 = vector.broadcast %reduce_sum3A_253 : f32 to vector<16xf32>
          %select_n3A_255 = arith.select %eq3A_248, %broadcast_in_dim3A_254, %select_n3A : vector<16xi1>, vector<16xf32>
          %eq3A_256 = arith.constant 1 : i32
          %eq3A_257 = vector.broadcast %eq3A_256 : i32 to vector<16xi32>
          %eq3A_258 = arith.cmpi eq, %iota3A, %eq3A_257 : vector<16xi32>
          %add3A_259 = arith.addf %unpack3A_244, %unpack3A_245 : vector<16xf32>
          %reduce_sum3A_260 = arith.constant true
          %reduce_sum3A_261 = vector.broadcast %reduce_sum3A_260 : i1 to vector<16xi1>
          %reduce_sum3A_262 = tpu.scan <sum>, %add3A_259 masked %reduce_sum3A_261 : vector<16xf32>, vector<16xi1> -> vector<16xf32>
          %reduce_sum3A_263 = vector.extract %reduce_sum3A_262[15] : f32 from vector<16xf32>
          %broadcast_in_dim3A_264 = vector.broadcast %reduce_sum3A_263 : f32 to vector<16xf32>
          %select_n3A_265 = arith.select %eq3A_258, %broadcast_in_dim3A_264, %select_n3A_193 : vector<16xi1>, vector<16xf32>
          %add3A_266 = arith.constant 2 : i32
          %add3A_267 = arith.addi %mul3A_122, %add3A_266 : i32
          %get3A_268 = arith.index_cast %add3A_267 : i32 to index
          %get3A_269 = arith.constant 0 : index
          %get3A_270 = tpu.vector_load %arg9[%get3A_268, %get3A_269] {strides = array<i32>} : memref<128x128xi32, #tpu.memory_space<vmem>>, vector<16xi32>,
          %bitcast3A_271 = vector.bitcast %get3A_270 : vector<16xi32> to vector<32xbf16>
          %mul3A_272 = arith.mulf %bitcast3A_271, %bitcast3A_21 : vector<32xbf16>
          %get3A_273 = arith.index_cast %add3A_267 : i32 to index
          %get3A_274 = arith.constant 16 : index
          %get3A_275 = tpu.vector_load %arg9[%get3A_273, %get3A_274] {strides = array<i32>} : memref<128x128xi32, #tpu.memory_space<vmem>>, vector<16xi32>,
          %bitcast3A_276 = vector.bitcast %get3A_275 : vector<16xi32> to vector<32xbf16>
          %mul3A_277 = arith.mulf %bitcast3A_276, %bitcast3A_24 : vector<32xbf16>
          %get3A_278 = arith.index_cast %add3A_267 : i32 to index
          %get3A_279 = arith.constant 32 : index
          %get3A_280 = tpu.vector_load %arg9[%get3A_278, %get3A_279] {strides = array<i32>} : memref<128x128xi32, #tpu.memory_space<vmem>>, vector<16xi32>,
          %bitcast3A_281 = vector.bitcast %get3A_280 : vector<16xi32> to vector<32xbf16>
          %mul3A_282 = arith.mulf %bitcast3A_281, %bitcast3A_27 : vector<32xbf16>
          %get3A_283 = arith.index_cast %add3A_267 : i32 to index
          %get3A_284 = arith.constant 48 : index
          %get3A_285 = tpu.vector_load %arg9[%get3A_283, %get3A_284] {strides = array<i32>} : memref<128x128xi32, #tpu.memory_space<vmem>>, vector<16xi32>,
          %bitcast3A_286 = vector.bitcast %get3A_285 : vector<16xi32> to vector<32xbf16>
          %mul3A_287 = arith.mulf %bitcast3A_286, %bitcast3A_30 : vector<32xbf16>
          %get3A_288 = arith.index_cast %add3A_267 : i32 to index
          %get3A_289 = arith.constant 64 : index
          %get3A_290 = tpu.vector_load %arg9[%get3A_288, %get3A_289] {strides = array<i32>} : memref<128x128xi32, #tpu.memory_space<vmem>>, vector<16xi32>,
          %bitcast3A_291 = vector.bitcast %get3A_290 : vector<16xi32> to vector<32xbf16>
          %mul3A_292 = arith.mulf %bitcast3A_291, %bitcast3A : vector<32xbf16>
          %get3A_293 = arith.index_cast %add3A_267 : i32 to index
          %get3A_294 = arith.constant 80 : index
          %get3A_295 = tpu.vector_load %arg9[%get3A_293, %get3A_294] {strides = array<i32>} : memref<128x128xi32, #tpu.memory_space<vmem>>, vector<16xi32>,
          %bitcast3A_296 = vector.bitcast %get3A_295 : vector<16xi32> to vector<32xbf16>
          %mul3A_297 = arith.mulf %bitcast3A_296, %bitcast3A_12 : vector<32xbf16>
          %get3A_298 = arith.index_cast %add3A_267 : i32 to index
          %get3A_299 = arith.constant 96 : index
          %get3A_300 = tpu.vector_load %arg9[%get3A_298, %get3A_299] {strides = array<i32>} : memref<128x128xi32, #tpu.memory_space<vmem>>, vector<16xi32>,
          %bitcast3A_301 = vector.bitcast %get3A_300 : vector<16xi32> to vector<32xbf16>
          %mul3A_302 = arith.mulf %bitcast3A_301, %bitcast3A_15 : vector<32xbf16>
          %get3A_303 = arith.index_cast %add3A_267 : i32 to index
          %get3A_304 = arith.constant 112 : index
          %get3A_305 = tpu.vector_load %arg9[%get3A_303, %get3A_304] {strides = array<i32>} : memref<128x128xi32, #tpu.memory_space<vmem>>, vector<16xi32>,
          %bitcast3A_306 = vector.bitcast %get3A_305 : vector<16xi32> to vector<32xbf16>
          %mul3A_307 = arith.mulf %bitcast3A_306, %bitcast3A_18 : vector<32xbf16>
          %add3A_308 = arith.addf %mul3A_272, %mul3A_277 : vector<32xbf16>
          %add3A_309 = arith.addf %mul3A_282, %mul3A_287 : vector<32xbf16>
          %add3A_310 = arith.addf %add3A_308, %add3A_309 : vector<32xbf16>
          %add3A_311 = arith.addf %mul3A_292, %mul3A_297 : vector<32xbf16>
          %add3A_312 = arith.addf %mul3A_302, %mul3A_307 : vector<32xbf16>
          %add3A_313 = arith.addf %add3A_311, %add3A_312 : vector<32xbf16>
          %unpack3A_314 = tpu.unpack_subelements %add3A_310, 0 {pack_format = #tpu.pack_format<interleaved>} : vector<32xbf16> -> vector<16xf32>
          %unpack3A_315 = tpu.unpack_subelements %add3A_310, 1 {pack_format = #tpu.pack_format<interleaved>} : vector<32xbf16> -> vector<16xf32>
          %unpack3A_316 = tpu.unpack_subelements %add3A_313, 0 {pack_format = #tpu.pack_format<interleaved>} : vector<32xbf16> -> vector<16xf32>
          %unpack3A_317 = tpu.unpack_subelements %add3A_313, 1 {pack_format = #tpu.pack_format<interleaved>} : vector<32xbf16> -> vector<16xf32>
          %eq3A_318 = arith.constant 2 : i32
          %eq3A_319 = vector.broadcast %eq3A_318 : i32 to vector<16xi32>
          %eq3A_320 = arith.cmpi eq, %iota3A, %eq3A_319 : vector<16xi32>
          %add3A_321 = arith.addf %unpack3A_314, %unpack3A_315 : vector<16xf32>
          %reduce_sum3A_322 = arith.constant true
          %reduce_sum3A_323 = vector.broadcast %reduce_sum3A_322 : i1 to vector<16xi1>
          %reduce_sum3A_324 = tpu.scan <sum>, %add3A_321 masked %reduce_sum3A_323 : vector<16xf32>, vector<16xi1> -> vector<16xf32>
          %reduce_sum3A_325 = vector.extract %reduce_sum3A_324[15] : f32 from vector<16xf32>
          %broadcast_in_dim3A_326 = vector.broadcast %reduce_sum3A_325 : f32 to vector<16xf32>
          %select_n3A_327 = arith.select %eq3A_320, %broadcast_in_dim3A_326, %select_n3A_255 : vector<16xi1>, vector<16xf32>
          %eq3A_328 = arith.constant 2 : i32
          %eq3A_329 = vector.broadcast %eq3A_328 : i32 to vector<16xi32>
          %eq3A_330 = arith.cmpi eq, %iota3A, %eq3A_329 : vector<16xi32>
          %add3A_331 = arith.addf %unpack3A_316, %unpack3A_317 : vector<16xf32>
          %reduce_sum3A_332 = arith.constant true
          %reduce_sum3A_333 = vector.broadcast %reduce_sum3A_332 : i1 to vector<16xi1>
          %reduce_sum3A_334 = tpu.scan <sum>, %add3A_331 masked %reduce_sum3A_333 : vector<16xf32>, vector<16xi1> -> vector<16xf32>
          %reduce_sum3A_335 = vector.extract %reduce_sum3A_334[15] : f32 from vector<16xf32>
          %broadcast_in_dim3A_336 = vector.broadcast %reduce_sum3A_335 : f32 to vector<16xf32>
          %select_n3A_337 = arith.select %eq3A_330, %broadcast_in_dim3A_336, %select_n3A_265 : vector<16xi1>, vector<16xf32>
          %add3A_338 = arith.constant 3 : i32
          %add3A_339 = arith.addi %mul3A_122, %add3A_338 : i32
          %get3A_340 = arith.index_cast %add3A_339 : i32 to index
          %get3A_341 = arith.constant 0 : index
          %get3A_342 = tpu.vector_load %arg9[%get3A_340, %get3A_341] {strides = array<i32>} : memref<128x128xi32, #tpu.memory_space<vmem>>, vector<16xi32>,
          %bitcast3A_343 = vector.bitcast %get3A_342 : vector<16xi32> to vector<32xbf16>
          %mul3A_344 = arith.mulf %bitcast3A_343, %bitcast3A_21 : vector<32xbf16>
          %get3A_345 = arith.index_cast %add3A_339 : i32 to index
          %get3A_346 = arith.constant 16 : index
          %get3A_347 = tpu.vector_load %arg9[%get3A_345, %get3A_346] {strides = array<i32>} : memref<128x128xi32, #tpu.memory_space<vmem>>, vector<16xi32>,
          %bitcast3A_348 = vector.bitcast %get3A_347 : vector<16xi32> to vector<32xbf16>
          %mul3A_349 = arith.mulf %bitcast3A_348, %bitcast3A_24 : vector<32xbf16>
          %get3A_350 = arith.index_cast %add3A_339 : i32 to index
          %get3A_351 = arith.constant 32 : index
          %get3A_352 = tpu.vector_load %arg9[%get3A_350, %get3A_351] {strides = array<i32>} : memref<128x128xi32, #tpu.memory_space<vmem>>, vector<16xi32>,
          %bitcast3A_353 = vector.bitcast %get3A_352 : vector<16xi32> to vector<32xbf16>
          %mul3A_354 = arith.mulf %bitcast3A_353, %bitcast3A_27 : vector<32xbf16>
          %get3A_355 = arith.index_cast %add3A_339 : i32 to index
          %get3A_356 = arith.constant 48 : index
          %get3A_357 = tpu.vector_load %arg9[%get3A_355, %get3A_356] {strides = array<i32>} : memref<128x128xi32, #tpu.memory_space<vmem>>, vector<16xi32>,
          %bitcast3A_358 = vector.bitcast %get3A_357 : vector<16xi32> to vector<32xbf16>
          %mul3A_359 = arith.mulf %bitcast3A_358, %bitcast3A_30 : vector<32xbf16>
          %get3A_360 = arith.index_cast %add3A_339 : i32 to index
          %get3A_361 = arith.constant 64 : index
          %get3A_362 = tpu.vector_load %arg9[%get3A_360, %get3A_361] {strides = array<i32>} : memref<128x128xi32, #tpu.memory_space<vmem>>, vector<16xi32>,
          %bitcast3A_363 = vector.bitcast %get3A_362 : vector<16xi32> to vector<32xbf16>
          %mul3A_364 = arith.mulf %bitcast3A_363, %bitcast3A : vector<32xbf16>
          %get3A_365 = arith.index_cast %add3A_339 : i32 to index
          %get3A_366 = arith.constant 80 : index
          %get3A_367 = tpu.vector_load %arg9[%get3A_365, %get3A_366] {strides = array<i32>} : memref<128x128xi32, #tpu.memory_space<vmem>>, vector<16xi32>,
          %bitcast3A_368 = vector.bitcast %get3A_367 : vector<16xi32> to vector<32xbf16>
          %mul3A_369 = arith.mulf %bitcast3A_368, %bitcast3A_12 : vector<32xbf16>
          %get3A_370 = arith.index_cast %add3A_339 : i32 to index
          %get3A_371 = arith.constant 96 : index
          %get3A_372 = tpu.vector_load %arg9[%get3A_370, %get3A_371] {strides = array<i32>} : memref<128x128xi32, #tpu.memory_space<vmem>>, vector<16xi32>,
          %bitcast3A_373 = vector.bitcast %get3A_372 : vector<16xi32> to vector<32xbf16>
          %mul3A_374 = arith.mulf %bitcast3A_373, %bitcast3A_15 : vector<32xbf16>
          %get3A_375 = arith.index_cast %add3A_339 : i32 to index
          %get3A_376 = arith.constant 112 : index
          %get3A_377 = tpu.vector_load %arg9[%get3A_375, %get3A_376] {strides = array<i32>} : memref<128x128xi32, #tpu.memory_space<vmem>>, vector<16xi32>,
          %bitcast3A_378 = vector.bitcast %get3A_377 : vector<16xi32> to vector<32xbf16>
          %mul3A_379 = arith.mulf %bitcast3A_378, %bitcast3A_18 : vector<32xbf16>
          %add3A_380 = arith.addf %mul3A_344, %mul3A_349 : vector<32xbf16>
          %add3A_381 = arith.addf %mul3A_354, %mul3A_359 : vector<32xbf16>
          %add3A_382 = arith.addf %add3A_380, %add3A_381 : vector<32xbf16>
          %add3A_383 = arith.addf %mul3A_364, %mul3A_369 : vector<32xbf16>
          %add3A_384 = arith.addf %mul3A_374, %mul3A_379 : vector<32xbf16>
          %add3A_385 = arith.addf %add3A_383, %add3A_384 : vector<32xbf16>
          %unpack3A_386 = tpu.unpack_subelements %add3A_382, 0 {pack_format = #tpu.pack_format<interleaved>} : vector<32xbf16> -> vector<16xf32>
          %unpack3A_387 = tpu.unpack_subelements %add3A_382, 1 {pack_format = #tpu.pack_format<interleaved>} : vector<32xbf16> -> vector<16xf32>
          %unpack3A_388 = tpu.unpack_subelements %add3A_385, 0 {pack_format = #tpu.pack_format<interleaved>} : vector<32xbf16> -> vector<16xf32>
          %unpack3A_389 = tpu.unpack_subelements %add3A_385, 1 {pack_format = #tpu.pack_format<interleaved>} : vector<32xbf16> -> vector<16xf32>
          %eq3A_390 = arith.constant 3 : i32
          %eq3A_391 = vector.broadcast %eq3A_390 : i32 to vector<16xi32>
          %eq3A_392 = arith.cmpi eq, %iota3A, %eq3A_391 : vector<16xi32>
          %add3A_393 = arith.addf %unpack3A_386, %unpack3A_387 : vector<16xf32>
          %reduce_sum3A_394 = arith.constant true
          %reduce_sum3A_395 = vector.broadcast %reduce_sum3A_394 : i1 to vector<16xi1>
          %reduce_sum3A_396 = tpu.scan <sum>, %add3A_393 masked %reduce_sum3A_395 : vector<16xf32>, vector<16xi1> -> vector<16xf32>
          %reduce_sum3A_397 = vector.extract %reduce_sum3A_396[15] : f32 from vector<16xf32>
          %broadcast_in_dim3A_398 = vector.broadcast %reduce_sum3A_397 : f32 to vector<16xf32>
          %select_n3A_399 = arith.select %eq3A_392, %broadcast_in_dim3A_398, %select_n3A_327 : vector<16xi1>, vector<16xf32>
          %eq3A_400 = arith.constant 3 : i32
          %eq3A_401 = vector.broadcast %eq3A_400 : i32 to vector<16xi32>
          %eq3A_402 = arith.cmpi eq, %iota3A, %eq3A_401 : vector<16xi32>
          %add3A_403 = arith.addf %unpack3A_388, %unpack3A_389 : vector<16xf32>
          %reduce_sum3A_404 = arith.constant true
          %reduce_sum3A_405 = vector.broadcast %reduce_sum3A_404 : i1 to vector<16xi1>
          %reduce_sum3A_406 = tpu.scan <sum>, %add3A_403 masked %reduce_sum3A_405 : vector<16xf32>, vector<16xi1> -> vector<16xf32>
          %reduce_sum3A_407 = vector.extract %reduce_sum3A_406[15] : f32 from vector<16xf32>
          %broadcast_in_dim3A_408 = vector.broadcast %reduce_sum3A_407 : f32 to vector<16xf32>
          %select_n3A_409 = arith.select %eq3A_402, %broadcast_in_dim3A_408, %select_n3A_337 : vector<16xi1>, vector<16xf32>
          %add3A_410 = arith.constant 4 : i32
          %add3A_411 = arith.addi %mul3A_122, %add3A_410 : i32
          %get3A_412 = arith.index_cast %add3A_411 : i32 to index
          %get3A_413 = arith.constant 0 : index
          %get3A_414 = tpu.vector_load %arg9[%get3A_412, %get3A_413] {strides = array<i32>} : memref<128x128xi32, #tpu.memory_space<vmem>>, vector<16xi32>,
          %bitcast3A_415 = vector.bitcast %get3A_414 : vector<16xi32> to vector<32xbf16>
          %mul3A_416 = arith.mulf %bitcast3A_415, %bitcast3A_21 : vector<32xbf16>
          %get3A_417 = arith.index_cast %add3A_411 : i32 to index
          %get3A_418 = arith.constant 16 : index
          %get3A_419 = tpu.vector_load %arg9[%get3A_417, %get3A_418] {strides = array<i32>} : memref<128x128xi32, #tpu.memory_space<vmem>>, vector<16xi32>,
          %bitcast3A_420 = vector.bitcast %get3A_419 : vector<16xi32> to vector<32xbf16>
          %mul3A_421 = arith.mulf %bitcast3A_420, %bitcast3A_24 : vector<32xbf16>
          %get3A_422 = arith.index_cast %add3A_411 : i32 to index
          %get3A_423 = arith.constant 32 : index
          %get3A_424 = tpu.vector_load %arg9[%get3A_422, %get3A_423] {strides = array<i32>} : memref<128x128xi32, #tpu.memory_space<vmem>>, vector<16xi32>,
          %bitcast3A_425 = vector.bitcast %get3A_424 : vector<16xi32> to vector<32xbf16>
          %mul3A_426 = arith.mulf %bitcast3A_425, %bitcast3A_27 : vector<32xbf16>
          %get3A_427 = arith.index_cast %add3A_411 : i32 to index
          %get3A_428 = arith.constant 48 : index
          %get3A_429 = tpu.vector_load %arg9[%get3A_427, %get3A_428] {strides = array<i32>} : memref<128x128xi32, #tpu.memory_space<vmem>>, vector<16xi32>,
          %bitcast3A_430 = vector.bitcast %get3A_429 : vector<16xi32> to vector<32xbf16>
          %mul3A_431 = arith.mulf %bitcast3A_430, %bitcast3A_30 : vector<32xbf16>
          %get3A_432 = arith.index_cast %add3A_411 : i32 to index
          %get3A_433 = arith.constant 64 : index
          %get3A_434 = tpu.vector_load %arg9[%get3A_432, %get3A_433] {strides = array<i32>} : memref<128x128xi32, #tpu.memory_space<vmem>>, vector<16xi32>,
          %bitcast3A_435 = vector.bitcast %get3A_434 : vector<16xi32> to vector<32xbf16>
          %mul3A_436 = arith.mulf %bitcast3A_435, %bitcast3A : vector<32xbf16>
          %get3A_437 = arith.index_cast %add3A_411 : i32 to index
          %get3A_438 = arith.constant 80 : index
          %get3A_439 = tpu.vector_load %arg9[%get3A_437, %get3A_438] {strides = array<i32>} : memref<128x128xi32, #tpu.memory_space<vmem>>, vector<16xi32>,
          %bitcast3A_440 = vector.bitcast %get3A_439 : vector<16xi32> to vector<32xbf16>
          %mul3A_441 = arith.mulf %bitcast3A_440, %bitcast3A_12 : vector<32xbf16>
          %get3A_442 = arith.index_cast %add3A_411 : i32 to index
          %get3A_443 = arith.constant 96 : index
          %get3A_444 = tpu.vector_load %arg9[%get3A_442, %get3A_443] {strides = array<i32>} : memref<128x128xi32, #tpu.memory_space<vmem>>, vector<16xi32>,
          %bitcast3A_445 = vector.bitcast %get3A_444 : vector<16xi32> to vector<32xbf16>
          %mul3A_446 = arith.mulf %bitcast3A_445, %bitcast3A_15 : vector<32xbf16>
          %get3A_447 = arith.index_cast %add3A_411 : i32 to index
          %get3A_448 = arith.constant 112 : index
          %get3A_449 = tpu.vector_load %arg9[%get3A_447, %get3A_448] {strides = array<i32>} : memref<128x128xi32, #tpu.memory_space<vmem>>, vector<16xi32>,
          %bitcast3A_450 = vector.bitcast %get3A_449 : vector<16xi32> to vector<32xbf16>
          %mul3A_451 = arith.mulf %bitcast3A_450, %bitcast3A_18 : vector<32xbf16>
          %add3A_452 = arith.addf %mul3A_416, %mul3A_421 : vector<32xbf16>
          %add3A_453 = arith.addf %mul3A_426, %mul3A_431 : vector<32xbf16>
          %add3A_454 = arith.addf %add3A_452, %add3A_453 : vector<32xbf16>
          %add3A_455 = arith.addf %mul3A_436, %mul3A_441 : vector<32xbf16>
          %add3A_456 = arith.addf %mul3A_446, %mul3A_451 : vector<32xbf16>
          %add3A_457 = arith.addf %add3A_455, %add3A_456 : vector<32xbf16>
          %unpack3A_458 = tpu.unpack_subelements %add3A_454, 0 {pack_format = #tpu.pack_format<interleaved>} : vector<32xbf16> -> vector<16xf32>
          %unpack3A_459 = tpu.unpack_subelements %add3A_454, 1 {pack_format = #tpu.pack_format<interleaved>} : vector<32xbf16> -> vector<16xf32>
          %unpack3A_460 = tpu.unpack_subelements %add3A_457, 0 {pack_format = #tpu.pack_format<interleaved>} : vector<32xbf16> -> vector<16xf32>
          %unpack3A_461 = tpu.unpack_subelements %add3A_457, 1 {pack_format = #tpu.pack_format<interleaved>} : vector<32xbf16> -> vector<16xf32>
          %eq3A_462 = arith.constant 4 : i32
          %eq3A_463 = vector.broadcast %eq3A_462 : i32 to vector<16xi32>
          %eq3A_464 = arith.cmpi eq, %iota3A, %eq3A_463 : vector<16xi32>
          %add3A_465 = arith.addf %unpack3A_458, %unpack3A_459 : vector<16xf32>
          %reduce_sum3A_466 = arith.constant true
          %reduce_sum3A_467 = vector.broadcast %reduce_sum3A_466 : i1 to vector<16xi1>
          %reduce_sum3A_468 = tpu.scan <sum>, %add3A_465 masked %reduce_sum3A_467 : vector<16xf32>, vector<16xi1> -> vector<16xf32>
          %reduce_sum3A_469 = vector.extract %reduce_sum3A_468[15] : f32 from vector<16xf32>
          %broadcast_in_dim3A_470 = vector.broadcast %reduce_sum3A_469 : f32 to vector<16xf32>
          %select_n3A_471 = arith.select %eq3A_464, %broadcast_in_dim3A_470, %select_n3A_399 : vector<16xi1>, vector<16xf32>
          %eq3A_472 = arith.constant 4 : i32
          %eq3A_473 = vector.broadcast %eq3A_472 : i32 to vector<16xi32>
          %eq3A_474 = arith.cmpi eq, %iota3A, %eq3A_473 : vector<16xi32>
          %add3A_475 = arith.addf %unpack3A_460, %unpack3A_461 : vector<16xf32>
          %reduce_sum3A_476 = arith.constant true
          %reduce_sum3A_477 = vector.broadcast %reduce_sum3A_476 : i1 to vector<16xi1>
          %reduce_sum3A_478 = tpu.scan <sum>, %add3A_475 masked %reduce_sum3A_477 : vector<16xf32>, vector<16xi1> -> vector<16xf32>
          %reduce_sum3A_479 = vector.extract %reduce_sum3A_478[15] : f32 from vector<16xf32>
          %broadcast_in_dim3A_480 = vector.broadcast %reduce_sum3A_479 : f32 to vector<16xf32>
          %select_n3A_481 = arith.select %eq3A_474, %broadcast_in_dim3A_480, %select_n3A_409 : vector<16xi1>, vector<16xf32>
          %add3A_482 = arith.constant 5 : i32
          %add3A_483 = arith.addi %mul3A_122, %add3A_482 : i32
          %get3A_484 = arith.index_cast %add3A_483 : i32 to index
          %get3A_485 = arith.constant 0 : index
          %get3A_486 = tpu.vector_load %arg9[%get3A_484, %get3A_485] {strides = array<i32>} : memref<128x128xi32, #tpu.memory_space<vmem>>, vector<16xi32>,
          %bitcast3A_487 = vector.bitcast %get3A_486 : vector<16xi32> to vector<32xbf16>
          %mul3A_488 = arith.mulf %bitcast3A_487, %bitcast3A_21 : vector<32xbf16>
          %get3A_489 = arith.index_cast %add3A_483 : i32 to index
          %get3A_490 = arith.constant 16 : index
          %get3A_491 = tpu.vector_load %arg9[%get3A_489, %get3A_490] {strides = array<i32>} : memref<128x128xi32, #tpu.memory_space<vmem>>, vector<16xi32>,
          %bitcast3A_492 = vector.bitcast %get3A_491 : vector<16xi32> to vector<32xbf16>
          %mul3A_493 = arith.mulf %bitcast3A_492, %bitcast3A_24 : vector<32xbf16>
          %get3A_494 = arith.index_cast %add3A_483 : i32 to index
          %get3A_495 = arith.constant 32 : index
          %get3A_496 = tpu.vector_load %arg9[%get3A_494, %get3A_495] {strides = array<i32>} : memref<128x128xi32, #tpu.memory_space<vmem>>, vector<16xi32>,
          %bitcast3A_497 = vector.bitcast %get3A_496 : vector<16xi32> to vector<32xbf16>
          %mul3A_498 = arith.mulf %bitcast3A_497, %bitcast3A_27 : vector<32xbf16>
          %get3A_499 = arith.index_cast %add3A_483 : i32 to index
          %get3A_500 = arith.constant 48 : index
          %get3A_501 = tpu.vector_load %arg9[%get3A_499, %get3A_500] {strides = array<i32>} : memref<128x128xi32, #tpu.memory_space<vmem>>, vector<16xi32>,
          %bitcast3A_502 = vector.bitcast %get3A_501 : vector<16xi32> to vector<32xbf16>
          %mul3A_503 = arith.mulf %bitcast3A_502, %bitcast3A_30 : vector<32xbf16>
          %get3A_504 = arith.index_cast %add3A_483 : i32 to index
          %get3A_505 = arith.constant 64 : index
          %get3A_506 = tpu.vector_load %arg9[%get3A_504, %get3A_505] {strides = array<i32>} : memref<128x128xi32, #tpu.memory_space<vmem>>, vector<16xi32>,
          %bitcast3A_507 = vector.bitcast %get3A_506 : vector<16xi32> to vector<32xbf16>
          %mul3A_508 = arith.mulf %bitcast3A_507, %bitcast3A : vector<32xbf16>
          %get3A_509 = arith.index_cast %add3A_483 : i32 to index
          %get3A_510 = arith.constant 80 : index
          %get3A_511 = tpu.vector_load %arg9[%get3A_509, %get3A_510] {strides = array<i32>} : memref<128x128xi32, #tpu.memory_space<vmem>>, vector<16xi32>,
          %bitcast3A_512 = vector.bitcast %get3A_511 : vector<16xi32> to vector<32xbf16>
          %mul3A_513 = arith.mulf %bitcast3A_512, %bitcast3A_12 : vector<32xbf16>
          %get3A_514 = arith.index_cast %add3A_483 : i32 to index
          %get3A_515 = arith.constant 96 : index
          %get3A_516 = tpu.vector_load %arg9[%get3A_514, %get3A_515] {strides = array<i32>} : memref<128x128xi32, #tpu.memory_space<vmem>>, vector<16xi32>,
          %bitcast3A_517 = vector.bitcast %get3A_516 : vector<16xi32> to vector<32xbf16>
          %mul3A_518 = arith.mulf %bitcast3A_517, %bitcast3A_15 : vector<32xbf16>
          %get3A_519 = arith.index_cast %add3A_483 : i32 to index
          %get3A_520 = arith.constant 112 : index
          %get3A_521 = tpu.vector_load %arg9[%get3A_519, %get3A_520] {strides = array<i32>} : memref<128x128xi32, #tpu.memory_space<vmem>>, vector<16xi32>,
          %bitcast3A_522 = vector.bitcast %get3A_521 : vector<16xi32> to vector<32xbf16>
          %mul3A_523 = arith.mulf %bitcast3A_522, %bitcast3A_18 : vector<32xbf16>
          %add3A_524 = arith.addf %mul3A_488, %mul3A_493 : vector<32xbf16>
          %add3A_525 = arith.addf %mul3A_498, %mul3A_503 : vector<32xbf16>
          %add3A_526 = arith.addf %add3A_524, %add3A_525 : vector<32xbf16>
          %add3A_527 = arith.addf %mul3A_508, %mul3A_513 : vector<32xbf16>
          %add3A_528 = arith.addf %mul3A_518, %mul3A_523 : vector<32xbf16>
          %add3A_529 = arith.addf %add3A_527, %add3A_528 : vector<32xbf16>
          %unpack3A_530 = tpu.unpack_subelements %add3A_526, 0 {pack_format = #tpu.pack_format<interleaved>} : vector<32xbf16> -> vector<16xf32>
          %unpack3A_531 = tpu.unpack_subelements %add3A_526, 1 {pack_format = #tpu.pack_format<interleaved>} : vector<32xbf16> -> vector<16xf32>
          %unpack3A_532 = tpu.unpack_subelements %add3A_529, 0 {pack_format = #tpu.pack_format<interleaved>} : vector<32xbf16> -> vector<16xf32>
          %unpack3A_533 = tpu.unpack_subelements %add3A_529, 1 {pack_format = #tpu.pack_format<interleaved>} : vector<32xbf16> -> vector<16xf32>
          %eq3A_534 = arith.constant 5 : i32
          %eq3A_535 = vector.broadcast %eq3A_534 : i32 to vector<16xi32>
          %eq3A_536 = arith.cmpi eq, %iota3A, %eq3A_535 : vector<16xi32>
          %add3A_537 = arith.addf %unpack3A_530, %unpack3A_531 : vector<16xf32>
          %reduce_sum3A_538 = arith.constant true
          %reduce_sum3A_539 = vector.broadcast %reduce_sum3A_538 : i1 to vector<16xi1>
          %reduce_sum3A_540 = tpu.scan <sum>, %add3A_537 masked %reduce_sum3A_539 : vector<16xf32>, vector<16xi1> -> vector<16xf32>
          %reduce_sum3A_541 = vector.extract %reduce_sum3A_540[15] : f32 from vector<16xf32>
          %broadcast_in_dim3A_542 = vector.broadcast %reduce_sum3A_541 : f32 to vector<16xf32>
          %select_n3A_543 = arith.select %eq3A_536, %broadcast_in_dim3A_542, %select_n3A_471 : vector<16xi1>, vector<16xf32>
          %eq3A_544 = arith.constant 5 : i32
          %eq3A_545 = vector.broadcast %eq3A_544 : i32 to vector<16xi32>
          %eq3A_546 = arith.cmpi eq, %iota3A, %eq3A_545 : vector<16xi32>
          %add3A_547 = arith.addf %unpack3A_532, %unpack3A_533 : vector<16xf32>
          %reduce_sum3A_548 = arith.constant true
          %reduce_sum3A_549 = vector.broadcast %reduce_sum3A_548 : i1 to vector<16xi1>
          %reduce_sum3A_550 = tpu.scan <sum>, %add3A_547 masked %reduce_sum3A_549 : vector<16xf32>, vector<16xi1> -> vector<16xf32>
          %reduce_sum3A_551 = vector.extract %reduce_sum3A_550[15] : f32 from vector<16xf32>
          %broadcast_in_dim3A_552 = vector.broadcast %reduce_sum3A_551 : f32 to vector<16xf32>
          %select_n3A_553 = arith.select %eq3A_546, %broadcast_in_dim3A_552, %select_n3A_481 : vector<16xi1>, vector<16xf32>
          %add3A_554 = arith.constant 6 : i32
          %add3A_555 = arith.addi %mul3A_122, %add3A_554 : i32
          %get3A_556 = arith.index_cast %add3A_555 : i32 to index
          %get3A_557 = arith.constant 0 : index
          %get3A_558 = tpu.vector_load %arg9[%get3A_556, %get3A_557] {strides = array<i32>} : memref<128x128xi32, #tpu.memory_space<vmem>>, vector<16xi32>,
          %bitcast3A_559 = vector.bitcast %get3A_558 : vector<16xi32> to vector<32xbf16>
          %mul3A_560 = arith.mulf %bitcast3A_559, %bitcast3A_21 : vector<32xbf16>
          %get3A_561 = arith.index_cast %add3A_555 : i32 to index
          %get3A_562 = arith.constant 16 : index
          %get3A_563 = tpu.vector_load %arg9[%get3A_561, %get3A_562] {strides = array<i32>} : memref<128x128xi32, #tpu.memory_space<vmem>>, vector<16xi32>,
          %bitcast3A_564 = vector.bitcast %get3A_563 : vector<16xi32> to vector<32xbf16>
          %mul3A_565 = arith.mulf %bitcast3A_564, %bitcast3A_24 : vector<32xbf16>
          %get3A_566 = arith.index_cast %add3A_555 : i32 to index
          %get3A_567 = arith.constant 32 : index
          %get3A_568 = tpu.vector_load %arg9[%get3A_566, %get3A_567] {strides = array<i32>} : memref<128x128xi32, #tpu.memory_space<vmem>>, vector<16xi32>,
          %bitcast3A_569 = vector.bitcast %get3A_568 : vector<16xi32> to vector<32xbf16>
          %mul3A_570 = arith.mulf %bitcast3A_569, %bitcast3A_27 : vector<32xbf16>
          %get3A_571 = arith.index_cast %add3A_555 : i32 to index
          %get3A_572 = arith.constant 48 : index
          %get3A_573 = tpu.vector_load %arg9[%get3A_571, %get3A_572] {strides = array<i32>} : memref<128x128xi32, #tpu.memory_space<vmem>>, vector<16xi32>,
          %bitcast3A_574 = vector.bitcast %get3A_573 : vector<16xi32> to vector<32xbf16>
          %mul3A_575 = arith.mulf %bitcast3A_574, %bitcast3A_30 : vector<32xbf16>
          %get3A_576 = arith.index_cast %add3A_555 : i32 to index
          %get3A_577 = arith.constant 64 : index
          %get3A_578 = tpu.vector_load %arg9[%get3A_576, %get3A_577] {strides = array<i32>} : memref<128x128xi32, #tpu.memory_space<vmem>>, vector<16xi32>,
          %bitcast3A_579 = vector.bitcast %get3A_578 : vector<16xi32> to vector<32xbf16>
          %mul3A_580 = arith.mulf %bitcast3A_579, %bitcast3A : vector<32xbf16>
          %get3A_581 = arith.index_cast %add3A_555 : i32 to index
          %get3A_582 = arith.constant 80 : index
          %get3A_583 = tpu.vector_load %arg9[%get3A_581, %get3A_582] {strides = array<i32>} : memref<128x128xi32, #tpu.memory_space<vmem>>, vector<16xi32>,
          %bitcast3A_584 = vector.bitcast %get3A_583 : vector<16xi32> to vector<32xbf16>
          %mul3A_585 = arith.mulf %bitcast3A_584, %bitcast3A_12 : vector<32xbf16>
          %get3A_586 = arith.index_cast %add3A_555 : i32 to index
          %get3A_587 = arith.constant 96 : index
          %get3A_588 = tpu.vector_load %arg9[%get3A_586, %get3A_587] {strides = array<i32>} : memref<128x128xi32, #tpu.memory_space<vmem>>, vector<16xi32>,
          %bitcast3A_589 = vector.bitcast %get3A_588 : vector<16xi32> to vector<32xbf16>
          %mul3A_590 = arith.mulf %bitcast3A_589, %bitcast3A_15 : vector<32xbf16>
          %get3A_591 = arith.index_cast %add3A_555 : i32 to index
          %get3A_592 = arith.constant 112 : index
          %get3A_593 = tpu.vector_load %arg9[%get3A_591, %get3A_592] {strides = array<i32>} : memref<128x128xi32, #tpu.memory_space<vmem>>, vector<16xi32>,
          %bitcast3A_594 = vector.bitcast %get3A_593 : vector<16xi32> to vector<32xbf16>
          %mul3A_595 = arith.mulf %bitcast3A_594, %bitcast3A_18 : vector<32xbf16>
          %add3A_596 = arith.addf %mul3A_560, %mul3A_565 : vector<32xbf16>
          %add3A_597 = arith.addf %mul3A_570, %mul3A_575 : vector<32xbf16>
          %add3A_598 = arith.addf %add3A_596, %add3A_597 : vector<32xbf16>
          %add3A_599 = arith.addf %mul3A_580, %mul3A_585 : vector<32xbf16>
          %add3A_600 = arith.addf %mul3A_590, %mul3A_595 : vector<32xbf16>
          %add3A_601 = arith.addf %add3A_599, %add3A_600 : vector<32xbf16>
          %unpack3A_602 = tpu.unpack_subelements %add3A_598, 0 {pack_format = #tpu.pack_format<interleaved>} : vector<32xbf16> -> vector<16xf32>
          %unpack3A_603 = tpu.unpack_subelements %add3A_598, 1 {pack_format = #tpu.pack_format<interleaved>} : vector<32xbf16> -> vector<16xf32>
          %unpack3A_604 = tpu.unpack_subelements %add3A_601, 0 {pack_format = #tpu.pack_format<interleaved>} : vector<32xbf16> -> vector<16xf32>
          %unpack3A_605 = tpu.unpack_subelements %add3A_601, 1 {pack_format = #tpu.pack_format<interleaved>} : vector<32xbf16> -> vector<16xf32>
          %eq3A_606 = arith.constant 6 : i32
          %eq3A_607 = vector.broadcast %eq3A_606 : i32 to vector<16xi32>
          %eq3A_608 = arith.cmpi eq, %iota3A, %eq3A_607 : vector<16xi32>
          %add3A_609 = arith.addf %unpack3A_602, %unpack3A_603 : vector<16xf32>
          %reduce_sum3A_610 = arith.constant true
          %reduce_sum3A_611 = vector.broadcast %reduce_sum3A_610 : i1 to vector<16xi1>
          %reduce_sum3A_612 = tpu.scan <sum>, %add3A_609 masked %reduce_sum3A_611 : vector<16xf32>, vector<16xi1> -> vector<16xf32>
          %reduce_sum3A_613 = vector.extract %reduce_sum3A_612[15] : f32 from vector<16xf32>
          %broadcast_in_dim3A_614 = vector.broadcast %reduce_sum3A_613 : f32 to vector<16xf32>
          %select_n3A_615 = arith.select %eq3A_608, %broadcast_in_dim3A_614, %select_n3A_543 : vector<16xi1>, vector<16xf32>
          %eq3A_616 = arith.constant 6 : i32
          %eq3A_617 = vector.broadcast %eq3A_616 : i32 to vector<16xi32>
          %eq3A_618 = arith.cmpi eq, %iota3A, %eq3A_617 : vector<16xi32>
          %add3A_619 = arith.addf %unpack3A_604, %unpack3A_605 : vector<16xf32>
          %reduce_sum3A_620 = arith.constant true
          %reduce_sum3A_621 = vector.broadcast %reduce_sum3A_620 : i1 to vector<16xi1>
          %reduce_sum3A_622 = tpu.scan <sum>, %add3A_619 masked %reduce_sum3A_621 : vector<16xf32>, vector<16xi1> -> vector<16xf32>
          %reduce_sum3A_623 = vector.extract %reduce_sum3A_622[15] : f32 from vector<16xf32>
          %broadcast_in_dim3A_624 = vector.broadcast %reduce_sum3A_623 : f32 to vector<16xf32>
          %select_n3A_625 = arith.select %eq3A_618, %broadcast_in_dim3A_624, %select_n3A_553 : vector<16xi1>, vector<16xf32>
          %add3A_626 = arith.constant 7 : i32
          %add3A_627 = arith.addi %mul3A_122, %add3A_626 : i32
          %get3A_628 = arith.index_cast %add3A_627 : i32 to index
          %get3A_629 = arith.constant 0 : index
          %get3A_630 = tpu.vector_load %arg9[%get3A_628, %get3A_629] {strides = array<i32>} : memref<128x128xi32, #tpu.memory_space<vmem>>, vector<16xi32>,
          %bitcast3A_631 = vector.bitcast %get3A_630 : vector<16xi32> to vector<32xbf16>
          %mul3A_632 = arith.mulf %bitcast3A_631, %bitcast3A_21 : vector<32xbf16>
          %get3A_633 = arith.index_cast %add3A_627 : i32 to index
          %get3A_634 = arith.constant 16 : index
          %get3A_635 = tpu.vector_load %arg9[%get3A_633, %get3A_634] {strides = array<i32>} : memref<128x128xi32, #tpu.memory_space<vmem>>, vector<16xi32>,
          %bitcast3A_636 = vector.bitcast %get3A_635 : vector<16xi32> to vector<32xbf16>
          %mul3A_637 = arith.mulf %bitcast3A_636, %bitcast3A_24 : vector<32xbf16>
          %get3A_638 = arith.index_cast %add3A_627 : i32 to index
          %get3A_639 = arith.constant 32 : index
          %get3A_640 = tpu.vector_load %arg9[%get3A_638, %get3A_639] {strides = array<i32>} : memref<128x128xi32, #tpu.memory_space<vmem>>, vector<16xi32>,
          %bitcast3A_641 = vector.bitcast %get3A_640 : vector<16xi32> to vector<32xbf16>
          %mul3A_642 = arith.mulf %bitcast3A_641, %bitcast3A_27 : vector<32xbf16>
          %get3A_643 = arith.index_cast %add3A_627 : i32 to index
          %get3A_644 = arith.constant 48 : index
          %get3A_645 = tpu.vector_load %arg9[%get3A_643, %get3A_644] {strides = array<i32>} : memref<128x128xi32, #tpu.memory_space<vmem>>, vector<16xi32>,
          %bitcast3A_646 = vector.bitcast %get3A_645 : vector<16xi32> to vector<32xbf16>
          %mul3A_647 = arith.mulf %bitcast3A_646, %bitcast3A_30 : vector<32xbf16>
          %get3A_648 = arith.index_cast %add3A_627 : i32 to index
          %get3A_649 = arith.constant 64 : index
          %get3A_650 = tpu.vector_load %arg9[%get3A_648, %get3A_649] {strides = array<i32>} : memref<128x128xi32, #tpu.memory_space<vmem>>, vector<16xi32>,
          %bitcast3A_651 = vector.bitcast %get3A_650 : vector<16xi32> to vector<32xbf16>
          %mul3A_652 = arith.mulf %bitcast3A_651, %bitcast3A : vector<32xbf16>
          %get3A_653 = arith.index_cast %add3A_627 : i32 to index
          %get3A_654 = arith.constant 80 : index
          %get3A_655 = tpu.vector_load %arg9[%get3A_653, %get3A_654] {strides = array<i32>} : memref<128x128xi32, #tpu.memory_space<vmem>>, vector<16xi32>,
          %bitcast3A_656 = vector.bitcast %get3A_655 : vector<16xi32> to vector<32xbf16>
          %mul3A_657 = arith.mulf %bitcast3A_656, %bitcast3A_12 : vector<32xbf16>
          %get3A_658 = arith.index_cast %add3A_627 : i32 to index
          %get3A_659 = arith.constant 96 : index
          %get3A_660 = tpu.vector_load %arg9[%get3A_658, %get3A_659] {strides = array<i32>} : memref<128x128xi32, #tpu.memory_space<vmem>>, vector<16xi32>,
          %bitcast3A_661 = vector.bitcast %get3A_660 : vector<16xi32> to vector<32xbf16>
          %mul3A_662 = arith.mulf %bitcast3A_661, %bitcast3A_15 : vector<32xbf16>
          %get3A_663 = arith.index_cast %add3A_627 : i32 to index
          %get3A_664 = arith.constant 112 : index
          %get3A_665 = tpu.vector_load %arg9[%get3A_663, %get3A_664] {strides = array<i32>} : memref<128x128xi32, #tpu.memory_space<vmem>>, vector<16xi32>,
          %bitcast3A_666 = vector.bitcast %get3A_665 : vector<16xi32> to vector<32xbf16>
          %mul3A_667 = arith.mulf %bitcast3A_666, %bitcast3A_18 : vector<32xbf16>
          %add3A_668 = arith.addf %mul3A_632, %mul3A_637 : vector<32xbf16>
          %add3A_669 = arith.addf %mul3A_642, %mul3A_647 : vector<32xbf16>
          %add3A_670 = arith.addf %add3A_668, %add3A_669 : vector<32xbf16>
          %add3A_671 = arith.addf %mul3A_652, %mul3A_657 : vector<32xbf16>
          %add3A_672 = arith.addf %mul3A_662, %mul3A_667 : vector<32xbf16>
          %add3A_673 = arith.addf %add3A_671, %add3A_672 : vector<32xbf16>
          %unpack3A_674 = tpu.unpack_subelements %add3A_670, 0 {pack_format = #tpu.pack_format<interleaved>} : vector<32xbf16> -> vector<16xf32>
          %unpack3A_675 = tpu.unpack_subelements %add3A_670, 1 {pack_format = #tpu.pack_format<interleaved>} : vector<32xbf16> -> vector<16xf32>
          %unpack3A_676 = tpu.unpack_subelements %add3A_673, 0 {pack_format = #tpu.pack_format<interleaved>} : vector<32xbf16> -> vector<16xf32>
          %unpack3A_677 = tpu.unpack_subelements %add3A_673, 1 {pack_format = #tpu.pack_format<interleaved>} : vector<32xbf16> -> vector<16xf32>
          %eq3A_678 = arith.constant 7 : i32
          %eq3A_679 = vector.broadcast %eq3A_678 : i32 to vector<16xi32>
          %eq3A_680 = arith.cmpi eq, %iota3A, %eq3A_679 : vector<16xi32>
          %add3A_681 = arith.addf %unpack3A_674, %unpack3A_675 : vector<16xf32>
          %reduce_sum3A_682 = arith.constant true
          %reduce_sum3A_683 = vector.broadcast %reduce_sum3A_682 : i1 to vector<16xi1>
          %reduce_sum3A_684 = tpu.scan <sum>, %add3A_681 masked %reduce_sum3A_683 : vector<16xf32>, vector<16xi1> -> vector<16xf32>
          %reduce_sum3A_685 = vector.extract %reduce_sum3A_684[15] : f32 from vector<16xf32>
          %broadcast_in_dim3A_686 = vector.broadcast %reduce_sum3A_685 : f32 to vector<16xf32>
          %select_n3A_687 = arith.select %eq3A_680, %broadcast_in_dim3A_686, %select_n3A_615 : vector<16xi1>, vector<16xf32>
          %eq3A_688 = arith.constant 7 : i32
          %eq3A_689 = vector.broadcast %eq3A_688 : i32 to vector<16xi32>
          %eq3A_690 = arith.cmpi eq, %iota3A, %eq3A_689 : vector<16xi32>
          %add3A_691 = arith.addf %unpack3A_676, %unpack3A_677 : vector<16xf32>
          %reduce_sum3A_692 = arith.constant true
          %reduce_sum3A_693 = vector.broadcast %reduce_sum3A_692 : i1 to vector<16xi1>
          %reduce_sum3A_694 = tpu.scan <sum>, %add3A_691 masked %reduce_sum3A_693 : vector<16xf32>, vector<16xi1> -> vector<16xf32>
          %reduce_sum3A_695 = vector.extract %reduce_sum3A_694[15] : f32 from vector<16xf32>
          %broadcast_in_dim3A_696 = vector.broadcast %reduce_sum3A_695 : f32 to vector<16xf32>
          %select_n3A_697 = arith.select %eq3A_690, %broadcast_in_dim3A_696, %select_n3A_625 : vector<16xi1>, vector<16xf32>
          %add3A_698 = arith.constant 8 : i32
          %add3A_699 = arith.addi %mul3A_122, %add3A_698 : i32
          %get3A_700 = arith.index_cast %add3A_699 : i32 to index
          %get3A_701 = arith.constant 0 : index
          %get3A_702 = tpu.vector_load %arg9[%get3A_700, %get3A_701] {strides = array<i32>} : memref<128x128xi32, #tpu.memory_space<vmem>>, vector<16xi32>,
          %bitcast3A_703 = vector.bitcast %get3A_702 : vector<16xi32> to vector<32xbf16>
          %mul3A_704 = arith.mulf %bitcast3A_703, %bitcast3A_21 : vector<32xbf16>
          %get3A_705 = arith.index_cast %add3A_699 : i32 to index
          %get3A_706 = arith.constant 16 : index
          %get3A_707 = tpu.vector_load %arg9[%get3A_705, %get3A_706] {strides = array<i32>} : memref<128x128xi32, #tpu.memory_space<vmem>>, vector<16xi32>,
          %bitcast3A_708 = vector.bitcast %get3A_707 : vector<16xi32> to vector<32xbf16>
          %mul3A_709 = arith.mulf %bitcast3A_708, %bitcast3A_24 : vector<32xbf16>
          %get3A_710 = arith.index_cast %add3A_699 : i32 to index
          %get3A_711 = arith.constant 32 : index
          %get3A_712 = tpu.vector_load %arg9[%get3A_710, %get3A_711] {strides = array<i32>} : memref<128x128xi32, #tpu.memory_space<vmem>>, vector<16xi32>,
          %bitcast3A_713 = vector.bitcast %get3A_712 : vector<16xi32> to vector<32xbf16>
          %mul3A_714 = arith.mulf %bitcast3A_713, %bitcast3A_27 : vector<32xbf16>
          %get3A_715 = arith.index_cast %add3A_699 : i32 to index
          %get3A_716 = arith.constant 48 : index
          %get3A_717 = tpu.vector_load %arg9[%get3A_715, %get3A_716] {strides = array<i32>} : memref<128x128xi32, #tpu.memory_space<vmem>>, vector<16xi32>,
          %bitcast3A_718 = vector.bitcast %get3A_717 : vector<16xi32> to vector<32xbf16>
          %mul3A_719 = arith.mulf %bitcast3A_718, %bitcast3A_30 : vector<32xbf16>
          %get3A_720 = arith.index_cast %add3A_699 : i32 to index
          %get3A_721 = arith.constant 64 : index
          %get3A_722 = tpu.vector_load %arg9[%get3A_720, %get3A_721] {strides = array<i32>} : memref<128x128xi32, #tpu.memory_space<vmem>>, vector<16xi32>,
          %bitcast3A_723 = vector.bitcast %get3A_722 : vector<16xi32> to vector<32xbf16>
          %mul3A_724 = arith.mulf %bitcast3A_723, %bitcast3A : vector<32xbf16>
          %get3A_725 = arith.index_cast %add3A_699 : i32 to index
          %get3A_726 = arith.constant 80 : index
          %get3A_727 = tpu.vector_load %arg9[%get3A_725, %get3A_726] {strides = array<i32>} : memref<128x128xi32, #tpu.memory_space<vmem>>, vector<16xi32>,
          %bitcast3A_728 = vector.bitcast %get3A_727 : vector<16xi32> to vector<32xbf16>
          %mul3A_729 = arith.mulf %bitcast3A_728, %bitcast3A_12 : vector<32xbf16>
          %get3A_730 = arith.index_cast %add3A_699 : i32 to index
          %get3A_731 = arith.constant 96 : index
          %get3A_732 = tpu.vector_load %arg9[%get3A_730, %get3A_731] {strides = array<i32>} : memref<128x128xi32, #tpu.memory_space<vmem>>, vector<16xi32>,
          %bitcast3A_733 = vector.bitcast %get3A_732 : vector<16xi32> to vector<32xbf16>
          %mul3A_734 = arith.mulf %bitcast3A_733, %bitcast3A_15 : vector<32xbf16>
          %get3A_735 = arith.index_cast %add3A_699 : i32 to index
          %get3A_736 = arith.constant 112 : index
          %get3A_737 = tpu.vector_load %arg9[%get3A_735, %get3A_736] {strides = array<i32>} : memref<128x128xi32, #tpu.memory_space<vmem>>, vector<16xi32>,
          %bitcast3A_738 = vector.bitcast %get3A_737 : vector<16xi32> to vector<32xbf16>
          %mul3A_739 = arith.mulf %bitcast3A_738, %bitcast3A_18 : vector<32xbf16>
          %add3A_740 = arith.addf %mul3A_704, %mul3A_709 : vector<32xbf16>
          %add3A_741 = arith.addf %mul3A_714, %mul3A_719 : vector<32xbf16>
          %add3A_742 = arith.addf %add3A_740, %add3A_741 : vector<32xbf16>
          %add3A_743 = arith.addf %mul3A_724, %mul3A_729 : vector<32xbf16>
          %add3A_744 = arith.addf %mul3A_734, %mul3A_739 : vector<32xbf16>
          %add3A_745 = arith.addf %add3A_743, %add3A_744 : vector<32xbf16>
          %unpack3A_746 = tpu.unpack_subelements %add3A_742, 0 {pack_format = #tpu.pack_format<interleaved>} : vector<32xbf16> -> vector<16xf32>
          %unpack3A_747 = tpu.unpack_subelements %add3A_742, 1 {pack_format = #tpu.pack_format<interleaved>} : vector<32xbf16> -> vector<16xf32>
          %unpack3A_748 = tpu.unpack_subelements %add3A_745, 0 {pack_format = #tpu.pack_format<interleaved>} : vector<32xbf16> -> vector<16xf32>
          %unpack3A_749 = tpu.unpack_subelements %add3A_745, 1 {pack_format = #tpu.pack_format<interleaved>} : vector<32xbf16> -> vector<16xf32>
          %eq3A_750 = arith.constant 8 : i32
          %eq3A_751 = vector.broadcast %eq3A_750 : i32 to vector<16xi32>
          %eq3A_752 = arith.cmpi eq, %iota3A, %eq3A_751 : vector<16xi32>
          %add3A_753 = arith.addf %unpack3A_746, %unpack3A_747 : vector<16xf32>
          %reduce_sum3A_754 = arith.constant true
          %reduce_sum3A_755 = vector.broadcast %reduce_sum3A_754 : i1 to vector<16xi1>
          %reduce_sum3A_756 = tpu.scan <sum>, %add3A_753 masked %reduce_sum3A_755 : vector<16xf32>, vector<16xi1> -> vector<16xf32>
          %reduce_sum3A_757 = vector.extract %reduce_sum3A_756[15] : f32 from vector<16xf32>
          %broadcast_in_dim3A_758 = vector.broadcast %reduce_sum3A_757 : f32 to vector<16xf32>
          %select_n3A_759 = arith.select %eq3A_752, %broadcast_in_dim3A_758, %select_n3A_687 : vector<16xi1>, vector<16xf32>
          %eq3A_760 = arith.constant 8 : i32
          %eq3A_761 = vector.broadcast %eq3A_760 : i32 to vector<16xi32>
          %eq3A_762 = arith.cmpi eq, %iota3A, %eq3A_761 : vector<16xi32>
          %add3A_763 = arith.addf %unpack3A_748, %unpack3A_749 : vector<16xf32>
          %reduce_sum3A_764 = arith.constant true
          %reduce_sum3A_765 = vector.broadcast %reduce_sum3A_764 : i1 to vector<16xi1>
          %reduce_sum3A_766 = tpu.scan <sum>, %add3A_763 masked %reduce_sum3A_765 : vector<16xf32>, vector<16xi1> -> vector<16xf32>
          %reduce_sum3A_767 = vector.extract %reduce_sum3A_766[15] : f32 from vector<16xf32>
          %broadcast_in_dim3A_768 = vector.broadcast %reduce_sum3A_767 : f32 to vector<16xf32>
          %select_n3A_769 = arith.select %eq3A_762, %broadcast_in_dim3A_768, %select_n3A_697 : vector<16xi1>, vector<16xf32>
          %add3A_770 = arith.constant 9 : i32
          %add3A_771 = arith.addi %mul3A_122, %add3A_770 : i32
          %get3A_772 = arith.index_cast %add3A_771 : i32 to index
          %get3A_773 = arith.constant 0 : index
          %get3A_774 = tpu.vector_load %arg9[%get3A_772, %get3A_773] {strides = array<i32>} : memref<128x128xi32, #tpu.memory_space<vmem>>, vector<16xi32>,
          %bitcast3A_775 = vector.bitcast %get3A_774 : vector<16xi32> to vector<32xbf16>
          %mul3A_776 = arith.mulf %bitcast3A_775, %bitcast3A_21 : vector<32xbf16>
          %get3A_777 = arith.index_cast %add3A_771 : i32 to index
          %get3A_778 = arith.constant 16 : index
          %get3A_779 = tpu.vector_load %arg9[%get3A_777, %get3A_778] {strides = array<i32>} : memref<128x128xi32, #tpu.memory_space<vmem>>, vector<16xi32>,
          %bitcast3A_780 = vector.bitcast %get3A_779 : vector<16xi32> to vector<32xbf16>
          %mul3A_781 = arith.mulf %bitcast3A_780, %bitcast3A_24 : vector<32xbf16>
          %get3A_782 = arith.index_cast %add3A_771 : i32 to index
          %get3A_783 = arith.constant 32 : index
          %get3A_784 = tpu.vector_load %arg9[%get3A_782, %get3A_783] {strides = array<i32>} : memref<128x128xi32, #tpu.memory_space<vmem>>, vector<16xi32>,
          %bitcast3A_785 = vector.bitcast %get3A_784 : vector<16xi32> to vector<32xbf16>
          %mul3A_786 = arith.mulf %bitcast3A_785, %bitcast3A_27 : vector<32xbf16>
          %get3A_787 = arith.index_cast %add3A_771 : i32 to index
          %get3A_788 = arith.constant 48 : index
          %get3A_789 = tpu.vector_load %arg9[%get3A_787, %get3A_788] {strides = array<i32>} : memref<128x128xi32, #tpu.memory_space<vmem>>, vector<16xi32>,
          %bitcast3A_790 = vector.bitcast %get3A_789 : vector<16xi32> to vector<32xbf16>
          %mul3A_791 = arith.mulf %bitcast3A_790, %bitcast3A_30 : vector<32xbf16>
          %get3A_792 = arith.index_cast %add3A_771 : i32 to index
          %get3A_793 = arith.constant 64 : index
          %get3A_794 = tpu.vector_load %arg9[%get3A_792, %get3A_793] {strides = array<i32>} : memref<128x128xi32, #tpu.memory_space<vmem>>, vector<16xi32>,
          %bitcast3A_795 = vector.bitcast %get3A_794 : vector<16xi32> to vector<32xbf16>
          %mul3A_796 = arith.mulf %bitcast3A_795, %bitcast3A : vector<32xbf16>
          %get3A_797 = arith.index_cast %add3A_771 : i32 to index
          %get3A_798 = arith.constant 80 : index
          %get3A_799 = tpu.vector_load %arg9[%get3A_797, %get3A_798] {strides = array<i32>} : memref<128x128xi32, #tpu.memory_space<vmem>>, vector<16xi32>,
          %bitcast3A_800 = vector.bitcast %get3A_799 : vector<16xi32> to vector<32xbf16>
          %mul3A_801 = arith.mulf %bitcast3A_800, %bitcast3A_12 : vector<32xbf16>
          %get3A_802 = arith.index_cast %add3A_771 : i32 to index
          %get3A_803 = arith.constant 96 : index
          %get3A_804 = tpu.vector_load %arg9[%get3A_802, %get3A_803] {strides = array<i32>} : memref<128x128xi32, #tpu.memory_space<vmem>>, vector<16xi32>,
          %bitcast3A_805 = vector.bitcast %get3A_804 : vector<16xi32> to vector<32xbf16>
          %mul3A_806 = arith.mulf %bitcast3A_805, %bitcast3A_15 : vector<32xbf16>
          %get3A_807 = arith.index_cast %add3A_771 : i32 to index
          %get3A_808 = arith.constant 112 : index
          %get3A_809 = tpu.vector_load %arg9[%get3A_807, %get3A_808] {strides = array<i32>} : memref<128x128xi32, #tpu.memory_space<vmem>>, vector<16xi32>,
          %bitcast3A_810 = vector.bitcast %get3A_809 : vector<16xi32> to vector<32xbf16>
          %mul3A_811 = arith.mulf %bitcast3A_810, %bitcast3A_18 : vector<32xbf16>
          %add3A_812 = arith.addf %mul3A_776, %mul3A_781 : vector<32xbf16>
          %add3A_813 = arith.addf %mul3A_786, %mul3A_791 : vector<32xbf16>
          %add3A_814 = arith.addf %add3A_812, %add3A_813 : vector<32xbf16>
          %add3A_815 = arith.addf %mul3A_796, %mul3A_801 : vector<32xbf16>
          %add3A_816 = arith.addf %mul3A_806, %mul3A_811 : vector<32xbf16>
          %add3A_817 = arith.addf %add3A_815, %add3A_816 : vector<32xbf16>
          %unpack3A_818 = tpu.unpack_subelements %add3A_814, 0 {pack_format = #tpu.pack_format<interleaved>} : vector<32xbf16> -> vector<16xf32>
          %unpack3A_819 = tpu.unpack_subelements %add3A_814, 1 {pack_format = #tpu.pack_format<interleaved>} : vector<32xbf16> -> vector<16xf32>
          %unpack3A_820 = tpu.unpack_subelements %add3A_817, 0 {pack_format = #tpu.pack_format<interleaved>} : vector<32xbf16> -> vector<16xf32>
          %unpack3A_821 = tpu.unpack_subelements %add3A_817, 1 {pack_format = #tpu.pack_format<interleaved>} : vector<32xbf16> -> vector<16xf32>
          %eq3A_822 = arith.constant 9 : i32
          %eq3A_823 = vector.broadcast %eq3A_822 : i32 to vector<16xi32>
          %eq3A_824 = arith.cmpi eq, %iota3A, %eq3A_823 : vector<16xi32>
          %add3A_825 = arith.addf %unpack3A_818, %unpack3A_819 : vector<16xf32>
          %reduce_sum3A_826 = arith.constant true
          %reduce_sum3A_827 = vector.broadcast %reduce_sum3A_826 : i1 to vector<16xi1>
          %reduce_sum3A_828 = tpu.scan <sum>, %add3A_825 masked %reduce_sum3A_827 : vector<16xf32>, vector<16xi1> -> vector<16xf32>
          %reduce_sum3A_829 = vector.extract %reduce_sum3A_828[15] : f32 from vector<16xf32>
          %broadcast_in_dim3A_830 = vector.broadcast %reduce_sum3A_829 : f32 to vector<16xf32>
          %select_n3A_831 = arith.select %eq3A_824, %broadcast_in_dim3A_830, %select_n3A_759 : vector<16xi1>, vector<16xf32>
          %eq3A_832 = arith.constant 9 : i32
          %eq3A_833 = vector.broadcast %eq3A_832 : i32 to vector<16xi32>
          %eq3A_834 = arith.cmpi eq, %iota3A, %eq3A_833 : vector<16xi32>
          %add3A_835 = arith.addf %unpack3A_820, %unpack3A_821 : vector<16xf32>
          %reduce_sum3A_836 = arith.constant true
          %reduce_sum3A_837 = vector.broadcast %reduce_sum3A_836 : i1 to vector<16xi1>
          %reduce_sum3A_838 = tpu.scan <sum>, %add3A_835 masked %reduce_sum3A_837 : vector<16xf32>, vector<16xi1> -> vector<16xf32>
          %reduce_sum3A_839 = vector.extract %reduce_sum3A_838[15] : f32 from vector<16xf32>
          %broadcast_in_dim3A_840 = vector.broadcast %reduce_sum3A_839 : f32 to vector<16xf32>
          %select_n3A_841 = arith.select %eq3A_834, %broadcast_in_dim3A_840, %select_n3A_769 : vector<16xi1>, vector<16xf32>
          %add3A_842 = arith.constant 10 : i32
          %add3A_843 = arith.addi %mul3A_122, %add3A_842 : i32
          %get3A_844 = arith.index_cast %add3A_843 : i32 to index
          %get3A_845 = arith.constant 0 : index
          %get3A_846 = tpu.vector_load %arg9[%get3A_844, %get3A_845] {strides = array<i32>} : memref<128x128xi32, #tpu.memory_space<vmem>>, vector<16xi32>,
          %bitcast3A_847 = vector.bitcast %get3A_846 : vector<16xi32> to vector<32xbf16>
          %mul3A_848 = arith.mulf %bitcast3A_847, %bitcast3A_21 : vector<32xbf16>
          %get3A_849 = arith.index_cast %add3A_843 : i32 to index
          %get3A_850 = arith.constant 16 : index
          %get3A_851 = tpu.vector_load %arg9[%get3A_849, %get3A_850] {strides = array<i32>} : memref<128x128xi32, #tpu.memory_space<vmem>>, vector<16xi32>,
          %bitcast3A_852 = vector.bitcast %get3A_851 : vector<16xi32> to vector<32xbf16>
          %mul3A_853 = arith.mulf %bitcast3A_852, %bitcast3A_24 : vector<32xbf16>
          %get3A_854 = arith.index_cast %add3A_843 : i32 to index
          %get3A_855 = arith.constant 32 : index
          %get3A_856 = tpu.vector_load %arg9[%get3A_854, %get3A_855] {strides = array<i32>} : memref<128x128xi32, #tpu.memory_space<vmem>>, vector<16xi32>,
          %bitcast3A_857 = vector.bitcast %get3A_856 : vector<16xi32> to vector<32xbf16>
          %mul3A_858 = arith.mulf %bitcast3A_857, %bitcast3A_27 : vector<32xbf16>
          %get3A_859 = arith.index_cast %add3A_843 : i32 to index
          %get3A_860 = arith.constant 48 : index
          %get3A_861 = tpu.vector_load %arg9[%get3A_859, %get3A_860] {strides = array<i32>} : memref<128x128xi32, #tpu.memory_space<vmem>>, vector<16xi32>,
          %bitcast3A_862 = vector.bitcast %get3A_861 : vector<16xi32> to vector<32xbf16>
          %mul3A_863 = arith.mulf %bitcast3A_862, %bitcast3A_30 : vector<32xbf16>
          %get3A_864 = arith.index_cast %add3A_843 : i32 to index
          %get3A_865 = arith.constant 64 : index
          %get3A_866 = tpu.vector_load %arg9[%get3A_864, %get3A_865] {strides = array<i32>} : memref<128x128xi32, #tpu.memory_space<vmem>>, vector<16xi32>,
          %bitcast3A_867 = vector.bitcast %get3A_866 : vector<16xi32> to vector<32xbf16>
          %mul3A_868 = arith.mulf %bitcast3A_867, %bitcast3A : vector<32xbf16>
          %get3A_869 = arith.index_cast %add3A_843 : i32 to index
          %get3A_870 = arith.constant 80 : index
          %get3A_871 = tpu.vector_load %arg9[%get3A_869, %get3A_870] {strides = array<i32>} : memref<128x128xi32, #tpu.memory_space<vmem>>, vector<16xi32>,
          %bitcast3A_872 = vector.bitcast %get3A_871 : vector<16xi32> to vector<32xbf16>
          %mul3A_873 = arith.mulf %bitcast3A_872, %bitcast3A_12 : vector<32xbf16>
          %get3A_874 = arith.index_cast %add3A_843 : i32 to index
          %get3A_875 = arith.constant 96 : index
          %get3A_876 = tpu.vector_load %arg9[%get3A_874, %get3A_875] {strides = array<i32>} : memref<128x128xi32, #tpu.memory_space<vmem>>, vector<16xi32>,
          %bitcast3A_877 = vector.bitcast %get3A_876 : vector<16xi32> to vector<32xbf16>
          %mul3A_878 = arith.mulf %bitcast3A_877, %bitcast3A_15 : vector<32xbf16>
          %get3A_879 = arith.index_cast %add3A_843 : i32 to index
          %get3A_880 = arith.constant 112 : index
          %get3A_881 = tpu.vector_load %arg9[%get3A_879, %get3A_880] {strides = array<i32>} : memref<128x128xi32, #tpu.memory_space<vmem>>, vector<16xi32>,
          %bitcast3A_882 = vector.bitcast %get3A_881 : vector<16xi32> to vector<32xbf16>
          %mul3A_883 = arith.mulf %bitcast3A_882, %bitcast3A_18 : vector<32xbf16>
          %add3A_884 = arith.addf %mul3A_848, %mul3A_853 : vector<32xbf16>
          %add3A_885 = arith.addf %mul3A_858, %mul3A_863 : vector<32xbf16>
          %add3A_886 = arith.addf %add3A_884, %add3A_885 : vector<32xbf16>
          %add3A_887 = arith.addf %mul3A_868, %mul3A_873 : vector<32xbf16>
          %add3A_888 = arith.addf %mul3A_878, %mul3A_883 : vector<32xbf16>
          %add3A_889 = arith.addf %add3A_887, %add3A_888 : vector<32xbf16>
          %unpack3A_890 = tpu.unpack_subelements %add3A_886, 0 {pack_format = #tpu.pack_format<interleaved>} : vector<32xbf16> -> vector<16xf32>
          %unpack3A_891 = tpu.unpack_subelements %add3A_886, 1 {pack_format = #tpu.pack_format<interleaved>} : vector<32xbf16> -> vector<16xf32>
          %unpack3A_892 = tpu.unpack_subelements %add3A_889, 0 {pack_format = #tpu.pack_format<interleaved>} : vector<32xbf16> -> vector<16xf32>
          %unpack3A_893 = tpu.unpack_subelements %add3A_889, 1 {pack_format = #tpu.pack_format<interleaved>} : vector<32xbf16> -> vector<16xf32>
          %eq3A_894 = arith.constant 10 : i32
          %eq3A_895 = vector.broadcast %eq3A_894 : i32 to vector<16xi32>
          %eq3A_896 = arith.cmpi eq, %iota3A, %eq3A_895 : vector<16xi32>
          %add3A_897 = arith.addf %unpack3A_890, %unpack3A_891 : vector<16xf32>
          %reduce_sum3A_898 = arith.constant true
          %reduce_sum3A_899 = vector.broadcast %reduce_sum3A_898 : i1 to vector<16xi1>
          %reduce_sum3A_900 = tpu.scan <sum>, %add3A_897 masked %reduce_sum3A_899 : vector<16xf32>, vector<16xi1> -> vector<16xf32>
          %reduce_sum3A_901 = vector.extract %reduce_sum3A_900[15] : f32 from vector<16xf32>
          %broadcast_in_dim3A_902 = vector.broadcast %reduce_sum3A_901 : f32 to vector<16xf32>
          %select_n3A_903 = arith.select %eq3A_896, %broadcast_in_dim3A_902, %select_n3A_831 : vector<16xi1>, vector<16xf32>
          %eq3A_904 = arith.constant 10 : i32
          %eq3A_905 = vector.broadcast %eq3A_904 : i32 to vector<16xi32>
          %eq3A_906 = arith.cmpi eq, %iota3A, %eq3A_905 : vector<16xi32>
          %add3A_907 = arith.addf %unpack3A_892, %unpack3A_893 : vector<16xf32>
          %reduce_sum3A_908 = arith.constant true
          %reduce_sum3A_909 = vector.broadcast %reduce_sum3A_908 : i1 to vector<16xi1>
          %reduce_sum3A_910 = tpu.scan <sum>, %add3A_907 masked %reduce_sum3A_909 : vector<16xf32>, vector<16xi1> -> vector<16xf32>
          %reduce_sum3A_911 = vector.extract %reduce_sum3A_910[15] : f32 from vector<16xf32>
          %broadcast_in_dim3A_912 = vector.broadcast %reduce_sum3A_911 : f32 to vector<16xf32>
          %select_n3A_913 = arith.select %eq3A_906, %broadcast_in_dim3A_912, %select_n3A_841 : vector<16xi1>, vector<16xf32>
          %add3A_914 = arith.constant 11 : i32
          %add3A_915 = arith.addi %mul3A_122, %add3A_914 : i32
          %get3A_916 = arith.index_cast %add3A_915 : i32 to index
          %get3A_917 = arith.constant 0 : index
          %get3A_918 = tpu.vector_load %arg9[%get3A_916, %get3A_917] {strides = array<i32>} : memref<128x128xi32, #tpu.memory_space<vmem>>, vector<16xi32>,
          %bitcast3A_919 = vector.bitcast %get3A_918 : vector<16xi32> to vector<32xbf16>
          %mul3A_920 = arith.mulf %bitcast3A_919, %bitcast3A_21 : vector<32xbf16>
          %get3A_921 = arith.index_cast %add3A_915 : i32 to index
          %get3A_922 = arith.constant 16 : index
          %get3A_923 = tpu.vector_load %arg9[%get3A_921, %get3A_922] {strides = array<i32>} : memref<128x128xi32, #tpu.memory_space<vmem>>, vector<16xi32>,
          %bitcast3A_924 = vector.bitcast %get3A_923 : vector<16xi32> to vector<32xbf16>
          %mul3A_925 = arith.mulf %bitcast3A_924, %bitcast3A_24 : vector<32xbf16>
          %get3A_926 = arith.index_cast %add3A_915 : i32 to index
          %get3A_927 = arith.constant 32 : index
          %get3A_928 = tpu.vector_load %arg9[%get3A_926, %get3A_927] {strides = array<i32>} : memref<128x128xi32, #tpu.memory_space<vmem>>, vector<16xi32>,
          %bitcast3A_929 = vector.bitcast %get3A_928 : vector<16xi32> to vector<32xbf16>
          %mul3A_930 = arith.mulf %bitcast3A_929, %bitcast3A_27 : vector<32xbf16>
          %get3A_931 = arith.index_cast %add3A_915 : i32 to index
          %get3A_932 = arith.constant 48 : index
          %get3A_933 = tpu.vector_load %arg9[%get3A_931, %get3A_932] {strides = array<i32>} : memref<128x128xi32, #tpu.memory_space<vmem>>, vector<16xi32>,
          %bitcast3A_934 = vector.bitcast %get3A_933 : vector<16xi32> to vector<32xbf16>
          %mul3A_935 = arith.mulf %bitcast3A_934, %bitcast3A_30 : vector<32xbf16>
          %get3A_936 = arith.index_cast %add3A_915 : i32 to index
          %get3A_937 = arith.constant 64 : index
          %get3A_938 = tpu.vector_load %arg9[%get3A_936, %get3A_937] {strides = array<i32>} : memref<128x128xi32, #tpu.memory_space<vmem>>, vector<16xi32>,
          %bitcast3A_939 = vector.bitcast %get3A_938 : vector<16xi32> to vector<32xbf16>
          %mul3A_940 = arith.mulf %bitcast3A_939, %bitcast3A : vector<32xbf16>
          %get3A_941 = arith.index_cast %add3A_915 : i32 to index
          %get3A_942 = arith.constant 80 : index
          %get3A_943 = tpu.vector_load %arg9[%get3A_941, %get3A_942] {strides = array<i32>} : memref<128x128xi32, #tpu.memory_space<vmem>>, vector<16xi32>,
          %bitcast3A_944 = vector.bitcast %get3A_943 : vector<16xi32> to vector<32xbf16>
          %mul3A_945 = arith.mulf %bitcast3A_944, %bitcast3A_12 : vector<32xbf16>
          %get3A_946 = arith.index_cast %add3A_915 : i32 to index
          %get3A_947 = arith.constant 96 : index
          %get3A_948 = tpu.vector_load %arg9[%get3A_946, %get3A_947] {strides = array<i32>} : memref<128x128xi32, #tpu.memory_space<vmem>>, vector<16xi32>,
          %bitcast3A_949 = vector.bitcast %get3A_948 : vector<16xi32> to vector<32xbf16>
          %mul3A_950 = arith.mulf %bitcast3A_949, %bitcast3A_15 : vector<32xbf16>
          %get3A_951 = arith.index_cast %add3A_915 : i32 to index
          %get3A_952 = arith.constant 112 : index
          %get3A_953 = tpu.vector_load %arg9[%get3A_951, %get3A_952] {strides = array<i32>} : memref<128x128xi32, #tpu.memory_space<vmem>>, vector<16xi32>,
          %bitcast3A_954 = vector.bitcast %get3A_953 : vector<16xi32> to vector<32xbf16>
          %mul3A_955 = arith.mulf %bitcast3A_954, %bitcast3A_18 : vector<32xbf16>
          %add3A_956 = arith.addf %mul3A_920, %mul3A_925 : vector<32xbf16>
          %add3A_957 = arith.addf %mul3A_930, %mul3A_935 : vector<32xbf16>
          %add3A_958 = arith.addf %add3A_956, %add3A_957 : vector<32xbf16>
          %add3A_959 = arith.addf %mul3A_940, %mul3A_945 : vector<32xbf16>
          %add3A_960 = arith.addf %mul3A_950, %mul3A_955 : vector<32xbf16>
          %add3A_961 = arith.addf %add3A_959, %add3A_960 : vector<32xbf16>
          %unpack3A_962 = tpu.unpack_subelements %add3A_958, 0 {pack_format = #tpu.pack_format<interleaved>} : vector<32xbf16> -> vector<16xf32>
          %unpack3A_963 = tpu.unpack_subelements %add3A_958, 1 {pack_format = #tpu.pack_format<interleaved>} : vector<32xbf16> -> vector<16xf32>
          %unpack3A_964 = tpu.unpack_subelements %add3A_961, 0 {pack_format = #tpu.pack_format<interleaved>} : vector<32xbf16> -> vector<16xf32>
          %unpack3A_965 = tpu.unpack_subelements %add3A_961, 1 {pack_format = #tpu.pack_format<interleaved>} : vector<32xbf16> -> vector<16xf32>
          %eq3A_966 = arith.constant 11 : i32
          %eq3A_967 = vector.broadcast %eq3A_966 : i32 to vector<16xi32>
          %eq3A_968 = arith.cmpi eq, %iota3A, %eq3A_967 : vector<16xi32>
          %add3A_969 = arith.addf %unpack3A_962, %unpack3A_963 : vector<16xf32>
          %reduce_sum3A_970 = arith.constant true
          %reduce_sum3A_971 = vector.broadcast %reduce_sum3A_970 : i1 to vector<16xi1>
          %reduce_sum3A_972 = tpu.scan <sum>, %add3A_969 masked %reduce_sum3A_971 : vector<16xf32>, vector<16xi1> -> vector<16xf32>
          %reduce_sum3A_973 = vector.extract %reduce_sum3A_972[15] : f32 from vector<16xf32>
          %broadcast_in_dim3A_974 = vector.broadcast %reduce_sum3A_973 : f32 to vector<16xf32>
          %select_n3A_975 = arith.select %eq3A_968, %broadcast_in_dim3A_974, %select_n3A_903 : vector<16xi1>, vector<16xf32>
          %eq3A_976 = arith.constant 11 : i32
          %eq3A_977 = vector.broadcast %eq3A_976 : i32 to vector<16xi32>
          %eq3A_978 = arith.cmpi eq, %iota3A, %eq3A_977 : vector<16xi32>
          %add3A_979 = arith.addf %unpack3A_964, %unpack3A_965 : vector<16xf32>
          %reduce_sum3A_980 = arith.constant true
          %reduce_sum3A_981 = vector.broadcast %reduce_sum3A_980 : i1 to vector<16xi1>
          %reduce_sum3A_982 = tpu.scan <sum>, %add3A_979 masked %reduce_sum3A_981 : vector<16xf32>, vector<16xi1> -> vector<16xf32>
          %reduce_sum3A_983 = vector.extract %reduce_sum3A_982[15] : f32 from vector<16xf32>
          %broadcast_in_dim3A_984 = vector.broadcast %reduce_sum3A_983 : f32 to vector<16xf32>
          %select_n3A_985 = arith.select %eq3A_978, %broadcast_in_dim3A_984, %select_n3A_913 : vector<16xi1>, vector<16xf32>
          %add3A_986 = arith.constant 12 : i32
          %add3A_987 = arith.addi %mul3A_122, %add3A_986 : i32
          %get3A_988 = arith.index_cast %add3A_987 : i32 to index
          %get3A_989 = arith.constant 0 : index
          %get3A_990 = tpu.vector_load %arg9[%get3A_988, %get3A_989] {strides = array<i32>} : memref<128x128xi32, #tpu.memory_space<vmem>>, vector<16xi32>,
          %bitcast3A_991 = vector.bitcast %get3A_990 : vector<16xi32> to vector<32xbf16>
          %mul3A_992 = arith.mulf %bitcast3A_991, %bitcast3A_21 : vector<32xbf16>
          %get3A_993 = arith.index_cast %add3A_987 : i32 to index
          %get3A_994 = arith.constant 16 : index
          %get3A_995 = tpu.vector_load %arg9[%get3A_993, %get3A_994] {strides = array<i32>} : memref<128x128xi32, #tpu.memory_space<vmem>>, vector<16xi32>,
          %bitcast3A_996 = vector.bitcast %get3A_995 : vector<16xi32> to vector<32xbf16>
          %mul3A_997 = arith.mulf %bitcast3A_996, %bitcast3A_24 : vector<32xbf16>
          %get3A_998 = arith.index_cast %add3A_987 : i32 to index
          %get3A_999 = arith.constant 32 : index
          %get3A_1000 = tpu.vector_load %arg9[%get3A_998, %get3A_999] {strides = array<i32>} : memref<128x128xi32, #tpu.memory_space<vmem>>, vector<16xi32>,
          %bitcast3A_1001 = vector.bitcast %get3A_1000 : vector<16xi32> to vector<32xbf16>
          %mul3A_1002 = arith.mulf %bitcast3A_1001, %bitcast3A_27 : vector<32xbf16>
          %get3A_1003 = arith.index_cast %add3A_987 : i32 to index
          %get3A_1004 = arith.constant 48 : index
          %get3A_1005 = tpu.vector_load %arg9[%get3A_1003, %get3A_1004] {strides = array<i32>} : memref<128x128xi32, #tpu.memory_space<vmem>>, vector<16xi32>,
          %bitcast3A_1006 = vector.bitcast %get3A_1005 : vector<16xi32> to vector<32xbf16>
          %mul3A_1007 = arith.mulf %bitcast3A_1006, %bitcast3A_30 : vector<32xbf16>
          %get3A_1008 = arith.index_cast %add3A_987 : i32 to index
          %get3A_1009 = arith.constant 64 : index
          %get3A_1010 = tpu.vector_load %arg9[%get3A_1008, %get3A_1009] {strides = array<i32>} : memref<128x128xi32, #tpu.memory_space<vmem>>, vector<16xi32>,
          %bitcast3A_1011 = vector.bitcast %get3A_1010 : vector<16xi32> to vector<32xbf16>
          %mul3A_1012 = arith.mulf %bitcast3A_1011, %bitcast3A : vector<32xbf16>
          %get3A_1013 = arith.index_cast %add3A_987 : i32 to index
          %get3A_1014 = arith.constant 80 : index
          %get3A_1015 = tpu.vector_load %arg9[%get3A_1013, %get3A_1014] {strides = array<i32>} : memref<128x128xi32, #tpu.memory_space<vmem>>, vector<16xi32>,
          %bitcast3A_1016 = vector.bitcast %get3A_1015 : vector<16xi32> to vector<32xbf16>
          %mul3A_1017 = arith.mulf %bitcast3A_1016, %bitcast3A_12 : vector<32xbf16>
          %get3A_1018 = arith.index_cast %add3A_987 : i32 to index
          %get3A_1019 = arith.constant 96 : index
          %get3A_1020 = tpu.vector_load %arg9[%get3A_1018, %get3A_1019] {strides = array<i32>} : memref<128x128xi32, #tpu.memory_space<vmem>>, vector<16xi32>,
          %bitcast3A_1021 = vector.bitcast %get3A_1020 : vector<16xi32> to vector<32xbf16>
          %mul3A_1022 = arith.mulf %bitcast3A_1021, %bitcast3A_15 : vector<32xbf16>
          %get3A_1023 = arith.index_cast %add3A_987 : i32 to index
          %get3A_1024 = arith.constant 112 : index
          %get3A_1025 = tpu.vector_load %arg9[%get3A_1023, %get3A_1024] {strides = array<i32>} : memref<128x128xi32, #tpu.memory_space<vmem>>, vector<16xi32>,
          %bitcast3A_1026 = vector.bitcast %get3A_1025 : vector<16xi32> to vector<32xbf16>
          %mul3A_1027 = arith.mulf %bitcast3A_1026, %bitcast3A_18 : vector<32xbf16>
          %add3A_1028 = arith.addf %mul3A_992, %mul3A_997 : vector<32xbf16>
          %add3A_1029 = arith.addf %mul3A_1002, %mul3A_1007 : vector<32xbf16>
          %add3A_1030 = arith.addf %add3A_1028, %add3A_1029 : vector<32xbf16>
          %add3A_1031 = arith.addf %mul3A_1012, %mul3A_1017 : vector<32xbf16>
          %add3A_1032 = arith.addf %mul3A_1022, %mul3A_1027 : vector<32xbf16>
          %add3A_1033 = arith.addf %add3A_1031, %add3A_1032 : vector<32xbf16>
          %unpack3A_1034 = tpu.unpack_subelements %add3A_1030, 0 {pack_format = #tpu.pack_format<interleaved>} : vector<32xbf16> -> vector<16xf32>
          %unpack3A_1035 = tpu.unpack_subelements %add3A_1030, 1 {pack_format = #tpu.pack_format<interleaved>} : vector<32xbf16> -> vector<16xf32>
          %unpack3A_1036 = tpu.unpack_subelements %add3A_1033, 0 {pack_format = #tpu.pack_format<interleaved>} : vector<32xbf16> -> vector<16xf32>
          %unpack3A_1037 = tpu.unpack_subelements %add3A_1033, 1 {pack_format = #tpu.pack_format<interleaved>} : vector<32xbf16> -> vector<16xf32>
          %eq3A_1038 = arith.constant 12 : i32
          %eq3A_1039 = vector.broadcast %eq3A_1038 : i32 to vector<16xi32>
          %eq3A_1040 = arith.cmpi eq, %iota3A, %eq3A_1039 : vector<16xi32>
          %add3A_1041 = arith.addf %unpack3A_1034, %unpack3A_1035 : vector<16xf32>
          %reduce_sum3A_1042 = arith.constant true
          %reduce_sum3A_1043 = vector.broadcast %reduce_sum3A_1042 : i1 to vector<16xi1>
          %reduce_sum3A_1044 = tpu.scan <sum>, %add3A_1041 masked %reduce_sum3A_1043 : vector<16xf32>, vector<16xi1> -> vector<16xf32>
          %reduce_sum3A_1045 = vector.extract %reduce_sum3A_1044[15] : f32 from vector<16xf32>
          %broadcast_in_dim3A_1046 = vector.broadcast %reduce_sum3A_1045 : f32 to vector<16xf32>
          %select_n3A_1047 = arith.select %eq3A_1040, %broadcast_in_dim3A_1046, %select_n3A_975 : vector<16xi1>, vector<16xf32>
          %eq3A_1048 = arith.constant 12 : i32
          %eq3A_1049 = vector.broadcast %eq3A_1048 : i32 to vector<16xi32>
          %eq3A_1050 = arith.cmpi eq, %iota3A, %eq3A_1049 : vector<16xi32>
          %add3A_1051 = arith.addf %unpack3A_1036, %unpack3A_1037 : vector<16xf32>
          %reduce_sum3A_1052 = arith.constant true
          %reduce_sum3A_1053 = vector.broadcast %reduce_sum3A_1052 : i1 to vector<16xi1>
          %reduce_sum3A_1054 = tpu.scan <sum>, %add3A_1051 masked %reduce_sum3A_1053 : vector<16xf32>, vector<16xi1> -> vector<16xf32>
          %reduce_sum3A_1055 = vector.extract %reduce_sum3A_1054[15] : f32 from vector<16xf32>
          %broadcast_in_dim3A_1056 = vector.broadcast %reduce_sum3A_1055 : f32 to vector<16xf32>
          %select_n3A_1057 = arith.select %eq3A_1050, %broadcast_in_dim3A_1056, %select_n3A_985 : vector<16xi1>, vector<16xf32>
          %add3A_1058 = arith.constant 13 : i32
          %add3A_1059 = arith.addi %mul3A_122, %add3A_1058 : i32
          %get3A_1060 = arith.index_cast %add3A_1059 : i32 to index
          %get3A_1061 = arith.constant 0 : index
          %get3A_1062 = tpu.vector_load %arg9[%get3A_1060, %get3A_1061] {strides = array<i32>} : memref<128x128xi32, #tpu.memory_space<vmem>>, vector<16xi32>,
          %bitcast3A_1063 = vector.bitcast %get3A_1062 : vector<16xi32> to vector<32xbf16>
          %mul3A_1064 = arith.mulf %bitcast3A_1063, %bitcast3A_21 : vector<32xbf16>
          %get3A_1065 = arith.index_cast %add3A_1059 : i32 to index
          %get3A_1066 = arith.constant 16 : index
          %get3A_1067 = tpu.vector_load %arg9[%get3A_1065, %get3A_1066] {strides = array<i32>} : memref<128x128xi32, #tpu.memory_space<vmem>>, vector<16xi32>,
          %bitcast3A_1068 = vector.bitcast %get3A_1067 : vector<16xi32> to vector<32xbf16>
          %mul3A_1069 = arith.mulf %bitcast3A_1068, %bitcast3A_24 : vector<32xbf16>
          %get3A_1070 = arith.index_cast %add3A_1059 : i32 to index
          %get3A_1071 = arith.constant 32 : index
          %get3A_1072 = tpu.vector_load %arg9[%get3A_1070, %get3A_1071] {strides = array<i32>} : memref<128x128xi32, #tpu.memory_space<vmem>>, vector<16xi32>,
          %bitcast3A_1073 = vector.bitcast %get3A_1072 : vector<16xi32> to vector<32xbf16>
          %mul3A_1074 = arith.mulf %bitcast3A_1073, %bitcast3A_27 : vector<32xbf16>
          %get3A_1075 = arith.index_cast %add3A_1059 : i32 to index
          %get3A_1076 = arith.constant 48 : index
          %get3A_1077 = tpu.vector_load %arg9[%get3A_1075, %get3A_1076] {strides = array<i32>} : memref<128x128xi32, #tpu.memory_space<vmem>>, vector<16xi32>,
          %bitcast3A_1078 = vector.bitcast %get3A_1077 : vector<16xi32> to vector<32xbf16>
          %mul3A_1079 = arith.mulf %bitcast3A_1078, %bitcast3A_30 : vector<32xbf16>
          %get3A_1080 = arith.index_cast %add3A_1059 : i32 to index
          %get3A_1081 = arith.constant 64 : index
          %get3A_1082 = tpu.vector_load %arg9[%get3A_1080, %get3A_1081] {strides = array<i32>} : memref<128x128xi32, #tpu.memory_space<vmem>>, vector<16xi32>,
          %bitcast3A_1083 = vector.bitcast %get3A_1082 : vector<16xi32> to vector<32xbf16>
          %mul3A_1084 = arith.mulf %bitcast3A_1083, %bitcast3A : vector<32xbf16>
          %get3A_1085 = arith.index_cast %add3A_1059 : i32 to index
          %get3A_1086 = arith.constant 80 : index
          %get3A_1087 = tpu.vector_load %arg9[%get3A_1085, %get3A_1086] {strides = array<i32>} : memref<128x128xi32, #tpu.memory_space<vmem>>, vector<16xi32>,
          %bitcast3A_1088 = vector.bitcast %get3A_1087 : vector<16xi32> to vector<32xbf16>
          %mul3A_1089 = arith.mulf %bitcast3A_1088, %bitcast3A_12 : vector<32xbf16>
          %get3A_1090 = arith.index_cast %add3A_1059 : i32 to index
          %get3A_1091 = arith.constant 96 : index
          %get3A_1092 = tpu.vector_load %arg9[%get3A_1090, %get3A_1091] {strides = array<i32>} : memref<128x128xi32, #tpu.memory_space<vmem>>, vector<16xi32>,
          %bitcast3A_1093 = vector.bitcast %get3A_1092 : vector<16xi32> to vector<32xbf16>
          %mul3A_1094 = arith.mulf %bitcast3A_1093, %bitcast3A_15 : vector<32xbf16>
          %get3A_1095 = arith.index_cast %add3A_1059 : i32 to index
          %get3A_1096 = arith.constant 112 : index
          %get3A_1097 = tpu.vector_load %arg9[%get3A_1095, %get3A_1096] {strides = array<i32>} : memref<128x128xi32, #tpu.memory_space<vmem>>, vector<16xi32>,
          %bitcast3A_1098 = vector.bitcast %get3A_1097 : vector<16xi32> to vector<32xbf16>
          %mul3A_1099 = arith.mulf %bitcast3A_1098, %bitcast3A_18 : vector<32xbf16>
          %add3A_1100 = arith.addf %mul3A_1064, %mul3A_1069 : vector<32xbf16>
          %add3A_1101 = arith.addf %mul3A_1074, %mul3A_1079 : vector<32xbf16>
          %add3A_1102 = arith.addf %add3A_1100, %add3A_1101 : vector<32xbf16>
          %add3A_1103 = arith.addf %mul3A_1084, %mul3A_1089 : vector<32xbf16>
          %add3A_1104 = arith.addf %mul3A_1094, %mul3A_1099 : vector<32xbf16>
          %add3A_1105 = arith.addf %add3A_1103, %add3A_1104 : vector<32xbf16>
          %unpack3A_1106 = tpu.unpack_subelements %add3A_1102, 0 {pack_format = #tpu.pack_format<interleaved>} : vector<32xbf16> -> vector<16xf32>
          %unpack3A_1107 = tpu.unpack_subelements %add3A_1102, 1 {pack_format = #tpu.pack_format<interleaved>} : vector<32xbf16> -> vector<16xf32>
          %unpack3A_1108 = tpu.unpack_subelements %add3A_1105, 0 {pack_format = #tpu.pack_format<interleaved>} : vector<32xbf16> -> vector<16xf32>
          %unpack3A_1109 = tpu.unpack_subelements %add3A_1105, 1 {pack_format = #tpu.pack_format<interleaved>} : vector<32xbf16> -> vector<16xf32>
          %eq3A_1110 = arith.constant 13 : i32
          %eq3A_1111 = vector.broadcast %eq3A_1110 : i32 to vector<16xi32>
          %eq3A_1112 = arith.cmpi eq, %iota3A, %eq3A_1111 : vector<16xi32>
          %add3A_1113 = arith.addf %unpack3A_1106, %unpack3A_1107 : vector<16xf32>
          %reduce_sum3A_1114 = arith.constant true
          %reduce_sum3A_1115 = vector.broadcast %reduce_sum3A_1114 : i1 to vector<16xi1>
          %reduce_sum3A_1116 = tpu.scan <sum>, %add3A_1113 masked %reduce_sum3A_1115 : vector<16xf32>, vector<16xi1> -> vector<16xf32>
          %reduce_sum3A_1117 = vector.extract %reduce_sum3A_1116[15] : f32 from vector<16xf32>
          %broadcast_in_dim3A_1118 = vector.broadcast %reduce_sum3A_1117 : f32 to vector<16xf32>
          %select_n3A_1119 = arith.select %eq3A_1112, %broadcast_in_dim3A_1118, %select_n3A_1047 : vector<16xi1>, vector<16xf32>
          %eq3A_1120 = arith.constant 13 : i32
          %eq3A_1121 = vector.broadcast %eq3A_1120 : i32 to vector<16xi32>
          %eq3A_1122 = arith.cmpi eq, %iota3A, %eq3A_1121 : vector<16xi32>
          %add3A_1123 = arith.addf %unpack3A_1108, %unpack3A_1109 : vector<16xf32>
          %reduce_sum3A_1124 = arith.constant true
          %reduce_sum3A_1125 = vector.broadcast %reduce_sum3A_1124 : i1 to vector<16xi1>
          %reduce_sum3A_1126 = tpu.scan <sum>, %add3A_1123 masked %reduce_sum3A_1125 : vector<16xf32>, vector<16xi1> -> vector<16xf32>
          %reduce_sum3A_1127 = vector.extract %reduce_sum3A_1126[15] : f32 from vector<16xf32>
          %broadcast_in_dim3A_1128 = vector.broadcast %reduce_sum3A_1127 : f32 to vector<16xf32>
          %select_n3A_1129 = arith.select %eq3A_1122, %broadcast_in_dim3A_1128, %select_n3A_1057 : vector<16xi1>, vector<16xf32>
          %add3A_1130 = arith.constant 14 : i32
          %add3A_1131 = arith.addi %mul3A_122, %add3A_1130 : i32
          %get3A_1132 = arith.index_cast %add3A_1131 : i32 to index
          %get3A_1133 = arith.constant 0 : index
          %get3A_1134 = tpu.vector_load %arg9[%get3A_1132, %get3A_1133] {strides = array<i32>} : memref<128x128xi32, #tpu.memory_space<vmem>>, vector<16xi32>,
          %bitcast3A_1135 = vector.bitcast %get3A_1134 : vector<16xi32> to vector<32xbf16>
          %mul3A_1136 = arith.mulf %bitcast3A_1135, %bitcast3A_21 : vector<32xbf16>
          %get3A_1137 = arith.index_cast %add3A_1131 : i32 to index
          %get3A_1138 = arith.constant 16 : index
          %get3A_1139 = tpu.vector_load %arg9[%get3A_1137, %get3A_1138] {strides = array<i32>} : memref<128x128xi32, #tpu.memory_space<vmem>>, vector<16xi32>,
          %bitcast3A_1140 = vector.bitcast %get3A_1139 : vector<16xi32> to vector<32xbf16>
          %mul3A_1141 = arith.mulf %bitcast3A_1140, %bitcast3A_24 : vector<32xbf16>
          %get3A_1142 = arith.index_cast %add3A_1131 : i32 to index
          %get3A_1143 = arith.constant 32 : index
          %get3A_1144 = tpu.vector_load %arg9[%get3A_1142, %get3A_1143] {strides = array<i32>} : memref<128x128xi32, #tpu.memory_space<vmem>>, vector<16xi32>,
          %bitcast3A_1145 = vector.bitcast %get3A_1144 : vector<16xi32> to vector<32xbf16>
          %mul3A_1146 = arith.mulf %bitcast3A_1145, %bitcast3A_27 : vector<32xbf16>
          %get3A_1147 = arith.index_cast %add3A_1131 : i32 to index
          %get3A_1148 = arith.constant 48 : index
          %get3A_1149 = tpu.vector_load %arg9[%get3A_1147, %get3A_1148] {strides = array<i32>} : memref<128x128xi32, #tpu.memory_space<vmem>>, vector<16xi32>,
          %bitcast3A_1150 = vector.bitcast %get3A_1149 : vector<16xi32> to vector<32xbf16>
          %mul3A_1151 = arith.mulf %bitcast3A_1150, %bitcast3A_30 : vector<32xbf16>
          %get3A_1152 = arith.index_cast %add3A_1131 : i32 to index
          %get3A_1153 = arith.constant 64 : index
          %get3A_1154 = tpu.vector_load %arg9[%get3A_1152, %get3A_1153] {strides = array<i32>} : memref<128x128xi32, #tpu.memory_space<vmem>>, vector<16xi32>,
          %bitcast3A_1155 = vector.bitcast %get3A_1154 : vector<16xi32> to vector<32xbf16>
          %mul3A_1156 = arith.mulf %bitcast3A_1155, %bitcast3A : vector<32xbf16>
          %get3A_1157 = arith.index_cast %add3A_1131 : i32 to index
          %get3A_1158 = arith.constant 80 : index
          %get3A_1159 = tpu.vector_load %arg9[%get3A_1157, %get3A_1158] {strides = array<i32>} : memref<128x128xi32, #tpu.memory_space<vmem>>, vector<16xi32>,
          %bitcast3A_1160 = vector.bitcast %get3A_1159 : vector<16xi32> to vector<32xbf16>
          %mul3A_1161 = arith.mulf %bitcast3A_1160, %bitcast3A_12 : vector<32xbf16>
          %get3A_1162 = arith.index_cast %add3A_1131 : i32 to index
          %get3A_1163 = arith.constant 96 : index
          %get3A_1164 = tpu.vector_load %arg9[%get3A_1162, %get3A_1163] {strides = array<i32>} : memref<128x128xi32, #tpu.memory_space<vmem>>, vector<16xi32>,
          %bitcast3A_1165 = vector.bitcast %get3A_1164 : vector<16xi32> to vector<32xbf16>
          %mul3A_1166 = arith.mulf %bitcast3A_1165, %bitcast3A_15 : vector<32xbf16>
          %get3A_1167 = arith.index_cast %add3A_1131 : i32 to index
          %get3A_1168 = arith.constant 112 : index
          %get3A_1169 = tpu.vector_load %arg9[%get3A_1167, %get3A_1168] {strides = array<i32>} : memref<128x128xi32, #tpu.memory_space<vmem>>, vector<16xi32>,
          %bitcast3A_1170 = vector.bitcast %get3A_1169 : vector<16xi32> to vector<32xbf16>
          %mul3A_1171 = arith.mulf %bitcast3A_1170, %bitcast3A_18 : vector<32xbf16>
          %add3A_1172 = arith.addf %mul3A_1136, %mul3A_1141 : vector<32xbf16>
          %add3A_1173 = arith.addf %mul3A_1146, %mul3A_1151 : vector<32xbf16>
          %add3A_1174 = arith.addf %add3A_1172, %add3A_1173 : vector<32xbf16>
          %add3A_1175 = arith.addf %mul3A_1156, %mul3A_1161 : vector<32xbf16>
          %add3A_1176 = arith.addf %mul3A_1166, %mul3A_1171 : vector<32xbf16>
          %add3A_1177 = arith.addf %add3A_1175, %add3A_1176 : vector<32xbf16>
          %unpack3A_1178 = tpu.unpack_subelements %add3A_1174, 0 {pack_format = #tpu.pack_format<interleaved>} : vector<32xbf16> -> vector<16xf32>
          %unpack3A_1179 = tpu.unpack_subelements %add3A_1174, 1 {pack_format = #tpu.pack_format<interleaved>} : vector<32xbf16> -> vector<16xf32>
          %unpack3A_1180 = tpu.unpack_subelements %add3A_1177, 0 {pack_format = #tpu.pack_format<interleaved>} : vector<32xbf16> -> vector<16xf32>
          %unpack3A_1181 = tpu.unpack_subelements %add3A_1177, 1 {pack_format = #tpu.pack_format<interleaved>} : vector<32xbf16> -> vector<16xf32>
          %eq3A_1182 = arith.constant 14 : i32
          %eq3A_1183 = vector.broadcast %eq3A_1182 : i32 to vector<16xi32>
          %eq3A_1184 = arith.cmpi eq, %iota3A, %eq3A_1183 : vector<16xi32>
          %add3A_1185 = arith.addf %unpack3A_1178, %unpack3A_1179 : vector<16xf32>
          %reduce_sum3A_1186 = arith.constant true
          %reduce_sum3A_1187 = vector.broadcast %reduce_sum3A_1186 : i1 to vector<16xi1>
          %reduce_sum3A_1188 = tpu.scan <sum>, %add3A_1185 masked %reduce_sum3A_1187 : vector<16xf32>, vector<16xi1> -> vector<16xf32>
          %reduce_sum3A_1189 = vector.extract %reduce_sum3A_1188[15] : f32 from vector<16xf32>
          %broadcast_in_dim3A_1190 = vector.broadcast %reduce_sum3A_1189 : f32 to vector<16xf32>
          %select_n3A_1191 = arith.select %eq3A_1184, %broadcast_in_dim3A_1190, %select_n3A_1119 : vector<16xi1>, vector<16xf32>
          %eq3A_1192 = arith.constant 14 : i32
          %eq3A_1193 = vector.broadcast %eq3A_1192 : i32 to vector<16xi32>
          %eq3A_1194 = arith.cmpi eq, %iota3A, %eq3A_1193 : vector<16xi32>
          %add3A_1195 = arith.addf %unpack3A_1180, %unpack3A_1181 : vector<16xf32>
          %reduce_sum3A_1196 = arith.constant true
          %reduce_sum3A_1197 = vector.broadcast %reduce_sum3A_1196 : i1 to vector<16xi1>
          %reduce_sum3A_1198 = tpu.scan <sum>, %add3A_1195 masked %reduce_sum3A_1197 : vector<16xf32>, vector<16xi1> -> vector<16xf32>
          %reduce_sum3A_1199 = vector.extract %reduce_sum3A_1198[15] : f32 from vector<16xf32>
          %broadcast_in_dim3A_1200 = vector.broadcast %reduce_sum3A_1199 : f32 to vector<16xf32>
          %select_n3A_1201 = arith.select %eq3A_1194, %broadcast_in_dim3A_1200, %select_n3A_1129 : vector<16xi1>, vector<16xf32>
          %add3A_1202 = arith.constant 15 : i32
          %add3A_1203 = arith.addi %mul3A_122, %add3A_1202 : i32
          %get3A_1204 = arith.index_cast %add3A_1203 : i32 to index
          %get3A_1205 = arith.constant 0 : index
          %get3A_1206 = tpu.vector_load %arg9[%get3A_1204, %get3A_1205] {strides = array<i32>} : memref<128x128xi32, #tpu.memory_space<vmem>>, vector<16xi32>,
          %bitcast3A_1207 = vector.bitcast %get3A_1206 : vector<16xi32> to vector<32xbf16>
          %mul3A_1208 = arith.mulf %bitcast3A_1207, %bitcast3A_21 : vector<32xbf16>
          %get3A_1209 = arith.index_cast %add3A_1203 : i32 to index
          %get3A_1210 = arith.constant 16 : index
          %get3A_1211 = tpu.vector_load %arg9[%get3A_1209, %get3A_1210] {strides = array<i32>} : memref<128x128xi32, #tpu.memory_space<vmem>>, vector<16xi32>,
          %bitcast3A_1212 = vector.bitcast %get3A_1211 : vector<16xi32> to vector<32xbf16>
          %mul3A_1213 = arith.mulf %bitcast3A_1212, %bitcast3A_24 : vector<32xbf16>
          %get3A_1214 = arith.index_cast %add3A_1203 : i32 to index
          %get3A_1215 = arith.constant 32 : index
          %get3A_1216 = tpu.vector_load %arg9[%get3A_1214, %get3A_1215] {strides = array<i32>} : memref<128x128xi32, #tpu.memory_space<vmem>>, vector<16xi32>,
          %bitcast3A_1217 = vector.bitcast %get3A_1216 : vector<16xi32> to vector<32xbf16>
          %mul3A_1218 = arith.mulf %bitcast3A_1217, %bitcast3A_27 : vector<32xbf16>
          %get3A_1219 = arith.index_cast %add3A_1203 : i32 to index
          %get3A_1220 = arith.constant 48 : index
          %get3A_1221 = tpu.vector_load %arg9[%get3A_1219, %get3A_1220] {strides = array<i32>} : memref<128x128xi32, #tpu.memory_space<vmem>>, vector<16xi32>,
          %bitcast3A_1222 = vector.bitcast %get3A_1221 : vector<16xi32> to vector<32xbf16>
          %mul3A_1223 = arith.mulf %bitcast3A_1222, %bitcast3A_30 : vector<32xbf16>
          %get3A_1224 = arith.index_cast %add3A_1203 : i32 to index
          %get3A_1225 = arith.constant 64 : index
          %get3A_1226 = tpu.vector_load %arg9[%get3A_1224, %get3A_1225] {strides = array<i32>} : memref<128x128xi32, #tpu.memory_space<vmem>>, vector<16xi32>,
          %bitcast3A_1227 = vector.bitcast %get3A_1226 : vector<16xi32> to vector<32xbf16>
          %mul3A_1228 = arith.mulf %bitcast3A_1227, %bitcast3A : vector<32xbf16>
          %get3A_1229 = arith.index_cast %add3A_1203 : i32 to index
          %get3A_1230 = arith.constant 80 : index
          %get3A_1231 = tpu.vector_load %arg9[%get3A_1229, %get3A_1230] {strides = array<i32>} : memref<128x128xi32, #tpu.memory_space<vmem>>, vector<16xi32>,
          %bitcast3A_1232 = vector.bitcast %get3A_1231 : vector<16xi32> to vector<32xbf16>
          %mul3A_1233 = arith.mulf %bitcast3A_1232, %bitcast3A_12 : vector<32xbf16>
          %get3A_1234 = arith.index_cast %add3A_1203 : i32 to index
          %get3A_1235 = arith.constant 96 : index
          %get3A_1236 = tpu.vector_load %arg9[%get3A_1234, %get3A_1235] {strides = array<i32>} : memref<128x128xi32, #tpu.memory_space<vmem>>, vector<16xi32>,
          %bitcast3A_1237 = vector.bitcast %get3A_1236 : vector<16xi32> to vector<32xbf16>
          %mul3A_1238 = arith.mulf %bitcast3A_1237, %bitcast3A_15 : vector<32xbf16>
          %get3A_1239 = arith.index_cast %add3A_1203 : i32 to index
          %get3A_1240 = arith.constant 112 : index
          %get3A_1241 = tpu.vector_load %arg9[%get3A_1239, %get3A_1240] {strides = array<i32>} : memref<128x128xi32, #tpu.memory_space<vmem>>, vector<16xi32>,
          %bitcast3A_1242 = vector.bitcast %get3A_1241 : vector<16xi32> to vector<32xbf16>
          %mul3A_1243 = arith.mulf %bitcast3A_1242, %bitcast3A_18 : vector<32xbf16>
          %add3A_1244 = arith.addf %mul3A_1208, %mul3A_1213 : vector<32xbf16>
          %add3A_1245 = arith.addf %mul3A_1218, %mul3A_1223 : vector<32xbf16>
          %add3A_1246 = arith.addf %add3A_1244, %add3A_1245 : vector<32xbf16>
          %add3A_1247 = arith.addf %mul3A_1228, %mul3A_1233 : vector<32xbf16>
          %add3A_1248 = arith.addf %mul3A_1238, %mul3A_1243 : vector<32xbf16>
          %add3A_1249 = arith.addf %add3A_1247, %add3A_1248 : vector<32xbf16>
          %unpack3A_1250 = tpu.unpack_subelements %add3A_1246, 0 {pack_format = #tpu.pack_format<interleaved>} : vector<32xbf16> -> vector<16xf32>
          %unpack3A_1251 = tpu.unpack_subelements %add3A_1246, 1 {pack_format = #tpu.pack_format<interleaved>} : vector<32xbf16> -> vector<16xf32>
          %unpack3A_1252 = tpu.unpack_subelements %add3A_1249, 0 {pack_format = #tpu.pack_format<interleaved>} : vector<32xbf16> -> vector<16xf32>
          %unpack3A_1253 = tpu.unpack_subelements %add3A_1249, 1 {pack_format = #tpu.pack_format<interleaved>} : vector<32xbf16> -> vector<16xf32>
          %eq3A_1254 = arith.constant 15 : i32
          %eq3A_1255 = vector.broadcast %eq3A_1254 : i32 to vector<16xi32>
          %eq3A_1256 = arith.cmpi eq, %iota3A, %eq3A_1255 : vector<16xi32>
          %add3A_1257 = arith.addf %unpack3A_1250, %unpack3A_1251 : vector<16xf32>
          %reduce_sum3A_1258 = arith.constant true
          %reduce_sum3A_1259 = vector.broadcast %reduce_sum3A_1258 : i1 to vector<16xi1>
          %reduce_sum3A_1260 = tpu.scan <sum>, %add3A_1257 masked %reduce_sum3A_1259 : vector<16xf32>, vector<16xi1> -> vector<16xf32>
          %reduce_sum3A_1261 = vector.extract %reduce_sum3A_1260[15] : f32 from vector<16xf32>
          %broadcast_in_dim3A_1262 = vector.broadcast %reduce_sum3A_1261 : f32 to vector<16xf32>
          %select_n3A_1263 = arith.select %eq3A_1256, %broadcast_in_dim3A_1262, %select_n3A_1191 : vector<16xi1>, vector<16xf32>
          %eq3A_1264 = arith.constant 15 : i32
          %eq3A_1265 = vector.broadcast %eq3A_1264 : i32 to vector<16xi32>
          %eq3A_1266 = arith.cmpi eq, %iota3A, %eq3A_1265 : vector<16xi32>
          %add3A_1267 = arith.addf %unpack3A_1252, %unpack3A_1253 : vector<16xf32>
          %reduce_sum3A_1268 = arith.constant true
          %reduce_sum3A_1269 = vector.broadcast %reduce_sum3A_1268 : i1 to vector<16xi1>
          %reduce_sum3A_1270 = tpu.scan <sum>, %add3A_1267 masked %reduce_sum3A_1269 : vector<16xf32>, vector<16xi1> -> vector<16xf32>
          %reduce_sum3A_1271 = vector.extract %reduce_sum3A_1270[15] : f32 from vector<16xf32>
          %broadcast_in_dim3A_1272 = vector.broadcast %reduce_sum3A_1271 : f32 to vector<16xf32>
          %select_n3A_1273 = arith.select %eq3A_1266, %broadcast_in_dim3A_1272, %select_n3A_1201 : vector<16xi1>, vector<16xf32>
          %add3A_1274 = arith.addi %mul3A_64, %mul3A_122 : i32
          %swap3A = arith.index_cast %add3A_1274 : i32 to index
          %swap3A_1275 = tpu.vector_load %arg14[%swap3A] {strides = array<i32>} : memref<1536xf32, #tpu.memory_space<vmem>>, vector<16xf32>,
          tpu.vector_store %arg14[%swap3A], %select_n3A_1273 {strides = array<i32>} : memref<1536xf32, #tpu.memory_space<vmem>>, vector<16xf32>,
          %add3A_1276 = arith.addi %mul3A_64, %mul3A_122 : i32
          %swap3A_1277 = arith.index_cast %add3A_1276 : i32 to index
          %swap3A_1278 = tpu.vector_load %arg15[%swap3A_1277] {strides = array<i32>} : memref<1536xf32, #tpu.memory_space<vmem>>, vector<16xf32>,
          tpu.vector_store %arg15[%swap3A_1277], %select_n3A_1263 {strides = array<i32>} : memref<1536xf32, #tpu.memory_space<vmem>>, vector<16xf32>,
        }
        %scan3A_69 = arith.constant 8 : i32
        %mul3A_70 = arith.constant 3 : i32
        %mul3A_71 = arith.muli %mul3A_70, %scan3A_49 : i32
        %add3A_72 = arith.constant 1 : i32
        %add3A_73 = arith.addi %mul3A_71, %add3A_72 : i32
        %add3A_74 = arith.constant 2 : i32
        %add3A_75 = arith.addi %add3A_73, %add3A_74 : i32
        %lt3A_76 = arith.constant 12 : i32
        %lt3A_77 = arith.cmpi slt, %add3A_75, %lt3A_76 : i32
        %convert_element_type3A_78 = arith.extui %lt3A_77 : i1 to i32
        %cond3A_79 = arith.constant 0 : i32
        %cond3A_80 = arith.cmpi ne, %convert_element_type3A_78, %cond3A_79 : i32
        scf.if %cond3A_80 {
          %dma_start3A_120 = arith.constant 0 : i32
          %dma_start3A_121 = tpu.memref_slice %arg8[%add3A_75, %dma_start3A_120] : memref<12x128xi32, #tpu.memory_space<vmem>> -> memref<1x128xi32, #tpu.memory_space<vmem>>
          %dma_start3A_122 = tpu.memref_squeeze %dma_start3A_121 : memref<1x128xi32, #tpu.memory_space<vmem>> -> memref<128xi32, #tpu.memory_space<vmem>>
          %dma_start3A_123 = arith.constant 0 : i32
          %dma_start3A_124 = arith.constant 0 : i32
          %dma_start3A_125 = tpu.memref_slice %arg2[%dma_start3A_123, %dma_start3A_124] : memref<100000x128xi32, #tpu.memory_space<hbm>> -> memref<100000x128xi32, #tpu.memory_space<hbm>>
          tpu.enqueue_indirect_dma source(%dma_start3A_125 : memref<100000x128xi32, #tpu.memory_space<hbm>>) target(%arg9 : memref<128x128xi32, #tpu.memory_space<vmem>>) offsets(%dma_start3A_122 : memref<128xi32, #tpu.memory_space<vmem>>) semaphore(%arg16 : memref<!tpu.dma_semaphore, #tpu.memory_space<semaphore_mem>>)
        } else {
        }
        %dma_wait3A_81 = arith.constant 0 : i32
        %dma_wait3A_82 = tpu.memref_slice %arg8[%add3A_73, %dma_wait3A_81] : memref<12x128xi32, #tpu.memory_space<vmem>> -> memref<1x128xi32, #tpu.memory_space<vmem>>
        %dma_wait3A_83 = tpu.memref_squeeze %dma_wait3A_82 : memref<1x128xi32, #tpu.memory_space<vmem>> -> memref<128xi32, #tpu.memory_space<vmem>>
        %dma_wait3A_84 = arith.constant 0 : i32
        %dma_wait3A_85 = arith.constant 0 : i32
        %dma_wait3A_86 = tpu.memref_slice %arg2[%dma_wait3A_84, %dma_wait3A_85] : memref<100000x128xi32, #tpu.memory_space<hbm>> -> memref<100000x128xi32, #tpu.memory_space<hbm>>
        tpu.wait_indirect_dma semaphore(%arg17 : memref<!tpu.dma_semaphore, #tpu.memory_space<semaphore_mem>>) src(%dma_wait3A_86 : memref<100000x128xi32, #tpu.memory_space<hbm>>) dst(%arg10 : memref<128x128xi32, #tpu.memory_space<vmem>>)
        %mul3A_87 = arith.constant 128 : i32
        %mul3A_88 = arith.muli %add3A_73, %mul3A_87 : i32
        %iota3A_89 = tpu.iota {dimensions = array<i32: 0>} : vector<16xi32>
        %scan3A_90 = arith.constant 0 : i32
        %scan3A_91 = arith.constant 8 : i32
        %scan3A_92 = arith.addi %scan3A_90, %scan3A_91 : i32
        %scan3A_93 = arith.constant 1 : i32
        scf.for %scan3A_120 = %scan3A_90 to %scan3A_92 step %scan3A_93  : i32 {
          %mul3A_121 = arith.constant 16 : i32
          %mul3A_122 = arith.muli %scan3A_120, %mul3A_121 : i32
          %broadcast_in_dim3A = arith.constant 0.000000e+00 : f32
          %broadcast_in_dim3A_123 = vector.broadcast %broadcast_in_dim3A : f32 to vector<16xf32>
          %broadcast_in_dim3A_124 = arith.constant 0.000000e+00 : f32
          %broadcast_in_dim3A_125 = vector.broadcast %broadcast_in_dim3A_124 : f32 to vector<16xf32>
          %add3A_126 = arith.constant 0 : i32
          %add3A_127 = arith.addi %mul3A_122, %add3A_126 : i32
          %get3A_128 = arith.index_cast %add3A_127 : i32 to index
          %get3A_129 = arith.constant 0 : index
          %get3A_130 = tpu.vector_load %arg10[%get3A_128, %get3A_129] {strides = array<i32>} : memref<128x128xi32, #tpu.memory_space<vmem>>, vector<16xi32>,
          %bitcast3A_131 = vector.bitcast %get3A_130 : vector<16xi32> to vector<32xbf16>
          %mul3A_132 = arith.mulf %bitcast3A_131, %bitcast3A_21 : vector<32xbf16>
          %get3A_133 = arith.index_cast %add3A_127 : i32 to index
          %get3A_134 = arith.constant 16 : index
          %get3A_135 = tpu.vector_load %arg10[%get3A_133, %get3A_134] {strides = array<i32>} : memref<128x128xi32, #tpu.memory_space<vmem>>, vector<16xi32>,
          %bitcast3A_136 = vector.bitcast %get3A_135 : vector<16xi32> to vector<32xbf16>
          %mul3A_137 = arith.mulf %bitcast3A_136, %bitcast3A_24 : vector<32xbf16>
          %get3A_138 = arith.index_cast %add3A_127 : i32 to index
          %get3A_139 = arith.constant 32 : index
          %get3A_140 = tpu.vector_load %arg10[%get3A_138, %get3A_139] {strides = array<i32>} : memref<128x128xi32, #tpu.memory_space<vmem>>, vector<16xi32>,
          %bitcast3A_141 = vector.bitcast %get3A_140 : vector<16xi32> to vector<32xbf16>
          %mul3A_142 = arith.mulf %bitcast3A_141, %bitcast3A_27 : vector<32xbf16>
          %get3A_143 = arith.index_cast %add3A_127 : i32 to index
          %get3A_144 = arith.constant 48 : index
          %get3A_145 = tpu.vector_load %arg10[%get3A_143, %get3A_144] {strides = array<i32>} : memref<128x128xi32, #tpu.memory_space<vmem>>, vector<16xi32>,
          %bitcast3A_146 = vector.bitcast %get3A_145 : vector<16xi32> to vector<32xbf16>
          %mul3A_147 = arith.mulf %bitcast3A_146, %bitcast3A_30 : vector<32xbf16>
          %get3A_148 = arith.index_cast %add3A_127 : i32 to index
          %get3A_149 = arith.constant 64 : index
          %get3A_150 = tpu.vector_load %arg10[%get3A_148, %get3A_149] {strides = array<i32>} : memref<128x128xi32, #tpu.memory_space<vmem>>, vector<16xi32>,
          %bitcast3A_151 = vector.bitcast %get3A_150 : vector<16xi32> to vector<32xbf16>
          %mul3A_152 = arith.mulf %bitcast3A_151, %bitcast3A : vector<32xbf16>
          %get3A_153 = arith.index_cast %add3A_127 : i32 to index
          %get3A_154 = arith.constant 80 : index
          %get3A_155 = tpu.vector_load %arg10[%get3A_153, %get3A_154] {strides = array<i32>} : memref<128x128xi32, #tpu.memory_space<vmem>>, vector<16xi32>,
          %bitcast3A_156 = vector.bitcast %get3A_155 : vector<16xi32> to vector<32xbf16>
          %mul3A_157 = arith.mulf %bitcast3A_156, %bitcast3A_12 : vector<32xbf16>
          %get3A_158 = arith.index_cast %add3A_127 : i32 to index
          %get3A_159 = arith.constant 96 : index
          %get3A_160 = tpu.vector_load %arg10[%get3A_158, %get3A_159] {strides = array<i32>} : memref<128x128xi32, #tpu.memory_space<vmem>>, vector<16xi32>,
          %bitcast3A_161 = vector.bitcast %get3A_160 : vector<16xi32> to vector<32xbf16>
          %mul3A_162 = arith.mulf %bitcast3A_161, %bitcast3A_15 : vector<32xbf16>
          %get3A_163 = arith.index_cast %add3A_127 : i32 to index
          %get3A_164 = arith.constant 112 : index
          %get3A_165 = tpu.vector_load %arg10[%get3A_163, %get3A_164] {strides = array<i32>} : memref<128x128xi32, #tpu.memory_space<vmem>>, vector<16xi32>,
          %bitcast3A_166 = vector.bitcast %get3A_165 : vector<16xi32> to vector<32xbf16>
          %mul3A_167 = arith.mulf %bitcast3A_166, %bitcast3A_18 : vector<32xbf16>
          %add3A_168 = arith.addf %mul3A_132, %mul3A_137 : vector<32xbf16>
          %add3A_169 = arith.addf %mul3A_142, %mul3A_147 : vector<32xbf16>
          %add3A_170 = arith.addf %add3A_168, %add3A_169 : vector<32xbf16>
          %add3A_171 = arith.addf %mul3A_152, %mul3A_157 : vector<32xbf16>
          %add3A_172 = arith.addf %mul3A_162, %mul3A_167 : vector<32xbf16>
          %add3A_173 = arith.addf %add3A_171, %add3A_172 : vector<32xbf16>
          %unpack3A = tpu.unpack_subelements %add3A_170, 0 {pack_format = #tpu.pack_format<interleaved>} : vector<32xbf16> -> vector<16xf32>
          %unpack3A_174 = tpu.unpack_subelements %add3A_170, 1 {pack_format = #tpu.pack_format<interleaved>} : vector<32xbf16> -> vector<16xf32>
          %unpack3A_175 = tpu.unpack_subelements %add3A_173, 0 {pack_format = #tpu.pack_format<interleaved>} : vector<32xbf16> -> vector<16xf32>
          %unpack3A_176 = tpu.unpack_subelements %add3A_173, 1 {pack_format = #tpu.pack_format<interleaved>} : vector<32xbf16> -> vector<16xf32>
          %eq3A = arith.constant 0 : i32
          %eq3A_177 = vector.broadcast %eq3A : i32 to vector<16xi32>
          %eq3A_178 = arith.cmpi eq, %iota3A_89, %eq3A_177 : vector<16xi32>
          %add3A_179 = arith.addf %unpack3A, %unpack3A_174 : vector<16xf32>
          %reduce_sum3A = arith.constant true
          %reduce_sum3A_180 = vector.broadcast %reduce_sum3A : i1 to vector<16xi1>
          %reduce_sum3A_181 = tpu.scan <sum>, %add3A_179 masked %reduce_sum3A_180 : vector<16xf32>, vector<16xi1> -> vector<16xf32>
          %reduce_sum3A_182 = vector.extract %reduce_sum3A_181[15] : f32 from vector<16xf32>
          %broadcast_in_dim3A_183 = vector.broadcast %reduce_sum3A_182 : f32 to vector<16xf32>
          %select_n3A = arith.select %eq3A_178, %broadcast_in_dim3A_183, %broadcast_in_dim3A_125 : vector<16xi1>, vector<16xf32>
          %eq3A_184 = arith.constant 0 : i32
          %eq3A_185 = vector.broadcast %eq3A_184 : i32 to vector<16xi32>
          %eq3A_186 = arith.cmpi eq, %iota3A_89, %eq3A_185 : vector<16xi32>
          %add3A_187 = arith.addf %unpack3A_175, %unpack3A_176 : vector<16xf32>
          %reduce_sum3A_188 = arith.constant true
          %reduce_sum3A_189 = vector.broadcast %reduce_sum3A_188 : i1 to vector<16xi1>
          %reduce_sum3A_190 = tpu.scan <sum>, %add3A_187 masked %reduce_sum3A_189 : vector<16xf32>, vector<16xi1> -> vector<16xf32>
          %reduce_sum3A_191 = vector.extract %reduce_sum3A_190[15] : f32 from vector<16xf32>
          %broadcast_in_dim3A_192 = vector.broadcast %reduce_sum3A_191 : f32 to vector<16xf32>
          %select_n3A_193 = arith.select %eq3A_186, %broadcast_in_dim3A_192, %broadcast_in_dim3A_123 : vector<16xi1>, vector<16xf32>
          %add3A_194 = arith.constant 1 : i32
          %add3A_195 = arith.addi %mul3A_122, %add3A_194 : i32
          %get3A_196 = arith.index_cast %add3A_195 : i32 to index
          %get3A_197 = arith.constant 0 : index
          %get3A_198 = tpu.vector_load %arg10[%get3A_196, %get3A_197] {strides = array<i32>} : memref<128x128xi32, #tpu.memory_space<vmem>>, vector<16xi32>,
          %bitcast3A_199 = vector.bitcast %get3A_198 : vector<16xi32> to vector<32xbf16>
          %mul3A_200 = arith.mulf %bitcast3A_199, %bitcast3A_21 : vector<32xbf16>
          %get3A_201 = arith.index_cast %add3A_195 : i32 to index
          %get3A_202 = arith.constant 16 : index
          %get3A_203 = tpu.vector_load %arg10[%get3A_201, %get3A_202] {strides = array<i32>} : memref<128x128xi32, #tpu.memory_space<vmem>>, vector<16xi32>,
          %bitcast3A_204 = vector.bitcast %get3A_203 : vector<16xi32> to vector<32xbf16>
          %mul3A_205 = arith.mulf %bitcast3A_204, %bitcast3A_24 : vector<32xbf16>
          %get3A_206 = arith.index_cast %add3A_195 : i32 to index
          %get3A_207 = arith.constant 32 : index
          %get3A_208 = tpu.vector_load %arg10[%get3A_206, %get3A_207] {strides = array<i32>} : memref<128x128xi32, #tpu.memory_space<vmem>>, vector<16xi32>,
          %bitcast3A_209 = vector.bitcast %get3A_208 : vector<16xi32> to vector<32xbf16>
          %mul3A_210 = arith.mulf %bitcast3A_209, %bitcast3A_27 : vector<32xbf16>
          %get3A_211 = arith.index_cast %add3A_195 : i32 to index
          %get3A_212 = arith.constant 48 : index
          %get3A_213 = tpu.vector_load %arg10[%get3A_211, %get3A_212] {strides = array<i32>} : memref<128x128xi32, #tpu.memory_space<vmem>>, vector<16xi32>,
          %bitcast3A_214 = vector.bitcast %get3A_213 : vector<16xi32> to vector<32xbf16>
          %mul3A_215 = arith.mulf %bitcast3A_214, %bitcast3A_30 : vector<32xbf16>
          %get3A_216 = arith.index_cast %add3A_195 : i32 to index
          %get3A_217 = arith.constant 64 : index
          %get3A_218 = tpu.vector_load %arg10[%get3A_216, %get3A_217] {strides = array<i32>} : memref<128x128xi32, #tpu.memory_space<vmem>>, vector<16xi32>,
          %bitcast3A_219 = vector.bitcast %get3A_218 : vector<16xi32> to vector<32xbf16>
          %mul3A_220 = arith.mulf %bitcast3A_219, %bitcast3A : vector<32xbf16>
          %get3A_221 = arith.index_cast %add3A_195 : i32 to index
          %get3A_222 = arith.constant 80 : index
          %get3A_223 = tpu.vector_load %arg10[%get3A_221, %get3A_222] {strides = array<i32>} : memref<128x128xi32, #tpu.memory_space<vmem>>, vector<16xi32>,
          %bitcast3A_224 = vector.bitcast %get3A_223 : vector<16xi32> to vector<32xbf16>
          %mul3A_225 = arith.mulf %bitcast3A_224, %bitcast3A_12 : vector<32xbf16>
          %get3A_226 = arith.index_cast %add3A_195 : i32 to index
          %get3A_227 = arith.constant 96 : index
          %get3A_228 = tpu.vector_load %arg10[%get3A_226, %get3A_227] {strides = array<i32>} : memref<128x128xi32, #tpu.memory_space<vmem>>, vector<16xi32>,
          %bitcast3A_229 = vector.bitcast %get3A_228 : vector<16xi32> to vector<32xbf16>
          %mul3A_230 = arith.mulf %bitcast3A_229, %bitcast3A_15 : vector<32xbf16>
          %get3A_231 = arith.index_cast %add3A_195 : i32 to index
          %get3A_232 = arith.constant 112 : index
          %get3A_233 = tpu.vector_load %arg10[%get3A_231, %get3A_232] {strides = array<i32>} : memref<128x128xi32, #tpu.memory_space<vmem>>, vector<16xi32>,
          %bitcast3A_234 = vector.bitcast %get3A_233 : vector<16xi32> to vector<32xbf16>
          %mul3A_235 = arith.mulf %bitcast3A_234, %bitcast3A_18 : vector<32xbf16>
          %add3A_236 = arith.addf %mul3A_200, %mul3A_205 : vector<32xbf16>
          %add3A_237 = arith.addf %mul3A_210, %mul3A_215 : vector<32xbf16>
          %add3A_238 = arith.addf %add3A_236, %add3A_237 : vector<32xbf16>
          %add3A_239 = arith.addf %mul3A_220, %mul3A_225 : vector<32xbf16>
          %add3A_240 = arith.addf %mul3A_230, %mul3A_235 : vector<32xbf16>
          %add3A_241 = arith.addf %add3A_239, %add3A_240 : vector<32xbf16>
          %unpack3A_242 = tpu.unpack_subelements %add3A_238, 0 {pack_format = #tpu.pack_format<interleaved>} : vector<32xbf16> -> vector<16xf32>
          %unpack3A_243 = tpu.unpack_subelements %add3A_238, 1 {pack_format = #tpu.pack_format<interleaved>} : vector<32xbf16> -> vector<16xf32>
          %unpack3A_244 = tpu.unpack_subelements %add3A_241, 0 {pack_format = #tpu.pack_format<interleaved>} : vector<32xbf16> -> vector<16xf32>
          %unpack3A_245 = tpu.unpack_subelements %add3A_241, 1 {pack_format = #tpu.pack_format<interleaved>} : vector<32xbf16> -> vector<16xf32>
          %eq3A_246 = arith.constant 1 : i32
          %eq3A_247 = vector.broadcast %eq3A_246 : i32 to vector<16xi32>
          %eq3A_248 = arith.cmpi eq, %iota3A_89, %eq3A_247 : vector<16xi32>
          %add3A_249 = arith.addf %unpack3A_242, %unpack3A_243 : vector<16xf32>
          %reduce_sum3A_250 = arith.constant true
          %reduce_sum3A_251 = vector.broadcast %reduce_sum3A_250 : i1 to vector<16xi1>
          %reduce_sum3A_252 = tpu.scan <sum>, %add3A_249 masked %reduce_sum3A_251 : vector<16xf32>, vector<16xi1> -> vector<16xf32>
          %reduce_sum3A_253 = vector.extract %reduce_sum3A_252[15] : f32 from vector<16xf32>
          %broadcast_in_dim3A_254 = vector.broadcast %reduce_sum3A_253 : f32 to vector<16xf32>
          %select_n3A_255 = arith.select %eq3A_248, %broadcast_in_dim3A_254, %select_n3A : vector<16xi1>, vector<16xf32>
          %eq3A_256 = arith.constant 1 : i32
          %eq3A_257 = vector.broadcast %eq3A_256 : i32 to vector<16xi32>
          %eq3A_258 = arith.cmpi eq, %iota3A_89, %eq3A_257 : vector<16xi32>
          %add3A_259 = arith.addf %unpack3A_244, %unpack3A_245 : vector<16xf32>
          %reduce_sum3A_260 = arith.constant true
          %reduce_sum3A_261 = vector.broadcast %reduce_sum3A_260 : i1 to vector<16xi1>
          %reduce_sum3A_262 = tpu.scan <sum>, %add3A_259 masked %reduce_sum3A_261 : vector<16xf32>, vector<16xi1> -> vector<16xf32>
          %reduce_sum3A_263 = vector.extract %reduce_sum3A_262[15] : f32 from vector<16xf32>
          %broadcast_in_dim3A_264 = vector.broadcast %reduce_sum3A_263 : f32 to vector<16xf32>
          %select_n3A_265 = arith.select %eq3A_258, %broadcast_in_dim3A_264, %select_n3A_193 : vector<16xi1>, vector<16xf32>
          %add3A_266 = arith.constant 2 : i32
          %add3A_267 = arith.addi %mul3A_122, %add3A_266 : i32
          %get3A_268 = arith.index_cast %add3A_267 : i32 to index
          %get3A_269 = arith.constant 0 : index
          %get3A_270 = tpu.vector_load %arg10[%get3A_268, %get3A_269] {strides = array<i32>} : memref<128x128xi32, #tpu.memory_space<vmem>>, vector<16xi32>,
          %bitcast3A_271 = vector.bitcast %get3A_270 : vector<16xi32> to vector<32xbf16>
          %mul3A_272 = arith.mulf %bitcast3A_271, %bitcast3A_21 : vector<32xbf16>
          %get3A_273 = arith.index_cast %add3A_267 : i32 to index
          %get3A_274 = arith.constant 16 : index
          %get3A_275 = tpu.vector_load %arg10[%get3A_273, %get3A_274] {strides = array<i32>} : memref<128x128xi32, #tpu.memory_space<vmem>>, vector<16xi32>,
          %bitcast3A_276 = vector.bitcast %get3A_275 : vector<16xi32> to vector<32xbf16>
          %mul3A_277 = arith.mulf %bitcast3A_276, %bitcast3A_24 : vector<32xbf16>
          %get3A_278 = arith.index_cast %add3A_267 : i32 to index
          %get3A_279 = arith.constant 32 : index
          %get3A_280 = tpu.vector_load %arg10[%get3A_278, %get3A_279] {strides = array<i32>} : memref<128x128xi32, #tpu.memory_space<vmem>>, vector<16xi32>,
          %bitcast3A_281 = vector.bitcast %get3A_280 : vector<16xi32> to vector<32xbf16>
          %mul3A_282 = arith.mulf %bitcast3A_281, %bitcast3A_27 : vector<32xbf16>
          %get3A_283 = arith.index_cast %add3A_267 : i32 to index
          %get3A_284 = arith.constant 48 : index
          %get3A_285 = tpu.vector_load %arg10[%get3A_283, %get3A_284] {strides = array<i32>} : memref<128x128xi32, #tpu.memory_space<vmem>>, vector<16xi32>,
          %bitcast3A_286 = vector.bitcast %get3A_285 : vector<16xi32> to vector<32xbf16>
          %mul3A_287 = arith.mulf %bitcast3A_286, %bitcast3A_30 : vector<32xbf16>
          %get3A_288 = arith.index_cast %add3A_267 : i32 to index
          %get3A_289 = arith.constant 64 : index
          %get3A_290 = tpu.vector_load %arg10[%get3A_288, %get3A_289] {strides = array<i32>} : memref<128x128xi32, #tpu.memory_space<vmem>>, vector<16xi32>,
          %bitcast3A_291 = vector.bitcast %get3A_290 : vector<16xi32> to vector<32xbf16>
          %mul3A_292 = arith.mulf %bitcast3A_291, %bitcast3A : vector<32xbf16>
          %get3A_293 = arith.index_cast %add3A_267 : i32 to index
          %get3A_294 = arith.constant 80 : index
          %get3A_295 = tpu.vector_load %arg10[%get3A_293, %get3A_294] {strides = array<i32>} : memref<128x128xi32, #tpu.memory_space<vmem>>, vector<16xi32>,
          %bitcast3A_296 = vector.bitcast %get3A_295 : vector<16xi32> to vector<32xbf16>
          %mul3A_297 = arith.mulf %bitcast3A_296, %bitcast3A_12 : vector<32xbf16>
          %get3A_298 = arith.index_cast %add3A_267 : i32 to index
          %get3A_299 = arith.constant 96 : index
          %get3A_300 = tpu.vector_load %arg10[%get3A_298, %get3A_299] {strides = array<i32>} : memref<128x128xi32, #tpu.memory_space<vmem>>, vector<16xi32>,
          %bitcast3A_301 = vector.bitcast %get3A_300 : vector<16xi32> to vector<32xbf16>
          %mul3A_302 = arith.mulf %bitcast3A_301, %bitcast3A_15 : vector<32xbf16>
          %get3A_303 = arith.index_cast %add3A_267 : i32 to index
          %get3A_304 = arith.constant 112 : index
          %get3A_305 = tpu.vector_load %arg10[%get3A_303, %get3A_304] {strides = array<i32>} : memref<128x128xi32, #tpu.memory_space<vmem>>, vector<16xi32>,
          %bitcast3A_306 = vector.bitcast %get3A_305 : vector<16xi32> to vector<32xbf16>
          %mul3A_307 = arith.mulf %bitcast3A_306, %bitcast3A_18 : vector<32xbf16>
          %add3A_308 = arith.addf %mul3A_272, %mul3A_277 : vector<32xbf16>
          %add3A_309 = arith.addf %mul3A_282, %mul3A_287 : vector<32xbf16>
          %add3A_310 = arith.addf %add3A_308, %add3A_309 : vector<32xbf16>
          %add3A_311 = arith.addf %mul3A_292, %mul3A_297 : vector<32xbf16>
          %add3A_312 = arith.addf %mul3A_302, %mul3A_307 : vector<32xbf16>
          %add3A_313 = arith.addf %add3A_311, %add3A_312 : vector<32xbf16>
          %unpack3A_314 = tpu.unpack_subelements %add3A_310, 0 {pack_format = #tpu.pack_format<interleaved>} : vector<32xbf16> -> vector<16xf32>
          %unpack3A_315 = tpu.unpack_subelements %add3A_310, 1 {pack_format = #tpu.pack_format<interleaved>} : vector<32xbf16> -> vector<16xf32>
          %unpack3A_316 = tpu.unpack_subelements %add3A_313, 0 {pack_format = #tpu.pack_format<interleaved>} : vector<32xbf16> -> vector<16xf32>
          %unpack3A_317 = tpu.unpack_subelements %add3A_313, 1 {pack_format = #tpu.pack_format<interleaved>} : vector<32xbf16> -> vector<16xf32>
          %eq3A_318 = arith.constant 2 : i32
          %eq3A_319 = vector.broadcast %eq3A_318 : i32 to vector<16xi32>
          %eq3A_320 = arith.cmpi eq, %iota3A_89, %eq3A_319 : vector<16xi32>
          %add3A_321 = arith.addf %unpack3A_314, %unpack3A_315 : vector<16xf32>
          %reduce_sum3A_322 = arith.constant true
          %reduce_sum3A_323 = vector.broadcast %reduce_sum3A_322 : i1 to vector<16xi1>
          %reduce_sum3A_324 = tpu.scan <sum>, %add3A_321 masked %reduce_sum3A_323 : vector<16xf32>, vector<16xi1> -> vector<16xf32>
          %reduce_sum3A_325 = vector.extract %reduce_sum3A_324[15] : f32 from vector<16xf32>
          %broadcast_in_dim3A_326 = vector.broadcast %reduce_sum3A_325 : f32 to vector<16xf32>
          %select_n3A_327 = arith.select %eq3A_320, %broadcast_in_dim3A_326, %select_n3A_255 : vector<16xi1>, vector<16xf32>
          %eq3A_328 = arith.constant 2 : i32
          %eq3A_329 = vector.broadcast %eq3A_328 : i32 to vector<16xi32>
          %eq3A_330 = arith.cmpi eq, %iota3A_89, %eq3A_329 : vector<16xi32>
          %add3A_331 = arith.addf %unpack3A_316, %unpack3A_317 : vector<16xf32>
          %reduce_sum3A_332 = arith.constant true
          %reduce_sum3A_333 = vector.broadcast %reduce_sum3A_332 : i1 to vector<16xi1>
          %reduce_sum3A_334 = tpu.scan <sum>, %add3A_331 masked %reduce_sum3A_333 : vector<16xf32>, vector<16xi1> -> vector<16xf32>
          %reduce_sum3A_335 = vector.extract %reduce_sum3A_334[15] : f32 from vector<16xf32>
          %broadcast_in_dim3A_336 = vector.broadcast %reduce_sum3A_335 : f32 to vector<16xf32>
          %select_n3A_337 = arith.select %eq3A_330, %broadcast_in_dim3A_336, %select_n3A_265 : vector<16xi1>, vector<16xf32>
          %add3A_338 = arith.constant 3 : i32
          %add3A_339 = arith.addi %mul3A_122, %add3A_338 : i32
          %get3A_340 = arith.index_cast %add3A_339 : i32 to index
          %get3A_341 = arith.constant 0 : index
          %get3A_342 = tpu.vector_load %arg10[%get3A_340, %get3A_341] {strides = array<i32>} : memref<128x128xi32, #tpu.memory_space<vmem>>, vector<16xi32>,
          %bitcast3A_343 = vector.bitcast %get3A_342 : vector<16xi32> to vector<32xbf16>
          %mul3A_344 = arith.mulf %bitcast3A_343, %bitcast3A_21 : vector<32xbf16>
          %get3A_345 = arith.index_cast %add3A_339 : i32 to index
          %get3A_346 = arith.constant 16 : index
          %get3A_347 = tpu.vector_load %arg10[%get3A_345, %get3A_346] {strides = array<i32>} : memref<128x128xi32, #tpu.memory_space<vmem>>, vector<16xi32>,
          %bitcast3A_348 = vector.bitcast %get3A_347 : vector<16xi32> to vector<32xbf16>
          %mul3A_349 = arith.mulf %bitcast3A_348, %bitcast3A_24 : vector<32xbf16>
          %get3A_350 = arith.index_cast %add3A_339 : i32 to index
          %get3A_351 = arith.constant 32 : index
          %get3A_352 = tpu.vector_load %arg10[%get3A_350, %get3A_351] {strides = array<i32>} : memref<128x128xi32, #tpu.memory_space<vmem>>, vector<16xi32>,
          %bitcast3A_353 = vector.bitcast %get3A_352 : vector<16xi32> to vector<32xbf16>
          %mul3A_354 = arith.mulf %bitcast3A_353, %bitcast3A_27 : vector<32xbf16>
          %get3A_355 = arith.index_cast %add3A_339 : i32 to index
          %get3A_356 = arith.constant 48 : index
          %get3A_357 = tpu.vector_load %arg10[%get3A_355, %get3A_356] {strides = array<i32>} : memref<128x128xi32, #tpu.memory_space<vmem>>, vector<16xi32>,
          %bitcast3A_358 = vector.bitcast %get3A_357 : vector<16xi32> to vector<32xbf16>
          %mul3A_359 = arith.mulf %bitcast3A_358, %bitcast3A_30 : vector<32xbf16>
          %get3A_360 = arith.index_cast %add3A_339 : i32 to index
          %get3A_361 = arith.constant 64 : index
          %get3A_362 = tpu.vector_load %arg10[%get3A_360, %get3A_361] {strides = array<i32>} : memref<128x128xi32, #tpu.memory_space<vmem>>, vector<16xi32>,
          %bitcast3A_363 = vector.bitcast %get3A_362 : vector<16xi32> to vector<32xbf16>
          %mul3A_364 = arith.mulf %bitcast3A_363, %bitcast3A : vector<32xbf16>
          %get3A_365 = arith.index_cast %add3A_339 : i32 to index
          %get3A_366 = arith.constant 80 : index
          %get3A_367 = tpu.vector_load %arg10[%get3A_365, %get3A_366] {strides = array<i32>} : memref<128x128xi32, #tpu.memory_space<vmem>>, vector<16xi32>,
          %bitcast3A_368 = vector.bitcast %get3A_367 : vector<16xi32> to vector<32xbf16>
          %mul3A_369 = arith.mulf %bitcast3A_368, %bitcast3A_12 : vector<32xbf16>
          %get3A_370 = arith.index_cast %add3A_339 : i32 to index
          %get3A_371 = arith.constant 96 : index
          %get3A_372 = tpu.vector_load %arg10[%get3A_370, %get3A_371] {strides = array<i32>} : memref<128x128xi32, #tpu.memory_space<vmem>>, vector<16xi32>,
          %bitcast3A_373 = vector.bitcast %get3A_372 : vector<16xi32> to vector<32xbf16>
          %mul3A_374 = arith.mulf %bitcast3A_373, %bitcast3A_15 : vector<32xbf16>
          %get3A_375 = arith.index_cast %add3A_339 : i32 to index
          %get3A_376 = arith.constant 112 : index
          %get3A_377 = tpu.vector_load %arg10[%get3A_375, %get3A_376] {strides = array<i32>} : memref<128x128xi32, #tpu.memory_space<vmem>>, vector<16xi32>,
          %bitcast3A_378 = vector.bitcast %get3A_377 : vector<16xi32> to vector<32xbf16>
          %mul3A_379 = arith.mulf %bitcast3A_378, %bitcast3A_18 : vector<32xbf16>
          %add3A_380 = arith.addf %mul3A_344, %mul3A_349 : vector<32xbf16>
          %add3A_381 = arith.addf %mul3A_354, %mul3A_359 : vector<32xbf16>
          %add3A_382 = arith.addf %add3A_380, %add3A_381 : vector<32xbf16>
          %add3A_383 = arith.addf %mul3A_364, %mul3A_369 : vector<32xbf16>
          %add3A_384 = arith.addf %mul3A_374, %mul3A_379 : vector<32xbf16>
          %add3A_385 = arith.addf %add3A_383, %add3A_384 : vector<32xbf16>
          %unpack3A_386 = tpu.unpack_subelements %add3A_382, 0 {pack_format = #tpu.pack_format<interleaved>} : vector<32xbf16> -> vector<16xf32>
          %unpack3A_387 = tpu.unpack_subelements %add3A_382, 1 {pack_format = #tpu.pack_format<interleaved>} : vector<32xbf16> -> vector<16xf32>
          %unpack3A_388 = tpu.unpack_subelements %add3A_385, 0 {pack_format = #tpu.pack_format<interleaved>} : vector<32xbf16> -> vector<16xf32>
          %unpack3A_389 = tpu.unpack_subelements %add3A_385, 1 {pack_format = #tpu.pack_format<interleaved>} : vector<32xbf16> -> vector<16xf32>
          %eq3A_390 = arith.constant 3 : i32
          %eq3A_391 = vector.broadcast %eq3A_390 : i32 to vector<16xi32>
          %eq3A_392 = arith.cmpi eq, %iota3A_89, %eq3A_391 : vector<16xi32>
          %add3A_393 = arith.addf %unpack3A_386, %unpack3A_387 : vector<16xf32>
          %reduce_sum3A_394 = arith.constant true
          %reduce_sum3A_395 = vector.broadcast %reduce_sum3A_394 : i1 to vector<16xi1>
          %reduce_sum3A_396 = tpu.scan <sum>, %add3A_393 masked %reduce_sum3A_395 : vector<16xf32>, vector<16xi1> -> vector<16xf32>
          %reduce_sum3A_397 = vector.extract %reduce_sum3A_396[15] : f32 from vector<16xf32>
          %broadcast_in_dim3A_398 = vector.broadcast %reduce_sum3A_397 : f32 to vector<16xf32>
          %select_n3A_399 = arith.select %eq3A_392, %broadcast_in_dim3A_398, %select_n3A_327 : vector<16xi1>, vector<16xf32>
          %eq3A_400 = arith.constant 3 : i32
          %eq3A_401 = vector.broadcast %eq3A_400 : i32 to vector<16xi32>
          %eq3A_402 = arith.cmpi eq, %iota3A_89, %eq3A_401 : vector<16xi32>
          %add3A_403 = arith.addf %unpack3A_388, %unpack3A_389 : vector<16xf32>
          %reduce_sum3A_404 = arith.constant true
          %reduce_sum3A_405 = vector.broadcast %reduce_sum3A_404 : i1 to vector<16xi1>
          %reduce_sum3A_406 = tpu.scan <sum>, %add3A_403 masked %reduce_sum3A_405 : vector<16xf32>, vector<16xi1> -> vector<16xf32>
          %reduce_sum3A_407 = vector.extract %reduce_sum3A_406[15] : f32 from vector<16xf32>
          %broadcast_in_dim3A_408 = vector.broadcast %reduce_sum3A_407 : f32 to vector<16xf32>
          %select_n3A_409 = arith.select %eq3A_402, %broadcast_in_dim3A_408, %select_n3A_337 : vector<16xi1>, vector<16xf32>
          %add3A_410 = arith.constant 4 : i32
          %add3A_411 = arith.addi %mul3A_122, %add3A_410 : i32
          %get3A_412 = arith.index_cast %add3A_411 : i32 to index
          %get3A_413 = arith.constant 0 : index
          %get3A_414 = tpu.vector_load %arg10[%get3A_412, %get3A_413] {strides = array<i32>} : memref<128x128xi32, #tpu.memory_space<vmem>>, vector<16xi32>,
          %bitcast3A_415 = vector.bitcast %get3A_414 : vector<16xi32> to vector<32xbf16>
          %mul3A_416 = arith.mulf %bitcast3A_415, %bitcast3A_21 : vector<32xbf16>
          %get3A_417 = arith.index_cast %add3A_411 : i32 to index
          %get3A_418 = arith.constant 16 : index
          %get3A_419 = tpu.vector_load %arg10[%get3A_417, %get3A_418] {strides = array<i32>} : memref<128x128xi32, #tpu.memory_space<vmem>>, vector<16xi32>,
          %bitcast3A_420 = vector.bitcast %get3A_419 : vector<16xi32> to vector<32xbf16>
          %mul3A_421 = arith.mulf %bitcast3A_420, %bitcast3A_24 : vector<32xbf16>
          %get3A_422 = arith.index_cast %add3A_411 : i32 to index
          %get3A_423 = arith.constant 32 : index
          %get3A_424 = tpu.vector_load %arg10[%get3A_422, %get3A_423] {strides = array<i32>} : memref<128x128xi32, #tpu.memory_space<vmem>>, vector<16xi32>,
          %bitcast3A_425 = vector.bitcast %get3A_424 : vector<16xi32> to vector<32xbf16>
          %mul3A_426 = arith.mulf %bitcast3A_425, %bitcast3A_27 : vector<32xbf16>
          %get3A_427 = arith.index_cast %add3A_411 : i32 to index
          %get3A_428 = arith.constant 48 : index
          %get3A_429 = tpu.vector_load %arg10[%get3A_427, %get3A_428] {strides = array<i32>} : memref<128x128xi32, #tpu.memory_space<vmem>>, vector<16xi32>,
          %bitcast3A_430 = vector.bitcast %get3A_429 : vector<16xi32> to vector<32xbf16>
          %mul3A_431 = arith.mulf %bitcast3A_430, %bitcast3A_30 : vector<32xbf16>
          %get3A_432 = arith.index_cast %add3A_411 : i32 to index
          %get3A_433 = arith.constant 64 : index
          %get3A_434 = tpu.vector_load %arg10[%get3A_432, %get3A_433] {strides = array<i32>} : memref<128x128xi32, #tpu.memory_space<vmem>>, vector<16xi32>,
          %bitcast3A_435 = vector.bitcast %get3A_434 : vector<16xi32> to vector<32xbf16>
          %mul3A_436 = arith.mulf %bitcast3A_435, %bitcast3A : vector<32xbf16>
          %get3A_437 = arith.index_cast %add3A_411 : i32 to index
          %get3A_438 = arith.constant 80 : index
          %get3A_439 = tpu.vector_load %arg10[%get3A_437, %get3A_438] {strides = array<i32>} : memref<128x128xi32, #tpu.memory_space<vmem>>, vector<16xi32>,
          %bitcast3A_440 = vector.bitcast %get3A_439 : vector<16xi32> to vector<32xbf16>
          %mul3A_441 = arith.mulf %bitcast3A_440, %bitcast3A_12 : vector<32xbf16>
          %get3A_442 = arith.index_cast %add3A_411 : i32 to index
          %get3A_443 = arith.constant 96 : index
          %get3A_444 = tpu.vector_load %arg10[%get3A_442, %get3A_443] {strides = array<i32>} : memref<128x128xi32, #tpu.memory_space<vmem>>, vector<16xi32>,
          %bitcast3A_445 = vector.bitcast %get3A_444 : vector<16xi32> to vector<32xbf16>
          %mul3A_446 = arith.mulf %bitcast3A_445, %bitcast3A_15 : vector<32xbf16>
          %get3A_447 = arith.index_cast %add3A_411 : i32 to index
          %get3A_448 = arith.constant 112 : index
          %get3A_449 = tpu.vector_load %arg10[%get3A_447, %get3A_448] {strides = array<i32>} : memref<128x128xi32, #tpu.memory_space<vmem>>, vector<16xi32>,
          %bitcast3A_450 = vector.bitcast %get3A_449 : vector<16xi32> to vector<32xbf16>
          %mul3A_451 = arith.mulf %bitcast3A_450, %bitcast3A_18 : vector<32xbf16>
          %add3A_452 = arith.addf %mul3A_416, %mul3A_421 : vector<32xbf16>
          %add3A_453 = arith.addf %mul3A_426, %mul3A_431 : vector<32xbf16>
          %add3A_454 = arith.addf %add3A_452, %add3A_453 : vector<32xbf16>
          %add3A_455 = arith.addf %mul3A_436, %mul3A_441 : vector<32xbf16>
          %add3A_456 = arith.addf %mul3A_446, %mul3A_451 : vector<32xbf16>
          %add3A_457 = arith.addf %add3A_455, %add3A_456 : vector<32xbf16>
          %unpack3A_458 = tpu.unpack_subelements %add3A_454, 0 {pack_format = #tpu.pack_format<interleaved>} : vector<32xbf16> -> vector<16xf32>
          %unpack3A_459 = tpu.unpack_subelements %add3A_454, 1 {pack_format = #tpu.pack_format<interleaved>} : vector<32xbf16> -> vector<16xf32>
          %unpack3A_460 = tpu.unpack_subelements %add3A_457, 0 {pack_format = #tpu.pack_format<interleaved>} : vector<32xbf16> -> vector<16xf32>
          %unpack3A_461 = tpu.unpack_subelements %add3A_457, 1 {pack_format = #tpu.pack_format<interleaved>} : vector<32xbf16> -> vector<16xf32>
          %eq3A_462 = arith.constant 4 : i32
          %eq3A_463 = vector.broadcast %eq3A_462 : i32 to vector<16xi32>
          %eq3A_464 = arith.cmpi eq, %iota3A_89, %eq3A_463 : vector<16xi32>
          %add3A_465 = arith.addf %unpack3A_458, %unpack3A_459 : vector<16xf32>
          %reduce_sum3A_466 = arith.constant true
          %reduce_sum3A_467 = vector.broadcast %reduce_sum3A_466 : i1 to vector<16xi1>
          %reduce_sum3A_468 = tpu.scan <sum>, %add3A_465 masked %reduce_sum3A_467 : vector<16xf32>, vector<16xi1> -> vector<16xf32>
          %reduce_sum3A_469 = vector.extract %reduce_sum3A_468[15] : f32 from vector<16xf32>
          %broadcast_in_dim3A_470 = vector.broadcast %reduce_sum3A_469 : f32 to vector<16xf32>
          %select_n3A_471 = arith.select %eq3A_464, %broadcast_in_dim3A_470, %select_n3A_399 : vector<16xi1>, vector<16xf32>
          %eq3A_472 = arith.constant 4 : i32
          %eq3A_473 = vector.broadcast %eq3A_472 : i32 to vector<16xi32>
          %eq3A_474 = arith.cmpi eq, %iota3A_89, %eq3A_473 : vector<16xi32>
          %add3A_475 = arith.addf %unpack3A_460, %unpack3A_461 : vector<16xf32>
          %reduce_sum3A_476 = arith.constant true
          %reduce_sum3A_477 = vector.broadcast %reduce_sum3A_476 : i1 to vector<16xi1>
          %reduce_sum3A_478 = tpu.scan <sum>, %add3A_475 masked %reduce_sum3A_477 : vector<16xf32>, vector<16xi1> -> vector<16xf32>
          %reduce_sum3A_479 = vector.extract %reduce_sum3A_478[15] : f32 from vector<16xf32>
          %broadcast_in_dim3A_480 = vector.broadcast %reduce_sum3A_479 : f32 to vector<16xf32>
          %select_n3A_481 = arith.select %eq3A_474, %broadcast_in_dim3A_480, %select_n3A_409 : vector<16xi1>, vector<16xf32>
          %add3A_482 = arith.constant 5 : i32
          %add3A_483 = arith.addi %mul3A_122, %add3A_482 : i32
          %get3A_484 = arith.index_cast %add3A_483 : i32 to index
          %get3A_485 = arith.constant 0 : index
          %get3A_486 = tpu.vector_load %arg10[%get3A_484, %get3A_485] {strides = array<i32>} : memref<128x128xi32, #tpu.memory_space<vmem>>, vector<16xi32>,
          %bitcast3A_487 = vector.bitcast %get3A_486 : vector<16xi32> to vector<32xbf16>
          %mul3A_488 = arith.mulf %bitcast3A_487, %bitcast3A_21 : vector<32xbf16>
          %get3A_489 = arith.index_cast %add3A_483 : i32 to index
          %get3A_490 = arith.constant 16 : index
          %get3A_491 = tpu.vector_load %arg10[%get3A_489, %get3A_490] {strides = array<i32>} : memref<128x128xi32, #tpu.memory_space<vmem>>, vector<16xi32>,
          %bitcast3A_492 = vector.bitcast %get3A_491 : vector<16xi32> to vector<32xbf16>
          %mul3A_493 = arith.mulf %bitcast3A_492, %bitcast3A_24 : vector<32xbf16>
          %get3A_494 = arith.index_cast %add3A_483 : i32 to index
          %get3A_495 = arith.constant 32 : index
          %get3A_496 = tpu.vector_load %arg10[%get3A_494, %get3A_495] {strides = array<i32>} : memref<128x128xi32, #tpu.memory_space<vmem>>, vector<16xi32>,
          %bitcast3A_497 = vector.bitcast %get3A_496 : vector<16xi32> to vector<32xbf16>
          %mul3A_498 = arith.mulf %bitcast3A_497, %bitcast3A_27 : vector<32xbf16>
          %get3A_499 = arith.index_cast %add3A_483 : i32 to index
          %get3A_500 = arith.constant 48 : index
          %get3A_501 = tpu.vector_load %arg10[%get3A_499, %get3A_500] {strides = array<i32>} : memref<128x128xi32, #tpu.memory_space<vmem>>, vector<16xi32>,
          %bitcast3A_502 = vector.bitcast %get3A_501 : vector<16xi32> to vector<32xbf16>
          %mul3A_503 = arith.mulf %bitcast3A_502, %bitcast3A_30 : vector<32xbf16>
          %get3A_504 = arith.index_cast %add3A_483 : i32 to index
          %get3A_505 = arith.constant 64 : index
          %get3A_506 = tpu.vector_load %arg10[%get3A_504, %get3A_505] {strides = array<i32>} : memref<128x128xi32, #tpu.memory_space<vmem>>, vector<16xi32>,
          %bitcast3A_507 = vector.bitcast %get3A_506 : vector<16xi32> to vector<32xbf16>
          %mul3A_508 = arith.mulf %bitcast3A_507, %bitcast3A : vector<32xbf16>
          %get3A_509 = arith.index_cast %add3A_483 : i32 to index
          %get3A_510 = arith.constant 80 : index
          %get3A_511 = tpu.vector_load %arg10[%get3A_509, %get3A_510] {strides = array<i32>} : memref<128x128xi32, #tpu.memory_space<vmem>>, vector<16xi32>,
          %bitcast3A_512 = vector.bitcast %get3A_511 : vector<16xi32> to vector<32xbf16>
          %mul3A_513 = arith.mulf %bitcast3A_512, %bitcast3A_12 : vector<32xbf16>
          %get3A_514 = arith.index_cast %add3A_483 : i32 to index
          %get3A_515 = arith.constant 96 : index
          %get3A_516 = tpu.vector_load %arg10[%get3A_514, %get3A_515] {strides = array<i32>} : memref<128x128xi32, #tpu.memory_space<vmem>>, vector<16xi32>,
          %bitcast3A_517 = vector.bitcast %get3A_516 : vector<16xi32> to vector<32xbf16>
          %mul3A_518 = arith.mulf %bitcast3A_517, %bitcast3A_15 : vector<32xbf16>
          %get3A_519 = arith.index_cast %add3A_483 : i32 to index
          %get3A_520 = arith.constant 112 : index
          %get3A_521 = tpu.vector_load %arg10[%get3A_519, %get3A_520] {strides = array<i32>} : memref<128x128xi32, #tpu.memory_space<vmem>>, vector<16xi32>,
          %bitcast3A_522 = vector.bitcast %get3A_521 : vector<16xi32> to vector<32xbf16>
          %mul3A_523 = arith.mulf %bitcast3A_522, %bitcast3A_18 : vector<32xbf16>
          %add3A_524 = arith.addf %mul3A_488, %mul3A_493 : vector<32xbf16>
          %add3A_525 = arith.addf %mul3A_498, %mul3A_503 : vector<32xbf16>
          %add3A_526 = arith.addf %add3A_524, %add3A_525 : vector<32xbf16>
          %add3A_527 = arith.addf %mul3A_508, %mul3A_513 : vector<32xbf16>
          %add3A_528 = arith.addf %mul3A_518, %mul3A_523 : vector<32xbf16>
          %add3A_529 = arith.addf %add3A_527, %add3A_528 : vector<32xbf16>
          %unpack3A_530 = tpu.unpack_subelements %add3A_526, 0 {pack_format = #tpu.pack_format<interleaved>} : vector<32xbf16> -> vector<16xf32>
          %unpack3A_531 = tpu.unpack_subelements %add3A_526, 1 {pack_format = #tpu.pack_format<interleaved>} : vector<32xbf16> -> vector<16xf32>
          %unpack3A_532 = tpu.unpack_subelements %add3A_529, 0 {pack_format = #tpu.pack_format<interleaved>} : vector<32xbf16> -> vector<16xf32>
          %unpack3A_533 = tpu.unpack_subelements %add3A_529, 1 {pack_format = #tpu.pack_format<interleaved>} : vector<32xbf16> -> vector<16xf32>
          %eq3A_534 = arith.constant 5 : i32
          %eq3A_535 = vector.broadcast %eq3A_534 : i32 to vector<16xi32>
          %eq3A_536 = arith.cmpi eq, %iota3A_89, %eq3A_535 : vector<16xi32>
          %add3A_537 = arith.addf %unpack3A_530, %unpack3A_531 : vector<16xf32>
          %reduce_sum3A_538 = arith.constant true
          %reduce_sum3A_539 = vector.broadcast %reduce_sum3A_538 : i1 to vector<16xi1>
          %reduce_sum3A_540 = tpu.scan <sum>, %add3A_537 masked %reduce_sum3A_539 : vector<16xf32>, vector<16xi1> -> vector<16xf32>
          %reduce_sum3A_541 = vector.extract %reduce_sum3A_540[15] : f32 from vector<16xf32>
          %broadcast_in_dim3A_542 = vector.broadcast %reduce_sum3A_541 : f32 to vector<16xf32>
          %select_n3A_543 = arith.select %eq3A_536, %broadcast_in_dim3A_542, %select_n3A_471 : vector<16xi1>, vector<16xf32>
          %eq3A_544 = arith.constant 5 : i32
          %eq3A_545 = vector.broadcast %eq3A_544 : i32 to vector<16xi32>
          %eq3A_546 = arith.cmpi eq, %iota3A_89, %eq3A_545 : vector<16xi32>
          %add3A_547 = arith.addf %unpack3A_532, %unpack3A_533 : vector<16xf32>
          %reduce_sum3A_548 = arith.constant true
          %reduce_sum3A_549 = vector.broadcast %reduce_sum3A_548 : i1 to vector<16xi1>
          %reduce_sum3A_550 = tpu.scan <sum>, %add3A_547 masked %reduce_sum3A_549 : vector<16xf32>, vector<16xi1> -> vector<16xf32>
          %reduce_sum3A_551 = vector.extract %reduce_sum3A_550[15] : f32 from vector<16xf32>
          %broadcast_in_dim3A_552 = vector.broadcast %reduce_sum3A_551 : f32 to vector<16xf32>
          %select_n3A_553 = arith.select %eq3A_546, %broadcast_in_dim3A_552, %select_n3A_481 : vector<16xi1>, vector<16xf32>
          %add3A_554 = arith.constant 6 : i32
          %add3A_555 = arith.addi %mul3A_122, %add3A_554 : i32
          %get3A_556 = arith.index_cast %add3A_555 : i32 to index
          %get3A_557 = arith.constant 0 : index
          %get3A_558 = tpu.vector_load %arg10[%get3A_556, %get3A_557] {strides = array<i32>} : memref<128x128xi32, #tpu.memory_space<vmem>>, vector<16xi32>,
          %bitcast3A_559 = vector.bitcast %get3A_558 : vector<16xi32> to vector<32xbf16>
          %mul3A_560 = arith.mulf %bitcast3A_559, %bitcast3A_21 : vector<32xbf16>
          %get3A_561 = arith.index_cast %add3A_555 : i32 to index
          %get3A_562 = arith.constant 16 : index
          %get3A_563 = tpu.vector_load %arg10[%get3A_561, %get3A_562] {strides = array<i32>} : memref<128x128xi32, #tpu.memory_space<vmem>>, vector<16xi32>,
          %bitcast3A_564 = vector.bitcast %get3A_563 : vector<16xi32> to vector<32xbf16>
          %mul3A_565 = arith.mulf %bitcast3A_564, %bitcast3A_24 : vector<32xbf16>
          %get3A_566 = arith.index_cast %add3A_555 : i32 to index
          %get3A_567 = arith.constant 32 : index
          %get3A_568 = tpu.vector_load %arg10[%get3A_566, %get3A_567] {strides = array<i32>} : memref<128x128xi32, #tpu.memory_space<vmem>>, vector<16xi32>,
          %bitcast3A_569 = vector.bitcast %get3A_568 : vector<16xi32> to vector<32xbf16>
          %mul3A_570 = arith.mulf %bitcast3A_569, %bitcast3A_27 : vector<32xbf16>
          %get3A_571 = arith.index_cast %add3A_555 : i32 to index
          %get3A_572 = arith.constant 48 : index
          %get3A_573 = tpu.vector_load %arg10[%get3A_571, %get3A_572] {strides = array<i32>} : memref<128x128xi32, #tpu.memory_space<vmem>>, vector<16xi32>,
          %bitcast3A_574 = vector.bitcast %get3A_573 : vector<16xi32> to vector<32xbf16>
          %mul3A_575 = arith.mulf %bitcast3A_574, %bitcast3A_30 : vector<32xbf16>
          %get3A_576 = arith.index_cast %add3A_555 : i32 to index
          %get3A_577 = arith.constant 64 : index
          %get3A_578 = tpu.vector_load %arg10[%get3A_576, %get3A_577] {strides = array<i32>} : memref<128x128xi32, #tpu.memory_space<vmem>>, vector<16xi32>,
          %bitcast3A_579 = vector.bitcast %get3A_578 : vector<16xi32> to vector<32xbf16>
          %mul3A_580 = arith.mulf %bitcast3A_579, %bitcast3A : vector<32xbf16>
          %get3A_581 = arith.index_cast %add3A_555 : i32 to index
          %get3A_582 = arith.constant 80 : index
          %get3A_583 = tpu.vector_load %arg10[%get3A_581, %get3A_582] {strides = array<i32>} : memref<128x128xi32, #tpu.memory_space<vmem>>, vector<16xi32>,
          %bitcast3A_584 = vector.bitcast %get3A_583 : vector<16xi32> to vector<32xbf16>
          %mul3A_585 = arith.mulf %bitcast3A_584, %bitcast3A_12 : vector<32xbf16>
          %get3A_586 = arith.index_cast %add3A_555 : i32 to index
          %get3A_587 = arith.constant 96 : index
          %get3A_588 = tpu.vector_load %arg10[%get3A_586, %get3A_587] {strides = array<i32>} : memref<128x128xi32, #tpu.memory_space<vmem>>, vector<16xi32>,
          %bitcast3A_589 = vector.bitcast %get3A_588 : vector<16xi32> to vector<32xbf16>
          %mul3A_590 = arith.mulf %bitcast3A_589, %bitcast3A_15 : vector<32xbf16>
          %get3A_591 = arith.index_cast %add3A_555 : i32 to index
          %get3A_592 = arith.constant 112 : index
          %get3A_593 = tpu.vector_load %arg10[%get3A_591, %get3A_592] {strides = array<i32>} : memref<128x128xi32, #tpu.memory_space<vmem>>, vector<16xi32>,
          %bitcast3A_594 = vector.bitcast %get3A_593 : vector<16xi32> to vector<32xbf16>
          %mul3A_595 = arith.mulf %bitcast3A_594, %bitcast3A_18 : vector<32xbf16>
          %add3A_596 = arith.addf %mul3A_560, %mul3A_565 : vector<32xbf16>
          %add3A_597 = arith.addf %mul3A_570, %mul3A_575 : vector<32xbf16>
          %add3A_598 = arith.addf %add3A_596, %add3A_597 : vector<32xbf16>
          %add3A_599 = arith.addf %mul3A_580, %mul3A_585 : vector<32xbf16>
          %add3A_600 = arith.addf %mul3A_590, %mul3A_595 : vector<32xbf16>
          %add3A_601 = arith.addf %add3A_599, %add3A_600 : vector<32xbf16>
          %unpack3A_602 = tpu.unpack_subelements %add3A_598, 0 {pack_format = #tpu.pack_format<interleaved>} : vector<32xbf16> -> vector<16xf32>
          %unpack3A_603 = tpu.unpack_subelements %add3A_598, 1 {pack_format = #tpu.pack_format<interleaved>} : vector<32xbf16> -> vector<16xf32>
          %unpack3A_604 = tpu.unpack_subelements %add3A_601, 0 {pack_format = #tpu.pack_format<interleaved>} : vector<32xbf16> -> vector<16xf32>
          %unpack3A_605 = tpu.unpack_subelements %add3A_601, 1 {pack_format = #tpu.pack_format<interleaved>} : vector<32xbf16> -> vector<16xf32>
          %eq3A_606 = arith.constant 6 : i32
          %eq3A_607 = vector.broadcast %eq3A_606 : i32 to vector<16xi32>
          %eq3A_608 = arith.cmpi eq, %iota3A_89, %eq3A_607 : vector<16xi32>
          %add3A_609 = arith.addf %unpack3A_602, %unpack3A_603 : vector<16xf32>
          %reduce_sum3A_610 = arith.constant true
          %reduce_sum3A_611 = vector.broadcast %reduce_sum3A_610 : i1 to vector<16xi1>
          %reduce_sum3A_612 = tpu.scan <sum>, %add3A_609 masked %reduce_sum3A_611 : vector<16xf32>, vector<16xi1> -> vector<16xf32>
          %reduce_sum3A_613 = vector.extract %reduce_sum3A_612[15] : f32 from vector<16xf32>
          %broadcast_in_dim3A_614 = vector.broadcast %reduce_sum3A_613 : f32 to vector<16xf32>
          %select_n3A_615 = arith.select %eq3A_608, %broadcast_in_dim3A_614, %select_n3A_543 : vector<16xi1>, vector<16xf32>
          %eq3A_616 = arith.constant 6 : i32
          %eq3A_617 = vector.broadcast %eq3A_616 : i32 to vector<16xi32>
          %eq3A_618 = arith.cmpi eq, %iota3A_89, %eq3A_617 : vector<16xi32>
          %add3A_619 = arith.addf %unpack3A_604, %unpack3A_605 : vector<16xf32>
          %reduce_sum3A_620 = arith.constant true
          %reduce_sum3A_621 = vector.broadcast %reduce_sum3A_620 : i1 to vector<16xi1>
          %reduce_sum3A_622 = tpu.scan <sum>, %add3A_619 masked %reduce_sum3A_621 : vector<16xf32>, vector<16xi1> -> vector<16xf32>
          %reduce_sum3A_623 = vector.extract %reduce_sum3A_622[15] : f32 from vector<16xf32>
          %broadcast_in_dim3A_624 = vector.broadcast %reduce_sum3A_623 : f32 to vector<16xf32>
          %select_n3A_625 = arith.select %eq3A_618, %broadcast_in_dim3A_624, %select_n3A_553 : vector<16xi1>, vector<16xf32>
          %add3A_626 = arith.constant 7 : i32
          %add3A_627 = arith.addi %mul3A_122, %add3A_626 : i32
          %get3A_628 = arith.index_cast %add3A_627 : i32 to index
          %get3A_629 = arith.constant 0 : index
          %get3A_630 = tpu.vector_load %arg10[%get3A_628, %get3A_629] {strides = array<i32>} : memref<128x128xi32, #tpu.memory_space<vmem>>, vector<16xi32>,
          %bitcast3A_631 = vector.bitcast %get3A_630 : vector<16xi32> to vector<32xbf16>
          %mul3A_632 = arith.mulf %bitcast3A_631, %bitcast3A_21 : vector<32xbf16>
          %get3A_633 = arith.index_cast %add3A_627 : i32 to index
          %get3A_634 = arith.constant 16 : index
          %get3A_635 = tpu.vector_load %arg10[%get3A_633, %get3A_634] {strides = array<i32>} : memref<128x128xi32, #tpu.memory_space<vmem>>, vector<16xi32>,
          %bitcast3A_636 = vector.bitcast %get3A_635 : vector<16xi32> to vector<32xbf16>
          %mul3A_637 = arith.mulf %bitcast3A_636, %bitcast3A_24 : vector<32xbf16>
          %get3A_638 = arith.index_cast %add3A_627 : i32 to index
          %get3A_639 = arith.constant 32 : index
          %get3A_640 = tpu.vector_load %arg10[%get3A_638, %get3A_639] {strides = array<i32>} : memref<128x128xi32, #tpu.memory_space<vmem>>, vector<16xi32>,
          %bitcast3A_641 = vector.bitcast %get3A_640 : vector<16xi32> to vector<32xbf16>
          %mul3A_642 = arith.mulf %bitcast3A_641, %bitcast3A_27 : vector<32xbf16>
          %get3A_643 = arith.index_cast %add3A_627 : i32 to index
          %get3A_644 = arith.constant 48 : index
          %get3A_645 = tpu.vector_load %arg10[%get3A_643, %get3A_644] {strides = array<i32>} : memref<128x128xi32, #tpu.memory_space<vmem>>, vector<16xi32>,
          %bitcast3A_646 = vector.bitcast %get3A_645 : vector<16xi32> to vector<32xbf16>
          %mul3A_647 = arith.mulf %bitcast3A_646, %bitcast3A_30 : vector<32xbf16>
          %get3A_648 = arith.index_cast %add3A_627 : i32 to index
          %get3A_649 = arith.constant 64 : index
          %get3A_650 = tpu.vector_load %arg10[%get3A_648, %get3A_649] {strides = array<i32>} : memref<128x128xi32, #tpu.memory_space<vmem>>, vector<16xi32>,
          %bitcast3A_651 = vector.bitcast %get3A_650 : vector<16xi32> to vector<32xbf16>
          %mul3A_652 = arith.mulf %bitcast3A_651, %bitcast3A : vector<32xbf16>
          %get3A_653 = arith.index_cast %add3A_627 : i32 to index
          %get3A_654 = arith.constant 80 : index
          %get3A_655 = tpu.vector_load %arg10[%get3A_653, %get3A_654] {strides = array<i32>} : memref<128x128xi32, #tpu.memory_space<vmem>>, vector<16xi32>,
          %bitcast3A_656 = vector.bitcast %get3A_655 : vector<16xi32> to vector<32xbf16>
          %mul3A_657 = arith.mulf %bitcast3A_656, %bitcast3A_12 : vector<32xbf16>
          %get3A_658 = arith.index_cast %add3A_627 : i32 to index
          %get3A_659 = arith.constant 96 : index
          %get3A_660 = tpu.vector_load %arg10[%get3A_658, %get3A_659] {strides = array<i32>} : memref<128x128xi32, #tpu.memory_space<vmem>>, vector<16xi32>,
          %bitcast3A_661 = vector.bitcast %get3A_660 : vector<16xi32> to vector<32xbf16>
          %mul3A_662 = arith.mulf %bitcast3A_661, %bitcast3A_15 : vector<32xbf16>
          %get3A_663 = arith.index_cast %add3A_627 : i32 to index
          %get3A_664 = arith.constant 112 : index
          %get3A_665 = tpu.vector_load %arg10[%get3A_663, %get3A_664] {strides = array<i32>} : memref<128x128xi32, #tpu.memory_space<vmem>>, vector<16xi32>,
          %bitcast3A_666 = vector.bitcast %get3A_665 : vector<16xi32> to vector<32xbf16>
          %mul3A_667 = arith.mulf %bitcast3A_666, %bitcast3A_18 : vector<32xbf16>
          %add3A_668 = arith.addf %mul3A_632, %mul3A_637 : vector<32xbf16>
          %add3A_669 = arith.addf %mul3A_642, %mul3A_647 : vector<32xbf16>
          %add3A_670 = arith.addf %add3A_668, %add3A_669 : vector<32xbf16>
          %add3A_671 = arith.addf %mul3A_652, %mul3A_657 : vector<32xbf16>
          %add3A_672 = arith.addf %mul3A_662, %mul3A_667 : vector<32xbf16>
          %add3A_673 = arith.addf %add3A_671, %add3A_672 : vector<32xbf16>
          %unpack3A_674 = tpu.unpack_subelements %add3A_670, 0 {pack_format = #tpu.pack_format<interleaved>} : vector<32xbf16> -> vector<16xf32>
          %unpack3A_675 = tpu.unpack_subelements %add3A_670, 1 {pack_format = #tpu.pack_format<interleaved>} : vector<32xbf16> -> vector<16xf32>
          %unpack3A_676 = tpu.unpack_subelements %add3A_673, 0 {pack_format = #tpu.pack_format<interleaved>} : vector<32xbf16> -> vector<16xf32>
          %unpack3A_677 = tpu.unpack_subelements %add3A_673, 1 {pack_format = #tpu.pack_format<interleaved>} : vector<32xbf16> -> vector<16xf32>
          %eq3A_678 = arith.constant 7 : i32
          %eq3A_679 = vector.broadcast %eq3A_678 : i32 to vector<16xi32>
          %eq3A_680 = arith.cmpi eq, %iota3A_89, %eq3A_679 : vector<16xi32>
          %add3A_681 = arith.addf %unpack3A_674, %unpack3A_675 : vector<16xf32>
          %reduce_sum3A_682 = arith.constant true
          %reduce_sum3A_683 = vector.broadcast %reduce_sum3A_682 : i1 to vector<16xi1>
          %reduce_sum3A_684 = tpu.scan <sum>, %add3A_681 masked %reduce_sum3A_683 : vector<16xf32>, vector<16xi1> -> vector<16xf32>
          %reduce_sum3A_685 = vector.extract %reduce_sum3A_684[15] : f32 from vector<16xf32>
          %broadcast_in_dim3A_686 = vector.broadcast %reduce_sum3A_685 : f32 to vector<16xf32>
          %select_n3A_687 = arith.select %eq3A_680, %broadcast_in_dim3A_686, %select_n3A_615 : vector<16xi1>, vector<16xf32>
          %eq3A_688 = arith.constant 7 : i32
          %eq3A_689 = vector.broadcast %eq3A_688 : i32 to vector<16xi32>
          %eq3A_690 = arith.cmpi eq, %iota3A_89, %eq3A_689 : vector<16xi32>
          %add3A_691 = arith.addf %unpack3A_676, %unpack3A_677 : vector<16xf32>
          %reduce_sum3A_692 = arith.constant true
          %reduce_sum3A_693 = vector.broadcast %reduce_sum3A_692 : i1 to vector<16xi1>
          %reduce_sum3A_694 = tpu.scan <sum>, %add3A_691 masked %reduce_sum3A_693 : vector<16xf32>, vector<16xi1> -> vector<16xf32>
          %reduce_sum3A_695 = vector.extract %reduce_sum3A_694[15] : f32 from vector<16xf32>
          %broadcast_in_dim3A_696 = vector.broadcast %reduce_sum3A_695 : f32 to vector<16xf32>
          %select_n3A_697 = arith.select %eq3A_690, %broadcast_in_dim3A_696, %select_n3A_625 : vector<16xi1>, vector<16xf32>
          %add3A_698 = arith.constant 8 : i32
          %add3A_699 = arith.addi %mul3A_122, %add3A_698 : i32
          %get3A_700 = arith.index_cast %add3A_699 : i32 to index
          %get3A_701 = arith.constant 0 : index
          %get3A_702 = tpu.vector_load %arg10[%get3A_700, %get3A_701] {strides = array<i32>} : memref<128x128xi32, #tpu.memory_space<vmem>>, vector<16xi32>,
          %bitcast3A_703 = vector.bitcast %get3A_702 : vector<16xi32> to vector<32xbf16>
          %mul3A_704 = arith.mulf %bitcast3A_703, %bitcast3A_21 : vector<32xbf16>
          %get3A_705 = arith.index_cast %add3A_699 : i32 to index
          %get3A_706 = arith.constant 16 : index
          %get3A_707 = tpu.vector_load %arg10[%get3A_705, %get3A_706] {strides = array<i32>} : memref<128x128xi32, #tpu.memory_space<vmem>>, vector<16xi32>,
          %bitcast3A_708 = vector.bitcast %get3A_707 : vector<16xi32> to vector<32xbf16>
          %mul3A_709 = arith.mulf %bitcast3A_708, %bitcast3A_24 : vector<32xbf16>
          %get3A_710 = arith.index_cast %add3A_699 : i32 to index
          %get3A_711 = arith.constant 32 : index
          %get3A_712 = tpu.vector_load %arg10[%get3A_710, %get3A_711] {strides = array<i32>} : memref<128x128xi32, #tpu.memory_space<vmem>>, vector<16xi32>,
          %bitcast3A_713 = vector.bitcast %get3A_712 : vector<16xi32> to vector<32xbf16>
          %mul3A_714 = arith.mulf %bitcast3A_713, %bitcast3A_27 : vector<32xbf16>
          %get3A_715 = arith.index_cast %add3A_699 : i32 to index
          %get3A_716 = arith.constant 48 : index
          %get3A_717 = tpu.vector_load %arg10[%get3A_715, %get3A_716] {strides = array<i32>} : memref<128x128xi32, #tpu.memory_space<vmem>>, vector<16xi32>,
          %bitcast3A_718 = vector.bitcast %get3A_717 : vector<16xi32> to vector<32xbf16>
          %mul3A_719 = arith.mulf %bitcast3A_718, %bitcast3A_30 : vector<32xbf16>
          %get3A_720 = arith.index_cast %add3A_699 : i32 to index
          %get3A_721 = arith.constant 64 : index
          %get3A_722 = tpu.vector_load %arg10[%get3A_720, %get3A_721] {strides = array<i32>} : memref<128x128xi32, #tpu.memory_space<vmem>>, vector<16xi32>,
          %bitcast3A_723 = vector.bitcast %get3A_722 : vector<16xi32> to vector<32xbf16>
          %mul3A_724 = arith.mulf %bitcast3A_723, %bitcast3A : vector<32xbf16>
          %get3A_725 = arith.index_cast %add3A_699 : i32 to index
          %get3A_726 = arith.constant 80 : index
          %get3A_727 = tpu.vector_load %arg10[%get3A_725, %get3A_726] {strides = array<i32>} : memref<128x128xi32, #tpu.memory_space<vmem>>, vector<16xi32>,
          %bitcast3A_728 = vector.bitcast %get3A_727 : vector<16xi32> to vector<32xbf16>
          %mul3A_729 = arith.mulf %bitcast3A_728, %bitcast3A_12 : vector<32xbf16>
          %get3A_730 = arith.index_cast %add3A_699 : i32 to index
          %get3A_731 = arith.constant 96 : index
          %get3A_732 = tpu.vector_load %arg10[%get3A_730, %get3A_731] {strides = array<i32>} : memref<128x128xi32, #tpu.memory_space<vmem>>, vector<16xi32>,
          %bitcast3A_733 = vector.bitcast %get3A_732 : vector<16xi32> to vector<32xbf16>
          %mul3A_734 = arith.mulf %bitcast3A_733, %bitcast3A_15 : vector<32xbf16>
          %get3A_735 = arith.index_cast %add3A_699 : i32 to index
          %get3A_736 = arith.constant 112 : index
          %get3A_737 = tpu.vector_load %arg10[%get3A_735, %get3A_736] {strides = array<i32>} : memref<128x128xi32, #tpu.memory_space<vmem>>, vector<16xi32>,
          %bitcast3A_738 = vector.bitcast %get3A_737 : vector<16xi32> to vector<32xbf16>
          %mul3A_739 = arith.mulf %bitcast3A_738, %bitcast3A_18 : vector<32xbf16>
          %add3A_740 = arith.addf %mul3A_704, %mul3A_709 : vector<32xbf16>
          %add3A_741 = arith.addf %mul3A_714, %mul3A_719 : vector<32xbf16>
          %add3A_742 = arith.addf %add3A_740, %add3A_741 : vector<32xbf16>
          %add3A_743 = arith.addf %mul3A_724, %mul3A_729 : vector<32xbf16>
          %add3A_744 = arith.addf %mul3A_734, %mul3A_739 : vector<32xbf16>
          %add3A_745 = arith.addf %add3A_743, %add3A_744 : vector<32xbf16>
          %unpack3A_746 = tpu.unpack_subelements %add3A_742, 0 {pack_format = #tpu.pack_format<interleaved>} : vector<32xbf16> -> vector<16xf32>
          %unpack3A_747 = tpu.unpack_subelements %add3A_742, 1 {pack_format = #tpu.pack_format<interleaved>} : vector<32xbf16> -> vector<16xf32>
          %unpack3A_748 = tpu.unpack_subelements %add3A_745, 0 {pack_format = #tpu.pack_format<interleaved>} : vector<32xbf16> -> vector<16xf32>
          %unpack3A_749 = tpu.unpack_subelements %add3A_745, 1 {pack_format = #tpu.pack_format<interleaved>} : vector<32xbf16> -> vector<16xf32>
          %eq3A_750 = arith.constant 8 : i32
          %eq3A_751 = vector.broadcast %eq3A_750 : i32 to vector<16xi32>
          %eq3A_752 = arith.cmpi eq, %iota3A_89, %eq3A_751 : vector<16xi32>
          %add3A_753 = arith.addf %unpack3A_746, %unpack3A_747 : vector<16xf32>
          %reduce_sum3A_754 = arith.constant true
          %reduce_sum3A_755 = vector.broadcast %reduce_sum3A_754 : i1 to vector<16xi1>
          %reduce_sum3A_756 = tpu.scan <sum>, %add3A_753 masked %reduce_sum3A_755 : vector<16xf32>, vector<16xi1> -> vector<16xf32>
          %reduce_sum3A_757 = vector.extract %reduce_sum3A_756[15] : f32 from vector<16xf32>
          %broadcast_in_dim3A_758 = vector.broadcast %reduce_sum3A_757 : f32 to vector<16xf32>
          %select_n3A_759 = arith.select %eq3A_752, %broadcast_in_dim3A_758, %select_n3A_687 : vector<16xi1>, vector<16xf32>
          %eq3A_760 = arith.constant 8 : i32
          %eq3A_761 = vector.broadcast %eq3A_760 : i32 to vector<16xi32>
          %eq3A_762 = arith.cmpi eq, %iota3A_89, %eq3A_761 : vector<16xi32>
          %add3A_763 = arith.addf %unpack3A_748, %unpack3A_749 : vector<16xf32>
          %reduce_sum3A_764 = arith.constant true
          %reduce_sum3A_765 = vector.broadcast %reduce_sum3A_764 : i1 to vector<16xi1>
          %reduce_sum3A_766 = tpu.scan <sum>, %add3A_763 masked %reduce_sum3A_765 : vector<16xf32>, vector<16xi1> -> vector<16xf32>
          %reduce_sum3A_767 = vector.extract %reduce_sum3A_766[15] : f32 from vector<16xf32>
          %broadcast_in_dim3A_768 = vector.broadcast %reduce_sum3A_767 : f32 to vector<16xf32>
          %select_n3A_769 = arith.select %eq3A_762, %broadcast_in_dim3A_768, %select_n3A_697 : vector<16xi1>, vector<16xf32>
          %add3A_770 = arith.constant 9 : i32
          %add3A_771 = arith.addi %mul3A_122, %add3A_770 : i32
          %get3A_772 = arith.index_cast %add3A_771 : i32 to index
          %get3A_773 = arith.constant 0 : index
          %get3A_774 = tpu.vector_load %arg10[%get3A_772, %get3A_773] {strides = array<i32>} : memref<128x128xi32, #tpu.memory_space<vmem>>, vector<16xi32>,
          %bitcast3A_775 = vector.bitcast %get3A_774 : vector<16xi32> to vector<32xbf16>
          %mul3A_776 = arith.mulf %bitcast3A_775, %bitcast3A_21 : vector<32xbf16>
          %get3A_777 = arith.index_cast %add3A_771 : i32 to index
          %get3A_778 = arith.constant 16 : index
          %get3A_779 = tpu.vector_load %arg10[%get3A_777, %get3A_778] {strides = array<i32>} : memref<128x128xi32, #tpu.memory_space<vmem>>, vector<16xi32>,
          %bitcast3A_780 = vector.bitcast %get3A_779 : vector<16xi32> to vector<32xbf16>
          %mul3A_781 = arith.mulf %bitcast3A_780, %bitcast3A_24 : vector<32xbf16>
          %get3A_782 = arith.index_cast %add3A_771 : i32 to index
          %get3A_783 = arith.constant 32 : index
          %get3A_784 = tpu.vector_load %arg10[%get3A_782, %get3A_783] {strides = array<i32>} : memref<128x128xi32, #tpu.memory_space<vmem>>, vector<16xi32>,
          %bitcast3A_785 = vector.bitcast %get3A_784 : vector<16xi32> to vector<32xbf16>
          %mul3A_786 = arith.mulf %bitcast3A_785, %bitcast3A_27 : vector<32xbf16>
          %get3A_787 = arith.index_cast %add3A_771 : i32 to index
          %get3A_788 = arith.constant 48 : index
          %get3A_789 = tpu.vector_load %arg10[%get3A_787, %get3A_788] {strides = array<i32>} : memref<128x128xi32, #tpu.memory_space<vmem>>, vector<16xi32>,
          %bitcast3A_790 = vector.bitcast %get3A_789 : vector<16xi32> to vector<32xbf16>
          %mul3A_791 = arith.mulf %bitcast3A_790, %bitcast3A_30 : vector<32xbf16>
          %get3A_792 = arith.index_cast %add3A_771 : i32 to index
          %get3A_793 = arith.constant 64 : index
          %get3A_794 = tpu.vector_load %arg10[%get3A_792, %get3A_793] {strides = array<i32>} : memref<128x128xi32, #tpu.memory_space<vmem>>, vector<16xi32>,
          %bitcast3A_795 = vector.bitcast %get3A_794 : vector<16xi32> to vector<32xbf16>
          %mul3A_796 = arith.mulf %bitcast3A_795, %bitcast3A : vector<32xbf16>
          %get3A_797 = arith.index_cast %add3A_771 : i32 to index
          %get3A_798 = arith.constant 80 : index
          %get3A_799 = tpu.vector_load %arg10[%get3A_797, %get3A_798] {strides = array<i32>} : memref<128x128xi32, #tpu.memory_space<vmem>>, vector<16xi32>,
          %bitcast3A_800 = vector.bitcast %get3A_799 : vector<16xi32> to vector<32xbf16>
          %mul3A_801 = arith.mulf %bitcast3A_800, %bitcast3A_12 : vector<32xbf16>
          %get3A_802 = arith.index_cast %add3A_771 : i32 to index
          %get3A_803 = arith.constant 96 : index
          %get3A_804 = tpu.vector_load %arg10[%get3A_802, %get3A_803] {strides = array<i32>} : memref<128x128xi32, #tpu.memory_space<vmem>>, vector<16xi32>,
          %bitcast3A_805 = vector.bitcast %get3A_804 : vector<16xi32> to vector<32xbf16>
          %mul3A_806 = arith.mulf %bitcast3A_805, %bitcast3A_15 : vector<32xbf16>
          %get3A_807 = arith.index_cast %add3A_771 : i32 to index
          %get3A_808 = arith.constant 112 : index
          %get3A_809 = tpu.vector_load %arg10[%get3A_807, %get3A_808] {strides = array<i32>} : memref<128x128xi32, #tpu.memory_space<vmem>>, vector<16xi32>,
          %bitcast3A_810 = vector.bitcast %get3A_809 : vector<16xi32> to vector<32xbf16>
          %mul3A_811 = arith.mulf %bitcast3A_810, %bitcast3A_18 : vector<32xbf16>
          %add3A_812 = arith.addf %mul3A_776, %mul3A_781 : vector<32xbf16>
          %add3A_813 = arith.addf %mul3A_786, %mul3A_791 : vector<32xbf16>
          %add3A_814 = arith.addf %add3A_812, %add3A_813 : vector<32xbf16>
          %add3A_815 = arith.addf %mul3A_796, %mul3A_801 : vector<32xbf16>
          %add3A_816 = arith.addf %mul3A_806, %mul3A_811 : vector<32xbf16>
          %add3A_817 = arith.addf %add3A_815, %add3A_816 : vector<32xbf16>
          %unpack3A_818 = tpu.unpack_subelements %add3A_814, 0 {pack_format = #tpu.pack_format<interleaved>} : vector<32xbf16> -> vector<16xf32>
          %unpack3A_819 = tpu.unpack_subelements %add3A_814, 1 {pack_format = #tpu.pack_format<interleaved>} : vector<32xbf16> -> vector<16xf32>
          %unpack3A_820 = tpu.unpack_subelements %add3A_817, 0 {pack_format = #tpu.pack_format<interleaved>} : vector<32xbf16> -> vector<16xf32>
          %unpack3A_821 = tpu.unpack_subelements %add3A_817, 1 {pack_format = #tpu.pack_format<interleaved>} : vector<32xbf16> -> vector<16xf32>
          %eq3A_822 = arith.constant 9 : i32
          %eq3A_823 = vector.broadcast %eq3A_822 : i32 to vector<16xi32>
          %eq3A_824 = arith.cmpi eq, %iota3A_89, %eq3A_823 : vector<16xi32>
          %add3A_825 = arith.addf %unpack3A_818, %unpack3A_819 : vector<16xf32>
          %reduce_sum3A_826 = arith.constant true
          %reduce_sum3A_827 = vector.broadcast %reduce_sum3A_826 : i1 to vector<16xi1>
          %reduce_sum3A_828 = tpu.scan <sum>, %add3A_825 masked %reduce_sum3A_827 : vector<16xf32>, vector<16xi1> -> vector<16xf32>
          %reduce_sum3A_829 = vector.extract %reduce_sum3A_828[15] : f32 from vector<16xf32>
          %broadcast_in_dim3A_830 = vector.broadcast %reduce_sum3A_829 : f32 to vector<16xf32>
          %select_n3A_831 = arith.select %eq3A_824, %broadcast_in_dim3A_830, %select_n3A_759 : vector<16xi1>, vector<16xf32>
          %eq3A_832 = arith.constant 9 : i32
          %eq3A_833 = vector.broadcast %eq3A_832 : i32 to vector<16xi32>
          %eq3A_834 = arith.cmpi eq, %iota3A_89, %eq3A_833 : vector<16xi32>
          %add3A_835 = arith.addf %unpack3A_820, %unpack3A_821 : vector<16xf32>
          %reduce_sum3A_836 = arith.constant true
          %reduce_sum3A_837 = vector.broadcast %reduce_sum3A_836 : i1 to vector<16xi1>
          %reduce_sum3A_838 = tpu.scan <sum>, %add3A_835 masked %reduce_sum3A_837 : vector<16xf32>, vector<16xi1> -> vector<16xf32>
          %reduce_sum3A_839 = vector.extract %reduce_sum3A_838[15] : f32 from vector<16xf32>
          %broadcast_in_dim3A_840 = vector.broadcast %reduce_sum3A_839 : f32 to vector<16xf32>
          %select_n3A_841 = arith.select %eq3A_834, %broadcast_in_dim3A_840, %select_n3A_769 : vector<16xi1>, vector<16xf32>
          %add3A_842 = arith.constant 10 : i32
          %add3A_843 = arith.addi %mul3A_122, %add3A_842 : i32
          %get3A_844 = arith.index_cast %add3A_843 : i32 to index
          %get3A_845 = arith.constant 0 : index
          %get3A_846 = tpu.vector_load %arg10[%get3A_844, %get3A_845] {strides = array<i32>} : memref<128x128xi32, #tpu.memory_space<vmem>>, vector<16xi32>,
          %bitcast3A_847 = vector.bitcast %get3A_846 : vector<16xi32> to vector<32xbf16>
          %mul3A_848 = arith.mulf %bitcast3A_847, %bitcast3A_21 : vector<32xbf16>
          %get3A_849 = arith.index_cast %add3A_843 : i32 to index
          %get3A_850 = arith.constant 16 : index
          %get3A_851 = tpu.vector_load %arg10[%get3A_849, %get3A_850] {strides = array<i32>} : memref<128x128xi32, #tpu.memory_space<vmem>>, vector<16xi32>,
          %bitcast3A_852 = vector.bitcast %get3A_851 : vector<16xi32> to vector<32xbf16>
          %mul3A_853 = arith.mulf %bitcast3A_852, %bitcast3A_24 : vector<32xbf16>
          %get3A_854 = arith.index_cast %add3A_843 : i32 to index
          %get3A_855 = arith.constant 32 : index
          %get3A_856 = tpu.vector_load %arg10[%get3A_854, %get3A_855] {strides = array<i32>} : memref<128x128xi32, #tpu.memory_space<vmem>>, vector<16xi32>,
          %bitcast3A_857 = vector.bitcast %get3A_856 : vector<16xi32> to vector<32xbf16>
          %mul3A_858 = arith.mulf %bitcast3A_857, %bitcast3A_27 : vector<32xbf16>
          %get3A_859 = arith.index_cast %add3A_843 : i32 to index
          %get3A_860 = arith.constant 48 : index
          %get3A_861 = tpu.vector_load %arg10[%get3A_859, %get3A_860] {strides = array<i32>} : memref<128x128xi32, #tpu.memory_space<vmem>>, vector<16xi32>,
          %bitcast3A_862 = vector.bitcast %get3A_861 : vector<16xi32> to vector<32xbf16>
          %mul3A_863 = arith.mulf %bitcast3A_862, %bitcast3A_30 : vector<32xbf16>
          %get3A_864 = arith.index_cast %add3A_843 : i32 to index
          %get3A_865 = arith.constant 64 : index
          %get3A_866 = tpu.vector_load %arg10[%get3A_864, %get3A_865] {strides = array<i32>} : memref<128x128xi32, #tpu.memory_space<vmem>>, vector<16xi32>,
          %bitcast3A_867 = vector.bitcast %get3A_866 : vector<16xi32> to vector<32xbf16>
          %mul3A_868 = arith.mulf %bitcast3A_867, %bitcast3A : vector<32xbf16>
          %get3A_869 = arith.index_cast %add3A_843 : i32 to index
          %get3A_870 = arith.constant 80 : index
          %get3A_871 = tpu.vector_load %arg10[%get3A_869, %get3A_870] {strides = array<i32>} : memref<128x128xi32, #tpu.memory_space<vmem>>, vector<16xi32>,
          %bitcast3A_872 = vector.bitcast %get3A_871 : vector<16xi32> to vector<32xbf16>
          %mul3A_873 = arith.mulf %bitcast3A_872, %bitcast3A_12 : vector<32xbf16>
          %get3A_874 = arith.index_cast %add3A_843 : i32 to index
          %get3A_875 = arith.constant 96 : index
          %get3A_876 = tpu.vector_load %arg10[%get3A_874, %get3A_875] {strides = array<i32>} : memref<128x128xi32, #tpu.memory_space<vmem>>, vector<16xi32>,
          %bitcast3A_877 = vector.bitcast %get3A_876 : vector<16xi32> to vector<32xbf16>
          %mul3A_878 = arith.mulf %bitcast3A_877, %bitcast3A_15 : vector<32xbf16>
          %get3A_879 = arith.index_cast %add3A_843 : i32 to index
          %get3A_880 = arith.constant 112 : index
          %get3A_881 = tpu.vector_load %arg10[%get3A_879, %get3A_880] {strides = array<i32>} : memref<128x128xi32, #tpu.memory_space<vmem>>, vector<16xi32>,
          %bitcast3A_882 = vector.bitcast %get3A_881 : vector<16xi32> to vector<32xbf16>
          %mul3A_883 = arith.mulf %bitcast3A_882, %bitcast3A_18 : vector<32xbf16>
          %add3A_884 = arith.addf %mul3A_848, %mul3A_853 : vector<32xbf16>
          %add3A_885 = arith.addf %mul3A_858, %mul3A_863 : vector<32xbf16>
          %add3A_886 = arith.addf %add3A_884, %add3A_885 : vector<32xbf16>
          %add3A_887 = arith.addf %mul3A_868, %mul3A_873 : vector<32xbf16>
          %add3A_888 = arith.addf %mul3A_878, %mul3A_883 : vector<32xbf16>
          %add3A_889 = arith.addf %add3A_887, %add3A_888 : vector<32xbf16>
          %unpack3A_890 = tpu.unpack_subelements %add3A_886, 0 {pack_format = #tpu.pack_format<interleaved>} : vector<32xbf16> -> vector<16xf32>
          %unpack3A_891 = tpu.unpack_subelements %add3A_886, 1 {pack_format = #tpu.pack_format<interleaved>} : vector<32xbf16> -> vector<16xf32>
          %unpack3A_892 = tpu.unpack_subelements %add3A_889, 0 {pack_format = #tpu.pack_format<interleaved>} : vector<32xbf16> -> vector<16xf32>
          %unpack3A_893 = tpu.unpack_subelements %add3A_889, 1 {pack_format = #tpu.pack_format<interleaved>} : vector<32xbf16> -> vector<16xf32>
          %eq3A_894 = arith.constant 10 : i32
          %eq3A_895 = vector.broadcast %eq3A_894 : i32 to vector<16xi32>
          %eq3A_896 = arith.cmpi eq, %iota3A_89, %eq3A_895 : vector<16xi32>
          %add3A_897 = arith.addf %unpack3A_890, %unpack3A_891 : vector<16xf32>
          %reduce_sum3A_898 = arith.constant true
          %reduce_sum3A_899 = vector.broadcast %reduce_sum3A_898 : i1 to vector<16xi1>
          %reduce_sum3A_900 = tpu.scan <sum>, %add3A_897 masked %reduce_sum3A_899 : vector<16xf32>, vector<16xi1> -> vector<16xf32>
          %reduce_sum3A_901 = vector.extract %reduce_sum3A_900[15] : f32 from vector<16xf32>
          %broadcast_in_dim3A_902 = vector.broadcast %reduce_sum3A_901 : f32 to vector<16xf32>
          %select_n3A_903 = arith.select %eq3A_896, %broadcast_in_dim3A_902, %select_n3A_831 : vector<16xi1>, vector<16xf32>
          %eq3A_904 = arith.constant 10 : i32
          %eq3A_905 = vector.broadcast %eq3A_904 : i32 to vector<16xi32>
          %eq3A_906 = arith.cmpi eq, %iota3A_89, %eq3A_905 : vector<16xi32>
          %add3A_907 = arith.addf %unpack3A_892, %unpack3A_893 : vector<16xf32>
          %reduce_sum3A_908 = arith.constant true
          %reduce_sum3A_909 = vector.broadcast %reduce_sum3A_908 : i1 to vector<16xi1>
          %reduce_sum3A_910 = tpu.scan <sum>, %add3A_907 masked %reduce_sum3A_909 : vector<16xf32>, vector<16xi1> -> vector<16xf32>
          %reduce_sum3A_911 = vector.extract %reduce_sum3A_910[15] : f32 from vector<16xf32>
          %broadcast_in_dim3A_912 = vector.broadcast %reduce_sum3A_911 : f32 to vector<16xf32>
          %select_n3A_913 = arith.select %eq3A_906, %broadcast_in_dim3A_912, %select_n3A_841 : vector<16xi1>, vector<16xf32>
          %add3A_914 = arith.constant 11 : i32
          %add3A_915 = arith.addi %mul3A_122, %add3A_914 : i32
          %get3A_916 = arith.index_cast %add3A_915 : i32 to index
          %get3A_917 = arith.constant 0 : index
          %get3A_918 = tpu.vector_load %arg10[%get3A_916, %get3A_917] {strides = array<i32>} : memref<128x128xi32, #tpu.memory_space<vmem>>, vector<16xi32>,
          %bitcast3A_919 = vector.bitcast %get3A_918 : vector<16xi32> to vector<32xbf16>
          %mul3A_920 = arith.mulf %bitcast3A_919, %bitcast3A_21 : vector<32xbf16>
          %get3A_921 = arith.index_cast %add3A_915 : i32 to index
          %get3A_922 = arith.constant 16 : index
          %get3A_923 = tpu.vector_load %arg10[%get3A_921, %get3A_922] {strides = array<i32>} : memref<128x128xi32, #tpu.memory_space<vmem>>, vector<16xi32>,
          %bitcast3A_924 = vector.bitcast %get3A_923 : vector<16xi32> to vector<32xbf16>
          %mul3A_925 = arith.mulf %bitcast3A_924, %bitcast3A_24 : vector<32xbf16>
          %get3A_926 = arith.index_cast %add3A_915 : i32 to index
          %get3A_927 = arith.constant 32 : index
          %get3A_928 = tpu.vector_load %arg10[%get3A_926, %get3A_927] {strides = array<i32>} : memref<128x128xi32, #tpu.memory_space<vmem>>, vector<16xi32>,
          %bitcast3A_929 = vector.bitcast %get3A_928 : vector<16xi32> to vector<32xbf16>
          %mul3A_930 = arith.mulf %bitcast3A_929, %bitcast3A_27 : vector<32xbf16>
          %get3A_931 = arith.index_cast %add3A_915 : i32 to index
          %get3A_932 = arith.constant 48 : index
          %get3A_933 = tpu.vector_load %arg10[%get3A_931, %get3A_932] {strides = array<i32>} : memref<128x128xi32, #tpu.memory_space<vmem>>, vector<16xi32>,
          %bitcast3A_934 = vector.bitcast %get3A_933 : vector<16xi32> to vector<32xbf16>
          %mul3A_935 = arith.mulf %bitcast3A_934, %bitcast3A_30 : vector<32xbf16>
          %get3A_936 = arith.index_cast %add3A_915 : i32 to index
          %get3A_937 = arith.constant 64 : index
          %get3A_938 = tpu.vector_load %arg10[%get3A_936, %get3A_937] {strides = array<i32>} : memref<128x128xi32, #tpu.memory_space<vmem>>, vector<16xi32>,
          %bitcast3A_939 = vector.bitcast %get3A_938 : vector<16xi32> to vector<32xbf16>
          %mul3A_940 = arith.mulf %bitcast3A_939, %bitcast3A : vector<32xbf16>
          %get3A_941 = arith.index_cast %add3A_915 : i32 to index
          %get3A_942 = arith.constant 80 : index
          %get3A_943 = tpu.vector_load %arg10[%get3A_941, %get3A_942] {strides = array<i32>} : memref<128x128xi32, #tpu.memory_space<vmem>>, vector<16xi32>,
          %bitcast3A_944 = vector.bitcast %get3A_943 : vector<16xi32> to vector<32xbf16>
          %mul3A_945 = arith.mulf %bitcast3A_944, %bitcast3A_12 : vector<32xbf16>
          %get3A_946 = arith.index_cast %add3A_915 : i32 to index
          %get3A_947 = arith.constant 96 : index
          %get3A_948 = tpu.vector_load %arg10[%get3A_946, %get3A_947] {strides = array<i32>} : memref<128x128xi32, #tpu.memory_space<vmem>>, vector<16xi32>,
          %bitcast3A_949 = vector.bitcast %get3A_948 : vector<16xi32> to vector<32xbf16>
          %mul3A_950 = arith.mulf %bitcast3A_949, %bitcast3A_15 : vector<32xbf16>
          %get3A_951 = arith.index_cast %add3A_915 : i32 to index
          %get3A_952 = arith.constant 112 : index
          %get3A_953 = tpu.vector_load %arg10[%get3A_951, %get3A_952] {strides = array<i32>} : memref<128x128xi32, #tpu.memory_space<vmem>>, vector<16xi32>,
          %bitcast3A_954 = vector.bitcast %get3A_953 : vector<16xi32> to vector<32xbf16>
          %mul3A_955 = arith.mulf %bitcast3A_954, %bitcast3A_18 : vector<32xbf16>
          %add3A_956 = arith.addf %mul3A_920, %mul3A_925 : vector<32xbf16>
          %add3A_957 = arith.addf %mul3A_930, %mul3A_935 : vector<32xbf16>
          %add3A_958 = arith.addf %add3A_956, %add3A_957 : vector<32xbf16>
          %add3A_959 = arith.addf %mul3A_940, %mul3A_945 : vector<32xbf16>
          %add3A_960 = arith.addf %mul3A_950, %mul3A_955 : vector<32xbf16>
          %add3A_961 = arith.addf %add3A_959, %add3A_960 : vector<32xbf16>
          %unpack3A_962 = tpu.unpack_subelements %add3A_958, 0 {pack_format = #tpu.pack_format<interleaved>} : vector<32xbf16> -> vector<16xf32>
          %unpack3A_963 = tpu.unpack_subelements %add3A_958, 1 {pack_format = #tpu.pack_format<interleaved>} : vector<32xbf16> -> vector<16xf32>
          %unpack3A_964 = tpu.unpack_subelements %add3A_961, 0 {pack_format = #tpu.pack_format<interleaved>} : vector<32xbf16> -> vector<16xf32>
          %unpack3A_965 = tpu.unpack_subelements %add3A_961, 1 {pack_format = #tpu.pack_format<interleaved>} : vector<32xbf16> -> vector<16xf32>
          %eq3A_966 = arith.constant 11 : i32
          %eq3A_967 = vector.broadcast %eq3A_966 : i32 to vector<16xi32>
          %eq3A_968 = arith.cmpi eq, %iota3A_89, %eq3A_967 : vector<16xi32>
          %add3A_969 = arith.addf %unpack3A_962, %unpack3A_963 : vector<16xf32>
          %reduce_sum3A_970 = arith.constant true
          %reduce_sum3A_971 = vector.broadcast %reduce_sum3A_970 : i1 to vector<16xi1>
          %reduce_sum3A_972 = tpu.scan <sum>, %add3A_969 masked %reduce_sum3A_971 : vector<16xf32>, vector<16xi1> -> vector<16xf32>
          %reduce_sum3A_973 = vector.extract %reduce_sum3A_972[15] : f32 from vector<16xf32>
          %broadcast_in_dim3A_974 = vector.broadcast %reduce_sum3A_973 : f32 to vector<16xf32>
          %select_n3A_975 = arith.select %eq3A_968, %broadcast_in_dim3A_974, %select_n3A_903 : vector<16xi1>, vector<16xf32>
          %eq3A_976 = arith.constant 11 : i32
          %eq3A_977 = vector.broadcast %eq3A_976 : i32 to vector<16xi32>
          %eq3A_978 = arith.cmpi eq, %iota3A_89, %eq3A_977 : vector<16xi32>
          %add3A_979 = arith.addf %unpack3A_964, %unpack3A_965 : vector<16xf32>
          %reduce_sum3A_980 = arith.constant true
          %reduce_sum3A_981 = vector.broadcast %reduce_sum3A_980 : i1 to vector<16xi1>
          %reduce_sum3A_982 = tpu.scan <sum>, %add3A_979 masked %reduce_sum3A_981 : vector<16xf32>, vector<16xi1> -> vector<16xf32>
          %reduce_sum3A_983 = vector.extract %reduce_sum3A_982[15] : f32 from vector<16xf32>
          %broadcast_in_dim3A_984 = vector.broadcast %reduce_sum3A_983 : f32 to vector<16xf32>
          %select_n3A_985 = arith.select %eq3A_978, %broadcast_in_dim3A_984, %select_n3A_913 : vector<16xi1>, vector<16xf32>
          %add3A_986 = arith.constant 12 : i32
          %add3A_987 = arith.addi %mul3A_122, %add3A_986 : i32
          %get3A_988 = arith.index_cast %add3A_987 : i32 to index
          %get3A_989 = arith.constant 0 : index
          %get3A_990 = tpu.vector_load %arg10[%get3A_988, %get3A_989] {strides = array<i32>} : memref<128x128xi32, #tpu.memory_space<vmem>>, vector<16xi32>,
          %bitcast3A_991 = vector.bitcast %get3A_990 : vector<16xi32> to vector<32xbf16>
          %mul3A_992 = arith.mulf %bitcast3A_991, %bitcast3A_21 : vector<32xbf16>
          %get3A_993 = arith.index_cast %add3A_987 : i32 to index
          %get3A_994 = arith.constant 16 : index
          %get3A_995 = tpu.vector_load %arg10[%get3A_993, %get3A_994] {strides = array<i32>} : memref<128x128xi32, #tpu.memory_space<vmem>>, vector<16xi32>,
          %bitcast3A_996 = vector.bitcast %get3A_995 : vector<16xi32> to vector<32xbf16>
          %mul3A_997 = arith.mulf %bitcast3A_996, %bitcast3A_24 : vector<32xbf16>
          %get3A_998 = arith.index_cast %add3A_987 : i32 to index
          %get3A_999 = arith.constant 32 : index
          %get3A_1000 = tpu.vector_load %arg10[%get3A_998, %get3A_999] {strides = array<i32>} : memref<128x128xi32, #tpu.memory_space<vmem>>, vector<16xi32>,
          %bitcast3A_1001 = vector.bitcast %get3A_1000 : vector<16xi32> to vector<32xbf16>
          %mul3A_1002 = arith.mulf %bitcast3A_1001, %bitcast3A_27 : vector<32xbf16>
          %get3A_1003 = arith.index_cast %add3A_987 : i32 to index
          %get3A_1004 = arith.constant 48 : index
          %get3A_1005 = tpu.vector_load %arg10[%get3A_1003, %get3A_1004] {strides = array<i32>} : memref<128x128xi32, #tpu.memory_space<vmem>>, vector<16xi32>,
          %bitcast3A_1006 = vector.bitcast %get3A_1005 : vector<16xi32> to vector<32xbf16>
          %mul3A_1007 = arith.mulf %bitcast3A_1006, %bitcast3A_30 : vector<32xbf16>
          %get3A_1008 = arith.index_cast %add3A_987 : i32 to index
          %get3A_1009 = arith.constant 64 : index
          %get3A_1010 = tpu.vector_load %arg10[%get3A_1008, %get3A_1009] {strides = array<i32>} : memref<128x128xi32, #tpu.memory_space<vmem>>, vector<16xi32>,
          %bitcast3A_1011 = vector.bitcast %get3A_1010 : vector<16xi32> to vector<32xbf16>
          %mul3A_1012 = arith.mulf %bitcast3A_1011, %bitcast3A : vector<32xbf16>
          %get3A_1013 = arith.index_cast %add3A_987 : i32 to index
          %get3A_1014 = arith.constant 80 : index
          %get3A_1015 = tpu.vector_load %arg10[%get3A_1013, %get3A_1014] {strides = array<i32>} : memref<128x128xi32, #tpu.memory_space<vmem>>, vector<16xi32>,
          %bitcast3A_1016 = vector.bitcast %get3A_1015 : vector<16xi32> to vector<32xbf16>
          %mul3A_1017 = arith.mulf %bitcast3A_1016, %bitcast3A_12 : vector<32xbf16>
          %get3A_1018 = arith.index_cast %add3A_987 : i32 to index
          %get3A_1019 = arith.constant 96 : index
          %get3A_1020 = tpu.vector_load %arg10[%get3A_1018, %get3A_1019] {strides = array<i32>} : memref<128x128xi32, #tpu.memory_space<vmem>>, vector<16xi32>,
          %bitcast3A_1021 = vector.bitcast %get3A_1020 : vector<16xi32> to vector<32xbf16>
          %mul3A_1022 = arith.mulf %bitcast3A_1021, %bitcast3A_15 : vector<32xbf16>
          %get3A_1023 = arith.index_cast %add3A_987 : i32 to index
          %get3A_1024 = arith.constant 112 : index
          %get3A_1025 = tpu.vector_load %arg10[%get3A_1023, %get3A_1024] {strides = array<i32>} : memref<128x128xi32, #tpu.memory_space<vmem>>, vector<16xi32>,
          %bitcast3A_1026 = vector.bitcast %get3A_1025 : vector<16xi32> to vector<32xbf16>
          %mul3A_1027 = arith.mulf %bitcast3A_1026, %bitcast3A_18 : vector<32xbf16>
          %add3A_1028 = arith.addf %mul3A_992, %mul3A_997 : vector<32xbf16>
          %add3A_1029 = arith.addf %mul3A_1002, %mul3A_1007 : vector<32xbf16>
          %add3A_1030 = arith.addf %add3A_1028, %add3A_1029 : vector<32xbf16>
          %add3A_1031 = arith.addf %mul3A_1012, %mul3A_1017 : vector<32xbf16>
          %add3A_1032 = arith.addf %mul3A_1022, %mul3A_1027 : vector<32xbf16>
          %add3A_1033 = arith.addf %add3A_1031, %add3A_1032 : vector<32xbf16>
          %unpack3A_1034 = tpu.unpack_subelements %add3A_1030, 0 {pack_format = #tpu.pack_format<interleaved>} : vector<32xbf16> -> vector<16xf32>
          %unpack3A_1035 = tpu.unpack_subelements %add3A_1030, 1 {pack_format = #tpu.pack_format<interleaved>} : vector<32xbf16> -> vector<16xf32>
          %unpack3A_1036 = tpu.unpack_subelements %add3A_1033, 0 {pack_format = #tpu.pack_format<interleaved>} : vector<32xbf16> -> vector<16xf32>
          %unpack3A_1037 = tpu.unpack_subelements %add3A_1033, 1 {pack_format = #tpu.pack_format<interleaved>} : vector<32xbf16> -> vector<16xf32>
          %eq3A_1038 = arith.constant 12 : i32
          %eq3A_1039 = vector.broadcast %eq3A_1038 : i32 to vector<16xi32>
          %eq3A_1040 = arith.cmpi eq, %iota3A_89, %eq3A_1039 : vector<16xi32>
          %add3A_1041 = arith.addf %unpack3A_1034, %unpack3A_1035 : vector<16xf32>
          %reduce_sum3A_1042 = arith.constant true
          %reduce_sum3A_1043 = vector.broadcast %reduce_sum3A_1042 : i1 to vector<16xi1>
          %reduce_sum3A_1044 = tpu.scan <sum>, %add3A_1041 masked %reduce_sum3A_1043 : vector<16xf32>, vector<16xi1> -> vector<16xf32>
          %reduce_sum3A_1045 = vector.extract %reduce_sum3A_1044[15] : f32 from vector<16xf32>
          %broadcast_in_dim3A_1046 = vector.broadcast %reduce_sum3A_1045 : f32 to vector<16xf32>
          %select_n3A_1047 = arith.select %eq3A_1040, %broadcast_in_dim3A_1046, %select_n3A_975 : vector<16xi1>, vector<16xf32>
          %eq3A_1048 = arith.constant 12 : i32
          %eq3A_1049 = vector.broadcast %eq3A_1048 : i32 to vector<16xi32>
          %eq3A_1050 = arith.cmpi eq, %iota3A_89, %eq3A_1049 : vector<16xi32>
          %add3A_1051 = arith.addf %unpack3A_1036, %unpack3A_1037 : vector<16xf32>
          %reduce_sum3A_1052 = arith.constant true
          %reduce_sum3A_1053 = vector.broadcast %reduce_sum3A_1052 : i1 to vector<16xi1>
          %reduce_sum3A_1054 = tpu.scan <sum>, %add3A_1051 masked %reduce_sum3A_1053 : vector<16xf32>, vector<16xi1> -> vector<16xf32>
          %reduce_sum3A_1055 = vector.extract %reduce_sum3A_1054[15] : f32 from vector<16xf32>
          %broadcast_in_dim3A_1056 = vector.broadcast %reduce_sum3A_1055 : f32 to vector<16xf32>
          %select_n3A_1057 = arith.select %eq3A_1050, %broadcast_in_dim3A_1056, %select_n3A_985 : vector<16xi1>, vector<16xf32>
          %add3A_1058 = arith.constant 13 : i32
          %add3A_1059 = arith.addi %mul3A_122, %add3A_1058 : i32
          %get3A_1060 = arith.index_cast %add3A_1059 : i32 to index
          %get3A_1061 = arith.constant 0 : index
          %get3A_1062 = tpu.vector_load %arg10[%get3A_1060, %get3A_1061] {strides = array<i32>} : memref<128x128xi32, #tpu.memory_space<vmem>>, vector<16xi32>,
          %bitcast3A_1063 = vector.bitcast %get3A_1062 : vector<16xi32> to vector<32xbf16>
          %mul3A_1064 = arith.mulf %bitcast3A_1063, %bitcast3A_21 : vector<32xbf16>
          %get3A_1065 = arith.index_cast %add3A_1059 : i32 to index
          %get3A_1066 = arith.constant 16 : index
          %get3A_1067 = tpu.vector_load %arg10[%get3A_1065, %get3A_1066] {strides = array<i32>} : memref<128x128xi32, #tpu.memory_space<vmem>>, vector<16xi32>,
          %bitcast3A_1068 = vector.bitcast %get3A_1067 : vector<16xi32> to vector<32xbf16>
          %mul3A_1069 = arith.mulf %bitcast3A_1068, %bitcast3A_24 : vector<32xbf16>
          %get3A_1070 = arith.index_cast %add3A_1059 : i32 to index
          %get3A_1071 = arith.constant 32 : index
          %get3A_1072 = tpu.vector_load %arg10[%get3A_1070, %get3A_1071] {strides = array<i32>} : memref<128x128xi32, #tpu.memory_space<vmem>>, vector<16xi32>,
          %bitcast3A_1073 = vector.bitcast %get3A_1072 : vector<16xi32> to vector<32xbf16>
          %mul3A_1074 = arith.mulf %bitcast3A_1073, %bitcast3A_27 : vector<32xbf16>
          %get3A_1075 = arith.index_cast %add3A_1059 : i32 to index
          %get3A_1076 = arith.constant 48 : index
          %get3A_1077 = tpu.vector_load %arg10[%get3A_1075, %get3A_1076] {strides = array<i32>} : memref<128x128xi32, #tpu.memory_space<vmem>>, vector<16xi32>,
          %bitcast3A_1078 = vector.bitcast %get3A_1077 : vector<16xi32> to vector<32xbf16>
          %mul3A_1079 = arith.mulf %bitcast3A_1078, %bitcast3A_30 : vector<32xbf16>
          %get3A_1080 = arith.index_cast %add3A_1059 : i32 to index
          %get3A_1081 = arith.constant 64 : index
          %get3A_1082 = tpu.vector_load %arg10[%get3A_1080, %get3A_1081] {strides = array<i32>} : memref<128x128xi32, #tpu.memory_space<vmem>>, vector<16xi32>,
          %bitcast3A_1083 = vector.bitcast %get3A_1082 : vector<16xi32> to vector<32xbf16>
          %mul3A_1084 = arith.mulf %bitcast3A_1083, %bitcast3A : vector<32xbf16>
          %get3A_1085 = arith.index_cast %add3A_1059 : i32 to index
          %get3A_1086 = arith.constant 80 : index
          %get3A_1087 = tpu.vector_load %arg10[%get3A_1085, %get3A_1086] {strides = array<i32>} : memref<128x128xi32, #tpu.memory_space<vmem>>, vector<16xi32>,
          %bitcast3A_1088 = vector.bitcast %get3A_1087 : vector<16xi32> to vector<32xbf16>
          %mul3A_1089 = arith.mulf %bitcast3A_1088, %bitcast3A_12 : vector<32xbf16>
          %get3A_1090 = arith.index_cast %add3A_1059 : i32 to index
          %get3A_1091 = arith.constant 96 : index
          %get3A_1092 = tpu.vector_load %arg10[%get3A_1090, %get3A_1091] {strides = array<i32>} : memref<128x128xi32, #tpu.memory_space<vmem>>, vector<16xi32>,
          %bitcast3A_1093 = vector.bitcast %get3A_1092 : vector<16xi32> to vector<32xbf16>
          %mul3A_1094 = arith.mulf %bitcast3A_1093, %bitcast3A_15 : vector<32xbf16>
          %get3A_1095 = arith.index_cast %add3A_1059 : i32 to index
          %get3A_1096 = arith.constant 112 : index
          %get3A_1097 = tpu.vector_load %arg10[%get3A_1095, %get3A_1096] {strides = array<i32>} : memref<128x128xi32, #tpu.memory_space<vmem>>, vector<16xi32>,
          %bitcast3A_1098 = vector.bitcast %get3A_1097 : vector<16xi32> to vector<32xbf16>
          %mul3A_1099 = arith.mulf %bitcast3A_1098, %bitcast3A_18 : vector<32xbf16>
          %add3A_1100 = arith.addf %mul3A_1064, %mul3A_1069 : vector<32xbf16>
          %add3A_1101 = arith.addf %mul3A_1074, %mul3A_1079 : vector<32xbf16>
          %add3A_1102 = arith.addf %add3A_1100, %add3A_1101 : vector<32xbf16>
          %add3A_1103 = arith.addf %mul3A_1084, %mul3A_1089 : vector<32xbf16>
          %add3A_1104 = arith.addf %mul3A_1094, %mul3A_1099 : vector<32xbf16>
          %add3A_1105 = arith.addf %add3A_1103, %add3A_1104 : vector<32xbf16>
          %unpack3A_1106 = tpu.unpack_subelements %add3A_1102, 0 {pack_format = #tpu.pack_format<interleaved>} : vector<32xbf16> -> vector<16xf32>
          %unpack3A_1107 = tpu.unpack_subelements %add3A_1102, 1 {pack_format = #tpu.pack_format<interleaved>} : vector<32xbf16> -> vector<16xf32>
          %unpack3A_1108 = tpu.unpack_subelements %add3A_1105, 0 {pack_format = #tpu.pack_format<interleaved>} : vector<32xbf16> -> vector<16xf32>
          %unpack3A_1109 = tpu.unpack_subelements %add3A_1105, 1 {pack_format = #tpu.pack_format<interleaved>} : vector<32xbf16> -> vector<16xf32>
          %eq3A_1110 = arith.constant 13 : i32
          %eq3A_1111 = vector.broadcast %eq3A_1110 : i32 to vector<16xi32>
          %eq3A_1112 = arith.cmpi eq, %iota3A_89, %eq3A_1111 : vector<16xi32>
          %add3A_1113 = arith.addf %unpack3A_1106, %unpack3A_1107 : vector<16xf32>
          %reduce_sum3A_1114 = arith.constant true
          %reduce_sum3A_1115 = vector.broadcast %reduce_sum3A_1114 : i1 to vector<16xi1>
          %reduce_sum3A_1116 = tpu.scan <sum>, %add3A_1113 masked %reduce_sum3A_1115 : vector<16xf32>, vector<16xi1> -> vector<16xf32>
          %reduce_sum3A_1117 = vector.extract %reduce_sum3A_1116[15] : f32 from vector<16xf32>
          %broadcast_in_dim3A_1118 = vector.broadcast %reduce_sum3A_1117 : f32 to vector<16xf32>
          %select_n3A_1119 = arith.select %eq3A_1112, %broadcast_in_dim3A_1118, %select_n3A_1047 : vector<16xi1>, vector<16xf32>
          %eq3A_1120 = arith.constant 13 : i32
          %eq3A_1121 = vector.broadcast %eq3A_1120 : i32 to vector<16xi32>
          %eq3A_1122 = arith.cmpi eq, %iota3A_89, %eq3A_1121 : vector<16xi32>
          %add3A_1123 = arith.addf %unpack3A_1108, %unpack3A_1109 : vector<16xf32>
          %reduce_sum3A_1124 = arith.constant true
          %reduce_sum3A_1125 = vector.broadcast %reduce_sum3A_1124 : i1 to vector<16xi1>
          %reduce_sum3A_1126 = tpu.scan <sum>, %add3A_1123 masked %reduce_sum3A_1125 : vector<16xf32>, vector<16xi1> -> vector<16xf32>
          %reduce_sum3A_1127 = vector.extract %reduce_sum3A_1126[15] : f32 from vector<16xf32>
          %broadcast_in_dim3A_1128 = vector.broadcast %reduce_sum3A_1127 : f32 to vector<16xf32>
          %select_n3A_1129 = arith.select %eq3A_1122, %broadcast_in_dim3A_1128, %select_n3A_1057 : vector<16xi1>, vector<16xf32>
          %add3A_1130 = arith.constant 14 : i32
          %add3A_1131 = arith.addi %mul3A_122, %add3A_1130 : i32
          %get3A_1132 = arith.index_cast %add3A_1131 : i32 to index
          %get3A_1133 = arith.constant 0 : index
          %get3A_1134 = tpu.vector_load %arg10[%get3A_1132, %get3A_1133] {strides = array<i32>} : memref<128x128xi32, #tpu.memory_space<vmem>>, vector<16xi32>,
          %bitcast3A_1135 = vector.bitcast %get3A_1134 : vector<16xi32> to vector<32xbf16>
          %mul3A_1136 = arith.mulf %bitcast3A_1135, %bitcast3A_21 : vector<32xbf16>
          %get3A_1137 = arith.index_cast %add3A_1131 : i32 to index
          %get3A_1138 = arith.constant 16 : index
          %get3A_1139 = tpu.vector_load %arg10[%get3A_1137, %get3A_1138] {strides = array<i32>} : memref<128x128xi32, #tpu.memory_space<vmem>>, vector<16xi32>,
          %bitcast3A_1140 = vector.bitcast %get3A_1139 : vector<16xi32> to vector<32xbf16>
          %mul3A_1141 = arith.mulf %bitcast3A_1140, %bitcast3A_24 : vector<32xbf16>
          %get3A_1142 = arith.index_cast %add3A_1131 : i32 to index
          %get3A_1143 = arith.constant 32 : index
          %get3A_1144 = tpu.vector_load %arg10[%get3A_1142, %get3A_1143] {strides = array<i32>} : memref<128x128xi32, #tpu.memory_space<vmem>>, vector<16xi32>,
          %bitcast3A_1145 = vector.bitcast %get3A_1144 : vector<16xi32> to vector<32xbf16>
          %mul3A_1146 = arith.mulf %bitcast3A_1145, %bitcast3A_27 : vector<32xbf16>
          %get3A_1147 = arith.index_cast %add3A_1131 : i32 to index
          %get3A_1148 = arith.constant 48 : index
          %get3A_1149 = tpu.vector_load %arg10[%get3A_1147, %get3A_1148] {strides = array<i32>} : memref<128x128xi32, #tpu.memory_space<vmem>>, vector<16xi32>,
          %bitcast3A_1150 = vector.bitcast %get3A_1149 : vector<16xi32> to vector<32xbf16>
          %mul3A_1151 = arith.mulf %bitcast3A_1150, %bitcast3A_30 : vector<32xbf16>
          %get3A_1152 = arith.index_cast %add3A_1131 : i32 to index
          %get3A_1153 = arith.constant 64 : index
          %get3A_1154 = tpu.vector_load %arg10[%get3A_1152, %get3A_1153] {strides = array<i32>} : memref<128x128xi32, #tpu.memory_space<vmem>>, vector<16xi32>,
          %bitcast3A_1155 = vector.bitcast %get3A_1154 : vector<16xi32> to vector<32xbf16>
          %mul3A_1156 = arith.mulf %bitcast3A_1155, %bitcast3A : vector<32xbf16>
          %get3A_1157 = arith.index_cast %add3A_1131 : i32 to index
          %get3A_1158 = arith.constant 80 : index
          %get3A_1159 = tpu.vector_load %arg10[%get3A_1157, %get3A_1158] {strides = array<i32>} : memref<128x128xi32, #tpu.memory_space<vmem>>, vector<16xi32>,
          %bitcast3A_1160 = vector.bitcast %get3A_1159 : vector<16xi32> to vector<32xbf16>
          %mul3A_1161 = arith.mulf %bitcast3A_1160, %bitcast3A_12 : vector<32xbf16>
          %get3A_1162 = arith.index_cast %add3A_1131 : i32 to index
          %get3A_1163 = arith.constant 96 : index
          %get3A_1164 = tpu.vector_load %arg10[%get3A_1162, %get3A_1163] {strides = array<i32>} : memref<128x128xi32, #tpu.memory_space<vmem>>, vector<16xi32>,
          %bitcast3A_1165 = vector.bitcast %get3A_1164 : vector<16xi32> to vector<32xbf16>
          %mul3A_1166 = arith.mulf %bitcast3A_1165, %bitcast3A_15 : vector<32xbf16>
          %get3A_1167 = arith.index_cast %add3A_1131 : i32 to index
          %get3A_1168 = arith.constant 112 : index
          %get3A_1169 = tpu.vector_load %arg10[%get3A_1167, %get3A_1168] {strides = array<i32>} : memref<128x128xi32, #tpu.memory_space<vmem>>, vector<16xi32>,
          %bitcast3A_1170 = vector.bitcast %get3A_1169 : vector<16xi32> to vector<32xbf16>
          %mul3A_1171 = arith.mulf %bitcast3A_1170, %bitcast3A_18 : vector<32xbf16>
          %add3A_1172 = arith.addf %mul3A_1136, %mul3A_1141 : vector<32xbf16>
          %add3A_1173 = arith.addf %mul3A_1146, %mul3A_1151 : vector<32xbf16>
          %add3A_1174 = arith.addf %add3A_1172, %add3A_1173 : vector<32xbf16>
          %add3A_1175 = arith.addf %mul3A_1156, %mul3A_1161 : vector<32xbf16>
          %add3A_1176 = arith.addf %mul3A_1166, %mul3A_1171 : vector<32xbf16>
          %add3A_1177 = arith.addf %add3A_1175, %add3A_1176 : vector<32xbf16>
          %unpack3A_1178 = tpu.unpack_subelements %add3A_1174, 0 {pack_format = #tpu.pack_format<interleaved>} : vector<32xbf16> -> vector<16xf32>
          %unpack3A_1179 = tpu.unpack_subelements %add3A_1174, 1 {pack_format = #tpu.pack_format<interleaved>} : vector<32xbf16> -> vector<16xf32>
          %unpack3A_1180 = tpu.unpack_subelements %add3A_1177, 0 {pack_format = #tpu.pack_format<interleaved>} : vector<32xbf16> -> vector<16xf32>
          %unpack3A_1181 = tpu.unpack_subelements %add3A_1177, 1 {pack_format = #tpu.pack_format<interleaved>} : vector<32xbf16> -> vector<16xf32>
          %eq3A_1182 = arith.constant 14 : i32
          %eq3A_1183 = vector.broadcast %eq3A_1182 : i32 to vector<16xi32>
          %eq3A_1184 = arith.cmpi eq, %iota3A_89, %eq3A_1183 : vector<16xi32>
          %add3A_1185 = arith.addf %unpack3A_1178, %unpack3A_1179 : vector<16xf32>
          %reduce_sum3A_1186 = arith.constant true
          %reduce_sum3A_1187 = vector.broadcast %reduce_sum3A_1186 : i1 to vector<16xi1>
          %reduce_sum3A_1188 = tpu.scan <sum>, %add3A_1185 masked %reduce_sum3A_1187 : vector<16xf32>, vector<16xi1> -> vector<16xf32>
          %reduce_sum3A_1189 = vector.extract %reduce_sum3A_1188[15] : f32 from vector<16xf32>
          %broadcast_in_dim3A_1190 = vector.broadcast %reduce_sum3A_1189 : f32 to vector<16xf32>
          %select_n3A_1191 = arith.select %eq3A_1184, %broadcast_in_dim3A_1190, %select_n3A_1119 : vector<16xi1>, vector<16xf32>
          %eq3A_1192 = arith.constant 14 : i32
          %eq3A_1193 = vector.broadcast %eq3A_1192 : i32 to vector<16xi32>
          %eq3A_1194 = arith.cmpi eq, %iota3A_89, %eq3A_1193 : vector<16xi32>
          %add3A_1195 = arith.addf %unpack3A_1180, %unpack3A_1181 : vector<16xf32>
          %reduce_sum3A_1196 = arith.constant true
          %reduce_sum3A_1197 = vector.broadcast %reduce_sum3A_1196 : i1 to vector<16xi1>
          %reduce_sum3A_1198 = tpu.scan <sum>, %add3A_1195 masked %reduce_sum3A_1197 : vector<16xf32>, vector<16xi1> -> vector<16xf32>
          %reduce_sum3A_1199 = vector.extract %reduce_sum3A_1198[15] : f32 from vector<16xf32>
          %broadcast_in_dim3A_1200 = vector.broadcast %reduce_sum3A_1199 : f32 to vector<16xf32>
          %select_n3A_1201 = arith.select %eq3A_1194, %broadcast_in_dim3A_1200, %select_n3A_1129 : vector<16xi1>, vector<16xf32>
          %add3A_1202 = arith.constant 15 : i32
          %add3A_1203 = arith.addi %mul3A_122, %add3A_1202 : i32
          %get3A_1204 = arith.index_cast %add3A_1203 : i32 to index
          %get3A_1205 = arith.constant 0 : index
          %get3A_1206 = tpu.vector_load %arg10[%get3A_1204, %get3A_1205] {strides = array<i32>} : memref<128x128xi32, #tpu.memory_space<vmem>>, vector<16xi32>,
          %bitcast3A_1207 = vector.bitcast %get3A_1206 : vector<16xi32> to vector<32xbf16>
          %mul3A_1208 = arith.mulf %bitcast3A_1207, %bitcast3A_21 : vector<32xbf16>
          %get3A_1209 = arith.index_cast %add3A_1203 : i32 to index
          %get3A_1210 = arith.constant 16 : index
          %get3A_1211 = tpu.vector_load %arg10[%get3A_1209, %get3A_1210] {strides = array<i32>} : memref<128x128xi32, #tpu.memory_space<vmem>>, vector<16xi32>,
          %bitcast3A_1212 = vector.bitcast %get3A_1211 : vector<16xi32> to vector<32xbf16>
          %mul3A_1213 = arith.mulf %bitcast3A_1212, %bitcast3A_24 : vector<32xbf16>
          %get3A_1214 = arith.index_cast %add3A_1203 : i32 to index
          %get3A_1215 = arith.constant 32 : index
          %get3A_1216 = tpu.vector_load %arg10[%get3A_1214, %get3A_1215] {strides = array<i32>} : memref<128x128xi32, #tpu.memory_space<vmem>>, vector<16xi32>,
          %bitcast3A_1217 = vector.bitcast %get3A_1216 : vector<16xi32> to vector<32xbf16>
          %mul3A_1218 = arith.mulf %bitcast3A_1217, %bitcast3A_27 : vector<32xbf16>
          %get3A_1219 = arith.index_cast %add3A_1203 : i32 to index
          %get3A_1220 = arith.constant 48 : index
          %get3A_1221 = tpu.vector_load %arg10[%get3A_1219, %get3A_1220] {strides = array<i32>} : memref<128x128xi32, #tpu.memory_space<vmem>>, vector<16xi32>,
          %bitcast3A_1222 = vector.bitcast %get3A_1221 : vector<16xi32> to vector<32xbf16>
          %mul3A_1223 = arith.mulf %bitcast3A_1222, %bitcast3A_30 : vector<32xbf16>
          %get3A_1224 = arith.index_cast %add3A_1203 : i32 to index
          %get3A_1225 = arith.constant 64 : index
          %get3A_1226 = tpu.vector_load %arg10[%get3A_1224, %get3A_1225] {strides = array<i32>} : memref<128x128xi32, #tpu.memory_space<vmem>>, vector<16xi32>,
          %bitcast3A_1227 = vector.bitcast %get3A_1226 : vector<16xi32> to vector<32xbf16>
          %mul3A_1228 = arith.mulf %bitcast3A_1227, %bitcast3A : vector<32xbf16>
          %get3A_1229 = arith.index_cast %add3A_1203 : i32 to index
          %get3A_1230 = arith.constant 80 : index
          %get3A_1231 = tpu.vector_load %arg10[%get3A_1229, %get3A_1230] {strides = array<i32>} : memref<128x128xi32, #tpu.memory_space<vmem>>, vector<16xi32>,
          %bitcast3A_1232 = vector.bitcast %get3A_1231 : vector<16xi32> to vector<32xbf16>
          %mul3A_1233 = arith.mulf %bitcast3A_1232, %bitcast3A_12 : vector<32xbf16>
          %get3A_1234 = arith.index_cast %add3A_1203 : i32 to index
          %get3A_1235 = arith.constant 96 : index
          %get3A_1236 = tpu.vector_load %arg10[%get3A_1234, %get3A_1235] {strides = array<i32>} : memref<128x128xi32, #tpu.memory_space<vmem>>, vector<16xi32>,
          %bitcast3A_1237 = vector.bitcast %get3A_1236 : vector<16xi32> to vector<32xbf16>
          %mul3A_1238 = arith.mulf %bitcast3A_1237, %bitcast3A_15 : vector<32xbf16>
          %get3A_1239 = arith.index_cast %add3A_1203 : i32 to index
          %get3A_1240 = arith.constant 112 : index
          %get3A_1241 = tpu.vector_load %arg10[%get3A_1239, %get3A_1240] {strides = array<i32>} : memref<128x128xi32, #tpu.memory_space<vmem>>, vector<16xi32>,
          %bitcast3A_1242 = vector.bitcast %get3A_1241 : vector<16xi32> to vector<32xbf16>
          %mul3A_1243 = arith.mulf %bitcast3A_1242, %bitcast3A_18 : vector<32xbf16>
          %add3A_1244 = arith.addf %mul3A_1208, %mul3A_1213 : vector<32xbf16>
          %add3A_1245 = arith.addf %mul3A_1218, %mul3A_1223 : vector<32xbf16>
          %add3A_1246 = arith.addf %add3A_1244, %add3A_1245 : vector<32xbf16>
          %add3A_1247 = arith.addf %mul3A_1228, %mul3A_1233 : vector<32xbf16>
          %add3A_1248 = arith.addf %mul3A_1238, %mul3A_1243 : vector<32xbf16>
          %add3A_1249 = arith.addf %add3A_1247, %add3A_1248 : vector<32xbf16>
          %unpack3A_1250 = tpu.unpack_subelements %add3A_1246, 0 {pack_format = #tpu.pack_format<interleaved>} : vector<32xbf16> -> vector<16xf32>
          %unpack3A_1251 = tpu.unpack_subelements %add3A_1246, 1 {pack_format = #tpu.pack_format<interleaved>} : vector<32xbf16> -> vector<16xf32>
          %unpack3A_1252 = tpu.unpack_subelements %add3A_1249, 0 {pack_format = #tpu.pack_format<interleaved>} : vector<32xbf16> -> vector<16xf32>
          %unpack3A_1253 = tpu.unpack_subelements %add3A_1249, 1 {pack_format = #tpu.pack_format<interleaved>} : vector<32xbf16> -> vector<16xf32>
          %eq3A_1254 = arith.constant 15 : i32
          %eq3A_1255 = vector.broadcast %eq3A_1254 : i32 to vector<16xi32>
          %eq3A_1256 = arith.cmpi eq, %iota3A_89, %eq3A_1255 : vector<16xi32>
          %add3A_1257 = arith.addf %unpack3A_1250, %unpack3A_1251 : vector<16xf32>
          %reduce_sum3A_1258 = arith.constant true
          %reduce_sum3A_1259 = vector.broadcast %reduce_sum3A_1258 : i1 to vector<16xi1>
          %reduce_sum3A_1260 = tpu.scan <sum>, %add3A_1257 masked %reduce_sum3A_1259 : vector<16xf32>, vector<16xi1> -> vector<16xf32>
          %reduce_sum3A_1261 = vector.extract %reduce_sum3A_1260[15] : f32 from vector<16xf32>
          %broadcast_in_dim3A_1262 = vector.broadcast %reduce_sum3A_1261 : f32 to vector<16xf32>
          %select_n3A_1263 = arith.select %eq3A_1256, %broadcast_in_dim3A_1262, %select_n3A_1191 : vector<16xi1>, vector<16xf32>
          %eq3A_1264 = arith.constant 15 : i32
          %eq3A_1265 = vector.broadcast %eq3A_1264 : i32 to vector<16xi32>
          %eq3A_1266 = arith.cmpi eq, %iota3A_89, %eq3A_1265 : vector<16xi32>
          %add3A_1267 = arith.addf %unpack3A_1252, %unpack3A_1253 : vector<16xf32>
          %reduce_sum3A_1268 = arith.constant true
          %reduce_sum3A_1269 = vector.broadcast %reduce_sum3A_1268 : i1 to vector<16xi1>
          %reduce_sum3A_1270 = tpu.scan <sum>, %add3A_1267 masked %reduce_sum3A_1269 : vector<16xf32>, vector<16xi1> -> vector<16xf32>
          %reduce_sum3A_1271 = vector.extract %reduce_sum3A_1270[15] : f32 from vector<16xf32>
          %broadcast_in_dim3A_1272 = vector.broadcast %reduce_sum3A_1271 : f32 to vector<16xf32>
          %select_n3A_1273 = arith.select %eq3A_1266, %broadcast_in_dim3A_1272, %select_n3A_1201 : vector<16xi1>, vector<16xf32>
          %add3A_1274 = arith.addi %mul3A_88, %mul3A_122 : i32
          %swap3A = arith.index_cast %add3A_1274 : i32 to index
          %swap3A_1275 = tpu.vector_load %arg14[%swap3A] {strides = array<i32>} : memref<1536xf32, #tpu.memory_space<vmem>>, vector<16xf32>,
          tpu.vector_store %arg14[%swap3A], %select_n3A_1273 {strides = array<i32>} : memref<1536xf32, #tpu.memory_space<vmem>>, vector<16xf32>,
          %add3A_1276 = arith.addi %mul3A_88, %mul3A_122 : i32
          %swap3A_1277 = arith.index_cast %add3A_1276 : i32 to index
          %swap3A_1278 = tpu.vector_load %arg15[%swap3A_1277] {strides = array<i32>} : memref<1536xf32, #tpu.memory_space<vmem>>, vector<16xf32>,
          tpu.vector_store %arg15[%swap3A_1277], %select_n3A_1263 {strides = array<i32>} : memref<1536xf32, #tpu.memory_space<vmem>>, vector<16xf32>,
        }
        %scan3A_94 = arith.constant 8 : i32
        %mul3A_95 = arith.constant 3 : i32
        %mul3A_96 = arith.muli %mul3A_95, %scan3A_49 : i32
        %add3A_97 = arith.constant 2 : i32
        %add3A_98 = arith.addi %mul3A_96, %add3A_97 : i32
        %add3A_99 = arith.constant 2 : i32
        %add3A_100 = arith.addi %add3A_98, %add3A_99 : i32
        %lt3A_101 = arith.constant 12 : i32
        %lt3A_102 = arith.cmpi slt, %add3A_100, %lt3A_101 : i32
        %convert_element_type3A_103 = arith.extui %lt3A_102 : i1 to i32
        %cond3A_104 = arith.constant 0 : i32
        %cond3A_105 = arith.cmpi ne, %convert_element_type3A_103, %cond3A_104 : i32
        scf.if %cond3A_105 {
          %dma_start3A_120 = arith.constant 0 : i32
          %dma_start3A_121 = tpu.memref_slice %arg8[%add3A_100, %dma_start3A_120] : memref<12x128xi32, #tpu.memory_space<vmem>> -> memref<1x128xi32, #tpu.memory_space<vmem>>
          %dma_start3A_122 = tpu.memref_squeeze %dma_start3A_121 : memref<1x128xi32, #tpu.memory_space<vmem>> -> memref<128xi32, #tpu.memory_space<vmem>>
          %dma_start3A_123 = arith.constant 0 : i32
          %dma_start3A_124 = arith.constant 0 : i32
          %dma_start3A_125 = tpu.memref_slice %arg2[%dma_start3A_123, %dma_start3A_124] : memref<100000x128xi32, #tpu.memory_space<hbm>> -> memref<100000x128xi32, #tpu.memory_space<hbm>>
          tpu.enqueue_indirect_dma source(%dma_start3A_125 : memref<100000x128xi32, #tpu.memory_space<hbm>>) target(%arg10 : memref<128x128xi32, #tpu.memory_space<vmem>>) offsets(%dma_start3A_122 : memref<128xi32, #tpu.memory_space<vmem>>) semaphore(%arg17 : memref<!tpu.dma_semaphore, #tpu.memory_space<semaphore_mem>>)
        } else {
        }
        %dma_wait3A_106 = arith.constant 0 : i32
        %dma_wait3A_107 = tpu.memref_slice %arg8[%add3A_98, %dma_wait3A_106] : memref<12x128xi32, #tpu.memory_space<vmem>> -> memref<1x128xi32, #tpu.memory_space<vmem>>
        %dma_wait3A_108 = tpu.memref_squeeze %dma_wait3A_107 : memref<1x128xi32, #tpu.memory_space<vmem>> -> memref<128xi32, #tpu.memory_space<vmem>>
        %dma_wait3A_109 = arith.constant 0 : i32
        %dma_wait3A_110 = arith.constant 0 : i32
        %dma_wait3A_111 = tpu.memref_slice %arg2[%dma_wait3A_109, %dma_wait3A_110] : memref<100000x128xi32, #tpu.memory_space<hbm>> -> memref<100000x128xi32, #tpu.memory_space<hbm>>
        tpu.wait_indirect_dma semaphore(%arg18 : memref<!tpu.dma_semaphore, #tpu.memory_space<semaphore_mem>>) src(%dma_wait3A_111 : memref<100000x128xi32, #tpu.memory_space<hbm>>) dst(%arg11 : memref<128x128xi32, #tpu.memory_space<vmem>>)
        %mul3A_112 = arith.constant 128 : i32
        %mul3A_113 = arith.muli %add3A_98, %mul3A_112 : i32
        %iota3A_114 = tpu.iota {dimensions = array<i32: 0>} : vector<16xi32>
        %scan3A_115 = arith.constant 0 : i32
        %scan3A_116 = arith.constant 8 : i32
        %scan3A_117 = arith.addi %scan3A_115, %scan3A_116 : i32
        %scan3A_118 = arith.constant 1 : i32
        scf.for %scan3A_120 = %scan3A_115 to %scan3A_117 step %scan3A_118  : i32 {
          %mul3A_121 = arith.constant 16 : i32
          %mul3A_122 = arith.muli %scan3A_120, %mul3A_121 : i32
          %broadcast_in_dim3A = arith.constant 0.000000e+00 : f32
          %broadcast_in_dim3A_123 = vector.broadcast %broadcast_in_dim3A : f32 to vector<16xf32>
          %broadcast_in_dim3A_124 = arith.constant 0.000000e+00 : f32
          %broadcast_in_dim3A_125 = vector.broadcast %broadcast_in_dim3A_124 : f32 to vector<16xf32>
          %add3A_126 = arith.constant 0 : i32
          %add3A_127 = arith.addi %mul3A_122, %add3A_126 : i32
          %get3A_128 = arith.index_cast %add3A_127 : i32 to index
          %get3A_129 = arith.constant 0 : index
          %get3A_130 = tpu.vector_load %arg11[%get3A_128, %get3A_129] {strides = array<i32>} : memref<128x128xi32, #tpu.memory_space<vmem>>, vector<16xi32>,
          %bitcast3A_131 = vector.bitcast %get3A_130 : vector<16xi32> to vector<32xbf16>
          %mul3A_132 = arith.mulf %bitcast3A_131, %bitcast3A_21 : vector<32xbf16>
          %get3A_133 = arith.index_cast %add3A_127 : i32 to index
          %get3A_134 = arith.constant 16 : index
          %get3A_135 = tpu.vector_load %arg11[%get3A_133, %get3A_134] {strides = array<i32>} : memref<128x128xi32, #tpu.memory_space<vmem>>, vector<16xi32>,
          %bitcast3A_136 = vector.bitcast %get3A_135 : vector<16xi32> to vector<32xbf16>
          %mul3A_137 = arith.mulf %bitcast3A_136, %bitcast3A_24 : vector<32xbf16>
          %get3A_138 = arith.index_cast %add3A_127 : i32 to index
          %get3A_139 = arith.constant 32 : index
          %get3A_140 = tpu.vector_load %arg11[%get3A_138, %get3A_139] {strides = array<i32>} : memref<128x128xi32, #tpu.memory_space<vmem>>, vector<16xi32>,
          %bitcast3A_141 = vector.bitcast %get3A_140 : vector<16xi32> to vector<32xbf16>
          %mul3A_142 = arith.mulf %bitcast3A_141, %bitcast3A_27 : vector<32xbf16>
          %get3A_143 = arith.index_cast %add3A_127 : i32 to index
          %get3A_144 = arith.constant 48 : index
          %get3A_145 = tpu.vector_load %arg11[%get3A_143, %get3A_144] {strides = array<i32>} : memref<128x128xi32, #tpu.memory_space<vmem>>, vector<16xi32>,
          %bitcast3A_146 = vector.bitcast %get3A_145 : vector<16xi32> to vector<32xbf16>
          %mul3A_147 = arith.mulf %bitcast3A_146, %bitcast3A_30 : vector<32xbf16>
          %get3A_148 = arith.index_cast %add3A_127 : i32 to index
          %get3A_149 = arith.constant 64 : index
          %get3A_150 = tpu.vector_load %arg11[%get3A_148, %get3A_149] {strides = array<i32>} : memref<128x128xi32, #tpu.memory_space<vmem>>, vector<16xi32>,
          %bitcast3A_151 = vector.bitcast %get3A_150 : vector<16xi32> to vector<32xbf16>
          %mul3A_152 = arith.mulf %bitcast3A_151, %bitcast3A : vector<32xbf16>
          %get3A_153 = arith.index_cast %add3A_127 : i32 to index
          %get3A_154 = arith.constant 80 : index
          %get3A_155 = tpu.vector_load %arg11[%get3A_153, %get3A_154] {strides = array<i32>} : memref<128x128xi32, #tpu.memory_space<vmem>>, vector<16xi32>,
          %bitcast3A_156 = vector.bitcast %get3A_155 : vector<16xi32> to vector<32xbf16>
          %mul3A_157 = arith.mulf %bitcast3A_156, %bitcast3A_12 : vector<32xbf16>
          %get3A_158 = arith.index_cast %add3A_127 : i32 to index
          %get3A_159 = arith.constant 96 : index
          %get3A_160 = tpu.vector_load %arg11[%get3A_158, %get3A_159] {strides = array<i32>} : memref<128x128xi32, #tpu.memory_space<vmem>>, vector<16xi32>,
          %bitcast3A_161 = vector.bitcast %get3A_160 : vector<16xi32> to vector<32xbf16>
          %mul3A_162 = arith.mulf %bitcast3A_161, %bitcast3A_15 : vector<32xbf16>
          %get3A_163 = arith.index_cast %add3A_127 : i32 to index
          %get3A_164 = arith.constant 112 : index
          %get3A_165 = tpu.vector_load %arg11[%get3A_163, %get3A_164] {strides = array<i32>} : memref<128x128xi32, #tpu.memory_space<vmem>>, vector<16xi32>,
          %bitcast3A_166 = vector.bitcast %get3A_165 : vector<16xi32> to vector<32xbf16>
          %mul3A_167 = arith.mulf %bitcast3A_166, %bitcast3A_18 : vector<32xbf16>
          %add3A_168 = arith.addf %mul3A_132, %mul3A_137 : vector<32xbf16>
          %add3A_169 = arith.addf %mul3A_142, %mul3A_147 : vector<32xbf16>
          %add3A_170 = arith.addf %add3A_168, %add3A_169 : vector<32xbf16>
          %add3A_171 = arith.addf %mul3A_152, %mul3A_157 : vector<32xbf16>
          %add3A_172 = arith.addf %mul3A_162, %mul3A_167 : vector<32xbf16>
          %add3A_173 = arith.addf %add3A_171, %add3A_172 : vector<32xbf16>
          %unpack3A = tpu.unpack_subelements %add3A_170, 0 {pack_format = #tpu.pack_format<interleaved>} : vector<32xbf16> -> vector<16xf32>
          %unpack3A_174 = tpu.unpack_subelements %add3A_170, 1 {pack_format = #tpu.pack_format<interleaved>} : vector<32xbf16> -> vector<16xf32>
          %unpack3A_175 = tpu.unpack_subelements %add3A_173, 0 {pack_format = #tpu.pack_format<interleaved>} : vector<32xbf16> -> vector<16xf32>
          %unpack3A_176 = tpu.unpack_subelements %add3A_173, 1 {pack_format = #tpu.pack_format<interleaved>} : vector<32xbf16> -> vector<16xf32>
          %eq3A = arith.constant 0 : i32
          %eq3A_177 = vector.broadcast %eq3A : i32 to vector<16xi32>
          %eq3A_178 = arith.cmpi eq, %iota3A_114, %eq3A_177 : vector<16xi32>
          %add3A_179 = arith.addf %unpack3A, %unpack3A_174 : vector<16xf32>
          %reduce_sum3A = arith.constant true
          %reduce_sum3A_180 = vector.broadcast %reduce_sum3A : i1 to vector<16xi1>
          %reduce_sum3A_181 = tpu.scan <sum>, %add3A_179 masked %reduce_sum3A_180 : vector<16xf32>, vector<16xi1> -> vector<16xf32>
          %reduce_sum3A_182 = vector.extract %reduce_sum3A_181[15] : f32 from vector<16xf32>
          %broadcast_in_dim3A_183 = vector.broadcast %reduce_sum3A_182 : f32 to vector<16xf32>
          %select_n3A = arith.select %eq3A_178, %broadcast_in_dim3A_183, %broadcast_in_dim3A_125 : vector<16xi1>, vector<16xf32>
          %eq3A_184 = arith.constant 0 : i32
          %eq3A_185 = vector.broadcast %eq3A_184 : i32 to vector<16xi32>
          %eq3A_186 = arith.cmpi eq, %iota3A_114, %eq3A_185 : vector<16xi32>
          %add3A_187 = arith.addf %unpack3A_175, %unpack3A_176 : vector<16xf32>
          %reduce_sum3A_188 = arith.constant true
          %reduce_sum3A_189 = vector.broadcast %reduce_sum3A_188 : i1 to vector<16xi1>
          %reduce_sum3A_190 = tpu.scan <sum>, %add3A_187 masked %reduce_sum3A_189 : vector<16xf32>, vector<16xi1> -> vector<16xf32>
          %reduce_sum3A_191 = vector.extract %reduce_sum3A_190[15] : f32 from vector<16xf32>
          %broadcast_in_dim3A_192 = vector.broadcast %reduce_sum3A_191 : f32 to vector<16xf32>
          %select_n3A_193 = arith.select %eq3A_186, %broadcast_in_dim3A_192, %broadcast_in_dim3A_123 : vector<16xi1>, vector<16xf32>
          %add3A_194 = arith.constant 1 : i32
          %add3A_195 = arith.addi %mul3A_122, %add3A_194 : i32
          %get3A_196 = arith.index_cast %add3A_195 : i32 to index
          %get3A_197 = arith.constant 0 : index
          %get3A_198 = tpu.vector_load %arg11[%get3A_196, %get3A_197] {strides = array<i32>} : memref<128x128xi32, #tpu.memory_space<vmem>>, vector<16xi32>,
          %bitcast3A_199 = vector.bitcast %get3A_198 : vector<16xi32> to vector<32xbf16>
          %mul3A_200 = arith.mulf %bitcast3A_199, %bitcast3A_21 : vector<32xbf16>
          %get3A_201 = arith.index_cast %add3A_195 : i32 to index
          %get3A_202 = arith.constant 16 : index
          %get3A_203 = tpu.vector_load %arg11[%get3A_201, %get3A_202] {strides = array<i32>} : memref<128x128xi32, #tpu.memory_space<vmem>>, vector<16xi32>,
          %bitcast3A_204 = vector.bitcast %get3A_203 : vector<16xi32> to vector<32xbf16>
          %mul3A_205 = arith.mulf %bitcast3A_204, %bitcast3A_24 : vector<32xbf16>
          %get3A_206 = arith.index_cast %add3A_195 : i32 to index
          %get3A_207 = arith.constant 32 : index
          %get3A_208 = tpu.vector_load %arg11[%get3A_206, %get3A_207] {strides = array<i32>} : memref<128x128xi32, #tpu.memory_space<vmem>>, vector<16xi32>,
          %bitcast3A_209 = vector.bitcast %get3A_208 : vector<16xi32> to vector<32xbf16>
          %mul3A_210 = arith.mulf %bitcast3A_209, %bitcast3A_27 : vector<32xbf16>
          %get3A_211 = arith.index_cast %add3A_195 : i32 to index
          %get3A_212 = arith.constant 48 : index
          %get3A_213 = tpu.vector_load %arg11[%get3A_211, %get3A_212] {strides = array<i32>} : memref<128x128xi32, #tpu.memory_space<vmem>>, vector<16xi32>,
          %bitcast3A_214 = vector.bitcast %get3A_213 : vector<16xi32> to vector<32xbf16>
          %mul3A_215 = arith.mulf %bitcast3A_214, %bitcast3A_30 : vector<32xbf16>
          %get3A_216 = arith.index_cast %add3A_195 : i32 to index
          %get3A_217 = arith.constant 64 : index
          %get3A_218 = tpu.vector_load %arg11[%get3A_216, %get3A_217] {strides = array<i32>} : memref<128x128xi32, #tpu.memory_space<vmem>>, vector<16xi32>,
          %bitcast3A_219 = vector.bitcast %get3A_218 : vector<16xi32> to vector<32xbf16>
          %mul3A_220 = arith.mulf %bitcast3A_219, %bitcast3A : vector<32xbf16>
          %get3A_221 = arith.index_cast %add3A_195 : i32 to index
          %get3A_222 = arith.constant 80 : index
          %get3A_223 = tpu.vector_load %arg11[%get3A_221, %get3A_222] {strides = array<i32>} : memref<128x128xi32, #tpu.memory_space<vmem>>, vector<16xi32>,
          %bitcast3A_224 = vector.bitcast %get3A_223 : vector<16xi32> to vector<32xbf16>
          %mul3A_225 = arith.mulf %bitcast3A_224, %bitcast3A_12 : vector<32xbf16>
          %get3A_226 = arith.index_cast %add3A_195 : i32 to index
          %get3A_227 = arith.constant 96 : index
          %get3A_228 = tpu.vector_load %arg11[%get3A_226, %get3A_227] {strides = array<i32>} : memref<128x128xi32, #tpu.memory_space<vmem>>, vector<16xi32>,
          %bitcast3A_229 = vector.bitcast %get3A_228 : vector<16xi32> to vector<32xbf16>
          %mul3A_230 = arith.mulf %bitcast3A_229, %bitcast3A_15 : vector<32xbf16>
          %get3A_231 = arith.index_cast %add3A_195 : i32 to index
          %get3A_232 = arith.constant 112 : index
          %get3A_233 = tpu.vector_load %arg11[%get3A_231, %get3A_232] {strides = array<i32>} : memref<128x128xi32, #tpu.memory_space<vmem>>, vector<16xi32>,
          %bitcast3A_234 = vector.bitcast %get3A_233 : vector<16xi32> to vector<32xbf16>
          %mul3A_235 = arith.mulf %bitcast3A_234, %bitcast3A_18 : vector<32xbf16>
          %add3A_236 = arith.addf %mul3A_200, %mul3A_205 : vector<32xbf16>
          %add3A_237 = arith.addf %mul3A_210, %mul3A_215 : vector<32xbf16>
          %add3A_238 = arith.addf %add3A_236, %add3A_237 : vector<32xbf16>
          %add3A_239 = arith.addf %mul3A_220, %mul3A_225 : vector<32xbf16>
          %add3A_240 = arith.addf %mul3A_230, %mul3A_235 : vector<32xbf16>
          %add3A_241 = arith.addf %add3A_239, %add3A_240 : vector<32xbf16>
          %unpack3A_242 = tpu.unpack_subelements %add3A_238, 0 {pack_format = #tpu.pack_format<interleaved>} : vector<32xbf16> -> vector<16xf32>
          %unpack3A_243 = tpu.unpack_subelements %add3A_238, 1 {pack_format = #tpu.pack_format<interleaved>} : vector<32xbf16> -> vector<16xf32>
          %unpack3A_244 = tpu.unpack_subelements %add3A_241, 0 {pack_format = #tpu.pack_format<interleaved>} : vector<32xbf16> -> vector<16xf32>
          %unpack3A_245 = tpu.unpack_subelements %add3A_241, 1 {pack_format = #tpu.pack_format<interleaved>} : vector<32xbf16> -> vector<16xf32>
          %eq3A_246 = arith.constant 1 : i32
          %eq3A_247 = vector.broadcast %eq3A_246 : i32 to vector<16xi32>
          %eq3A_248 = arith.cmpi eq, %iota3A_114, %eq3A_247 : vector<16xi32>
          %add3A_249 = arith.addf %unpack3A_242, %unpack3A_243 : vector<16xf32>
          %reduce_sum3A_250 = arith.constant true
          %reduce_sum3A_251 = vector.broadcast %reduce_sum3A_250 : i1 to vector<16xi1>
          %reduce_sum3A_252 = tpu.scan <sum>, %add3A_249 masked %reduce_sum3A_251 : vector<16xf32>, vector<16xi1> -> vector<16xf32>
          %reduce_sum3A_253 = vector.extract %reduce_sum3A_252[15] : f32 from vector<16xf32>
          %broadcast_in_dim3A_254 = vector.broadcast %reduce_sum3A_253 : f32 to vector<16xf32>
          %select_n3A_255 = arith.select %eq3A_248, %broadcast_in_dim3A_254, %select_n3A : vector<16xi1>, vector<16xf32>
          %eq3A_256 = arith.constant 1 : i32
          %eq3A_257 = vector.broadcast %eq3A_256 : i32 to vector<16xi32>
          %eq3A_258 = arith.cmpi eq, %iota3A_114, %eq3A_257 : vector<16xi32>
          %add3A_259 = arith.addf %unpack3A_244, %unpack3A_245 : vector<16xf32>
          %reduce_sum3A_260 = arith.constant true
          %reduce_sum3A_261 = vector.broadcast %reduce_sum3A_260 : i1 to vector<16xi1>
          %reduce_sum3A_262 = tpu.scan <sum>, %add3A_259 masked %reduce_sum3A_261 : vector<16xf32>, vector<16xi1> -> vector<16xf32>
          %reduce_sum3A_263 = vector.extract %reduce_sum3A_262[15] : f32 from vector<16xf32>
          %broadcast_in_dim3A_264 = vector.broadcast %reduce_sum3A_263 : f32 to vector<16xf32>
          %select_n3A_265 = arith.select %eq3A_258, %broadcast_in_dim3A_264, %select_n3A_193 : vector<16xi1>, vector<16xf32>
          %add3A_266 = arith.constant 2 : i32
          %add3A_267 = arith.addi %mul3A_122, %add3A_266 : i32
          %get3A_268 = arith.index_cast %add3A_267 : i32 to index
          %get3A_269 = arith.constant 0 : index
          %get3A_270 = tpu.vector_load %arg11[%get3A_268, %get3A_269] {strides = array<i32>} : memref<128x128xi32, #tpu.memory_space<vmem>>, vector<16xi32>,
          %bitcast3A_271 = vector.bitcast %get3A_270 : vector<16xi32> to vector<32xbf16>
          %mul3A_272 = arith.mulf %bitcast3A_271, %bitcast3A_21 : vector<32xbf16>
          %get3A_273 = arith.index_cast %add3A_267 : i32 to index
          %get3A_274 = arith.constant 16 : index
          %get3A_275 = tpu.vector_load %arg11[%get3A_273, %get3A_274] {strides = array<i32>} : memref<128x128xi32, #tpu.memory_space<vmem>>, vector<16xi32>,
          %bitcast3A_276 = vector.bitcast %get3A_275 : vector<16xi32> to vector<32xbf16>
          %mul3A_277 = arith.mulf %bitcast3A_276, %bitcast3A_24 : vector<32xbf16>
          %get3A_278 = arith.index_cast %add3A_267 : i32 to index
          %get3A_279 = arith.constant 32 : index
          %get3A_280 = tpu.vector_load %arg11[%get3A_278, %get3A_279] {strides = array<i32>} : memref<128x128xi32, #tpu.memory_space<vmem>>, vector<16xi32>,
          %bitcast3A_281 = vector.bitcast %get3A_280 : vector<16xi32> to vector<32xbf16>
          %mul3A_282 = arith.mulf %bitcast3A_281, %bitcast3A_27 : vector<32xbf16>
          %get3A_283 = arith.index_cast %add3A_267 : i32 to index
          %get3A_284 = arith.constant 48 : index
          %get3A_285 = tpu.vector_load %arg11[%get3A_283, %get3A_284] {strides = array<i32>} : memref<128x128xi32, #tpu.memory_space<vmem>>, vector<16xi32>,
          %bitcast3A_286 = vector.bitcast %get3A_285 : vector<16xi32> to vector<32xbf16>
          %mul3A_287 = arith.mulf %bitcast3A_286, %bitcast3A_30 : vector<32xbf16>
          %get3A_288 = arith.index_cast %add3A_267 : i32 to index
          %get3A_289 = arith.constant 64 : index
          %get3A_290 = tpu.vector_load %arg11[%get3A_288, %get3A_289] {strides = array<i32>} : memref<128x128xi32, #tpu.memory_space<vmem>>, vector<16xi32>,
          %bitcast3A_291 = vector.bitcast %get3A_290 : vector<16xi32> to vector<32xbf16>
          %mul3A_292 = arith.mulf %bitcast3A_291, %bitcast3A : vector<32xbf16>
          %get3A_293 = arith.index_cast %add3A_267 : i32 to index
          %get3A_294 = arith.constant 80 : index
          %get3A_295 = tpu.vector_load %arg11[%get3A_293, %get3A_294] {strides = array<i32>} : memref<128x128xi32, #tpu.memory_space<vmem>>, vector<16xi32>,
          %bitcast3A_296 = vector.bitcast %get3A_295 : vector<16xi32> to vector<32xbf16>
          %mul3A_297 = arith.mulf %bitcast3A_296, %bitcast3A_12 : vector<32xbf16>
          %get3A_298 = arith.index_cast %add3A_267 : i32 to index
          %get3A_299 = arith.constant 96 : index
          %get3A_300 = tpu.vector_load %arg11[%get3A_298, %get3A_299] {strides = array<i32>} : memref<128x128xi32, #tpu.memory_space<vmem>>, vector<16xi32>,
          %bitcast3A_301 = vector.bitcast %get3A_300 : vector<16xi32> to vector<32xbf16>
          %mul3A_302 = arith.mulf %bitcast3A_301, %bitcast3A_15 : vector<32xbf16>
          %get3A_303 = arith.index_cast %add3A_267 : i32 to index
          %get3A_304 = arith.constant 112 : index
          %get3A_305 = tpu.vector_load %arg11[%get3A_303, %get3A_304] {strides = array<i32>} : memref<128x128xi32, #tpu.memory_space<vmem>>, vector<16xi32>,
          %bitcast3A_306 = vector.bitcast %get3A_305 : vector<16xi32> to vector<32xbf16>
          %mul3A_307 = arith.mulf %bitcast3A_306, %bitcast3A_18 : vector<32xbf16>
          %add3A_308 = arith.addf %mul3A_272, %mul3A_277 : vector<32xbf16>
          %add3A_309 = arith.addf %mul3A_282, %mul3A_287 : vector<32xbf16>
          %add3A_310 = arith.addf %add3A_308, %add3A_309 : vector<32xbf16>
          %add3A_311 = arith.addf %mul3A_292, %mul3A_297 : vector<32xbf16>
          %add3A_312 = arith.addf %mul3A_302, %mul3A_307 : vector<32xbf16>
          %add3A_313 = arith.addf %add3A_311, %add3A_312 : vector<32xbf16>
          %unpack3A_314 = tpu.unpack_subelements %add3A_310, 0 {pack_format = #tpu.pack_format<interleaved>} : vector<32xbf16> -> vector<16xf32>
          %unpack3A_315 = tpu.unpack_subelements %add3A_310, 1 {pack_format = #tpu.pack_format<interleaved>} : vector<32xbf16> -> vector<16xf32>
          %unpack3A_316 = tpu.unpack_subelements %add3A_313, 0 {pack_format = #tpu.pack_format<interleaved>} : vector<32xbf16> -> vector<16xf32>
          %unpack3A_317 = tpu.unpack_subelements %add3A_313, 1 {pack_format = #tpu.pack_format<interleaved>} : vector<32xbf16> -> vector<16xf32>
          %eq3A_318 = arith.constant 2 : i32
          %eq3A_319 = vector.broadcast %eq3A_318 : i32 to vector<16xi32>
          %eq3A_320 = arith.cmpi eq, %iota3A_114, %eq3A_319 : vector<16xi32>
          %add3A_321 = arith.addf %unpack3A_314, %unpack3A_315 : vector<16xf32>
          %reduce_sum3A_322 = arith.constant true
          %reduce_sum3A_323 = vector.broadcast %reduce_sum3A_322 : i1 to vector<16xi1>
          %reduce_sum3A_324 = tpu.scan <sum>, %add3A_321 masked %reduce_sum3A_323 : vector<16xf32>, vector<16xi1> -> vector<16xf32>
          %reduce_sum3A_325 = vector.extract %reduce_sum3A_324[15] : f32 from vector<16xf32>
          %broadcast_in_dim3A_326 = vector.broadcast %reduce_sum3A_325 : f32 to vector<16xf32>
          %select_n3A_327 = arith.select %eq3A_320, %broadcast_in_dim3A_326, %select_n3A_255 : vector<16xi1>, vector<16xf32>
          %eq3A_328 = arith.constant 2 : i32
          %eq3A_329 = vector.broadcast %eq3A_328 : i32 to vector<16xi32>
          %eq3A_330 = arith.cmpi eq, %iota3A_114, %eq3A_329 : vector<16xi32>
          %add3A_331 = arith.addf %unpack3A_316, %unpack3A_317 : vector<16xf32>
          %reduce_sum3A_332 = arith.constant true
          %reduce_sum3A_333 = vector.broadcast %reduce_sum3A_332 : i1 to vector<16xi1>
          %reduce_sum3A_334 = tpu.scan <sum>, %add3A_331 masked %reduce_sum3A_333 : vector<16xf32>, vector<16xi1> -> vector<16xf32>
          %reduce_sum3A_335 = vector.extract %reduce_sum3A_334[15] : f32 from vector<16xf32>
          %broadcast_in_dim3A_336 = vector.broadcast %reduce_sum3A_335 : f32 to vector<16xf32>
          %select_n3A_337 = arith.select %eq3A_330, %broadcast_in_dim3A_336, %select_n3A_265 : vector<16xi1>, vector<16xf32>
          %add3A_338 = arith.constant 3 : i32
          %add3A_339 = arith.addi %mul3A_122, %add3A_338 : i32
          %get3A_340 = arith.index_cast %add3A_339 : i32 to index
          %get3A_341 = arith.constant 0 : index
          %get3A_342 = tpu.vector_load %arg11[%get3A_340, %get3A_341] {strides = array<i32>} : memref<128x128xi32, #tpu.memory_space<vmem>>, vector<16xi32>,
          %bitcast3A_343 = vector.bitcast %get3A_342 : vector<16xi32> to vector<32xbf16>
          %mul3A_344 = arith.mulf %bitcast3A_343, %bitcast3A_21 : vector<32xbf16>
          %get3A_345 = arith.index_cast %add3A_339 : i32 to index
          %get3A_346 = arith.constant 16 : index
          %get3A_347 = tpu.vector_load %arg11[%get3A_345, %get3A_346] {strides = array<i32>} : memref<128x128xi32, #tpu.memory_space<vmem>>, vector<16xi32>,
          %bitcast3A_348 = vector.bitcast %get3A_347 : vector<16xi32> to vector<32xbf16>
          %mul3A_349 = arith.mulf %bitcast3A_348, %bitcast3A_24 : vector<32xbf16>
          %get3A_350 = arith.index_cast %add3A_339 : i32 to index
          %get3A_351 = arith.constant 32 : index
          %get3A_352 = tpu.vector_load %arg11[%get3A_350, %get3A_351] {strides = array<i32>} : memref<128x128xi32, #tpu.memory_space<vmem>>, vector<16xi32>,
          %bitcast3A_353 = vector.bitcast %get3A_352 : vector<16xi32> to vector<32xbf16>
          %mul3A_354 = arith.mulf %bitcast3A_353, %bitcast3A_27 : vector<32xbf16>
          %get3A_355 = arith.index_cast %add3A_339 : i32 to index
          %get3A_356 = arith.constant 48 : index
          %get3A_357 = tpu.vector_load %arg11[%get3A_355, %get3A_356] {strides = array<i32>} : memref<128x128xi32, #tpu.memory_space<vmem>>, vector<16xi32>,
          %bitcast3A_358 = vector.bitcast %get3A_357 : vector<16xi32> to vector<32xbf16>
          %mul3A_359 = arith.mulf %bitcast3A_358, %bitcast3A_30 : vector<32xbf16>
          %get3A_360 = arith.index_cast %add3A_339 : i32 to index
          %get3A_361 = arith.constant 64 : index
          %get3A_362 = tpu.vector_load %arg11[%get3A_360, %get3A_361] {strides = array<i32>} : memref<128x128xi32, #tpu.memory_space<vmem>>, vector<16xi32>,
          %bitcast3A_363 = vector.bitcast %get3A_362 : vector<16xi32> to vector<32xbf16>
          %mul3A_364 = arith.mulf %bitcast3A_363, %bitcast3A : vector<32xbf16>
          %get3A_365 = arith.index_cast %add3A_339 : i32 to index
          %get3A_366 = arith.constant 80 : index
          %get3A_367 = tpu.vector_load %arg11[%get3A_365, %get3A_366] {strides = array<i32>} : memref<128x128xi32, #tpu.memory_space<vmem>>, vector<16xi32>,
          %bitcast3A_368 = vector.bitcast %get3A_367 : vector<16xi32> to vector<32xbf16>
          %mul3A_369 = arith.mulf %bitcast3A_368, %bitcast3A_12 : vector<32xbf16>
          %get3A_370 = arith.index_cast %add3A_339 : i32 to index
          %get3A_371 = arith.constant 96 : index
          %get3A_372 = tpu.vector_load %arg11[%get3A_370, %get3A_371] {strides = array<i32>} : memref<128x128xi32, #tpu.memory_space<vmem>>, vector<16xi32>,
          %bitcast3A_373 = vector.bitcast %get3A_372 : vector<16xi32> to vector<32xbf16>
          %mul3A_374 = arith.mulf %bitcast3A_373, %bitcast3A_15 : vector<32xbf16>
          %get3A_375 = arith.index_cast %add3A_339 : i32 to index
          %get3A_376 = arith.constant 112 : index
          %get3A_377 = tpu.vector_load %arg11[%get3A_375, %get3A_376] {strides = array<i32>} : memref<128x128xi32, #tpu.memory_space<vmem>>, vector<16xi32>,
          %bitcast3A_378 = vector.bitcast %get3A_377 : vector<16xi32> to vector<32xbf16>
          %mul3A_379 = arith.mulf %bitcast3A_378, %bitcast3A_18 : vector<32xbf16>
          %add3A_380 = arith.addf %mul3A_344, %mul3A_349 : vector<32xbf16>
          %add3A_381 = arith.addf %mul3A_354, %mul3A_359 : vector<32xbf16>
          %add3A_382 = arith.addf %add3A_380, %add3A_381 : vector<32xbf16>
          %add3A_383 = arith.addf %mul3A_364, %mul3A_369 : vector<32xbf16>
          %add3A_384 = arith.addf %mul3A_374, %mul3A_379 : vector<32xbf16>
          %add3A_385 = arith.addf %add3A_383, %add3A_384 : vector<32xbf16>
          %unpack3A_386 = tpu.unpack_subelements %add3A_382, 0 {pack_format = #tpu.pack_format<interleaved>} : vector<32xbf16> -> vector<16xf32>
          %unpack3A_387 = tpu.unpack_subelements %add3A_382, 1 {pack_format = #tpu.pack_format<interleaved>} : vector<32xbf16> -> vector<16xf32>
          %unpack3A_388 = tpu.unpack_subelements %add3A_385, 0 {pack_format = #tpu.pack_format<interleaved>} : vector<32xbf16> -> vector<16xf32>
          %unpack3A_389 = tpu.unpack_subelements %add3A_385, 1 {pack_format = #tpu.pack_format<interleaved>} : vector<32xbf16> -> vector<16xf32>
          %eq3A_390 = arith.constant 3 : i32
          %eq3A_391 = vector.broadcast %eq3A_390 : i32 to vector<16xi32>
          %eq3A_392 = arith.cmpi eq, %iota3A_114, %eq3A_391 : vector<16xi32>
          %add3A_393 = arith.addf %unpack3A_386, %unpack3A_387 : vector<16xf32>
          %reduce_sum3A_394 = arith.constant true
          %reduce_sum3A_395 = vector.broadcast %reduce_sum3A_394 : i1 to vector<16xi1>
          %reduce_sum3A_396 = tpu.scan <sum>, %add3A_393 masked %reduce_sum3A_395 : vector<16xf32>, vector<16xi1> -> vector<16xf32>
          %reduce_sum3A_397 = vector.extract %reduce_sum3A_396[15] : f32 from vector<16xf32>
          %broadcast_in_dim3A_398 = vector.broadcast %reduce_sum3A_397 : f32 to vector<16xf32>
          %select_n3A_399 = arith.select %eq3A_392, %broadcast_in_dim3A_398, %select_n3A_327 : vector<16xi1>, vector<16xf32>
          %eq3A_400 = arith.constant 3 : i32
          %eq3A_401 = vector.broadcast %eq3A_400 : i32 to vector<16xi32>
          %eq3A_402 = arith.cmpi eq, %iota3A_114, %eq3A_401 : vector<16xi32>
          %add3A_403 = arith.addf %unpack3A_388, %unpack3A_389 : vector<16xf32>
          %reduce_sum3A_404 = arith.constant true
          %reduce_sum3A_405 = vector.broadcast %reduce_sum3A_404 : i1 to vector<16xi1>
          %reduce_sum3A_406 = tpu.scan <sum>, %add3A_403 masked %reduce_sum3A_405 : vector<16xf32>, vector<16xi1> -> vector<16xf32>
          %reduce_sum3A_407 = vector.extract %reduce_sum3A_406[15] : f32 from vector<16xf32>
          %broadcast_in_dim3A_408 = vector.broadcast %reduce_sum3A_407 : f32 to vector<16xf32>
          %select_n3A_409 = arith.select %eq3A_402, %broadcast_in_dim3A_408, %select_n3A_337 : vector<16xi1>, vector<16xf32>
          %add3A_410 = arith.constant 4 : i32
          %add3A_411 = arith.addi %mul3A_122, %add3A_410 : i32
          %get3A_412 = arith.index_cast %add3A_411 : i32 to index
          %get3A_413 = arith.constant 0 : index
          %get3A_414 = tpu.vector_load %arg11[%get3A_412, %get3A_413] {strides = array<i32>} : memref<128x128xi32, #tpu.memory_space<vmem>>, vector<16xi32>,
          %bitcast3A_415 = vector.bitcast %get3A_414 : vector<16xi32> to vector<32xbf16>
          %mul3A_416 = arith.mulf %bitcast3A_415, %bitcast3A_21 : vector<32xbf16>
          %get3A_417 = arith.index_cast %add3A_411 : i32 to index
          %get3A_418 = arith.constant 16 : index
          %get3A_419 = tpu.vector_load %arg11[%get3A_417, %get3A_418] {strides = array<i32>} : memref<128x128xi32, #tpu.memory_space<vmem>>, vector<16xi32>,
          %bitcast3A_420 = vector.bitcast %get3A_419 : vector<16xi32> to vector<32xbf16>
          %mul3A_421 = arith.mulf %bitcast3A_420, %bitcast3A_24 : vector<32xbf16>
          %get3A_422 = arith.index_cast %add3A_411 : i32 to index
          %get3A_423 = arith.constant 32 : index
          %get3A_424 = tpu.vector_load %arg11[%get3A_422, %get3A_423] {strides = array<i32>} : memref<128x128xi32, #tpu.memory_space<vmem>>, vector<16xi32>,
          %bitcast3A_425 = vector.bitcast %get3A_424 : vector<16xi32> to vector<32xbf16>
          %mul3A_426 = arith.mulf %bitcast3A_425, %bitcast3A_27 : vector<32xbf16>
          %get3A_427 = arith.index_cast %add3A_411 : i32 to index
          %get3A_428 = arith.constant 48 : index
          %get3A_429 = tpu.vector_load %arg11[%get3A_427, %get3A_428] {strides = array<i32>} : memref<128x128xi32, #tpu.memory_space<vmem>>, vector<16xi32>,
          %bitcast3A_430 = vector.bitcast %get3A_429 : vector<16xi32> to vector<32xbf16>
          %mul3A_431 = arith.mulf %bitcast3A_430, %bitcast3A_30 : vector<32xbf16>
          %get3A_432 = arith.index_cast %add3A_411 : i32 to index
          %get3A_433 = arith.constant 64 : index
          %get3A_434 = tpu.vector_load %arg11[%get3A_432, %get3A_433] {strides = array<i32>} : memref<128x128xi32, #tpu.memory_space<vmem>>, vector<16xi32>,
          %bitcast3A_435 = vector.bitcast %get3A_434 : vector<16xi32> to vector<32xbf16>
          %mul3A_436 = arith.mulf %bitcast3A_435, %bitcast3A : vector<32xbf16>
          %get3A_437 = arith.index_cast %add3A_411 : i32 to index
          %get3A_438 = arith.constant 80 : index
          %get3A_439 = tpu.vector_load %arg11[%get3A_437, %get3A_438] {strides = array<i32>} : memref<128x128xi32, #tpu.memory_space<vmem>>, vector<16xi32>,
          %bitcast3A_440 = vector.bitcast %get3A_439 : vector<16xi32> to vector<32xbf16>
          %mul3A_441 = arith.mulf %bitcast3A_440, %bitcast3A_12 : vector<32xbf16>
          %get3A_442 = arith.index_cast %add3A_411 : i32 to index
          %get3A_443 = arith.constant 96 : index
          %get3A_444 = tpu.vector_load %arg11[%get3A_442, %get3A_443] {strides = array<i32>} : memref<128x128xi32, #tpu.memory_space<vmem>>, vector<16xi32>,
          %bitcast3A_445 = vector.bitcast %get3A_444 : vector<16xi32> to vector<32xbf16>
          %mul3A_446 = arith.mulf %bitcast3A_445, %bitcast3A_15 : vector<32xbf16>
          %get3A_447 = arith.index_cast %add3A_411 : i32 to index
          %get3A_448 = arith.constant 112 : index
          %get3A_449 = tpu.vector_load %arg11[%get3A_447, %get3A_448] {strides = array<i32>} : memref<128x128xi32, #tpu.memory_space<vmem>>, vector<16xi32>,
          %bitcast3A_450 = vector.bitcast %get3A_449 : vector<16xi32> to vector<32xbf16>
          %mul3A_451 = arith.mulf %bitcast3A_450, %bitcast3A_18 : vector<32xbf16>
          %add3A_452 = arith.addf %mul3A_416, %mul3A_421 : vector<32xbf16>
          %add3A_453 = arith.addf %mul3A_426, %mul3A_431 : vector<32xbf16>
          %add3A_454 = arith.addf %add3A_452, %add3A_453 : vector<32xbf16>
          %add3A_455 = arith.addf %mul3A_436, %mul3A_441 : vector<32xbf16>
          %add3A_456 = arith.addf %mul3A_446, %mul3A_451 : vector<32xbf16>
          %add3A_457 = arith.addf %add3A_455, %add3A_456 : vector<32xbf16>
          %unpack3A_458 = tpu.unpack_subelements %add3A_454, 0 {pack_format = #tpu.pack_format<interleaved>} : vector<32xbf16> -> vector<16xf32>
          %unpack3A_459 = tpu.unpack_subelements %add3A_454, 1 {pack_format = #tpu.pack_format<interleaved>} : vector<32xbf16> -> vector<16xf32>
          %unpack3A_460 = tpu.unpack_subelements %add3A_457, 0 {pack_format = #tpu.pack_format<interleaved>} : vector<32xbf16> -> vector<16xf32>
          %unpack3A_461 = tpu.unpack_subelements %add3A_457, 1 {pack_format = #tpu.pack_format<interleaved>} : vector<32xbf16> -> vector<16xf32>
          %eq3A_462 = arith.constant 4 : i32
          %eq3A_463 = vector.broadcast %eq3A_462 : i32 to vector<16xi32>
          %eq3A_464 = arith.cmpi eq, %iota3A_114, %eq3A_463 : vector<16xi32>
          %add3A_465 = arith.addf %unpack3A_458, %unpack3A_459 : vector<16xf32>
          %reduce_sum3A_466 = arith.constant true
          %reduce_sum3A_467 = vector.broadcast %reduce_sum3A_466 : i1 to vector<16xi1>
          %reduce_sum3A_468 = tpu.scan <sum>, %add3A_465 masked %reduce_sum3A_467 : vector<16xf32>, vector<16xi1> -> vector<16xf32>
          %reduce_sum3A_469 = vector.extract %reduce_sum3A_468[15] : f32 from vector<16xf32>
          %broadcast_in_dim3A_470 = vector.broadcast %reduce_sum3A_469 : f32 to vector<16xf32>
          %select_n3A_471 = arith.select %eq3A_464, %broadcast_in_dim3A_470, %select_n3A_399 : vector<16xi1>, vector<16xf32>
          %eq3A_472 = arith.constant 4 : i32
          %eq3A_473 = vector.broadcast %eq3A_472 : i32 to vector<16xi32>
          %eq3A_474 = arith.cmpi eq, %iota3A_114, %eq3A_473 : vector<16xi32>
          %add3A_475 = arith.addf %unpack3A_460, %unpack3A_461 : vector<16xf32>
          %reduce_sum3A_476 = arith.constant true
          %reduce_sum3A_477 = vector.broadcast %reduce_sum3A_476 : i1 to vector<16xi1>
          %reduce_sum3A_478 = tpu.scan <sum>, %add3A_475 masked %reduce_sum3A_477 : vector<16xf32>, vector<16xi1> -> vector<16xf32>
          %reduce_sum3A_479 = vector.extract %reduce_sum3A_478[15] : f32 from vector<16xf32>
          %broadcast_in_dim3A_480 = vector.broadcast %reduce_sum3A_479 : f32 to vector<16xf32>
          %select_n3A_481 = arith.select %eq3A_474, %broadcast_in_dim3A_480, %select_n3A_409 : vector<16xi1>, vector<16xf32>
          %add3A_482 = arith.constant 5 : i32
          %add3A_483 = arith.addi %mul3A_122, %add3A_482 : i32
          %get3A_484 = arith.index_cast %add3A_483 : i32 to index
          %get3A_485 = arith.constant 0 : index
          %get3A_486 = tpu.vector_load %arg11[%get3A_484, %get3A_485] {strides = array<i32>} : memref<128x128xi32, #tpu.memory_space<vmem>>, vector<16xi32>,
          %bitcast3A_487 = vector.bitcast %get3A_486 : vector<16xi32> to vector<32xbf16>
          %mul3A_488 = arith.mulf %bitcast3A_487, %bitcast3A_21 : vector<32xbf16>
          %get3A_489 = arith.index_cast %add3A_483 : i32 to index
          %get3A_490 = arith.constant 16 : index
          %get3A_491 = tpu.vector_load %arg11[%get3A_489, %get3A_490] {strides = array<i32>} : memref<128x128xi32, #tpu.memory_space<vmem>>, vector<16xi32>,
          %bitcast3A_492 = vector.bitcast %get3A_491 : vector<16xi32> to vector<32xbf16>
          %mul3A_493 = arith.mulf %bitcast3A_492, %bitcast3A_24 : vector<32xbf16>
          %get3A_494 = arith.index_cast %add3A_483 : i32 to index
          %get3A_495 = arith.constant 32 : index
          %get3A_496 = tpu.vector_load %arg11[%get3A_494, %get3A_495] {strides = array<i32>} : memref<128x128xi32, #tpu.memory_space<vmem>>, vector<16xi32>,
          %bitcast3A_497 = vector.bitcast %get3A_496 : vector<16xi32> to vector<32xbf16>
          %mul3A_498 = arith.mulf %bitcast3A_497, %bitcast3A_27 : vector<32xbf16>
          %get3A_499 = arith.index_cast %add3A_483 : i32 to index
          %get3A_500 = arith.constant 48 : index
          %get3A_501 = tpu.vector_load %arg11[%get3A_499, %get3A_500] {strides = array<i32>} : memref<128x128xi32, #tpu.memory_space<vmem>>, vector<16xi32>,
          %bitcast3A_502 = vector.bitcast %get3A_501 : vector<16xi32> to vector<32xbf16>
          %mul3A_503 = arith.mulf %bitcast3A_502, %bitcast3A_30 : vector<32xbf16>
          %get3A_504 = arith.index_cast %add3A_483 : i32 to index
          %get3A_505 = arith.constant 64 : index
          %get3A_506 = tpu.vector_load %arg11[%get3A_504, %get3A_505] {strides = array<i32>} : memref<128x128xi32, #tpu.memory_space<vmem>>, vector<16xi32>,
          %bitcast3A_507 = vector.bitcast %get3A_506 : vector<16xi32> to vector<32xbf16>
          %mul3A_508 = arith.mulf %bitcast3A_507, %bitcast3A : vector<32xbf16>
          %get3A_509 = arith.index_cast %add3A_483 : i32 to index
          %get3A_510 = arith.constant 80 : index
          %get3A_511 = tpu.vector_load %arg11[%get3A_509, %get3A_510] {strides = array<i32>} : memref<128x128xi32, #tpu.memory_space<vmem>>, vector<16xi32>,
          %bitcast3A_512 = vector.bitcast %get3A_511 : vector<16xi32> to vector<32xbf16>
          %mul3A_513 = arith.mulf %bitcast3A_512, %bitcast3A_12 : vector<32xbf16>
          %get3A_514 = arith.index_cast %add3A_483 : i32 to index
          %get3A_515 = arith.constant 96 : index
          %get3A_516 = tpu.vector_load %arg11[%get3A_514, %get3A_515] {strides = array<i32>} : memref<128x128xi32, #tpu.memory_space<vmem>>, vector<16xi32>,
          %bitcast3A_517 = vector.bitcast %get3A_516 : vector<16xi32> to vector<32xbf16>
          %mul3A_518 = arith.mulf %bitcast3A_517, %bitcast3A_15 : vector<32xbf16>
          %get3A_519 = arith.index_cast %add3A_483 : i32 to index
          %get3A_520 = arith.constant 112 : index
          %get3A_521 = tpu.vector_load %arg11[%get3A_519, %get3A_520] {strides = array<i32>} : memref<128x128xi32, #tpu.memory_space<vmem>>, vector<16xi32>,
          %bitcast3A_522 = vector.bitcast %get3A_521 : vector<16xi32> to vector<32xbf16>
          %mul3A_523 = arith.mulf %bitcast3A_522, %bitcast3A_18 : vector<32xbf16>
          %add3A_524 = arith.addf %mul3A_488, %mul3A_493 : vector<32xbf16>
          %add3A_525 = arith.addf %mul3A_498, %mul3A_503 : vector<32xbf16>
          %add3A_526 = arith.addf %add3A_524, %add3A_525 : vector<32xbf16>
          %add3A_527 = arith.addf %mul3A_508, %mul3A_513 : vector<32xbf16>
          %add3A_528 = arith.addf %mul3A_518, %mul3A_523 : vector<32xbf16>
          %add3A_529 = arith.addf %add3A_527, %add3A_528 : vector<32xbf16>
          %unpack3A_530 = tpu.unpack_subelements %add3A_526, 0 {pack_format = #tpu.pack_format<interleaved>} : vector<32xbf16> -> vector<16xf32>
          %unpack3A_531 = tpu.unpack_subelements %add3A_526, 1 {pack_format = #tpu.pack_format<interleaved>} : vector<32xbf16> -> vector<16xf32>
          %unpack3A_532 = tpu.unpack_subelements %add3A_529, 0 {pack_format = #tpu.pack_format<interleaved>} : vector<32xbf16> -> vector<16xf32>
          %unpack3A_533 = tpu.unpack_subelements %add3A_529, 1 {pack_format = #tpu.pack_format<interleaved>} : vector<32xbf16> -> vector<16xf32>
          %eq3A_534 = arith.constant 5 : i32
          %eq3A_535 = vector.broadcast %eq3A_534 : i32 to vector<16xi32>
          %eq3A_536 = arith.cmpi eq, %iota3A_114, %eq3A_535 : vector<16xi32>
          %add3A_537 = arith.addf %unpack3A_530, %unpack3A_531 : vector<16xf32>
          %reduce_sum3A_538 = arith.constant true
          %reduce_sum3A_539 = vector.broadcast %reduce_sum3A_538 : i1 to vector<16xi1>
          %reduce_sum3A_540 = tpu.scan <sum>, %add3A_537 masked %reduce_sum3A_539 : vector<16xf32>, vector<16xi1> -> vector<16xf32>
          %reduce_sum3A_541 = vector.extract %reduce_sum3A_540[15] : f32 from vector<16xf32>
          %broadcast_in_dim3A_542 = vector.broadcast %reduce_sum3A_541 : f32 to vector<16xf32>
          %select_n3A_543 = arith.select %eq3A_536, %broadcast_in_dim3A_542, %select_n3A_471 : vector<16xi1>, vector<16xf32>
          %eq3A_544 = arith.constant 5 : i32
          %eq3A_545 = vector.broadcast %eq3A_544 : i32 to vector<16xi32>
          %eq3A_546 = arith.cmpi eq, %iota3A_114, %eq3A_545 : vector<16xi32>
          %add3A_547 = arith.addf %unpack3A_532, %unpack3A_533 : vector<16xf32>
          %reduce_sum3A_548 = arith.constant true
          %reduce_sum3A_549 = vector.broadcast %reduce_sum3A_548 : i1 to vector<16xi1>
          %reduce_sum3A_550 = tpu.scan <sum>, %add3A_547 masked %reduce_sum3A_549 : vector<16xf32>, vector<16xi1> -> vector<16xf32>
          %reduce_sum3A_551 = vector.extract %reduce_sum3A_550[15] : f32 from vector<16xf32>
          %broadcast_in_dim3A_552 = vector.broadcast %reduce_sum3A_551 : f32 to vector<16xf32>
          %select_n3A_553 = arith.select %eq3A_546, %broadcast_in_dim3A_552, %select_n3A_481 : vector<16xi1>, vector<16xf32>
          %add3A_554 = arith.constant 6 : i32
          %add3A_555 = arith.addi %mul3A_122, %add3A_554 : i32
          %get3A_556 = arith.index_cast %add3A_555 : i32 to index
          %get3A_557 = arith.constant 0 : index
          %get3A_558 = tpu.vector_load %arg11[%get3A_556, %get3A_557] {strides = array<i32>} : memref<128x128xi32, #tpu.memory_space<vmem>>, vector<16xi32>,
          %bitcast3A_559 = vector.bitcast %get3A_558 : vector<16xi32> to vector<32xbf16>
          %mul3A_560 = arith.mulf %bitcast3A_559, %bitcast3A_21 : vector<32xbf16>
          %get3A_561 = arith.index_cast %add3A_555 : i32 to index
          %get3A_562 = arith.constant 16 : index
          %get3A_563 = tpu.vector_load %arg11[%get3A_561, %get3A_562] {strides = array<i32>} : memref<128x128xi32, #tpu.memory_space<vmem>>, vector<16xi32>,
          %bitcast3A_564 = vector.bitcast %get3A_563 : vector<16xi32> to vector<32xbf16>
          %mul3A_565 = arith.mulf %bitcast3A_564, %bitcast3A_24 : vector<32xbf16>
          %get3A_566 = arith.index_cast %add3A_555 : i32 to index
          %get3A_567 = arith.constant 32 : index
          %get3A_568 = tpu.vector_load %arg11[%get3A_566, %get3A_567] {strides = array<i32>} : memref<128x128xi32, #tpu.memory_space<vmem>>, vector<16xi32>,
          %bitcast3A_569 = vector.bitcast %get3A_568 : vector<16xi32> to vector<32xbf16>
          %mul3A_570 = arith.mulf %bitcast3A_569, %bitcast3A_27 : vector<32xbf16>
          %get3A_571 = arith.index_cast %add3A_555 : i32 to index
          %get3A_572 = arith.constant 48 : index
          %get3A_573 = tpu.vector_load %arg11[%get3A_571, %get3A_572] {strides = array<i32>} : memref<128x128xi32, #tpu.memory_space<vmem>>, vector<16xi32>,
          %bitcast3A_574 = vector.bitcast %get3A_573 : vector<16xi32> to vector<32xbf16>
          %mul3A_575 = arith.mulf %bitcast3A_574, %bitcast3A_30 : vector<32xbf16>
          %get3A_576 = arith.index_cast %add3A_555 : i32 to index
          %get3A_577 = arith.constant 64 : index
          %get3A_578 = tpu.vector_load %arg11[%get3A_576, %get3A_577] {strides = array<i32>} : memref<128x128xi32, #tpu.memory_space<vmem>>, vector<16xi32>,
          %bitcast3A_579 = vector.bitcast %get3A_578 : vector<16xi32> to vector<32xbf16>
          %mul3A_580 = arith.mulf %bitcast3A_579, %bitcast3A : vector<32xbf16>
          %get3A_581 = arith.index_cast %add3A_555 : i32 to index
          %get3A_582 = arith.constant 80 : index
          %get3A_583 = tpu.vector_load %arg11[%get3A_581, %get3A_582] {strides = array<i32>} : memref<128x128xi32, #tpu.memory_space<vmem>>, vector<16xi32>,
          %bitcast3A_584 = vector.bitcast %get3A_583 : vector<16xi32> to vector<32xbf16>
          %mul3A_585 = arith.mulf %bitcast3A_584, %bitcast3A_12 : vector<32xbf16>
          %get3A_586 = arith.index_cast %add3A_555 : i32 to index
          %get3A_587 = arith.constant 96 : index
          %get3A_588 = tpu.vector_load %arg11[%get3A_586, %get3A_587] {strides = array<i32>} : memref<128x128xi32, #tpu.memory_space<vmem>>, vector<16xi32>,
          %bitcast3A_589 = vector.bitcast %get3A_588 : vector<16xi32> to vector<32xbf16>
          %mul3A_590 = arith.mulf %bitcast3A_589, %bitcast3A_15 : vector<32xbf16>
          %get3A_591 = arith.index_cast %add3A_555 : i32 to index
          %get3A_592 = arith.constant 112 : index
          %get3A_593 = tpu.vector_load %arg11[%get3A_591, %get3A_592] {strides = array<i32>} : memref<128x128xi32, #tpu.memory_space<vmem>>, vector<16xi32>,
          %bitcast3A_594 = vector.bitcast %get3A_593 : vector<16xi32> to vector<32xbf16>
          %mul3A_595 = arith.mulf %bitcast3A_594, %bitcast3A_18 : vector<32xbf16>
          %add3A_596 = arith.addf %mul3A_560, %mul3A_565 : vector<32xbf16>
          %add3A_597 = arith.addf %mul3A_570, %mul3A_575 : vector<32xbf16>
          %add3A_598 = arith.addf %add3A_596, %add3A_597 : vector<32xbf16>
          %add3A_599 = arith.addf %mul3A_580, %mul3A_585 : vector<32xbf16>
          %add3A_600 = arith.addf %mul3A_590, %mul3A_595 : vector<32xbf16>
          %add3A_601 = arith.addf %add3A_599, %add3A_600 : vector<32xbf16>
          %unpack3A_602 = tpu.unpack_subelements %add3A_598, 0 {pack_format = #tpu.pack_format<interleaved>} : vector<32xbf16> -> vector<16xf32>
          %unpack3A_603 = tpu.unpack_subelements %add3A_598, 1 {pack_format = #tpu.pack_format<interleaved>} : vector<32xbf16> -> vector<16xf32>
          %unpack3A_604 = tpu.unpack_subelements %add3A_601, 0 {pack_format = #tpu.pack_format<interleaved>} : vector<32xbf16> -> vector<16xf32>
          %unpack3A_605 = tpu.unpack_subelements %add3A_601, 1 {pack_format = #tpu.pack_format<interleaved>} : vector<32xbf16> -> vector<16xf32>
          %eq3A_606 = arith.constant 6 : i32
          %eq3A_607 = vector.broadcast %eq3A_606 : i32 to vector<16xi32>
          %eq3A_608 = arith.cmpi eq, %iota3A_114, %eq3A_607 : vector<16xi32>
          %add3A_609 = arith.addf %unpack3A_602, %unpack3A_603 : vector<16xf32>
          %reduce_sum3A_610 = arith.constant true
          %reduce_sum3A_611 = vector.broadcast %reduce_sum3A_610 : i1 to vector<16xi1>
          %reduce_sum3A_612 = tpu.scan <sum>, %add3A_609 masked %reduce_sum3A_611 : vector<16xf32>, vector<16xi1> -> vector<16xf32>
          %reduce_sum3A_613 = vector.extract %reduce_sum3A_612[15] : f32 from vector<16xf32>
          %broadcast_in_dim3A_614 = vector.broadcast %reduce_sum3A_613 : f32 to vector<16xf32>
          %select_n3A_615 = arith.select %eq3A_608, %broadcast_in_dim3A_614, %select_n3A_543 : vector<16xi1>, vector<16xf32>
          %eq3A_616 = arith.constant 6 : i32
          %eq3A_617 = vector.broadcast %eq3A_616 : i32 to vector<16xi32>
          %eq3A_618 = arith.cmpi eq, %iota3A_114, %eq3A_617 : vector<16xi32>
          %add3A_619 = arith.addf %unpack3A_604, %unpack3A_605 : vector<16xf32>
          %reduce_sum3A_620 = arith.constant true
          %reduce_sum3A_621 = vector.broadcast %reduce_sum3A_620 : i1 to vector<16xi1>
          %reduce_sum3A_622 = tpu.scan <sum>, %add3A_619 masked %reduce_sum3A_621 : vector<16xf32>, vector<16xi1> -> vector<16xf32>
          %reduce_sum3A_623 = vector.extract %reduce_sum3A_622[15] : f32 from vector<16xf32>
          %broadcast_in_dim3A_624 = vector.broadcast %reduce_sum3A_623 : f32 to vector<16xf32>
          %select_n3A_625 = arith.select %eq3A_618, %broadcast_in_dim3A_624, %select_n3A_553 : vector<16xi1>, vector<16xf32>
          %add3A_626 = arith.constant 7 : i32
          %add3A_627 = arith.addi %mul3A_122, %add3A_626 : i32
          %get3A_628 = arith.index_cast %add3A_627 : i32 to index
          %get3A_629 = arith.constant 0 : index
          %get3A_630 = tpu.vector_load %arg11[%get3A_628, %get3A_629] {strides = array<i32>} : memref<128x128xi32, #tpu.memory_space<vmem>>, vector<16xi32>,
          %bitcast3A_631 = vector.bitcast %get3A_630 : vector<16xi32> to vector<32xbf16>
          %mul3A_632 = arith.mulf %bitcast3A_631, %bitcast3A_21 : vector<32xbf16>
          %get3A_633 = arith.index_cast %add3A_627 : i32 to index
          %get3A_634 = arith.constant 16 : index
          %get3A_635 = tpu.vector_load %arg11[%get3A_633, %get3A_634] {strides = array<i32>} : memref<128x128xi32, #tpu.memory_space<vmem>>, vector<16xi32>,
          %bitcast3A_636 = vector.bitcast %get3A_635 : vector<16xi32> to vector<32xbf16>
          %mul3A_637 = arith.mulf %bitcast3A_636, %bitcast3A_24 : vector<32xbf16>
          %get3A_638 = arith.index_cast %add3A_627 : i32 to index
          %get3A_639 = arith.constant 32 : index
          %get3A_640 = tpu.vector_load %arg11[%get3A_638, %get3A_639] {strides = array<i32>} : memref<128x128xi32, #tpu.memory_space<vmem>>, vector<16xi32>,
          %bitcast3A_641 = vector.bitcast %get3A_640 : vector<16xi32> to vector<32xbf16>
          %mul3A_642 = arith.mulf %bitcast3A_641, %bitcast3A_27 : vector<32xbf16>
          %get3A_643 = arith.index_cast %add3A_627 : i32 to index
          %get3A_644 = arith.constant 48 : index
          %get3A_645 = tpu.vector_load %arg11[%get3A_643, %get3A_644] {strides = array<i32>} : memref<128x128xi32, #tpu.memory_space<vmem>>, vector<16xi32>,
          %bitcast3A_646 = vector.bitcast %get3A_645 : vector<16xi32> to vector<32xbf16>
          %mul3A_647 = arith.mulf %bitcast3A_646, %bitcast3A_30 : vector<32xbf16>
          %get3A_648 = arith.index_cast %add3A_627 : i32 to index
          %get3A_649 = arith.constant 64 : index
          %get3A_650 = tpu.vector_load %arg11[%get3A_648, %get3A_649] {strides = array<i32>} : memref<128x128xi32, #tpu.memory_space<vmem>>, vector<16xi32>,
          %bitcast3A_651 = vector.bitcast %get3A_650 : vector<16xi32> to vector<32xbf16>
          %mul3A_652 = arith.mulf %bitcast3A_651, %bitcast3A : vector<32xbf16>
          %get3A_653 = arith.index_cast %add3A_627 : i32 to index
          %get3A_654 = arith.constant 80 : index
          %get3A_655 = tpu.vector_load %arg11[%get3A_653, %get3A_654] {strides = array<i32>} : memref<128x128xi32, #tpu.memory_space<vmem>>, vector<16xi32>,
          %bitcast3A_656 = vector.bitcast %get3A_655 : vector<16xi32> to vector<32xbf16>
          %mul3A_657 = arith.mulf %bitcast3A_656, %bitcast3A_12 : vector<32xbf16>
          %get3A_658 = arith.index_cast %add3A_627 : i32 to index
          %get3A_659 = arith.constant 96 : index
          %get3A_660 = tpu.vector_load %arg11[%get3A_658, %get3A_659] {strides = array<i32>} : memref<128x128xi32, #tpu.memory_space<vmem>>, vector<16xi32>,
          %bitcast3A_661 = vector.bitcast %get3A_660 : vector<16xi32> to vector<32xbf16>
          %mul3A_662 = arith.mulf %bitcast3A_661, %bitcast3A_15 : vector<32xbf16>
          %get3A_663 = arith.index_cast %add3A_627 : i32 to index
          %get3A_664 = arith.constant 112 : index
          %get3A_665 = tpu.vector_load %arg11[%get3A_663, %get3A_664] {strides = array<i32>} : memref<128x128xi32, #tpu.memory_space<vmem>>, vector<16xi32>,
          %bitcast3A_666 = vector.bitcast %get3A_665 : vector<16xi32> to vector<32xbf16>
          %mul3A_667 = arith.mulf %bitcast3A_666, %bitcast3A_18 : vector<32xbf16>
          %add3A_668 = arith.addf %mul3A_632, %mul3A_637 : vector<32xbf16>
          %add3A_669 = arith.addf %mul3A_642, %mul3A_647 : vector<32xbf16>
          %add3A_670 = arith.addf %add3A_668, %add3A_669 : vector<32xbf16>
          %add3A_671 = arith.addf %mul3A_652, %mul3A_657 : vector<32xbf16>
          %add3A_672 = arith.addf %mul3A_662, %mul3A_667 : vector<32xbf16>
          %add3A_673 = arith.addf %add3A_671, %add3A_672 : vector<32xbf16>
          %unpack3A_674 = tpu.unpack_subelements %add3A_670, 0 {pack_format = #tpu.pack_format<interleaved>} : vector<32xbf16> -> vector<16xf32>
          %unpack3A_675 = tpu.unpack_subelements %add3A_670, 1 {pack_format = #tpu.pack_format<interleaved>} : vector<32xbf16> -> vector<16xf32>
          %unpack3A_676 = tpu.unpack_subelements %add3A_673, 0 {pack_format = #tpu.pack_format<interleaved>} : vector<32xbf16> -> vector<16xf32>
          %unpack3A_677 = tpu.unpack_subelements %add3A_673, 1 {pack_format = #tpu.pack_format<interleaved>} : vector<32xbf16> -> vector<16xf32>
          %eq3A_678 = arith.constant 7 : i32
          %eq3A_679 = vector.broadcast %eq3A_678 : i32 to vector<16xi32>
          %eq3A_680 = arith.cmpi eq, %iota3A_114, %eq3A_679 : vector<16xi32>
          %add3A_681 = arith.addf %unpack3A_674, %unpack3A_675 : vector<16xf32>
          %reduce_sum3A_682 = arith.constant true
          %reduce_sum3A_683 = vector.broadcast %reduce_sum3A_682 : i1 to vector<16xi1>
          %reduce_sum3A_684 = tpu.scan <sum>, %add3A_681 masked %reduce_sum3A_683 : vector<16xf32>, vector<16xi1> -> vector<16xf32>
          %reduce_sum3A_685 = vector.extract %reduce_sum3A_684[15] : f32 from vector<16xf32>
          %broadcast_in_dim3A_686 = vector.broadcast %reduce_sum3A_685 : f32 to vector<16xf32>
          %select_n3A_687 = arith.select %eq3A_680, %broadcast_in_dim3A_686, %select_n3A_615 : vector<16xi1>, vector<16xf32>
          %eq3A_688 = arith.constant 7 : i32
          %eq3A_689 = vector.broadcast %eq3A_688 : i32 to vector<16xi32>
          %eq3A_690 = arith.cmpi eq, %iota3A_114, %eq3A_689 : vector<16xi32>
          %add3A_691 = arith.addf %unpack3A_676, %unpack3A_677 : vector<16xf32>
          %reduce_sum3A_692 = arith.constant true
          %reduce_sum3A_693 = vector.broadcast %reduce_sum3A_692 : i1 to vector<16xi1>
          %reduce_sum3A_694 = tpu.scan <sum>, %add3A_691 masked %reduce_sum3A_693 : vector<16xf32>, vector<16xi1> -> vector<16xf32>
          %reduce_sum3A_695 = vector.extract %reduce_sum3A_694[15] : f32 from vector<16xf32>
          %broadcast_in_dim3A_696 = vector.broadcast %reduce_sum3A_695 : f32 to vector<16xf32>
          %select_n3A_697 = arith.select %eq3A_690, %broadcast_in_dim3A_696, %select_n3A_625 : vector<16xi1>, vector<16xf32>
          %add3A_698 = arith.constant 8 : i32
          %add3A_699 = arith.addi %mul3A_122, %add3A_698 : i32
          %get3A_700 = arith.index_cast %add3A_699 : i32 to index
          %get3A_701 = arith.constant 0 : index
          %get3A_702 = tpu.vector_load %arg11[%get3A_700, %get3A_701] {strides = array<i32>} : memref<128x128xi32, #tpu.memory_space<vmem>>, vector<16xi32>,
          %bitcast3A_703 = vector.bitcast %get3A_702 : vector<16xi32> to vector<32xbf16>
          %mul3A_704 = arith.mulf %bitcast3A_703, %bitcast3A_21 : vector<32xbf16>
          %get3A_705 = arith.index_cast %add3A_699 : i32 to index
          %get3A_706 = arith.constant 16 : index
          %get3A_707 = tpu.vector_load %arg11[%get3A_705, %get3A_706] {strides = array<i32>} : memref<128x128xi32, #tpu.memory_space<vmem>>, vector<16xi32>,
          %bitcast3A_708 = vector.bitcast %get3A_707 : vector<16xi32> to vector<32xbf16>
          %mul3A_709 = arith.mulf %bitcast3A_708, %bitcast3A_24 : vector<32xbf16>
          %get3A_710 = arith.index_cast %add3A_699 : i32 to index
          %get3A_711 = arith.constant 32 : index
          %get3A_712 = tpu.vector_load %arg11[%get3A_710, %get3A_711] {strides = array<i32>} : memref<128x128xi32, #tpu.memory_space<vmem>>, vector<16xi32>,
          %bitcast3A_713 = vector.bitcast %get3A_712 : vector<16xi32> to vector<32xbf16>
          %mul3A_714 = arith.mulf %bitcast3A_713, %bitcast3A_27 : vector<32xbf16>
          %get3A_715 = arith.index_cast %add3A_699 : i32 to index
          %get3A_716 = arith.constant 48 : index
          %get3A_717 = tpu.vector_load %arg11[%get3A_715, %get3A_716] {strides = array<i32>} : memref<128x128xi32, #tpu.memory_space<vmem>>, vector<16xi32>,
          %bitcast3A_718 = vector.bitcast %get3A_717 : vector<16xi32> to vector<32xbf16>
          %mul3A_719 = arith.mulf %bitcast3A_718, %bitcast3A_30 : vector<32xbf16>
          %get3A_720 = arith.index_cast %add3A_699 : i32 to index
          %get3A_721 = arith.constant 64 : index
          %get3A_722 = tpu.vector_load %arg11[%get3A_720, %get3A_721] {strides = array<i32>} : memref<128x128xi32, #tpu.memory_space<vmem>>, vector<16xi32>,
          %bitcast3A_723 = vector.bitcast %get3A_722 : vector<16xi32> to vector<32xbf16>
          %mul3A_724 = arith.mulf %bitcast3A_723, %bitcast3A : vector<32xbf16>
          %get3A_725 = arith.index_cast %add3A_699 : i32 to index
          %get3A_726 = arith.constant 80 : index
          %get3A_727 = tpu.vector_load %arg11[%get3A_725, %get3A_726] {strides = array<i32>} : memref<128x128xi32, #tpu.memory_space<vmem>>, vector<16xi32>,
          %bitcast3A_728 = vector.bitcast %get3A_727 : vector<16xi32> to vector<32xbf16>
          %mul3A_729 = arith.mulf %bitcast3A_728, %bitcast3A_12 : vector<32xbf16>
          %get3A_730 = arith.index_cast %add3A_699 : i32 to index
          %get3A_731 = arith.constant 96 : index
          %get3A_732 = tpu.vector_load %arg11[%get3A_730, %get3A_731] {strides = array<i32>} : memref<128x128xi32, #tpu.memory_space<vmem>>, vector<16xi32>,
          %bitcast3A_733 = vector.bitcast %get3A_732 : vector<16xi32> to vector<32xbf16>
          %mul3A_734 = arith.mulf %bitcast3A_733, %bitcast3A_15 : vector<32xbf16>
          %get3A_735 = arith.index_cast %add3A_699 : i32 to index
          %get3A_736 = arith.constant 112 : index
          %get3A_737 = tpu.vector_load %arg11[%get3A_735, %get3A_736] {strides = array<i32>} : memref<128x128xi32, #tpu.memory_space<vmem>>, vector<16xi32>,
          %bitcast3A_738 = vector.bitcast %get3A_737 : vector<16xi32> to vector<32xbf16>
          %mul3A_739 = arith.mulf %bitcast3A_738, %bitcast3A_18 : vector<32xbf16>
          %add3A_740 = arith.addf %mul3A_704, %mul3A_709 : vector<32xbf16>
          %add3A_741 = arith.addf %mul3A_714, %mul3A_719 : vector<32xbf16>
          %add3A_742 = arith.addf %add3A_740, %add3A_741 : vector<32xbf16>
          %add3A_743 = arith.addf %mul3A_724, %mul3A_729 : vector<32xbf16>
          %add3A_744 = arith.addf %mul3A_734, %mul3A_739 : vector<32xbf16>
          %add3A_745 = arith.addf %add3A_743, %add3A_744 : vector<32xbf16>
          %unpack3A_746 = tpu.unpack_subelements %add3A_742, 0 {pack_format = #tpu.pack_format<interleaved>} : vector<32xbf16> -> vector<16xf32>
          %unpack3A_747 = tpu.unpack_subelements %add3A_742, 1 {pack_format = #tpu.pack_format<interleaved>} : vector<32xbf16> -> vector<16xf32>
          %unpack3A_748 = tpu.unpack_subelements %add3A_745, 0 {pack_format = #tpu.pack_format<interleaved>} : vector<32xbf16> -> vector<16xf32>
          %unpack3A_749 = tpu.unpack_subelements %add3A_745, 1 {pack_format = #tpu.pack_format<interleaved>} : vector<32xbf16> -> vector<16xf32>
          %eq3A_750 = arith.constant 8 : i32
          %eq3A_751 = vector.broadcast %eq3A_750 : i32 to vector<16xi32>
          %eq3A_752 = arith.cmpi eq, %iota3A_114, %eq3A_751 : vector<16xi32>
          %add3A_753 = arith.addf %unpack3A_746, %unpack3A_747 : vector<16xf32>
          %reduce_sum3A_754 = arith.constant true
          %reduce_sum3A_755 = vector.broadcast %reduce_sum3A_754 : i1 to vector<16xi1>
          %reduce_sum3A_756 = tpu.scan <sum>, %add3A_753 masked %reduce_sum3A_755 : vector<16xf32>, vector<16xi1> -> vector<16xf32>
          %reduce_sum3A_757 = vector.extract %reduce_sum3A_756[15] : f32 from vector<16xf32>
          %broadcast_in_dim3A_758 = vector.broadcast %reduce_sum3A_757 : f32 to vector<16xf32>
          %select_n3A_759 = arith.select %eq3A_752, %broadcast_in_dim3A_758, %select_n3A_687 : vector<16xi1>, vector<16xf32>
          %eq3A_760 = arith.constant 8 : i32
          %eq3A_761 = vector.broadcast %eq3A_760 : i32 to vector<16xi32>
          %eq3A_762 = arith.cmpi eq, %iota3A_114, %eq3A_761 : vector<16xi32>
          %add3A_763 = arith.addf %unpack3A_748, %unpack3A_749 : vector<16xf32>
          %reduce_sum3A_764 = arith.constant true
          %reduce_sum3A_765 = vector.broadcast %reduce_sum3A_764 : i1 to vector<16xi1>
          %reduce_sum3A_766 = tpu.scan <sum>, %add3A_763 masked %reduce_sum3A_765 : vector<16xf32>, vector<16xi1> -> vector<16xf32>
          %reduce_sum3A_767 = vector.extract %reduce_sum3A_766[15] : f32 from vector<16xf32>
          %broadcast_in_dim3A_768 = vector.broadcast %reduce_sum3A_767 : f32 to vector<16xf32>
          %select_n3A_769 = arith.select %eq3A_762, %broadcast_in_dim3A_768, %select_n3A_697 : vector<16xi1>, vector<16xf32>
          %add3A_770 = arith.constant 9 : i32
          %add3A_771 = arith.addi %mul3A_122, %add3A_770 : i32
          %get3A_772 = arith.index_cast %add3A_771 : i32 to index
          %get3A_773 = arith.constant 0 : index
          %get3A_774 = tpu.vector_load %arg11[%get3A_772, %get3A_773] {strides = array<i32>} : memref<128x128xi32, #tpu.memory_space<vmem>>, vector<16xi32>,
          %bitcast3A_775 = vector.bitcast %get3A_774 : vector<16xi32> to vector<32xbf16>
          %mul3A_776 = arith.mulf %bitcast3A_775, %bitcast3A_21 : vector<32xbf16>
          %get3A_777 = arith.index_cast %add3A_771 : i32 to index
          %get3A_778 = arith.constant 16 : index
          %get3A_779 = tpu.vector_load %arg11[%get3A_777, %get3A_778] {strides = array<i32>} : memref<128x128xi32, #tpu.memory_space<vmem>>, vector<16xi32>,
          %bitcast3A_780 = vector.bitcast %get3A_779 : vector<16xi32> to vector<32xbf16>
          %mul3A_781 = arith.mulf %bitcast3A_780, %bitcast3A_24 : vector<32xbf16>
          %get3A_782 = arith.index_cast %add3A_771 : i32 to index
          %get3A_783 = arith.constant 32 : index
          %get3A_784 = tpu.vector_load %arg11[%get3A_782, %get3A_783] {strides = array<i32>} : memref<128x128xi32, #tpu.memory_space<vmem>>, vector<16xi32>,
          %bitcast3A_785 = vector.bitcast %get3A_784 : vector<16xi32> to vector<32xbf16>
          %mul3A_786 = arith.mulf %bitcast3A_785, %bitcast3A_27 : vector<32xbf16>
          %get3A_787 = arith.index_cast %add3A_771 : i32 to index
          %get3A_788 = arith.constant 48 : index
          %get3A_789 = tpu.vector_load %arg11[%get3A_787, %get3A_788] {strides = array<i32>} : memref<128x128xi32, #tpu.memory_space<vmem>>, vector<16xi32>,
          %bitcast3A_790 = vector.bitcast %get3A_789 : vector<16xi32> to vector<32xbf16>
          %mul3A_791 = arith.mulf %bitcast3A_790, %bitcast3A_30 : vector<32xbf16>
          %get3A_792 = arith.index_cast %add3A_771 : i32 to index
          %get3A_793 = arith.constant 64 : index
          %get3A_794 = tpu.vector_load %arg11[%get3A_792, %get3A_793] {strides = array<i32>} : memref<128x128xi32, #tpu.memory_space<vmem>>, vector<16xi32>,
          %bitcast3A_795 = vector.bitcast %get3A_794 : vector<16xi32> to vector<32xbf16>
          %mul3A_796 = arith.mulf %bitcast3A_795, %bitcast3A : vector<32xbf16>
          %get3A_797 = arith.index_cast %add3A_771 : i32 to index
          %get3A_798 = arith.constant 80 : index
          %get3A_799 = tpu.vector_load %arg11[%get3A_797, %get3A_798] {strides = array<i32>} : memref<128x128xi32, #tpu.memory_space<vmem>>, vector<16xi32>,
          %bitcast3A_800 = vector.bitcast %get3A_799 : vector<16xi32> to vector<32xbf16>
          %mul3A_801 = arith.mulf %bitcast3A_800, %bitcast3A_12 : vector<32xbf16>
          %get3A_802 = arith.index_cast %add3A_771 : i32 to index
          %get3A_803 = arith.constant 96 : index
          %get3A_804 = tpu.vector_load %arg11[%get3A_802, %get3A_803] {strides = array<i32>} : memref<128x128xi32, #tpu.memory_space<vmem>>, vector<16xi32>,
          %bitcast3A_805 = vector.bitcast %get3A_804 : vector<16xi32> to vector<32xbf16>
          %mul3A_806 = arith.mulf %bitcast3A_805, %bitcast3A_15 : vector<32xbf16>
          %get3A_807 = arith.index_cast %add3A_771 : i32 to index
          %get3A_808 = arith.constant 112 : index
          %get3A_809 = tpu.vector_load %arg11[%get3A_807, %get3A_808] {strides = array<i32>} : memref<128x128xi32, #tpu.memory_space<vmem>>, vector<16xi32>,
          %bitcast3A_810 = vector.bitcast %get3A_809 : vector<16xi32> to vector<32xbf16>
          %mul3A_811 = arith.mulf %bitcast3A_810, %bitcast3A_18 : vector<32xbf16>
          %add3A_812 = arith.addf %mul3A_776, %mul3A_781 : vector<32xbf16>
          %add3A_813 = arith.addf %mul3A_786, %mul3A_791 : vector<32xbf16>
          %add3A_814 = arith.addf %add3A_812, %add3A_813 : vector<32xbf16>
          %add3A_815 = arith.addf %mul3A_796, %mul3A_801 : vector<32xbf16>
          %add3A_816 = arith.addf %mul3A_806, %mul3A_811 : vector<32xbf16>
          %add3A_817 = arith.addf %add3A_815, %add3A_816 : vector<32xbf16>
          %unpack3A_818 = tpu.unpack_subelements %add3A_814, 0 {pack_format = #tpu.pack_format<interleaved>} : vector<32xbf16> -> vector<16xf32>
          %unpack3A_819 = tpu.unpack_subelements %add3A_814, 1 {pack_format = #tpu.pack_format<interleaved>} : vector<32xbf16> -> vector<16xf32>
          %unpack3A_820 = tpu.unpack_subelements %add3A_817, 0 {pack_format = #tpu.pack_format<interleaved>} : vector<32xbf16> -> vector<16xf32>
          %unpack3A_821 = tpu.unpack_subelements %add3A_817, 1 {pack_format = #tpu.pack_format<interleaved>} : vector<32xbf16> -> vector<16xf32>
          %eq3A_822 = arith.constant 9 : i32
          %eq3A_823 = vector.broadcast %eq3A_822 : i32 to vector<16xi32>
          %eq3A_824 = arith.cmpi eq, %iota3A_114, %eq3A_823 : vector<16xi32>
          %add3A_825 = arith.addf %unpack3A_818, %unpack3A_819 : vector<16xf32>
          %reduce_sum3A_826 = arith.constant true
          %reduce_sum3A_827 = vector.broadcast %reduce_sum3A_826 : i1 to vector<16xi1>
          %reduce_sum3A_828 = tpu.scan <sum>, %add3A_825 masked %reduce_sum3A_827 : vector<16xf32>, vector<16xi1> -> vector<16xf32>
          %reduce_sum3A_829 = vector.extract %reduce_sum3A_828[15] : f32 from vector<16xf32>
          %broadcast_in_dim3A_830 = vector.broadcast %reduce_sum3A_829 : f32 to vector<16xf32>
          %select_n3A_831 = arith.select %eq3A_824, %broadcast_in_dim3A_830, %select_n3A_759 : vector<16xi1>, vector<16xf32>
          %eq3A_832 = arith.constant 9 : i32
          %eq3A_833 = vector.broadcast %eq3A_832 : i32 to vector<16xi32>
          %eq3A_834 = arith.cmpi eq, %iota3A_114, %eq3A_833 : vector<16xi32>
          %add3A_835 = arith.addf %unpack3A_820, %unpack3A_821 : vector<16xf32>
          %reduce_sum3A_836 = arith.constant true
          %reduce_sum3A_837 = vector.broadcast %reduce_sum3A_836 : i1 to vector<16xi1>
          %reduce_sum3A_838 = tpu.scan <sum>, %add3A_835 masked %reduce_sum3A_837 : vector<16xf32>, vector<16xi1> -> vector<16xf32>
          %reduce_sum3A_839 = vector.extract %reduce_sum3A_838[15] : f32 from vector<16xf32>
          %broadcast_in_dim3A_840 = vector.broadcast %reduce_sum3A_839 : f32 to vector<16xf32>
          %select_n3A_841 = arith.select %eq3A_834, %broadcast_in_dim3A_840, %select_n3A_769 : vector<16xi1>, vector<16xf32>
          %add3A_842 = arith.constant 10 : i32
          %add3A_843 = arith.addi %mul3A_122, %add3A_842 : i32
          %get3A_844 = arith.index_cast %add3A_843 : i32 to index
          %get3A_845 = arith.constant 0 : index
          %get3A_846 = tpu.vector_load %arg11[%get3A_844, %get3A_845] {strides = array<i32>} : memref<128x128xi32, #tpu.memory_space<vmem>>, vector<16xi32>,
          %bitcast3A_847 = vector.bitcast %get3A_846 : vector<16xi32> to vector<32xbf16>
          %mul3A_848 = arith.mulf %bitcast3A_847, %bitcast3A_21 : vector<32xbf16>
          %get3A_849 = arith.index_cast %add3A_843 : i32 to index
          %get3A_850 = arith.constant 16 : index
          %get3A_851 = tpu.vector_load %arg11[%get3A_849, %get3A_850] {strides = array<i32>} : memref<128x128xi32, #tpu.memory_space<vmem>>, vector<16xi32>,
          %bitcast3A_852 = vector.bitcast %get3A_851 : vector<16xi32> to vector<32xbf16>
          %mul3A_853 = arith.mulf %bitcast3A_852, %bitcast3A_24 : vector<32xbf16>
          %get3A_854 = arith.index_cast %add3A_843 : i32 to index
          %get3A_855 = arith.constant 32 : index
          %get3A_856 = tpu.vector_load %arg11[%get3A_854, %get3A_855] {strides = array<i32>} : memref<128x128xi32, #tpu.memory_space<vmem>>, vector<16xi32>,
          %bitcast3A_857 = vector.bitcast %get3A_856 : vector<16xi32> to vector<32xbf16>
          %mul3A_858 = arith.mulf %bitcast3A_857, %bitcast3A_27 : vector<32xbf16>
          %get3A_859 = arith.index_cast %add3A_843 : i32 to index
          %get3A_860 = arith.constant 48 : index
          %get3A_861 = tpu.vector_load %arg11[%get3A_859, %get3A_860] {strides = array<i32>} : memref<128x128xi32, #tpu.memory_space<vmem>>, vector<16xi32>,
          %bitcast3A_862 = vector.bitcast %get3A_861 : vector<16xi32> to vector<32xbf16>
          %mul3A_863 = arith.mulf %bitcast3A_862, %bitcast3A_30 : vector<32xbf16>
          %get3A_864 = arith.index_cast %add3A_843 : i32 to index
          %get3A_865 = arith.constant 64 : index
          %get3A_866 = tpu.vector_load %arg11[%get3A_864, %get3A_865] {strides = array<i32>} : memref<128x128xi32, #tpu.memory_space<vmem>>, vector<16xi32>,
          %bitcast3A_867 = vector.bitcast %get3A_866 : vector<16xi32> to vector<32xbf16>
          %mul3A_868 = arith.mulf %bitcast3A_867, %bitcast3A : vector<32xbf16>
          %get3A_869 = arith.index_cast %add3A_843 : i32 to index
          %get3A_870 = arith.constant 80 : index
          %get3A_871 = tpu.vector_load %arg11[%get3A_869, %get3A_870] {strides = array<i32>} : memref<128x128xi32, #tpu.memory_space<vmem>>, vector<16xi32>,
          %bitcast3A_872 = vector.bitcast %get3A_871 : vector<16xi32> to vector<32xbf16>
          %mul3A_873 = arith.mulf %bitcast3A_872, %bitcast3A_12 : vector<32xbf16>
          %get3A_874 = arith.index_cast %add3A_843 : i32 to index
          %get3A_875 = arith.constant 96 : index
          %get3A_876 = tpu.vector_load %arg11[%get3A_874, %get3A_875] {strides = array<i32>} : memref<128x128xi32, #tpu.memory_space<vmem>>, vector<16xi32>,
          %bitcast3A_877 = vector.bitcast %get3A_876 : vector<16xi32> to vector<32xbf16>
          %mul3A_878 = arith.mulf %bitcast3A_877, %bitcast3A_15 : vector<32xbf16>
          %get3A_879 = arith.index_cast %add3A_843 : i32 to index
          %get3A_880 = arith.constant 112 : index
          %get3A_881 = tpu.vector_load %arg11[%get3A_879, %get3A_880] {strides = array<i32>} : memref<128x128xi32, #tpu.memory_space<vmem>>, vector<16xi32>,
          %bitcast3A_882 = vector.bitcast %get3A_881 : vector<16xi32> to vector<32xbf16>
          %mul3A_883 = arith.mulf %bitcast3A_882, %bitcast3A_18 : vector<32xbf16>
          %add3A_884 = arith.addf %mul3A_848, %mul3A_853 : vector<32xbf16>
          %add3A_885 = arith.addf %mul3A_858, %mul3A_863 : vector<32xbf16>
          %add3A_886 = arith.addf %add3A_884, %add3A_885 : vector<32xbf16>
          %add3A_887 = arith.addf %mul3A_868, %mul3A_873 : vector<32xbf16>
          %add3A_888 = arith.addf %mul3A_878, %mul3A_883 : vector<32xbf16>
          %add3A_889 = arith.addf %add3A_887, %add3A_888 : vector<32xbf16>
          %unpack3A_890 = tpu.unpack_subelements %add3A_886, 0 {pack_format = #tpu.pack_format<interleaved>} : vector<32xbf16> -> vector<16xf32>
          %unpack3A_891 = tpu.unpack_subelements %add3A_886, 1 {pack_format = #tpu.pack_format<interleaved>} : vector<32xbf16> -> vector<16xf32>
          %unpack3A_892 = tpu.unpack_subelements %add3A_889, 0 {pack_format = #tpu.pack_format<interleaved>} : vector<32xbf16> -> vector<16xf32>
          %unpack3A_893 = tpu.unpack_subelements %add3A_889, 1 {pack_format = #tpu.pack_format<interleaved>} : vector<32xbf16> -> vector<16xf32>
          %eq3A_894 = arith.constant 10 : i32
          %eq3A_895 = vector.broadcast %eq3A_894 : i32 to vector<16xi32>
          %eq3A_896 = arith.cmpi eq, %iota3A_114, %eq3A_895 : vector<16xi32>
          %add3A_897 = arith.addf %unpack3A_890, %unpack3A_891 : vector<16xf32>
          %reduce_sum3A_898 = arith.constant true
          %reduce_sum3A_899 = vector.broadcast %reduce_sum3A_898 : i1 to vector<16xi1>
          %reduce_sum3A_900 = tpu.scan <sum>, %add3A_897 masked %reduce_sum3A_899 : vector<16xf32>, vector<16xi1> -> vector<16xf32>
          %reduce_sum3A_901 = vector.extract %reduce_sum3A_900[15] : f32 from vector<16xf32>
          %broadcast_in_dim3A_902 = vector.broadcast %reduce_sum3A_901 : f32 to vector<16xf32>
          %select_n3A_903 = arith.select %eq3A_896, %broadcast_in_dim3A_902, %select_n3A_831 : vector<16xi1>, vector<16xf32>
          %eq3A_904 = arith.constant 10 : i32
          %eq3A_905 = vector.broadcast %eq3A_904 : i32 to vector<16xi32>
          %eq3A_906 = arith.cmpi eq, %iota3A_114, %eq3A_905 : vector<16xi32>
          %add3A_907 = arith.addf %unpack3A_892, %unpack3A_893 : vector<16xf32>
          %reduce_sum3A_908 = arith.constant true
          %reduce_sum3A_909 = vector.broadcast %reduce_sum3A_908 : i1 to vector<16xi1>
          %reduce_sum3A_910 = tpu.scan <sum>, %add3A_907 masked %reduce_sum3A_909 : vector<16xf32>, vector<16xi1> -> vector<16xf32>
          %reduce_sum3A_911 = vector.extract %reduce_sum3A_910[15] : f32 from vector<16xf32>
          %broadcast_in_dim3A_912 = vector.broadcast %reduce_sum3A_911 : f32 to vector<16xf32>
          %select_n3A_913 = arith.select %eq3A_906, %broadcast_in_dim3A_912, %select_n3A_841 : vector<16xi1>, vector<16xf32>
          %add3A_914 = arith.constant 11 : i32
          %add3A_915 = arith.addi %mul3A_122, %add3A_914 : i32
          %get3A_916 = arith.index_cast %add3A_915 : i32 to index
          %get3A_917 = arith.constant 0 : index
          %get3A_918 = tpu.vector_load %arg11[%get3A_916, %get3A_917] {strides = array<i32>} : memref<128x128xi32, #tpu.memory_space<vmem>>, vector<16xi32>,
          %bitcast3A_919 = vector.bitcast %get3A_918 : vector<16xi32> to vector<32xbf16>
          %mul3A_920 = arith.mulf %bitcast3A_919, %bitcast3A_21 : vector<32xbf16>
          %get3A_921 = arith.index_cast %add3A_915 : i32 to index
          %get3A_922 = arith.constant 16 : index
          %get3A_923 = tpu.vector_load %arg11[%get3A_921, %get3A_922] {strides = array<i32>} : memref<128x128xi32, #tpu.memory_space<vmem>>, vector<16xi32>,
          %bitcast3A_924 = vector.bitcast %get3A_923 : vector<16xi32> to vector<32xbf16>
          %mul3A_925 = arith.mulf %bitcast3A_924, %bitcast3A_24 : vector<32xbf16>
          %get3A_926 = arith.index_cast %add3A_915 : i32 to index
          %get3A_927 = arith.constant 32 : index
          %get3A_928 = tpu.vector_load %arg11[%get3A_926, %get3A_927] {strides = array<i32>} : memref<128x128xi32, #tpu.memory_space<vmem>>, vector<16xi32>,
          %bitcast3A_929 = vector.bitcast %get3A_928 : vector<16xi32> to vector<32xbf16>
          %mul3A_930 = arith.mulf %bitcast3A_929, %bitcast3A_27 : vector<32xbf16>
          %get3A_931 = arith.index_cast %add3A_915 : i32 to index
          %get3A_932 = arith.constant 48 : index
          %get3A_933 = tpu.vector_load %arg11[%get3A_931, %get3A_932] {strides = array<i32>} : memref<128x128xi32, #tpu.memory_space<vmem>>, vector<16xi32>,
          %bitcast3A_934 = vector.bitcast %get3A_933 : vector<16xi32> to vector<32xbf16>
          %mul3A_935 = arith.mulf %bitcast3A_934, %bitcast3A_30 : vector<32xbf16>
          %get3A_936 = arith.index_cast %add3A_915 : i32 to index
          %get3A_937 = arith.constant 64 : index
          %get3A_938 = tpu.vector_load %arg11[%get3A_936, %get3A_937] {strides = array<i32>} : memref<128x128xi32, #tpu.memory_space<vmem>>, vector<16xi32>,
          %bitcast3A_939 = vector.bitcast %get3A_938 : vector<16xi32> to vector<32xbf16>
          %mul3A_940 = arith.mulf %bitcast3A_939, %bitcast3A : vector<32xbf16>
          %get3A_941 = arith.index_cast %add3A_915 : i32 to index
          %get3A_942 = arith.constant 80 : index
          %get3A_943 = tpu.vector_load %arg11[%get3A_941, %get3A_942] {strides = array<i32>} : memref<128x128xi32, #tpu.memory_space<vmem>>, vector<16xi32>,
          %bitcast3A_944 = vector.bitcast %get3A_943 : vector<16xi32> to vector<32xbf16>
          %mul3A_945 = arith.mulf %bitcast3A_944, %bitcast3A_12 : vector<32xbf16>
          %get3A_946 = arith.index_cast %add3A_915 : i32 to index
          %get3A_947 = arith.constant 96 : index
          %get3A_948 = tpu.vector_load %arg11[%get3A_946, %get3A_947] {strides = array<i32>} : memref<128x128xi32, #tpu.memory_space<vmem>>, vector<16xi32>,
          %bitcast3A_949 = vector.bitcast %get3A_948 : vector<16xi32> to vector<32xbf16>
          %mul3A_950 = arith.mulf %bitcast3A_949, %bitcast3A_15 : vector<32xbf16>
          %get3A_951 = arith.index_cast %add3A_915 : i32 to index
          %get3A_952 = arith.constant 112 : index
          %get3A_953 = tpu.vector_load %arg11[%get3A_951, %get3A_952] {strides = array<i32>} : memref<128x128xi32, #tpu.memory_space<vmem>>, vector<16xi32>,
          %bitcast3A_954 = vector.bitcast %get3A_953 : vector<16xi32> to vector<32xbf16>
          %mul3A_955 = arith.mulf %bitcast3A_954, %bitcast3A_18 : vector<32xbf16>
          %add3A_956 = arith.addf %mul3A_920, %mul3A_925 : vector<32xbf16>
          %add3A_957 = arith.addf %mul3A_930, %mul3A_935 : vector<32xbf16>
          %add3A_958 = arith.addf %add3A_956, %add3A_957 : vector<32xbf16>
          %add3A_959 = arith.addf %mul3A_940, %mul3A_945 : vector<32xbf16>
          %add3A_960 = arith.addf %mul3A_950, %mul3A_955 : vector<32xbf16>
          %add3A_961 = arith.addf %add3A_959, %add3A_960 : vector<32xbf16>
          %unpack3A_962 = tpu.unpack_subelements %add3A_958, 0 {pack_format = #tpu.pack_format<interleaved>} : vector<32xbf16> -> vector<16xf32>
          %unpack3A_963 = tpu.unpack_subelements %add3A_958, 1 {pack_format = #tpu.pack_format<interleaved>} : vector<32xbf16> -> vector<16xf32>
          %unpack3A_964 = tpu.unpack_subelements %add3A_961, 0 {pack_format = #tpu.pack_format<interleaved>} : vector<32xbf16> -> vector<16xf32>
          %unpack3A_965 = tpu.unpack_subelements %add3A_961, 1 {pack_format = #tpu.pack_format<interleaved>} : vector<32xbf16> -> vector<16xf32>
          %eq3A_966 = arith.constant 11 : i32
          %eq3A_967 = vector.broadcast %eq3A_966 : i32 to vector<16xi32>
          %eq3A_968 = arith.cmpi eq, %iota3A_114, %eq3A_967 : vector<16xi32>
          %add3A_969 = arith.addf %unpack3A_962, %unpack3A_963 : vector<16xf32>
          %reduce_sum3A_970 = arith.constant true
          %reduce_sum3A_971 = vector.broadcast %reduce_sum3A_970 : i1 to vector<16xi1>
          %reduce_sum3A_972 = tpu.scan <sum>, %add3A_969 masked %reduce_sum3A_971 : vector<16xf32>, vector<16xi1> -> vector<16xf32>
          %reduce_sum3A_973 = vector.extract %reduce_sum3A_972[15] : f32 from vector<16xf32>
          %broadcast_in_dim3A_974 = vector.broadcast %reduce_sum3A_973 : f32 to vector<16xf32>
          %select_n3A_975 = arith.select %eq3A_968, %broadcast_in_dim3A_974, %select_n3A_903 : vector<16xi1>, vector<16xf32>
          %eq3A_976 = arith.constant 11 : i32
          %eq3A_977 = vector.broadcast %eq3A_976 : i32 to vector<16xi32>
          %eq3A_978 = arith.cmpi eq, %iota3A_114, %eq3A_977 : vector<16xi32>
          %add3A_979 = arith.addf %unpack3A_964, %unpack3A_965 : vector<16xf32>
          %reduce_sum3A_980 = arith.constant true
          %reduce_sum3A_981 = vector.broadcast %reduce_sum3A_980 : i1 to vector<16xi1>
          %reduce_sum3A_982 = tpu.scan <sum>, %add3A_979 masked %reduce_sum3A_981 : vector<16xf32>, vector<16xi1> -> vector<16xf32>
          %reduce_sum3A_983 = vector.extract %reduce_sum3A_982[15] : f32 from vector<16xf32>
          %broadcast_in_dim3A_984 = vector.broadcast %reduce_sum3A_983 : f32 to vector<16xf32>
          %select_n3A_985 = arith.select %eq3A_978, %broadcast_in_dim3A_984, %select_n3A_913 : vector<16xi1>, vector<16xf32>
          %add3A_986 = arith.constant 12 : i32
          %add3A_987 = arith.addi %mul3A_122, %add3A_986 : i32
          %get3A_988 = arith.index_cast %add3A_987 : i32 to index
          %get3A_989 = arith.constant 0 : index
          %get3A_990 = tpu.vector_load %arg11[%get3A_988, %get3A_989] {strides = array<i32>} : memref<128x128xi32, #tpu.memory_space<vmem>>, vector<16xi32>,
          %bitcast3A_991 = vector.bitcast %get3A_990 : vector<16xi32> to vector<32xbf16>
          %mul3A_992 = arith.mulf %bitcast3A_991, %bitcast3A_21 : vector<32xbf16>
          %get3A_993 = arith.index_cast %add3A_987 : i32 to index
          %get3A_994 = arith.constant 16 : index
          %get3A_995 = tpu.vector_load %arg11[%get3A_993, %get3A_994] {strides = array<i32>} : memref<128x128xi32, #tpu.memory_space<vmem>>, vector<16xi32>,
          %bitcast3A_996 = vector.bitcast %get3A_995 : vector<16xi32> to vector<32xbf16>
          %mul3A_997 = arith.mulf %bitcast3A_996, %bitcast3A_24 : vector<32xbf16>
          %get3A_998 = arith.index_cast %add3A_987 : i32 to index
          %get3A_999 = arith.constant 32 : index
          %get3A_1000 = tpu.vector_load %arg11[%get3A_998, %get3A_999] {strides = array<i32>} : memref<128x128xi32, #tpu.memory_space<vmem>>, vector<16xi32>,
          %bitcast3A_1001 = vector.bitcast %get3A_1000 : vector<16xi32> to vector<32xbf16>
          %mul3A_1002 = arith.mulf %bitcast3A_1001, %bitcast3A_27 : vector<32xbf16>
          %get3A_1003 = arith.index_cast %add3A_987 : i32 to index
          %get3A_1004 = arith.constant 48 : index
          %get3A_1005 = tpu.vector_load %arg11[%get3A_1003, %get3A_1004] {strides = array<i32>} : memref<128x128xi32, #tpu.memory_space<vmem>>, vector<16xi32>,
          %bitcast3A_1006 = vector.bitcast %get3A_1005 : vector<16xi32> to vector<32xbf16>
          %mul3A_1007 = arith.mulf %bitcast3A_1006, %bitcast3A_30 : vector<32xbf16>
          %get3A_1008 = arith.index_cast %add3A_987 : i32 to index
          %get3A_1009 = arith.constant 64 : index
          %get3A_1010 = tpu.vector_load %arg11[%get3A_1008, %get3A_1009] {strides = array<i32>} : memref<128x128xi32, #tpu.memory_space<vmem>>, vector<16xi32>,
          %bitcast3A_1011 = vector.bitcast %get3A_1010 : vector<16xi32> to vector<32xbf16>
          %mul3A_1012 = arith.mulf %bitcast3A_1011, %bitcast3A : vector<32xbf16>
          %get3A_1013 = arith.index_cast %add3A_987 : i32 to index
          %get3A_1014 = arith.constant 80 : index
          %get3A_1015 = tpu.vector_load %arg11[%get3A_1013, %get3A_1014] {strides = array<i32>} : memref<128x128xi32, #tpu.memory_space<vmem>>, vector<16xi32>,
          %bitcast3A_1016 = vector.bitcast %get3A_1015 : vector<16xi32> to vector<32xbf16>
          %mul3A_1017 = arith.mulf %bitcast3A_1016, %bitcast3A_12 : vector<32xbf16>
          %get3A_1018 = arith.index_cast %add3A_987 : i32 to index
          %get3A_1019 = arith.constant 96 : index
          %get3A_1020 = tpu.vector_load %arg11[%get3A_1018, %get3A_1019] {strides = array<i32>} : memref<128x128xi32, #tpu.memory_space<vmem>>, vector<16xi32>,
          %bitcast3A_1021 = vector.bitcast %get3A_1020 : vector<16xi32> to vector<32xbf16>
          %mul3A_1022 = arith.mulf %bitcast3A_1021, %bitcast3A_15 : vector<32xbf16>
          %get3A_1023 = arith.index_cast %add3A_987 : i32 to index
          %get3A_1024 = arith.constant 112 : index
          %get3A_1025 = tpu.vector_load %arg11[%get3A_1023, %get3A_1024] {strides = array<i32>} : memref<128x128xi32, #tpu.memory_space<vmem>>, vector<16xi32>,
          %bitcast3A_1026 = vector.bitcast %get3A_1025 : vector<16xi32> to vector<32xbf16>
          %mul3A_1027 = arith.mulf %bitcast3A_1026, %bitcast3A_18 : vector<32xbf16>
          %add3A_1028 = arith.addf %mul3A_992, %mul3A_997 : vector<32xbf16>
          %add3A_1029 = arith.addf %mul3A_1002, %mul3A_1007 : vector<32xbf16>
          %add3A_1030 = arith.addf %add3A_1028, %add3A_1029 : vector<32xbf16>
          %add3A_1031 = arith.addf %mul3A_1012, %mul3A_1017 : vector<32xbf16>
          %add3A_1032 = arith.addf %mul3A_1022, %mul3A_1027 : vector<32xbf16>
          %add3A_1033 = arith.addf %add3A_1031, %add3A_1032 : vector<32xbf16>
          %unpack3A_1034 = tpu.unpack_subelements %add3A_1030, 0 {pack_format = #tpu.pack_format<interleaved>} : vector<32xbf16> -> vector<16xf32>
          %unpack3A_1035 = tpu.unpack_subelements %add3A_1030, 1 {pack_format = #tpu.pack_format<interleaved>} : vector<32xbf16> -> vector<16xf32>
          %unpack3A_1036 = tpu.unpack_subelements %add3A_1033, 0 {pack_format = #tpu.pack_format<interleaved>} : vector<32xbf16> -> vector<16xf32>
          %unpack3A_1037 = tpu.unpack_subelements %add3A_1033, 1 {pack_format = #tpu.pack_format<interleaved>} : vector<32xbf16> -> vector<16xf32>
          %eq3A_1038 = arith.constant 12 : i32
          %eq3A_1039 = vector.broadcast %eq3A_1038 : i32 to vector<16xi32>
          %eq3A_1040 = arith.cmpi eq, %iota3A_114, %eq3A_1039 : vector<16xi32>
          %add3A_1041 = arith.addf %unpack3A_1034, %unpack3A_1035 : vector<16xf32>
          %reduce_sum3A_1042 = arith.constant true
          %reduce_sum3A_1043 = vector.broadcast %reduce_sum3A_1042 : i1 to vector<16xi1>
          %reduce_sum3A_1044 = tpu.scan <sum>, %add3A_1041 masked %reduce_sum3A_1043 : vector<16xf32>, vector<16xi1> -> vector<16xf32>
          %reduce_sum3A_1045 = vector.extract %reduce_sum3A_1044[15] : f32 from vector<16xf32>
          %broadcast_in_dim3A_1046 = vector.broadcast %reduce_sum3A_1045 : f32 to vector<16xf32>
          %select_n3A_1047 = arith.select %eq3A_1040, %broadcast_in_dim3A_1046, %select_n3A_975 : vector<16xi1>, vector<16xf32>
          %eq3A_1048 = arith.constant 12 : i32
          %eq3A_1049 = vector.broadcast %eq3A_1048 : i32 to vector<16xi32>
          %eq3A_1050 = arith.cmpi eq, %iota3A_114, %eq3A_1049 : vector<16xi32>
          %add3A_1051 = arith.addf %unpack3A_1036, %unpack3A_1037 : vector<16xf32>
          %reduce_sum3A_1052 = arith.constant true
          %reduce_sum3A_1053 = vector.broadcast %reduce_sum3A_1052 : i1 to vector<16xi1>
          %reduce_sum3A_1054 = tpu.scan <sum>, %add3A_1051 masked %reduce_sum3A_1053 : vector<16xf32>, vector<16xi1> -> vector<16xf32>
          %reduce_sum3A_1055 = vector.extract %reduce_sum3A_1054[15] : f32 from vector<16xf32>
          %broadcast_in_dim3A_1056 = vector.broadcast %reduce_sum3A_1055 : f32 to vector<16xf32>
          %select_n3A_1057 = arith.select %eq3A_1050, %broadcast_in_dim3A_1056, %select_n3A_985 : vector<16xi1>, vector<16xf32>
          %add3A_1058 = arith.constant 13 : i32
          %add3A_1059 = arith.addi %mul3A_122, %add3A_1058 : i32
          %get3A_1060 = arith.index_cast %add3A_1059 : i32 to index
          %get3A_1061 = arith.constant 0 : index
          %get3A_1062 = tpu.vector_load %arg11[%get3A_1060, %get3A_1061] {strides = array<i32>} : memref<128x128xi32, #tpu.memory_space<vmem>>, vector<16xi32>,
          %bitcast3A_1063 = vector.bitcast %get3A_1062 : vector<16xi32> to vector<32xbf16>
          %mul3A_1064 = arith.mulf %bitcast3A_1063, %bitcast3A_21 : vector<32xbf16>
          %get3A_1065 = arith.index_cast %add3A_1059 : i32 to index
          %get3A_1066 = arith.constant 16 : index
          %get3A_1067 = tpu.vector_load %arg11[%get3A_1065, %get3A_1066] {strides = array<i32>} : memref<128x128xi32, #tpu.memory_space<vmem>>, vector<16xi32>,
          %bitcast3A_1068 = vector.bitcast %get3A_1067 : vector<16xi32> to vector<32xbf16>
          %mul3A_1069 = arith.mulf %bitcast3A_1068, %bitcast3A_24 : vector<32xbf16>
          %get3A_1070 = arith.index_cast %add3A_1059 : i32 to index
          %get3A_1071 = arith.constant 32 : index
          %get3A_1072 = tpu.vector_load %arg11[%get3A_1070, %get3A_1071] {strides = array<i32>} : memref<128x128xi32, #tpu.memory_space<vmem>>, vector<16xi32>,
          %bitcast3A_1073 = vector.bitcast %get3A_1072 : vector<16xi32> to vector<32xbf16>
          %mul3A_1074 = arith.mulf %bitcast3A_1073, %bitcast3A_27 : vector<32xbf16>
          %get3A_1075 = arith.index_cast %add3A_1059 : i32 to index
          %get3A_1076 = arith.constant 48 : index
          %get3A_1077 = tpu.vector_load %arg11[%get3A_1075, %get3A_1076] {strides = array<i32>} : memref<128x128xi32, #tpu.memory_space<vmem>>, vector<16xi32>,
          %bitcast3A_1078 = vector.bitcast %get3A_1077 : vector<16xi32> to vector<32xbf16>
          %mul3A_1079 = arith.mulf %bitcast3A_1078, %bitcast3A_30 : vector<32xbf16>
          %get3A_1080 = arith.index_cast %add3A_1059 : i32 to index
          %get3A_1081 = arith.constant 64 : index
          %get3A_1082 = tpu.vector_load %arg11[%get3A_1080, %get3A_1081] {strides = array<i32>} : memref<128x128xi32, #tpu.memory_space<vmem>>, vector<16xi32>,
          %bitcast3A_1083 = vector.bitcast %get3A_1082 : vector<16xi32> to vector<32xbf16>
          %mul3A_1084 = arith.mulf %bitcast3A_1083, %bitcast3A : vector<32xbf16>
          %get3A_1085 = arith.index_cast %add3A_1059 : i32 to index
          %get3A_1086 = arith.constant 80 : index
          %get3A_1087 = tpu.vector_load %arg11[%get3A_1085, %get3A_1086] {strides = array<i32>} : memref<128x128xi32, #tpu.memory_space<vmem>>, vector<16xi32>,
          %bitcast3A_1088 = vector.bitcast %get3A_1087 : vector<16xi32> to vector<32xbf16>
          %mul3A_1089 = arith.mulf %bitcast3A_1088, %bitcast3A_12 : vector<32xbf16>
          %get3A_1090 = arith.index_cast %add3A_1059 : i32 to index
          %get3A_1091 = arith.constant 96 : index
          %get3A_1092 = tpu.vector_load %arg11[%get3A_1090, %get3A_1091] {strides = array<i32>} : memref<128x128xi32, #tpu.memory_space<vmem>>, vector<16xi32>,
          %bitcast3A_1093 = vector.bitcast %get3A_1092 : vector<16xi32> to vector<32xbf16>
          %mul3A_1094 = arith.mulf %bitcast3A_1093, %bitcast3A_15 : vector<32xbf16>
          %get3A_1095 = arith.index_cast %add3A_1059 : i32 to index
          %get3A_1096 = arith.constant 112 : index
          %get3A_1097 = tpu.vector_load %arg11[%get3A_1095, %get3A_1096] {strides = array<i32>} : memref<128x128xi32, #tpu.memory_space<vmem>>, vector<16xi32>,
          %bitcast3A_1098 = vector.bitcast %get3A_1097 : vector<16xi32> to vector<32xbf16>
          %mul3A_1099 = arith.mulf %bitcast3A_1098, %bitcast3A_18 : vector<32xbf16>
          %add3A_1100 = arith.addf %mul3A_1064, %mul3A_1069 : vector<32xbf16>
          %add3A_1101 = arith.addf %mul3A_1074, %mul3A_1079 : vector<32xbf16>
          %add3A_1102 = arith.addf %add3A_1100, %add3A_1101 : vector<32xbf16>
          %add3A_1103 = arith.addf %mul3A_1084, %mul3A_1089 : vector<32xbf16>
          %add3A_1104 = arith.addf %mul3A_1094, %mul3A_1099 : vector<32xbf16>
          %add3A_1105 = arith.addf %add3A_1103, %add3A_1104 : vector<32xbf16>
          %unpack3A_1106 = tpu.unpack_subelements %add3A_1102, 0 {pack_format = #tpu.pack_format<interleaved>} : vector<32xbf16> -> vector<16xf32>
          %unpack3A_1107 = tpu.unpack_subelements %add3A_1102, 1 {pack_format = #tpu.pack_format<interleaved>} : vector<32xbf16> -> vector<16xf32>
          %unpack3A_1108 = tpu.unpack_subelements %add3A_1105, 0 {pack_format = #tpu.pack_format<interleaved>} : vector<32xbf16> -> vector<16xf32>
          %unpack3A_1109 = tpu.unpack_subelements %add3A_1105, 1 {pack_format = #tpu.pack_format<interleaved>} : vector<32xbf16> -> vector<16xf32>
          %eq3A_1110 = arith.constant 13 : i32
          %eq3A_1111 = vector.broadcast %eq3A_1110 : i32 to vector<16xi32>
          %eq3A_1112 = arith.cmpi eq, %iota3A_114, %eq3A_1111 : vector<16xi32>
          %add3A_1113 = arith.addf %unpack3A_1106, %unpack3A_1107 : vector<16xf32>
          %reduce_sum3A_1114 = arith.constant true
          %reduce_sum3A_1115 = vector.broadcast %reduce_sum3A_1114 : i1 to vector<16xi1>
          %reduce_sum3A_1116 = tpu.scan <sum>, %add3A_1113 masked %reduce_sum3A_1115 : vector<16xf32>, vector<16xi1> -> vector<16xf32>
          %reduce_sum3A_1117 = vector.extract %reduce_sum3A_1116[15] : f32 from vector<16xf32>
          %broadcast_in_dim3A_1118 = vector.broadcast %reduce_sum3A_1117 : f32 to vector<16xf32>
          %select_n3A_1119 = arith.select %eq3A_1112, %broadcast_in_dim3A_1118, %select_n3A_1047 : vector<16xi1>, vector<16xf32>
          %eq3A_1120 = arith.constant 13 : i32
          %eq3A_1121 = vector.broadcast %eq3A_1120 : i32 to vector<16xi32>
          %eq3A_1122 = arith.cmpi eq, %iota3A_114, %eq3A_1121 : vector<16xi32>
          %add3A_1123 = arith.addf %unpack3A_1108, %unpack3A_1109 : vector<16xf32>
          %reduce_sum3A_1124 = arith.constant true
          %reduce_sum3A_1125 = vector.broadcast %reduce_sum3A_1124 : i1 to vector<16xi1>
          %reduce_sum3A_1126 = tpu.scan <sum>, %add3A_1123 masked %reduce_sum3A_1125 : vector<16xf32>, vector<16xi1> -> vector<16xf32>
          %reduce_sum3A_1127 = vector.extract %reduce_sum3A_1126[15] : f32 from vector<16xf32>
          %broadcast_in_dim3A_1128 = vector.broadcast %reduce_sum3A_1127 : f32 to vector<16xf32>
          %select_n3A_1129 = arith.select %eq3A_1122, %broadcast_in_dim3A_1128, %select_n3A_1057 : vector<16xi1>, vector<16xf32>
          %add3A_1130 = arith.constant 14 : i32
          %add3A_1131 = arith.addi %mul3A_122, %add3A_1130 : i32
          %get3A_1132 = arith.index_cast %add3A_1131 : i32 to index
          %get3A_1133 = arith.constant 0 : index
          %get3A_1134 = tpu.vector_load %arg11[%get3A_1132, %get3A_1133] {strides = array<i32>} : memref<128x128xi32, #tpu.memory_space<vmem>>, vector<16xi32>,
          %bitcast3A_1135 = vector.bitcast %get3A_1134 : vector<16xi32> to vector<32xbf16>
          %mul3A_1136 = arith.mulf %bitcast3A_1135, %bitcast3A_21 : vector<32xbf16>
          %get3A_1137 = arith.index_cast %add3A_1131 : i32 to index
          %get3A_1138 = arith.constant 16 : index
          %get3A_1139 = tpu.vector_load %arg11[%get3A_1137, %get3A_1138] {strides = array<i32>} : memref<128x128xi32, #tpu.memory_space<vmem>>, vector<16xi32>,
          %bitcast3A_1140 = vector.bitcast %get3A_1139 : vector<16xi32> to vector<32xbf16>
          %mul3A_1141 = arith.mulf %bitcast3A_1140, %bitcast3A_24 : vector<32xbf16>
          %get3A_1142 = arith.index_cast %add3A_1131 : i32 to index
          %get3A_1143 = arith.constant 32 : index
          %get3A_1144 = tpu.vector_load %arg11[%get3A_1142, %get3A_1143] {strides = array<i32>} : memref<128x128xi32, #tpu.memory_space<vmem>>, vector<16xi32>,
          %bitcast3A_1145 = vector.bitcast %get3A_1144 : vector<16xi32> to vector<32xbf16>
          %mul3A_1146 = arith.mulf %bitcast3A_1145, %bitcast3A_27 : vector<32xbf16>
          %get3A_1147 = arith.index_cast %add3A_1131 : i32 to index
          %get3A_1148 = arith.constant 48 : index
          %get3A_1149 = tpu.vector_load %arg11[%get3A_1147, %get3A_1148] {strides = array<i32>} : memref<128x128xi32, #tpu.memory_space<vmem>>, vector<16xi32>,
          %bitcast3A_1150 = vector.bitcast %get3A_1149 : vector<16xi32> to vector<32xbf16>
          %mul3A_1151 = arith.mulf %bitcast3A_1150, %bitcast3A_30 : vector<32xbf16>
          %get3A_1152 = arith.index_cast %add3A_1131 : i32 to index
          %get3A_1153 = arith.constant 64 : index
          %get3A_1154 = tpu.vector_load %arg11[%get3A_1152, %get3A_1153] {strides = array<i32>} : memref<128x128xi32, #tpu.memory_space<vmem>>, vector<16xi32>,
          %bitcast3A_1155 = vector.bitcast %get3A_1154 : vector<16xi32> to vector<32xbf16>
          %mul3A_1156 = arith.mulf %bitcast3A_1155, %bitcast3A : vector<32xbf16>
          %get3A_1157 = arith.index_cast %add3A_1131 : i32 to index
          %get3A_1158 = arith.constant 80 : index
          %get3A_1159 = tpu.vector_load %arg11[%get3A_1157, %get3A_1158] {strides = array<i32>} : memref<128x128xi32, #tpu.memory_space<vmem>>, vector<16xi32>,
          %bitcast3A_1160 = vector.bitcast %get3A_1159 : vector<16xi32> to vector<32xbf16>
          %mul3A_1161 = arith.mulf %bitcast3A_1160, %bitcast3A_12 : vector<32xbf16>
          %get3A_1162 = arith.index_cast %add3A_1131 : i32 to index
          %get3A_1163 = arith.constant 96 : index
          %get3A_1164 = tpu.vector_load %arg11[%get3A_1162, %get3A_1163] {strides = array<i32>} : memref<128x128xi32, #tpu.memory_space<vmem>>, vector<16xi32>,
          %bitcast3A_1165 = vector.bitcast %get3A_1164 : vector<16xi32> to vector<32xbf16>
          %mul3A_1166 = arith.mulf %bitcast3A_1165, %bitcast3A_15 : vector<32xbf16>
          %get3A_1167 = arith.index_cast %add3A_1131 : i32 to index
          %get3A_1168 = arith.constant 112 : index
          %get3A_1169 = tpu.vector_load %arg11[%get3A_1167, %get3A_1168] {strides = array<i32>} : memref<128x128xi32, #tpu.memory_space<vmem>>, vector<16xi32>,
          %bitcast3A_1170 = vector.bitcast %get3A_1169 : vector<16xi32> to vector<32xbf16>
          %mul3A_1171 = arith.mulf %bitcast3A_1170, %bitcast3A_18 : vector<32xbf16>
          %add3A_1172 = arith.addf %mul3A_1136, %mul3A_1141 : vector<32xbf16>
          %add3A_1173 = arith.addf %mul3A_1146, %mul3A_1151 : vector<32xbf16>
          %add3A_1174 = arith.addf %add3A_1172, %add3A_1173 : vector<32xbf16>
          %add3A_1175 = arith.addf %mul3A_1156, %mul3A_1161 : vector<32xbf16>
          %add3A_1176 = arith.addf %mul3A_1166, %mul3A_1171 : vector<32xbf16>
          %add3A_1177 = arith.addf %add3A_1175, %add3A_1176 : vector<32xbf16>
          %unpack3A_1178 = tpu.unpack_subelements %add3A_1174, 0 {pack_format = #tpu.pack_format<interleaved>} : vector<32xbf16> -> vector<16xf32>
          %unpack3A_1179 = tpu.unpack_subelements %add3A_1174, 1 {pack_format = #tpu.pack_format<interleaved>} : vector<32xbf16> -> vector<16xf32>
          %unpack3A_1180 = tpu.unpack_subelements %add3A_1177, 0 {pack_format = #tpu.pack_format<interleaved>} : vector<32xbf16> -> vector<16xf32>
          %unpack3A_1181 = tpu.unpack_subelements %add3A_1177, 1 {pack_format = #tpu.pack_format<interleaved>} : vector<32xbf16> -> vector<16xf32>
          %eq3A_1182 = arith.constant 14 : i32
          %eq3A_1183 = vector.broadcast %eq3A_1182 : i32 to vector<16xi32>
          %eq3A_1184 = arith.cmpi eq, %iota3A_114, %eq3A_1183 : vector<16xi32>
          %add3A_1185 = arith.addf %unpack3A_1178, %unpack3A_1179 : vector<16xf32>
          %reduce_sum3A_1186 = arith.constant true
          %reduce_sum3A_1187 = vector.broadcast %reduce_sum3A_1186 : i1 to vector<16xi1>
          %reduce_sum3A_1188 = tpu.scan <sum>, %add3A_1185 masked %reduce_sum3A_1187 : vector<16xf32>, vector<16xi1> -> vector<16xf32>
          %reduce_sum3A_1189 = vector.extract %reduce_sum3A_1188[15] : f32 from vector<16xf32>
          %broadcast_in_dim3A_1190 = vector.broadcast %reduce_sum3A_1189 : f32 to vector<16xf32>
          %select_n3A_1191 = arith.select %eq3A_1184, %broadcast_in_dim3A_1190, %select_n3A_1119 : vector<16xi1>, vector<16xf32>
          %eq3A_1192 = arith.constant 14 : i32
          %eq3A_1193 = vector.broadcast %eq3A_1192 : i32 to vector<16xi32>
          %eq3A_1194 = arith.cmpi eq, %iota3A_114, %eq3A_1193 : vector<16xi32>
          %add3A_1195 = arith.addf %unpack3A_1180, %unpack3A_1181 : vector<16xf32>
          %reduce_sum3A_1196 = arith.constant true
          %reduce_sum3A_1197 = vector.broadcast %reduce_sum3A_1196 : i1 to vector<16xi1>
          %reduce_sum3A_1198 = tpu.scan <sum>, %add3A_1195 masked %reduce_sum3A_1197 : vector<16xf32>, vector<16xi1> -> vector<16xf32>
          %reduce_sum3A_1199 = vector.extract %reduce_sum3A_1198[15] : f32 from vector<16xf32>
          %broadcast_in_dim3A_1200 = vector.broadcast %reduce_sum3A_1199 : f32 to vector<16xf32>
          %select_n3A_1201 = arith.select %eq3A_1194, %broadcast_in_dim3A_1200, %select_n3A_1129 : vector<16xi1>, vector<16xf32>
          %add3A_1202 = arith.constant 15 : i32
          %add3A_1203 = arith.addi %mul3A_122, %add3A_1202 : i32
          %get3A_1204 = arith.index_cast %add3A_1203 : i32 to index
          %get3A_1205 = arith.constant 0 : index
          %get3A_1206 = tpu.vector_load %arg11[%get3A_1204, %get3A_1205] {strides = array<i32>} : memref<128x128xi32, #tpu.memory_space<vmem>>, vector<16xi32>,
          %bitcast3A_1207 = vector.bitcast %get3A_1206 : vector<16xi32> to vector<32xbf16>
          %mul3A_1208 = arith.mulf %bitcast3A_1207, %bitcast3A_21 : vector<32xbf16>
          %get3A_1209 = arith.index_cast %add3A_1203 : i32 to index
          %get3A_1210 = arith.constant 16 : index
          %get3A_1211 = tpu.vector_load %arg11[%get3A_1209, %get3A_1210] {strides = array<i32>} : memref<128x128xi32, #tpu.memory_space<vmem>>, vector<16xi32>,
          %bitcast3A_1212 = vector.bitcast %get3A_1211 : vector<16xi32> to vector<32xbf16>
          %mul3A_1213 = arith.mulf %bitcast3A_1212, %bitcast3A_24 : vector<32xbf16>
          %get3A_1214 = arith.index_cast %add3A_1203 : i32 to index
          %get3A_1215 = arith.constant 32 : index
          %get3A_1216 = tpu.vector_load %arg11[%get3A_1214, %get3A_1215] {strides = array<i32>} : memref<128x128xi32, #tpu.memory_space<vmem>>, vector<16xi32>,
          %bitcast3A_1217 = vector.bitcast %get3A_1216 : vector<16xi32> to vector<32xbf16>
          %mul3A_1218 = arith.mulf %bitcast3A_1217, %bitcast3A_27 : vector<32xbf16>
          %get3A_1219 = arith.index_cast %add3A_1203 : i32 to index
          %get3A_1220 = arith.constant 48 : index
          %get3A_1221 = tpu.vector_load %arg11[%get3A_1219, %get3A_1220] {strides = array<i32>} : memref<128x128xi32, #tpu.memory_space<vmem>>, vector<16xi32>,
          %bitcast3A_1222 = vector.bitcast %get3A_1221 : vector<16xi32> to vector<32xbf16>
          %mul3A_1223 = arith.mulf %bitcast3A_1222, %bitcast3A_30 : vector<32xbf16>
          %get3A_1224 = arith.index_cast %add3A_1203 : i32 to index
          %get3A_1225 = arith.constant 64 : index
          %get3A_1226 = tpu.vector_load %arg11[%get3A_1224, %get3A_1225] {strides = array<i32>} : memref<128x128xi32, #tpu.memory_space<vmem>>, vector<16xi32>,
          %bitcast3A_1227 = vector.bitcast %get3A_1226 : vector<16xi32> to vector<32xbf16>
          %mul3A_1228 = arith.mulf %bitcast3A_1227, %bitcast3A : vector<32xbf16>
          %get3A_1229 = arith.index_cast %add3A_1203 : i32 to index
          %get3A_1230 = arith.constant 80 : index
          %get3A_1231 = tpu.vector_load %arg11[%get3A_1229, %get3A_1230] {strides = array<i32>} : memref<128x128xi32, #tpu.memory_space<vmem>>, vector<16xi32>,
          %bitcast3A_1232 = vector.bitcast %get3A_1231 : vector<16xi32> to vector<32xbf16>
          %mul3A_1233 = arith.mulf %bitcast3A_1232, %bitcast3A_12 : vector<32xbf16>
          %get3A_1234 = arith.index_cast %add3A_1203 : i32 to index
          %get3A_1235 = arith.constant 96 : index
          %get3A_1236 = tpu.vector_load %arg11[%get3A_1234, %get3A_1235] {strides = array<i32>} : memref<128x128xi32, #tpu.memory_space<vmem>>, vector<16xi32>,
          %bitcast3A_1237 = vector.bitcast %get3A_1236 : vector<16xi32> to vector<32xbf16>
          %mul3A_1238 = arith.mulf %bitcast3A_1237, %bitcast3A_15 : vector<32xbf16>
          %get3A_1239 = arith.index_cast %add3A_1203 : i32 to index
          %get3A_1240 = arith.constant 112 : index
          %get3A_1241 = tpu.vector_load %arg11[%get3A_1239, %get3A_1240] {strides = array<i32>} : memref<128x128xi32, #tpu.memory_space<vmem>>, vector<16xi32>,
          %bitcast3A_1242 = vector.bitcast %get3A_1241 : vector<16xi32> to vector<32xbf16>
          %mul3A_1243 = arith.mulf %bitcast3A_1242, %bitcast3A_18 : vector<32xbf16>
          %add3A_1244 = arith.addf %mul3A_1208, %mul3A_1213 : vector<32xbf16>
          %add3A_1245 = arith.addf %mul3A_1218, %mul3A_1223 : vector<32xbf16>
          %add3A_1246 = arith.addf %add3A_1244, %add3A_1245 : vector<32xbf16>
          %add3A_1247 = arith.addf %mul3A_1228, %mul3A_1233 : vector<32xbf16>
          %add3A_1248 = arith.addf %mul3A_1238, %mul3A_1243 : vector<32xbf16>
          %add3A_1249 = arith.addf %add3A_1247, %add3A_1248 : vector<32xbf16>
          %unpack3A_1250 = tpu.unpack_subelements %add3A_1246, 0 {pack_format = #tpu.pack_format<interleaved>} : vector<32xbf16> -> vector<16xf32>
          %unpack3A_1251 = tpu.unpack_subelements %add3A_1246, 1 {pack_format = #tpu.pack_format<interleaved>} : vector<32xbf16> -> vector<16xf32>
          %unpack3A_1252 = tpu.unpack_subelements %add3A_1249, 0 {pack_format = #tpu.pack_format<interleaved>} : vector<32xbf16> -> vector<16xf32>
          %unpack3A_1253 = tpu.unpack_subelements %add3A_1249, 1 {pack_format = #tpu.pack_format<interleaved>} : vector<32xbf16> -> vector<16xf32>
          %eq3A_1254 = arith.constant 15 : i32
          %eq3A_1255 = vector.broadcast %eq3A_1254 : i32 to vector<16xi32>
          %eq3A_1256 = arith.cmpi eq, %iota3A_114, %eq3A_1255 : vector<16xi32>
          %add3A_1257 = arith.addf %unpack3A_1250, %unpack3A_1251 : vector<16xf32>
          %reduce_sum3A_1258 = arith.constant true
          %reduce_sum3A_1259 = vector.broadcast %reduce_sum3A_1258 : i1 to vector<16xi1>
          %reduce_sum3A_1260 = tpu.scan <sum>, %add3A_1257 masked %reduce_sum3A_1259 : vector<16xf32>, vector<16xi1> -> vector<16xf32>
          %reduce_sum3A_1261 = vector.extract %reduce_sum3A_1260[15] : f32 from vector<16xf32>
          %broadcast_in_dim3A_1262 = vector.broadcast %reduce_sum3A_1261 : f32 to vector<16xf32>
          %select_n3A_1263 = arith.select %eq3A_1256, %broadcast_in_dim3A_1262, %select_n3A_1191 : vector<16xi1>, vector<16xf32>
          %eq3A_1264 = arith.constant 15 : i32
          %eq3A_1265 = vector.broadcast %eq3A_1264 : i32 to vector<16xi32>
          %eq3A_1266 = arith.cmpi eq, %iota3A_114, %eq3A_1265 : vector<16xi32>
          %add3A_1267 = arith.addf %unpack3A_1252, %unpack3A_1253 : vector<16xf32>
          %reduce_sum3A_1268 = arith.constant true
          %reduce_sum3A_1269 = vector.broadcast %reduce_sum3A_1268 : i1 to vector<16xi1>
          %reduce_sum3A_1270 = tpu.scan <sum>, %add3A_1267 masked %reduce_sum3A_1269 : vector<16xf32>, vector<16xi1> -> vector<16xf32>
          %reduce_sum3A_1271 = vector.extract %reduce_sum3A_1270[15] : f32 from vector<16xf32>
          %broadcast_in_dim3A_1272 = vector.broadcast %reduce_sum3A_1271 : f32 to vector<16xf32>
          %select_n3A_1273 = arith.select %eq3A_1266, %broadcast_in_dim3A_1272, %select_n3A_1201 : vector<16xi1>, vector<16xf32>
          %add3A_1274 = arith.addi %mul3A_113, %mul3A_122 : i32
          %swap3A = arith.index_cast %add3A_1274 : i32 to index
          %swap3A_1275 = tpu.vector_load %arg14[%swap3A] {strides = array<i32>} : memref<1536xf32, #tpu.memory_space<vmem>>, vector<16xf32>,
          tpu.vector_store %arg14[%swap3A], %select_n3A_1273 {strides = array<i32>} : memref<1536xf32, #tpu.memory_space<vmem>>, vector<16xf32>,
          %add3A_1276 = arith.addi %mul3A_113, %mul3A_122 : i32
          %swap3A_1277 = arith.index_cast %add3A_1276 : i32 to index
          %swap3A_1278 = tpu.vector_load %arg15[%swap3A_1277] {strides = array<i32>} : memref<1536xf32, #tpu.memory_space<vmem>>, vector<16xf32>,
          tpu.vector_store %arg15[%swap3A_1277], %select_n3A_1263 {strides = array<i32>} : memref<1536xf32, #tpu.memory_space<vmem>>, vector<16xf32>,
        }
        %scan3A_119 = arith.constant 8 : i32
      }
      %scan3A_48 = arith.constant 4 : i32
      "tpu.region"() ({
        %run_scoped3A = tpu.sem_alloc : memref<!tpu.dma_semaphore, #tpu.memory_space<semaphore_mem>>
        %dma_start3A_49 = arith.constant 0 : i32
        %dma_start3A_50 = tpu.memref_slice %arg6[%add3A_8, %dma_start3A_49] : memref<256x1536xf32, #tpu.memory_space<hbm>> -> memref<1x1536xf32, #tpu.memory_space<hbm>>
        %dma_start3A_51 = tpu.memref_squeeze %dma_start3A_50 : memref<1x1536xf32, #tpu.memory_space<hbm>> -> memref<1536xf32, #tpu.memory_space<hbm>>
        %dma_start3A_52 = arith.constant 0 : i32
        %dma_start3A_53 = tpu.memref_slice %arg6[%add3A_8, %dma_start3A_52] : memref<256x1536xf32, #tpu.memory_space<hbm>> -> memref<1x1536xf32, #tpu.memory_space<hbm>>
        %dma_start3A_54 = tpu.memref_squeeze %dma_start3A_53 : memref<1x1536xf32, #tpu.memory_space<hbm>> -> memref<1536xf32, #tpu.memory_space<hbm>>
        tpu.enqueue_dma source(%arg14 : memref<1536xf32, #tpu.memory_space<vmem>>) target(%dma_start3A_54 : memref<1536xf32, #tpu.memory_space<hbm>>) target_semaphore(%run_scoped3A : memref<!tpu.dma_semaphore, #tpu.memory_space<semaphore_mem>>)
        %dma_wait3A = arith.constant 0 : i32
        %dma_wait3A_55 = tpu.memref_slice %arg6[%add3A_8, %dma_wait3A] : memref<256x1536xf32, #tpu.memory_space<hbm>> -> memref<1x1536xf32, #tpu.memory_space<hbm>>
        %dma_wait3A_56 = tpu.memref_squeeze %dma_wait3A_55 : memref<1x1536xf32, #tpu.memory_space<hbm>> -> memref<1536xf32, #tpu.memory_space<hbm>>
        %dma_wait3A_57 = arith.constant 0 : i32
        %dma_wait3A_58 = tpu.memref_slice %arg6[%add3A_8, %dma_wait3A_57] : memref<256x1536xf32, #tpu.memory_space<hbm>> -> memref<1x1536xf32, #tpu.memory_space<hbm>>
        %dma_wait3A_59 = tpu.memref_squeeze %dma_wait3A_58 : memref<1x1536xf32, #tpu.memory_space<hbm>> -> memref<1536xf32, #tpu.memory_space<hbm>>
        tpu.wait_dma2 semaphore(%run_scoped3A : memref<!tpu.dma_semaphore, #tpu.memory_space<semaphore_mem>>) src(%arg14 : memref<1536xf32, #tpu.memory_space<vmem>>) dst(%dma_wait3A_59 : memref<1536xf32, #tpu.memory_space<hbm>>)
        tpu.yield
      }) : () -> ()
      "tpu.region"() ({
        %run_scoped3A = tpu.sem_alloc : memref<!tpu.dma_semaphore, #tpu.memory_space<semaphore_mem>>
        %dma_start3A_49 = arith.constant 0 : i32
        %dma_start3A_50 = tpu.memref_slice %arg7[%add3A_8, %dma_start3A_49] : memref<256x1536xf32, #tpu.memory_space<hbm>> -> memref<1x1536xf32, #tpu.memory_space<hbm>>
        %dma_start3A_51 = tpu.memref_squeeze %dma_start3A_50 : memref<1x1536xf32, #tpu.memory_space<hbm>> -> memref<1536xf32, #tpu.memory_space<hbm>>
        %dma_start3A_52 = arith.constant 0 : i32
        %dma_start3A_53 = tpu.memref_slice %arg7[%add3A_8, %dma_start3A_52] : memref<256x1536xf32, #tpu.memory_space<hbm>> -> memref<1x1536xf32, #tpu.memory_space<hbm>>
        %dma_start3A_54 = tpu.memref_squeeze %dma_start3A_53 : memref<1x1536xf32, #tpu.memory_space<hbm>> -> memref<1536xf32, #tpu.memory_space<hbm>>
        tpu.enqueue_dma source(%arg15 : memref<1536xf32, #tpu.memory_space<vmem>>) target(%dma_start3A_54 : memref<1536xf32, #tpu.memory_space<hbm>>) target_semaphore(%run_scoped3A : memref<!tpu.dma_semaphore, #tpu.memory_space<semaphore_mem>>)
        %dma_wait3A = arith.constant 0 : i32
        %dma_wait3A_55 = tpu.memref_slice %arg7[%add3A_8, %dma_wait3A] : memref<256x1536xf32, #tpu.memory_space<hbm>> -> memref<1x1536xf32, #tpu.memory_space<hbm>>
        %dma_wait3A_56 = tpu.memref_squeeze %dma_wait3A_55 : memref<1x1536xf32, #tpu.memory_space<hbm>> -> memref<1536xf32, #tpu.memory_space<hbm>>
        %dma_wait3A_57 = arith.constant 0 : i32
        %dma_wait3A_58 = tpu.memref_slice %arg7[%add3A_8, %dma_wait3A_57] : memref<256x1536xf32, #tpu.memory_space<hbm>> -> memref<1x1536xf32, #tpu.memory_space<hbm>>
        %dma_wait3A_59 = tpu.memref_squeeze %dma_wait3A_58 : memref<1x1536xf32, #tpu.memory_space<hbm>> -> memref<1536xf32, #tpu.memory_space<hbm>>
        tpu.wait_dma2 semaphore(%run_scoped3A : memref<!tpu.dma_semaphore, #tpu.memory_space<semaphore_mem>>) src(%arg15 : memref<1536xf32, #tpu.memory_space<vmem>>) dst(%dma_wait3A_59 : memref<1536xf32, #tpu.memory_space<hbm>>)
        tpu.yield
      }) : () -> ()
    }
    %scan3A_4 = arith.constant 8 : i32
    return
  }
}

module attributes {stable_mosaic.version = 14 : i64} {
  func.func @_embed_body(%arg0: memref<256x2048xf32, #tpu.memory_space<vmem>>, %arg1: memref<256x2048xf32, #tpu.memory_space<vmem>>, %arg2: memref<128x2048xf32, #tpu.memory_space<vmem>>, %arg3: memref<1x128xf32, #tpu.memory_space<vmem>>, %arg4: memref<128x2048xf32, #tpu.memory_space<vmem>>, %arg5: memref<1x128xf32, #tpu.memory_space<vmem>>, %arg6: memref<256x64xi32, #tpu.memory_space<vmem>>, %arg7: memref<256x64xi32, #tpu.memory_space<vmem>>) attributes {dimension_semantics = [], scalar_prefetch = 0 : i64, scratch_operands = 0 : i64, tpu.core_type = #tpu.core_type<tc>} {
    %get3A = arith.constant 0 : index
    %get3A_0 = arith.constant 0 : index
    %get3A_1 = vector.load %arg0[%get3A, %get3A_0] : memref<256x2048xf32, #tpu.memory_space<vmem>>, vector<256x2048xf32>
    %get3A_2 = arith.constant 0 : index
    %get3A_3 = arith.constant 0 : index
    %get3A_4 = vector.load %arg2[%get3A_2, %get3A_3] : memref<128x2048xf32, #tpu.memory_space<vmem>>, vector<128x2048xf32>
    %dot_general3A = arith.constant dense<0.000000e+00> : vector<256x128xf32>
    %dot_general3A_5 = tpu.matmul %get3A_1, %get3A_4, %dot_general3A {dimension_numbers = #tpu.dot_dimension_numbers<[1], [1], [0], [0], [0, 0, 1, 0], [], []>, transpose_lhs_hint = false} : vector<256x2048xf32>, vector<128x2048xf32>, vector<256x128xf32> -> vector<256x128xf32>
    %get3A_6 = arith.constant 0 : index
    %get3A_7 = arith.constant 0 : index
    %get3A_8 = vector.load %arg3[%get3A_6, %get3A_7] : memref<1x128xf32, #tpu.memory_space<vmem>>, vector<1x128xf32>
    %add3A = vector.broadcast %get3A_8 : vector<1x128xf32> to vector<256x128xf32>
    %add3A_9 = arith.addf %dot_general3A_5, %add3A : vector<256x128xf32>
    %get3A_10 = arith.constant 0 : index
    %get3A_11 = arith.constant 0 : index
    %get3A_12 = vector.load %arg1[%get3A_10, %get3A_11] : memref<256x2048xf32, #tpu.memory_space<vmem>>, vector<256x2048xf32>
    %get3A_13 = arith.constant 0 : index
    %get3A_14 = arith.constant 0 : index
    %get3A_15 = vector.load %arg4[%get3A_13, %get3A_14] : memref<128x2048xf32, #tpu.memory_space<vmem>>, vector<128x2048xf32>
    %dot_general3A_16 = arith.constant dense<0.000000e+00> : vector<256x128xf32>
    %dot_general3A_17 = tpu.matmul %get3A_12, %get3A_15, %dot_general3A_16 {dimension_numbers = #tpu.dot_dimension_numbers<[1], [1], [0], [0], [0, 0, 1, 0], [], []>, transpose_lhs_hint = false} : vector<256x2048xf32>, vector<128x2048xf32>, vector<256x128xf32> -> vector<256x128xf32>
    %get3A_18 = arith.constant 0 : index
    %get3A_19 = arith.constant 0 : index
    %get3A_20 = vector.load %arg5[%get3A_18, %get3A_19] : memref<1x128xf32, #tpu.memory_space<vmem>>, vector<1x128xf32>
    %add3A_21 = vector.broadcast %get3A_20 : vector<1x128xf32> to vector<256x128xf32>
    %add3A_22 = arith.addf %dot_general3A_17, %add3A_21 : vector<256x128xf32>
    %mul3A = arith.mulf %add3A_9, %add3A_9 : vector<256x128xf32>
    %reduce_sum3A = arith.constant dense<0.000000e+00> : vector<256xf32>
    %reduce_sum3A_23 = vector.multi_reduction <add>, %mul3A, %reduce_sum3A [1] : vector<256x128xf32> to vector<256xf32>
    %broadcast_in_dim3A = vector.shape_cast %reduce_sum3A_23 : vector<256xf32> to vector<256x1xf32>
    %sqrt3A = math.sqrt %broadcast_in_dim3A : vector<256x1xf32>
    %div3A = vector.broadcast %sqrt3A : vector<256x1xf32> to vector<256x128xf32>
    %div3A_24 = arith.divf %add3A_9, %div3A : vector<256x128xf32>
    %mul3A_25 = arith.mulf %add3A_22, %add3A_22 : vector<256x128xf32>
    %reduce_sum3A_26 = arith.constant dense<0.000000e+00> : vector<256xf32>
    %reduce_sum3A_27 = vector.multi_reduction <add>, %mul3A_25, %reduce_sum3A_26 [1] : vector<256x128xf32> to vector<256xf32>
    %broadcast_in_dim3A_28 = vector.shape_cast %reduce_sum3A_27 : vector<256xf32> to vector<256x1xf32>
    %sqrt3A_29 = math.sqrt %broadcast_in_dim3A_28 : vector<256x1xf32>
    %div3A_30 = vector.broadcast %sqrt3A_29 : vector<256x1xf32> to vector<256x128xf32>
    %div3A_31 = arith.divf %add3A_22, %div3A_30 : vector<256x128xf32>
    %bitcast_convert_type3A = tpu.bitcast %div3A_24 : vector<256x128xf32> -> vector<256x128xi32>
    %slice3A = vector.extract_strided_slice %bitcast_convert_type3A {offsets = [0, 0], sizes = [256, 64], strides = [1, 1]} : vector<256x128xi32> to vector<256x64xi32>
    %add3A_32 = arith.constant 32768 : i32
    %add3A_33 = vector.broadcast %add3A_32 : i32 to vector<256x64xi32>
    %add3A_34 = arith.addi %slice3A, %add3A_33 : vector<256x64xi32>
    %and3A = arith.constant -65536 : i32
    %and3A_35 = vector.broadcast %and3A : i32 to vector<256x64xi32>
    %and3A_36 = arith.andi %add3A_34, %and3A_35 : vector<256x64xi32>
    %shift_right_arithmetic3A = arith.constant 16 : i32
    %shift_right_arithmetic3A_37 = vector.broadcast %shift_right_arithmetic3A : i32 to vector<256x64xi32>
    %shift_right_arithmetic3A_38 = arith.shrsi %and3A_36, %shift_right_arithmetic3A_37 : vector<256x64xi32>
    %and3A_39 = arith.constant 65535 : i32
    %and3A_40 = vector.broadcast %and3A_39 : i32 to vector<256x64xi32>
    %and3A_41 = arith.andi %shift_right_arithmetic3A_38, %and3A_40 : vector<256x64xi32>
    %slice3A_42 = vector.extract_strided_slice %bitcast_convert_type3A {offsets = [0, 64], sizes = [256, 64], strides = [1, 1]} : vector<256x128xi32> to vector<256x64xi32>
    %add3A_43 = arith.constant 32768 : i32
    %add3A_44 = vector.broadcast %add3A_43 : i32 to vector<256x64xi32>
    %add3A_45 = arith.addi %slice3A_42, %add3A_44 : vector<256x64xi32>
    %and3A_46 = arith.constant -65536 : i32
    %and3A_47 = vector.broadcast %and3A_46 : i32 to vector<256x64xi32>
    %and3A_48 = arith.andi %add3A_45, %and3A_47 : vector<256x64xi32>
    %or3A = arith.ori %and3A_41, %and3A_48 : vector<256x64xi32>
    %swap3A = arith.constant 0 : index
    %swap3A_49 = arith.constant 0 : index
    %swap3A_50 = vector.load %arg6[%swap3A, %swap3A_49] : memref<256x64xi32, #tpu.memory_space<vmem>>, vector<256x64xi32>
    tpu.vector_store %arg6[%swap3A, %swap3A_49], %or3A {strides = array<i32>} : memref<256x64xi32, #tpu.memory_space<vmem>>, vector<256x64xi32>,
    %bitcast_convert_type3A_51 = tpu.bitcast %div3A_31 : vector<256x128xf32> -> vector<256x128xi32>
    %slice3A_52 = vector.extract_strided_slice %bitcast_convert_type3A_51 {offsets = [0, 0], sizes = [256, 64], strides = [1, 1]} : vector<256x128xi32> to vector<256x64xi32>
    %add3A_53 = arith.constant 32768 : i32
    %add3A_54 = vector.broadcast %add3A_53 : i32 to vector<256x64xi32>
    %add3A_55 = arith.addi %slice3A_52, %add3A_54 : vector<256x64xi32>
    %and3A_56 = arith.constant -65536 : i32
    %and3A_57 = vector.broadcast %and3A_56 : i32 to vector<256x64xi32>
    %and3A_58 = arith.andi %add3A_55, %and3A_57 : vector<256x64xi32>
    %shift_right_arithmetic3A_59 = arith.constant 16 : i32
    %shift_right_arithmetic3A_60 = vector.broadcast %shift_right_arithmetic3A_59 : i32 to vector<256x64xi32>
    %shift_right_arithmetic3A_61 = arith.shrsi %and3A_58, %shift_right_arithmetic3A_60 : vector<256x64xi32>
    %and3A_62 = arith.constant 65535 : i32
    %and3A_63 = vector.broadcast %and3A_62 : i32 to vector<256x64xi32>
    %and3A_64 = arith.andi %shift_right_arithmetic3A_61, %and3A_63 : vector<256x64xi32>
    %slice3A_65 = vector.extract_strided_slice %bitcast_convert_type3A_51 {offsets = [0, 64], sizes = [256, 64], strides = [1, 1]} : vector<256x128xi32> to vector<256x64xi32>
    %add3A_66 = arith.constant 32768 : i32
    %add3A_67 = vector.broadcast %add3A_66 : i32 to vector<256x64xi32>
    %add3A_68 = arith.addi %slice3A_65, %add3A_67 : vector<256x64xi32>
    %and3A_69 = arith.constant -65536 : i32
    %and3A_70 = vector.broadcast %and3A_69 : i32 to vector<256x64xi32>
    %and3A_71 = arith.andi %add3A_68, %and3A_70 : vector<256x64xi32>
    %or3A_72 = arith.ori %and3A_64, %and3A_71 : vector<256x64xi32>
    %swap3A_73 = arith.constant 0 : index
    %swap3A_74 = arith.constant 0 : index
    %swap3A_75 = vector.load %arg7[%swap3A_73, %swap3A_74] : memref<256x64xi32, #tpu.memory_space<vmem>>, vector<256x64xi32>
    tpu.vector_store %arg7[%swap3A_73, %swap3A_74], %or3A_72 {strides = array<i32>} : memref<256x64xi32, #tpu.memory_space<vmem>>, vector<256x64xi32>,
    return
  }
}

module attributes {stable_mosaic.version = 14 : i64} {
  func.func @_pack_body(%arg0: i32, %arg1: memref<4000x128xf32, #tpu.memory_space<vmem>>, %arg2: memref<4000x128xf32, #tpu.memory_space<vmem>>, %arg3: memref<4000x128xi32, #tpu.memory_space<vmem>>) attributes {dimension_semantics = [#tpu.dimension_semantics<arbitrary>], iteration_bounds = array<i64: 25>, scalar_prefetch = 0 : i64, scratch_operands = 0 : i64, tpu.core_type = #tpu.core_type<tc>, window_params = [{transform_indices = @transform_0, window_bounds = array<i64: 4000, 128>}, {transform_indices = @transform_1, window_bounds = array<i64: 4000, 128>}, {transform_indices = @transform_2, window_bounds = array<i64: 4000, 128>}]} {
    %get3A = arith.constant 0 : index
    %get3A_0 = arith.constant 0 : index
    %get3A_1 = vector.load %arg1[%get3A, %get3A_0] : memref<4000x128xf32, #tpu.memory_space<vmem>>, vector<4000x128xf32>
    %bitcast_convert_type3A = tpu.bitcast %get3A_1 : vector<4000x128xf32> -> vector<4000x128xi32>
    %slice3A = vector.extract_strided_slice %bitcast_convert_type3A {offsets = [0, 0], sizes = [4000, 64], strides = [1, 1]} : vector<4000x128xi32> to vector<4000x64xi32>
    %add3A = arith.constant 32768 : i32
    %add3A_2 = vector.broadcast %add3A : i32 to vector<4000x64xi32>
    %add3A_3 = arith.addi %slice3A, %add3A_2 : vector<4000x64xi32>
    %and3A = arith.constant -65536 : i32
    %and3A_4 = vector.broadcast %and3A : i32 to vector<4000x64xi32>
    %and3A_5 = arith.andi %add3A_3, %and3A_4 : vector<4000x64xi32>
    %shift_right_arithmetic3A = arith.constant 16 : i32
    %shift_right_arithmetic3A_6 = vector.broadcast %shift_right_arithmetic3A : i32 to vector<4000x64xi32>
    %shift_right_arithmetic3A_7 = arith.shrsi %and3A_5, %shift_right_arithmetic3A_6 : vector<4000x64xi32>
    %and3A_8 = arith.constant 65535 : i32
    %and3A_9 = vector.broadcast %and3A_8 : i32 to vector<4000x64xi32>
    %and3A_10 = arith.andi %shift_right_arithmetic3A_7, %and3A_9 : vector<4000x64xi32>
    %slice3A_11 = vector.extract_strided_slice %bitcast_convert_type3A {offsets = [0, 64], sizes = [4000, 64], strides = [1, 1]} : vector<4000x128xi32> to vector<4000x64xi32>
    %add3A_12 = arith.constant 32768 : i32
    %add3A_13 = vector.broadcast %add3A_12 : i32 to vector<4000x64xi32>
    %add3A_14 = arith.addi %slice3A_11, %add3A_13 : vector<4000x64xi32>
    %and3A_15 = arith.constant -65536 : i32
    %and3A_16 = vector.broadcast %and3A_15 : i32 to vector<4000x64xi32>
    %and3A_17 = arith.andi %add3A_14, %and3A_16 : vector<4000x64xi32>
    %or3A = arith.ori %and3A_10, %and3A_17 : vector<4000x64xi32>
    %get3A_18 = arith.constant 0 : index
    %get3A_19 = arith.constant 0 : index
    %get3A_20 = vector.load %arg2[%get3A_18, %get3A_19] : memref<4000x128xf32, #tpu.memory_space<vmem>>, vector<4000x128xf32>
    %bitcast_convert_type3A_21 = tpu.bitcast %get3A_20 : vector<4000x128xf32> -> vector<4000x128xi32>
    %slice3A_22 = vector.extract_strided_slice %bitcast_convert_type3A_21 {offsets = [0, 0], sizes = [4000, 64], strides = [1, 1]} : vector<4000x128xi32> to vector<4000x64xi32>
    %add3A_23 = arith.constant 32768 : i32
    %add3A_24 = vector.broadcast %add3A_23 : i32 to vector<4000x64xi32>
    %add3A_25 = arith.addi %slice3A_22, %add3A_24 : vector<4000x64xi32>
    %and3A_26 = arith.constant -65536 : i32
    %and3A_27 = vector.broadcast %and3A_26 : i32 to vector<4000x64xi32>
    %and3A_28 = arith.andi %add3A_25, %and3A_27 : vector<4000x64xi32>
    %shift_right_arithmetic3A_29 = arith.constant 16 : i32
    %shift_right_arithmetic3A_30 = vector.broadcast %shift_right_arithmetic3A_29 : i32 to vector<4000x64xi32>
    %shift_right_arithmetic3A_31 = arith.shrsi %and3A_28, %shift_right_arithmetic3A_30 : vector<4000x64xi32>
    %and3A_32 = arith.constant 65535 : i32
    %and3A_33 = vector.broadcast %and3A_32 : i32 to vector<4000x64xi32>
    %and3A_34 = arith.andi %shift_right_arithmetic3A_31, %and3A_33 : vector<4000x64xi32>
    %slice3A_35 = vector.extract_strided_slice %bitcast_convert_type3A_21 {offsets = [0, 64], sizes = [4000, 64], strides = [1, 1]} : vector<4000x128xi32> to vector<4000x64xi32>
    %add3A_36 = arith.constant 32768 : i32
    %add3A_37 = vector.broadcast %add3A_36 : i32 to vector<4000x64xi32>
    %add3A_38 = arith.addi %slice3A_35, %add3A_37 : vector<4000x64xi32>
    %and3A_39 = arith.constant -65536 : i32
    %and3A_40 = vector.broadcast %and3A_39 : i32 to vector<4000x64xi32>
    %and3A_41 = arith.andi %add3A_38, %and3A_40 : vector<4000x64xi32>
    %or3A_42 = arith.ori %and3A_34, %and3A_41 : vector<4000x64xi32>
    %concatenate3A = tpu.concatenate %or3A, %or3A_42 in 1 : vector<4000x64xi32>, vector<4000x64xi32> -> vector<4000x128xi32>
    %swap3A = arith.constant 0 : index
    %swap3A_43 = arith.constant 0 : index
    %swap3A_44 = vector.load %arg3[%swap3A, %swap3A_43] : memref<4000x128xi32, #tpu.memory_space<vmem>>, vector<4000x128xi32>
    tpu.vector_store %arg3[%swap3A, %swap3A_43], %concatenate3A {strides = array<i32>} : memref<4000x128xi32, #tpu.memory_space<vmem>>, vector<4000x128xi32>,
    return
  }
  func.func @transform_0(%arg0: i32) -> (i32, i32) {
    %c0_i32 = arith.constant 0 : i32
    %c0_i32_0 = arith.constant 0 : i32
    return %arg0, %c0_i32 : i32, i32
  }
  func.func @transform_1(%arg0: i32) -> (i32, i32) {
    %c0_i32 = arith.constant 0 : i32
    %c0_i32_0 = arith.constant 0 : i32
    return %arg0, %c0_i32 : i32, i32
  }
  func.func @transform_2(%arg0: i32) -> (i32, i32) {
    %c0_i32 = arith.constant 0 : i32
    %c0_i32_0 = arith.constant 0 : i32
    return %arg0, %c0_i32 : i32, i32
  }
}

module attributes {stable_mosaic.version = 14 : i64} {
  func.func @_loss_body(%arg0: memref<256x1536xf32, #tpu.memory_space<vmem>>, %arg1: memref<256x1536xf32, #tpu.memory_space<vmem>>, %arg2: memref<1x1xf32, #tpu.memory_space<vmem>>) attributes {dimension_semantics = [], scalar_prefetch = 0 : i64, scratch_operands = 0 : i64, tpu.core_type = #tpu.core_type<tc>} {
    %iota3A = tpu.iota {dimensions = array<i32: 1>} : vector<256x1536xi32>
    %get3A = arith.constant 0 : index
    %get3A_0 = arith.constant 0 : index
    %get3A_1 = vector.load %arg0[%get3A, %get3A_0] : memref<256x1536xf32, #tpu.memory_space<vmem>>, vector<256x1536xf32>
    %get3A_2 = arith.constant 0 : index
    %get3A_3 = arith.constant 0 : index
    %get3A_4 = vector.load %arg1[%get3A_2, %get3A_3] : memref<256x1536xf32, #tpu.memory_space<vmem>>, vector<256x1536xf32>
    %mul3A = arith.constant 14.2857141 : f32
    %mul3A_5 = vector.broadcast %mul3A : f32 to vector<256x1536xf32>
    %mul3A_6 = arith.mulf %get3A_1, %mul3A_5 : vector<256x1536xf32>
    %exp3A = math.exp %mul3A_6 : vector<256x1536xf32>
    %add3A = arith.constant 1.500010e-02 : f32
    %add3A_7 = vector.broadcast %add3A : f32 to vector<256x1536xf32>
    %add3A_8 = arith.addf %exp3A, %add3A_7 : vector<256x1536xf32>
    %div3A = arith.divf %exp3A, %add3A_8 : vector<256x1536xf32>
    %log3A = math.log %div3A : vector<256x1536xf32>
    %div3A_9 = arith.constant 1.500000e-02 : f32
    %div3A_10 = vector.broadcast %div3A_9 : f32 to vector<256x1536xf32>
    %div3A_11 = arith.divf %div3A_10, %add3A_8 : vector<256x1536xf32>
    %log3A_12 = math.log %div3A_11 : vector<256x1536xf32>
    %eq3A = arith.constant 0 : i32
    %eq3A_13 = vector.broadcast %eq3A : i32 to vector<256x1536xi32>
    %eq3A_14 = arith.cmpi eq, %iota3A, %eq3A_13 : vector<256x1536xi32>
    %lt3A = arith.constant 1501 : i32
    %lt3A_15 = vector.broadcast %lt3A : i32 to vector<256x1536xi32>
    %lt3A_16 = arith.cmpi slt, %iota3A, %lt3A_15 : vector<256x1536xi32>
    %jit3A = arith.constant 0.000000e+00 : f32
    %broadcast_in_dim3A = vector.broadcast %jit3A : f32 to vector<256x1536xf32>
    %select_n3A = arith.select %lt3A_16, %log3A_12, %broadcast_in_dim3A : vector<256x1536xi1>, vector<256x1536xf32>
    %select_n3A_17 = arith.select %eq3A_14, %log3A, %select_n3A : vector<256x1536xi1>, vector<256x1536xf32>
    %reduce_sum3A = vector.shape_cast %select_n3A_17 : vector<256x1536xf32> to vector<1x256x1536xf32>
    %reduce_sum3A_18 = arith.constant dense<0.000000e+00> : vector<1xf32>
    %reduce_sum3A_19 = vector.multi_reduction <add>, %reduce_sum3A, %reduce_sum3A_18 [1, 2] : vector<1x256x1536xf32> to vector<1xf32>
    %reduce_sum3A_20 = vector.shape_cast %reduce_sum3A_19 : vector<1xf32> to vector<1x1x1xf32>
    %reduce_sum3A_21 = vector.extract %reduce_sum3A_20[0, 0, 0] : f32 from vector<1x1x1xf32>
    %add3A_22 = arith.constant 0.000000e+00 : f32
    %add3A_23 = arith.addf %add3A_22, %reduce_sum3A_21 : f32
    %mul3A_24 = arith.constant 14.2857141 : f32
    %mul3A_25 = vector.broadcast %mul3A_24 : f32 to vector<256x1536xf32>
    %mul3A_26 = arith.mulf %get3A_4, %mul3A_25 : vector<256x1536xf32>
    %exp3A_27 = math.exp %mul3A_26 : vector<256x1536xf32>
    %add3A_28 = arith.constant 1.500010e-02 : f32
    %add3A_29 = vector.broadcast %add3A_28 : f32 to vector<256x1536xf32>
    %add3A_30 = arith.addf %exp3A_27, %add3A_29 : vector<256x1536xf32>
    %div3A_31 = arith.divf %exp3A_27, %add3A_30 : vector<256x1536xf32>
    %log3A_32 = math.log %div3A_31 : vector<256x1536xf32>
    %div3A_33 = arith.constant 1.500000e-02 : f32
    %div3A_34 = vector.broadcast %div3A_33 : f32 to vector<256x1536xf32>
    %div3A_35 = arith.divf %div3A_34, %add3A_30 : vector<256x1536xf32>
    %log3A_36 = math.log %div3A_35 : vector<256x1536xf32>
    %eq3A_37 = arith.constant 0 : i32
    %eq3A_38 = vector.broadcast %eq3A_37 : i32 to vector<256x1536xi32>
    %eq3A_39 = arith.cmpi eq, %iota3A, %eq3A_38 : vector<256x1536xi32>
    %lt3A_40 = arith.constant 1501 : i32
    %lt3A_41 = vector.broadcast %lt3A_40 : i32 to vector<256x1536xi32>
    %lt3A_42 = arith.cmpi slt, %iota3A, %lt3A_41 : vector<256x1536xi32>
    %jit3A_43 = arith.constant 0.000000e+00 : f32
    %broadcast_in_dim3A_44 = vector.broadcast %jit3A_43 : f32 to vector<256x1536xf32>
    %select_n3A_45 = arith.select %lt3A_42, %log3A_36, %broadcast_in_dim3A_44 : vector<256x1536xi1>, vector<256x1536xf32>
    %select_n3A_46 = arith.select %eq3A_39, %log3A_32, %select_n3A_45 : vector<256x1536xi1>, vector<256x1536xf32>
    %reduce_sum3A_47 = vector.shape_cast %select_n3A_46 : vector<256x1536xf32> to vector<1x256x1536xf32>
    %reduce_sum3A_48 = arith.constant dense<0.000000e+00> : vector<1xf32>
    %reduce_sum3A_49 = vector.multi_reduction <add>, %reduce_sum3A_47, %reduce_sum3A_48 [1, 2] : vector<1x256x1536xf32> to vector<1xf32>
    %reduce_sum3A_50 = vector.shape_cast %reduce_sum3A_49 : vector<1xf32> to vector<1x1x1xf32>
    %reduce_sum3A_51 = vector.extract %reduce_sum3A_50[0, 0, 0] : f32 from vector<1x1x1xf32>
    %add3A_52 = arith.addf %add3A_23, %reduce_sum3A_51 : f32
    %neg3A = arith.constant 0.000000e+00 : f32
    %neg3A_53 = arith.subf %neg3A, %add3A_52 : f32
    %div3A_54 = arith.constant 2.560000e+02 : f32
    %div3A_55 = arith.divf %neg3A_53, %div3A_54 : f32
    %broadcast_in_dim3A_56 = vector.broadcast %div3A_55 : f32 to vector<1x1xf32>
    %swap3A = arith.constant 0 : index
    %swap3A_57 = arith.constant 0 : index
    %swap3A_58 = vector.load %arg2[%swap3A, %swap3A_57] : memref<1x1xf32, #tpu.memory_space<vmem>>, vector<1x1xf32>
    tpu.vector_store %arg2[%swap3A, %swap3A_57], %broadcast_in_dim3A_56 {strides = array<i32>} : memref<1x1xf32, #tpu.memory_space<vmem>>, vector<1x1xf32>,
    return
  }
}

</mosaic_0001>

<sc_bundles>
// kernel: kernel.6.cloned.1.call-start
scs
__scs_entry_jumppad:
0x0: {  	(pc) =	sbr.rel $0x88, $3  }
0x1: {  	(tag) =	ssettag $0x0;
	lr =	simm.s32 $0x1  }
0x2: {  	[smem:$0x3F98] =	sst lr;
	_ =	strace $0xD0000000  }
0x3: {  	_ = 	snop  }
0x4: {  	_ = 	snop  }
0x5: {  	_ = 	snop  }
0x6: {  	_ = 	snop  }
0x7: {  	_ = 	snop  }
__scs_overlays_trampoline_lowered:
0x8: {  	[smem:$0x3FA7] =	sst s0  }
0x9: {  	[smem:$0x3FA8] =	sst s1  }
0xa: {  	[smem:$0x3FA9] =	sst s2  }
0xb: {  	[smem:$0x3FAA] =	sst s3  }
0xc: {  	[smem:$0x3FAB] =	sst s4  }
0xd: {  	[smem:$0x3FAC] =	sst s5  }
0xe: {  	[smem:$0x3FAD] =	sst s6  }
0xf: {  	[smem:$0x3FAE] =	sst s7  }
0x10: {  	[smem:$0x3FAF] =	sst s8  }
0x11: {  	[smem:$0x3FB0] =	sst s9;
	s0 =	simm.s32 @!p0 $0x0  }
0x12: {  	s1 =	sld [smem:$0x3F96];
	s0 =	simm.s32 @p0 $0x1  }
0x13: {  	[smem:$0x3FB1] =	sst s0;
	s0 =	simm.s32 @!p1 $0x0  }
0x14: {  	s2 =	sld [smem:$0x3F95];
	s0 =	simm.s32 @p1 $0x1  }
0x15: {  	[smem:$0x3FB2] =	sst s0;
	s0 =	simm.s32 @!p2 $0x0  }
0x16: {  	s3 =	sld [smem:$0x3FDB];
	s0 =	simm.s32 @p2 $0x1  }
0x17: {  	s4 =	simm.s32 $0x1BF5;
	[smem:$0x3FB4] =	sst s0  }
0x18: {  	s0 =	sld [smem:$0x3F97];
	_ =	swait.ge [sflag:s4], $0x0  }
0x19: {  	s7 =	sld [smem:$0x3F98]  }
0x1a: {  	s8 =	sadd.s32 $0xFFFFE003, lr  }
0x1b: {  	s9 =	sadd.s32 $0xFFFFFEF7, lr;
	s5 =	simm.s32 $0xFFFFFFFF;
	p2 =	slt.u32 s8, $0xFFFFF086  }
0x1c: {  	p1 =	slt.u32 s9, $0xF7A;
	s5 =	simm.s32 @!p2 $0x0  }
0x1d: {  	s5 =	simm.s32 @p1 $0x1;
	p0 =	seq.s32 s7, s2  }
0x1e: {  	s7 =	smul.u32 @!p0 $0xF7A, s2;
	p2 =	seq.s32 @!p0 s5, $0x0  }
0x1f: {  	s9 =	smul.u32 $0xF7A, s1;
	s8 =	simm.s32 @!p0 $0x1BF5;
	p2 =	por !p2, p0  }
0x20: {  	[sflag:s8] =	ssyncset.s32 @!p0 $0xFFFFF086;
	s6 =	sadd.s32 @!p0 s3, s7;
	s7 =	simm.s32 @!p0 $0x108  }
0x21: {  	s3 =	sadd.s32 s3, s9;
	s6 =	sadd.s32 @!p0 $0x88, s6;
	s7 =	simm.s32 @p2 $0x1082  }
0x22: {  	[simem:s7], [sflag:s8] =	dma.local @!p0 [hbm:s6], $0xF7A  }
0x23: {  	s9 =	sor.u32 $0xD0000000, s2;
	s6 =	simm.s32 $0x108;
	_ =	swait.ge @!p0 [sflag:s8], $0x0  }
0x24: {  	s3 =	sadd.s32 $0x88, s3;
	s6 =	simm.s32 @!p1 $0x1082;
	[sflag:s4] =	ssyncset.s32 $0xFFFFF086  }
0x25: {  	[simem:s6], [sflag:s4] =	dma.local [hbm:s3], $0xF7A  }
0x26: {  	[smem:$0x3F98] =	sst s1;
	(tag) =	ssettag s2;
	_ =	strace s9  }
0x27: {  	s1 =	sld [smem:$0x3FA8]  }
0x28: {  	s2 =	sld [smem:$0x3FA9]  }
0x29: {  	s4 =	sld [smem:$0x3FAB]  }
0x2a: {  	p0 =	seq.s32 s5, $0x0;
	s5 =	sld [smem:$0x3FAC]  }
0x2b: {  	s6 =	sld [smem:$0x3FAD]  }
0x2c: {  	s7 =	sld [smem:$0x3FAE]  }
0x2d: {  	s3 =	simm.s32 $0x108;
	s8 =	sld [smem:$0x3FAF]  }
0x2e: {  	s3 =	simm.s32 @!p0 $0x1082;
	s9 =	sld [smem:$0x3FB0]  }
0x2f: {  	lr =	sadd.s32 s0, s3;
	s0 =	sld [smem:$0x3FA7]  }
0x30: {  	s3 =	sld [smem:$0x3FAA]  }
0x31: {  	[smem:$0x3FB3] =	sst s10  }
0x32: {  	s10 =	sld [smem:$0x3FB1];
	_ =	sdelay $0x3  }
0x33: {  	p0 =	seq.s32 s10, $0x1;
	s10 =	sld [smem:$0x3FB3];
	_ =	sdelay $0x3  }
0x34: {  	[smem:$0x3FB3] =	sst s10  }
0x35: {  	s10 =	sld [smem:$0x3FB2];
	_ =	sdelay $0x3  }
0x36: {  	p1 =	seq.s32 s10, $0x1;
	s10 =	sld [smem:$0x3FB3];
	_ =	sdelay $0x3  }
0x37: {  	[smem:$0x3FB3] =	sst s10  }
0x38: {  	s10 =	sld [smem:$0x3FB4]  }
0x39: {  	_ = 	snop;
	(pc) =	sbr.ind lr, $3  }
0x3a: {  	_ = 	snop  }
0x3b: {  	_ = 	snop  }
0x3c: {  	p2 =	seq.s32 s10, $0x1;
	s10 =	sld [smem:$0x3FB3]  }
0x3d: {  	_ =	shalt  }
0x3e: {  	_ =	shalt  }
0x3f: {  	_ =	shalt  }
0x40: {  	_ =	shalt  }
0x41: {  	_ =	shalt  }
0x42: {  	_ =	shalt  }
0x43: {  	_ =	shalt  }
0x44: {  	_ =	shalt  }
0x45: {  	_ =	shalt  }
0x46: {  	_ =	shalt  }
0x47: {  	_ =	shalt  }
0x48: {  	_ =	shalt  }
0x49: {  	_ =	shalt  }
0x4a: {  	_ =	shalt  }
0x4b: {  	_ =	shalt  }
0x4c: {  	_ =	shalt  }
0x4d: {  	_ =	shalt  }
0x4e: {  	_ =	shalt  }
0x4f: {  	_ =	shalt  }
0x50: {  	_ =	shalt  }
0x51: {  	_ =	shalt  }
0x52: {  	_ =	shalt  }
0x53: {  	_ =	shalt  }
0x54: {  	_ =	shalt  }
0x55: {  	_ =	shalt  }
0x56: {  	_ =	shalt  }
0x57: {  	_ =	shalt  }
0x58: {  	_ =	shalt  }
0x59: {  	_ =	shalt  }
0x5a: {  	_ =	shalt  }
0x5b: {  	_ =	shalt  }
0x5c: {  	_ =	shalt  }
0x5d: {  	_ =	shalt  }
0x5e: {  	_ =	shalt  }
0x5f: {  	_ =	shalt  }
0x60: {  	_ =	shalt  }
0x61: {  	_ =	shalt  }
0x62: {  	_ =	shalt  }
0x63: {  	_ =	shalt  }
0x64: {  	_ =	shalt  }
0x65: {  	_ =	shalt  }
0x66: {  	_ =	shalt  }
0x67: {  	_ =	shalt  }
0x68: {  	_ =	shalt  }
0x69: {  	_ =	shalt  }
0x6a: {  	_ =	shalt  }
0x6b: {  	_ =	shalt  }
0x6c: {  	_ =	shalt  }
0x6d: {  	_ =	shalt  }
0x6e: {  	_ =	shalt  }
0x6f: {  	_ =	shalt  }
0x70: {  	_ =	shalt  }
0x71: {  	_ =	shalt  }
0x72: {  	_ =	shalt  }
0x73: {  	_ =	shalt  }
0x74: {  	_ =	shalt  }
0x75: {  	_ =	shalt  }
0x76: {  	_ =	shalt  }
0x77: {  	_ =	shalt  }
0x78: {  	_ =	shalt  }
0x79: {  	_ =	shalt  }
0x7a: {  	_ =	shalt  }
0x7b: {  	_ =	shalt  }
0x7c: {  	_ =	shalt  }
0x7d: {  	_ =	shalt  }
0x7e: {  	_ =	shalt  }
0x7f: {  	_ =	shalt  }
0x80: {  	_ =	shalt  }
0x81: {  	_ =	shalt  }
0x82: {  	_ =	shalt  }
0x83: {  	_ =	shalt  }
0x84: {  	_ =	shalt  }
0x85: {  	_ =	shalt  }
0x86: {  	_ =	shalt  }
0x87: {  	_ =	shalt  }
.Lfunc_end0:
.L_simem_size_0:
called_computation_lowered:
.L_overlay_start_0:
0x88: {  	s2 =	sld [smem:$0x3FD9]  }
0x89: {  	s3 =	sld [smem:$0x3FFE];
	_ =	sdelay $0x1  }
0x8a: {  	s1 =	srdreg.scid  }
0x8b: {  	s0 =	sand.u32 $0x1, s1  }
0x8c: {  	s16 =	sshll.u32 s0, $0xA;
	s2 =	sadd.s32 s3, s2  }
0x8d: {  	s2 =	sadd.s32 s2, s16  }
0x8e: {  	[smem:$0x3FBF] =	sst s2  }
0x8f: {  	_ = 	snop  }
0x90: {  	(tm) =	ssettm $0x1  }
0x91: {  	s17 =	sld [smem:$0x3FFB];
	_ =	sdelay $0x3  }
0x92: {  	_ =	strace s17  }
0x93: {  	s2 =	sld [smem:$0x3FFC];
	_ =	sdelay $0x3  }
0x94: {  	_ =	strace s2  }
0x95: {  	s2 =	sld [smem:$0x3FFD];
	_ =	sdelay $0x3  }
0x96: {  	_ =	strace s2  }
0x97: {  	_ =	strace $0x8FFFFFFF  }
0x98: {  	s18 =	sld [smem:$0x3FDB];
	_ =	sdelay $0x1  }
0x99: {  	s19 =	simm.s32 $_scs_section_size  }
0x9a: {  	s4 =	simm.s32 $_size__tile_overlayer_lowered;
	s5 =	simm.s32 $_tile_overlayer_lowered  }
0x9b: {  	s22 =	simm.s32 $0x1BFF;
	s21 =	sshll.u32 s5, $0x1;
	s2 =	sadd.s32 s19, s18  }
0x9c: {  	s6 =	simm.s32 $0x0;
	s20 =	sshll.u32 s4, $0x1;
	s4 =	sadd.s32 s21, s2  }
0x9d: {  	[timem:s6], [sflag:s22] =	dma.local [hbm:s4], s20  }
0x9e: {  	_ =	swait.ge [sflag:s22], s20  }
0x9f: {  	s3 =	ssub.s32 $0x0, s20;
	[sflag:s22] =	ssyncset.done $0x0  }
0xa0: {  	[sflag:s22] =	ssyncadd.s32 s3;
	_ =	sdelay $0x1  }
0xa1: {  	s23 =	simm.s32 $0x1B8B  }
0xa2: {  	_ =	swait.ge [sflag:s23], $0x1  }
0xa3: {  	[sflag:s23] =	ssyncset.done $0x0  }
0xa4: {  	s25 =	simm.s32 $0x1B8E;
	s24 =	sld [smem:$0x3FFE];
	[sflag:s23] =	ssyncadd.s32 $0xFFFFFFFF  }
0xa5: {  	s26 =	simm.s32 $execute0_lowered;
	[smem:$0x3FD2] =	sst s25  }
0xa6: {  	s4 =	sshll.u32 s26, $0x1;
	_ =	strace $0x80000046;
	[dreg:$0x1] =	wrdreg $0xFFFFFFFF  }
0xa7: {  	s28 =	simm.s32 $_size_execute0_lowered;
	s2 =	sadd.s32 s2, s4;
	[dreg:$0x0] =	wrdreg $0x0  }
0xa8: {  	s4 =	sshll.u32 s28, $0x1;
	[dreg:$0x2] =	wrdreg s2  }
0xa9: {  	[dreg:$0x3] =	wrdreg s4  }
0xaa: {  	[dreg:$0x4] =	wrdreg $0xC0  }
0xab: {  	_ =	task [dreg:s6], $0x5FFFF  }
0xac: {  	[dreg:$0x1] =	wrdreg $0xFFFFFFFF  }
0xad: {  	[dreg:$0x0] =	wrdreg $0x60  }
0xae: {  	[dreg:$0x2] =	wrdreg s24  }
0xaf: {  	[dreg:$0x3] =	wrdreg $0x9  }
0xb0: {  	_ =	task.clear_ibuf [dreg:s6], $0x4FFFF;
	_ =	strace $0x90000046  }
0xb1: {  	s29 =	simm.s32 $0x9;
	_ =	strace $0x80000048  }
0xb2: {  	_ =	swait.ge [sflag:s29], $0x1  }
0xb3: {  	[sflag:s29] =	ssyncadd.s32 $0xFFFFFFFF  }
0xb4: {  	_ =	strace $0x90000048  }
0xb5: {  	_ =	sfence  }
0xb6: {  	s30 =	sld [smem:$0x0];
	_ =	sdelay $0x2  }
0xb7: {  	s31 =	sshll.u32 s1, $0xD;
	s1 =	sshrl.u32 s1, $0x2  }
0xb8: {  	s3 =	sand.u32 $0x4000, s31;
	s1 =	sadd.s32 s1, s30  }
0xb9: {  	s0 =	sor.u32 s3, s0;
	s1 =	sshll.u32 s1, $0x11  }
0xba: {  	s0 =	sor.u32 s1, s0  }
0xbb: {  	s0 =	sadd.s32 $0x8F2B, s0  }
0xbc: {  	[sflag:s0] =	ssyncadd.remote.s32 $0x1  }
0xbd: {  	_ =	sfence.sel $0xFFFF  }
0xbe: {  	[dreg:$0x0] =	wrdreg $0xFFFFFFFF;
	(pc) =	sbr.abs _section_cstart, $3  }
0xbf: {  	[dreg:$0x1] =	wrdreg $0xFFFFFFFF  }
0xc0: {  	_ =	task.clear_ibuf [dreg:s6], $0x2FFFF;
	_ =	strace $0x9FFFFFFF  }
0xc1: {  	(tm) =	ssettm $0x7FFFFFFF  }
tec
execute0_lowered:
.L_overlay_start_1:
0x0: {  	(tag) =	ssettag $0x1  }
0x1: {  	s0 =	rddreg [dreg:$0x0];
	s11 =	simm.s32 $0x0;
	s1 =	srdreg.scid  }
0x2: {  	s7 =	stileid.u32;
	s12 =	simm.s32 $0x4;
	s15 =	simm.s32 $0x80  }
0x3: {  	s17 =	simm.s32 $0x4800;
	s18 =	simm.s32 $0x8800;
	s19 =	simm.s32 $0x1  }
0x4: {  	s20 =	simm.s32 $0x2;
	s21 =	simm.s32 $0x3;
	s22 =	simm.s32 $0x400  }
0x5: {  	s23 =	simm.s32 $0xC900;
	s24 =	simm.s32 $0xCF00;
	[smem:$0x7FF] =	sst s11  }
0x6: {  	s2 =	sadd.s32 $0x11E00, s0;
	s4 =	sadd.s32 $0x1E00, s0;
	s1 =	sand.u32 $0x1, s1  }
0x7: {  	vm0 =	vmmov $0x1;
	vm1 =	vmmov $0x3;
	vm2 =	vmmov $0x7;
	s5 =	sadd.s32 $0x198800, s0;
	s6 =	sadd.s32 $0x199800, s0;
	s3 =	ssub.s32 $0x2, s1  }
0x8: {  	vm3 =	vmmov $0xf;
	vm4 =	vmmov $0x1f;
	vm5 =	vmmov $0x3f;
	s8 =	sshll.u32 s7, $0x4;
	s1 =	sshll.u32 s1, $0x3;
	s10 =	sshrl.u32 s3, $0x1  }
0x9: {  	vm6 =	vmmov $0x7f;
	vm7 =	vmmov $0xff;
	vm8 =	vmmov $0x1ff;
	s7 =	sadd.s32 $0x19A800, s0;
	s8 =	sor.u32 s1, s8;
	s31 =	ssub.s32 s3, s10  }
0xa: {  	vm9 =	vmmov $0x3ff;
	vm10 =	vmmov $0x7ff;
	vm11 =	vmmov $0xfff;
	s9 =	sadd.s32 $0x1A6800, s0;
	s1 =	sshrl.u32 s8, $0x3;
	s0 =	smax.u32 s31, $0x1  }
0xb: {  	vm12 =	vmmov $0x1fff;
	vm13 =	vmmov $0x3fff;
	vm14 =	vmmov $0x7fff;
	_ =	strace $0x80000047;
	s10 =	smul.u32 $0x3000, s1;
	[dreg:$0x3] =	wrdreg s0  }
.LBB2_1:
0xc: {  	[dreg:$0x2] =	wrdreg s11;
	s25 =	simm.s32 $0x0  }
.LBB2_2:
0xd: {  	s0 =	sor.u32 s8, s25  }
0xe: {  	s1 =	sshll.u32 s0, $0x8  }
0xf: {  	s26 =	simm.s32 $0x0;
	s1 =	sadd.s32 s4, s1  }
0x10: {  	[tilespmem:s26], [sflag:$0x4] =	stream.linear.gather [hbm4b:s1+s26], $0x600, $0x38;
	[tilespmem:$0xD500] =	vst v63  }
0x11: {  	_ =	swait.ge [sflag:s12], $0x600  }
0x12: {  	s0 =	sshll.u32 s0, $0x4;
	[sflag:s12] =	ssyncset.done $0x0  }
0x13: {  	s3 =	simm.s32 $0xC800;
	s13 =	sadd.s32 s5, s0;
	[sflag:s12] =	ssyncadd.s32 $0xFFFFFA00  }
0x14: {  	[tilespmem:s3], [sflag:$0x4] =	stream.linear.gather [hbm4b:s13+s26], $0x80, $0x38;
	[tilespmem:$0xD500] =	vst v63  }
0x15: {  	_ =	swait.ge [sflag:s12], $0x80  }
0x16: {  	[sflag:s12] =	ssyncset.done $0x0  }
0x17: {  	s14 =	simm.s32 $0xC880;
	s0 =	sadd.s32 s6, s0;
	[sflag:s12] =	ssyncadd.s32 $0xFFFFFF80  }
0x18: {  	[tilespmem:s14], [sflag:$0x4] =	stream.linear.gather [hbm4b:s0+s26], $0x80, $0x38;
	[tilespmem:$0xD500] =	vst v63  }
0x19: {  	_ =	swait.ge [sflag:s12], $0x80  }
0x1a: {  	[sflag:s12] =	ssyncset.done $0x0  }
0x1b: {  	[sflag:s12] =	ssyncadd.s32 $0xFFFFFF80  }
0x1c: {  	v0 =	vld [tilespmem:$0xC800]  }
0x1d: {  	v1 =	vld [tilespmem:$0xC810]  }
0x1e: {  	v2 =	vld [tilespmem:$0xC820]  }
0x1f: {  	v3 =	vld [tilespmem:$0xC830]  }
0x20: {  	v4 =	vld [tilespmem:$0xC880]  }
0x21: {  	s16 =	simm.s32 $0x800;
	v5 =	vld [tilespmem:$0xC890]  }
0x22: {  	s28 =	simm.s32 $0xCF00;
	s29 =	simm.s32 $0xC900;
	s30 =	simm.s32 $0xCF80;
	v6 =	vld [tilespmem:$0xC8A0]  }
0x23: {  	v7 =	vld [tilespmem:$0xC8B0];
	[tilespmem:s16], [sflag:$0x1] =	stream.indirect.gather [hbm4b:s2+s15], $0x80, s26, s15, $0xb8  }
0x24: {  	s31 =	simm.s32 $0xC980;
	s3 =	simm.s32 $0xCA00;
	s0 =	simm.s32 $0xD000  }
0x25: {  	[tilespmem:s17], [sflag:$0x2] =	stream.indirect.gather [hbm4b:s2+s15], $0x80, s15, s15, $0xb8;
	[tilespmem:$0xD500] =	vst v63  }
.LBB2_3:
0x26: {  	s1 =	smul.u32 $0x180, s26;
	_ =	sdelay $0x1  }
0x27: {  	s1 =	sadd.s32 $0x100, s1  }
0x28: {  	s1 =	sand.u32 $0x3FFFFF80, s1  }
0x29: {  	[tilespmem:s18], [sflag:$0x3] =	stream.indirect.gather [hbm4b:s2+s15], $0x80, s1, s15, $0xb8;
	[tilespmem:$0xD500] =	vst v63  }
0x2a: {  	_ =	swait.ge [sflag:s19], $0x4000  }
0x2b: {  	[sflag:s19] =	ssyncset.done $0x0  }
0x2c: {  	s11 =	simm.s32 $0xC00;
	[sflag:s19] =	ssyncadd.s32 $0xFFFFC000  }
0x2d: {  	v8 =	vld [tilespmem:s11+$0x3B0]  }
0x2e: {  	v9 =	vld [tilespmem:s11+$0x3A0]  }
0x2f: {  	v10 =	vld [tilespmem:s11+$0x390]  }
0x30: {  	v11 =	vld [tilespmem:s11+$0x380]  }
0x31: {  	v13 =	vld [tilespmem:s11+$0x3F0]  }
0x32: {  	v14 =	vld [tilespmem:s11+$0x3E0]  }
0x33: {  	v15 =	vld [tilespmem:s11+$0x3D0]  }
0x34: {  	v16 =	vld [tilespmem:s11+$0x3C0]  }
0x35: {  	v17 =	vld [tilespmem:s11+$0x330]  }
0x36: {  	v18 =	vld [tilespmem:s11+$0x320]  }
0x37: {  	v19 =	vld [tilespmem:s11+$0x310]  }
0x38: {  	v20 =	vld [tilespmem:s11+$0x300]  }
0x39: {  	v21 =	vld [tilespmem:s11+$0x370]  }
0x3a: {  	v22 =	vld [tilespmem:s11+$0x360]  }
0x3b: {  	v23 =	vld [tilespmem:s11+$0x350]  }
0x3c: {  	v24 =	vld [tilespmem:s11+$0x340]  }
0x3d: {  	v25 =	vld [tilespmem:s11+$0x2B0]  }
0x3e: {  	v26 =	vld [tilespmem:s11+$0x2A0]  }
0x3f: {  	v27 =	vld [tilespmem:s11+$0x290]  }
0x40: {  	v28 =	vld [tilespmem:s11+$0x280]  }
0x41: {  	v29 =	vld [tilespmem:s11+$0x2F0]  }
0x42: {  	v30 =	vld [tilespmem:s11+$0x2E0]  }
0x43: {  	v31 =	vld [tilespmem:s11+$0x2D0]  }
0x44: {  	v33 =	vld [tilespmem:s11+$0x230]  }
0x45: {  	v34 =	vld [tilespmem:s11+$0x220]  }
0x46: {  	v35 =	vld [tilespmem:s11+$0x270]  }
0x47: {  	v36 =	vld [tilespmem:s11+$0x260]  }
0x48: {  	v37 =	vld [tilespmem:s11+$0x250];
	v9 =	vmul.bf16 v9, v6  }
0x49: {  	v38 =	vld [tilespmem:s11+$0x1A0];
	v8 =	vmul.bf16 v8, v7;
	v11 =	vmul.bf16 v11, v4  }
0x4a: {  	v39 =	vld [tilespmem:s11+$0x190];
	v10 =	vmul.bf16 v10, v5;
	v18 =	vmul.bf16 v18, v6  }
0x4b: {  	v40 =	vld [tilespmem:s11+$0x180];
	v17 =	vmul.bf16 v17, v7;
	v20 =	vmul.bf16 v20, v4  }
0x4c: {  	v41 =	vld [tilespmem:s11+$0x1F0];
	v19 =	vmul.bf16 v19, v5;
	v16 =	vmul.bf16 v16, v0  }
0x4d: {  	v42 =	vld [tilespmem:s11+$0x1C0];
	v15 =	vmul.bf16 v15, v1;
	v27 =	vmul.bf16 v27, v5  }
0x4e: {  	v43 =	vld [tilespmem:s11+$0xD0];
	v49 =	vmul.bf16 v36, v2;
	v35 =	vmul.bf16 v35, v3  }
0x4f: {  	v32 =	vld [tilespmem:s11+$0x2C0];
	v37 =	vmul.bf16 v37, v1;
	v50 =	vmul.bf16 v34, v6  }
0x50: {  	v12 =	vld [tilespmem:s11+$0x210];
	v33 =	vmul.bf16 v33, v7;
	v51 =	vmul.bf16 v38, v6  }
0x51: {  	v57 =	vld [tilespmem:s11+$0x60];
	v53 =	vmul.bf16 v40, v4;
	v39 =	vmul.bf16 v39, v5  }
0x52: {  	v48 =	vld [tilespmem:s11+$0xFFFFFFA0];
	v41 =	vmul.bf16 v41, v3;
	v42 =	vmul.bf16 v42, v0  }
0x53: {  	v36 =	vld [tilespmem:s11+$0xE0];
	v43 =	vmul.bf16 v43, v1;
	v10 =	vadd.bf16 v10, v11;
	v8 =	vadd.bf16 v8, v9  }
0x54: {  	v34 =	vld [tilespmem:s11+$0x20];
	v19 =	vadd.bf16 v19, v20;
	v15 =	vadd.bf16 v15, v16;
	v16 =	vmul.bf16 v21, v3  }
0x55: {  	v9 =	vld [tilespmem:s11+$0x240];
	v17 =	vadd.bf16 v17, v18;
	v20 =	vmul.bf16 v24, v0;
	v21 =	vmul.bf16 v23, v1  }
0x56: {  	v11 =	vld [tilespmem:s11+$0x1B0];
	v23 =	vmul.bf16 v25, v7;
	v38 =	vadd.bf16 v39, v53;
	v39 =	vmul.bf16 v57, v2  }
0x57: {  	v18 =	vld [tilespmem:s11+$0x1D0];
	v57 =	vmul.bf16 v48, v6;
	v8 =	vadd.bf16 v8, v10;
	v10 =	vmul.bf16 v14, v2  }
0x58: {  	v25 =	vld [tilespmem:s11+$0x110];
	v14 =	vmul.bf16 v13, v3;
	v17 =	vadd.bf16 v17, v19;
	v20 =	vadd.bf16 v21, v20  }
0x59: {  	v60 =	vld [tilespmem:s11+$0x40];
	v36 =	vmul.bf16 v36, v2;
	v34 =	vmul.bf16 v34, v6;
	v13 =	vunpack.i.u.bf16.f32 v8  }
0x5a: {  	v62 =	vld [tilespmem:s11+$0xFFFFFFB0];
	v8 =	vunpack.i.l.bf16.f32 v8;
	v10 =	vadd.bf16 v14, v10;
	v14 =	vmul.bf16 v22, v2  }
0x5b: {  	v19 =	vld [tilespmem:s11+$0x130];
	v24 =	vunpack.i.u.bf16.f32 v17;
	v13 =	vadd.f32 v8, v13;
	v9 =	vmul.bf16 v9, v0  }
0x5c: {  	v21 =	vld [tilespmem:s11+$0x170];
	v52 =	vmul.bf16 v11, v7;
	v11 =	vadd.bf16 v33, v50;
	v58 =	vmul.bf16 v18, v1  }
0x5d: {  	v53 =	vld [tilespmem:s11+$0xFFFFFF70];
	v25 =	vmul.bf16 v25, v5;
	v10 =	vadd.bf16 v10, v15;
	v15 =	vmul.bf16 v26, v6  }
0x5e: {  	v22 =	vld [tilespmem:s11+$0x120];
	v26 =	vmul.bf16 v28, v4;
	v16 =	vadd.bf16 v16, v14;
	v14 =	vunpack.i.l.bf16.f32 v17  }
0x5f: {  	v8 =	vld [tilespmem:s11+$0x1E0];
	v17 =	vmul.bf16 v30, v2;
	v30 =	vmul.bf16 v31, v1;
	v14 =	vadd.f32 v14, v24  }
0x60: {  	v50 =	vld [tilespmem:s11+$0xFFFFFFF0];
	v9 =	vadd.bf16 v37, v9;
	v54 =	vadd.bf16 v52, v51;
	v19 =	vmul.bf16 v19, v7  }
0x61: {  	v28 =	vld [tilespmem:s11+$0x100];
	v61 =	vadd.bf16 v58, v42;
	v21 =	vmul.bf16 v21, v3;
	v15 =	vadd.bf16 v23, v15  }
0x62: {  	v31 =	vld [tilespmem:s11+$0xF0];
	v23 =	vmul.bf16 v29, v3;
	v26 =	vadd.bf16 v27, v26;
	v29 =	vmul.bf16 v32, v0  }
0x63: {  	v24 =	vld [tilespmem:s11+$0x150];
	v16 =	vadd.bf16 v16, v20;
	v33 =	vadd.bf16 v54, v38;
	v22 =	vmul.bf16 v22, v6  }
0x64: {  	v37 =	vld [tilespmem:s11+$0x70];
	v38 =	vmul.bf16 v60, v0;
	v15 =	vadd.bf16 v15, v26;
	v29 =	vadd.bf16 v30, v29  }
0x65: {  	v51 =	vld [tilespmem:s11+$0xFFFFFFD0];
	v17 =	vadd.bf16 v23, v17;
	v30 =	vunpack.i.u.bf16.f32 v16;
	v56 =	vmul.bf16 v8, v2  }
0x66: {  	v52 =	vld [tilespmem:s11+$0xFFFFFFC0];
	v16 =	vunpack.i.l.bf16.f32 v16;
	v40 =	vmul.bf16 v50, v3;
	v28 =	vmul.bf16 v28, v4  }
0x67: {  	v27 =	vld [tilespmem:s11+$0x160];
	v63 =	vunpack.i.u.bf16.f32 v33;
	v22 =	vadd.bf16 v19, v22;
	v19 =	vunpack.i.l.bf16.f32 v33  }
0x68: {  	(xrf2) =	vadd.scan.msk.f32 $0xffff, v13;
	v32 =	vld [tilespmem:s11+$0x0];
	v31 =	vmul.bf16 v31, v3;
	v23 =	vunpack.i.u.bf16.f32 v15;
	v29 =	vadd.bf16 v17, v29  }
0x69: {  	(xrf2) =	vadd.scan.msk.f32 $0xffff, v14;
	v14 =	vld [tilespmem:s11+$0xFFFFFDE0];
	v15 =	vunpack.i.l.bf16.f32 v15;
	v17 =	vadd.f32 v16, v30;
	v30 =	vadd.bf16 v35, v49  }
0x6a: {  	v26 =	vld [tilespmem:s11+$0x140];
	v59 =	vadd.bf16 v41, v56;
	v24 =	vmul.bf16 v24, v1;
	v37 =	vmul.bf16 v37, v3  }
0x6b: {  	v49 =	vld [tilespmem:s11+$0xFFFFFF90];
	v19 =	vadd.f32 v19, v63;
	v41 =	vmul.bf16 v62, v7;
	v60 =	vmul.bf16 v51, v1  }
0x6c: {  	v15 =	vadd.f32 v15, v23;
	v23 =	vld [tilespmem:s11+$0xC0];
	v27 =	vmul.bf16 v27, v2;
	v25 =	vadd.bf16 v25, v28  }
0x6d: {  	v28 =	vld [tilespmem:s11+$0xFFFFFF80];
	v31 =	vadd.bf16 v31, v36;
	v32 =	vmul.bf16 v32, v4;
	v36 =	vmul.bf16 v53, v3  }
0x6e: {  	v44 =	vunpack.i.u.bf16.f32 v29;
	v16 =	vunpack.i.l.bf16.f32 v29;
	v29 =	vld [tilespmem:s11+$0x30];
	v9 =	vadd.bf16 v30, v9  }
0x6f: {  	v30 =	vld [tilespmem:s11+$0x10];
	v35 =	vadd.bf16 v59, v61;
	v14 =	vmul.bf16 v14, v2;
	v16 =	vadd.f32 v16, v44  }
0x70: {  	v59 =	vld [tilespmem:s11+$0xFFFFFEC0];
	v26 =	vmul.bf16 v26, v0;
	v22 =	vadd.bf16 v22, v25;
	v21 =	vadd.bf16 v21, v27  }
0x71: {  	v61 =	vld [tilespmem:s11+$0xFFFFFE30];
	v55 =	vunpack.i.u.bf16.f32 v9;
	v9 =	vunpack.i.l.bf16.f32 v9;
	v25 =	vunpack.i.u.bf16.f32 v35  }
0x72: {  	v27 =	vld [tilespmem:s11+$0xFFFFFFE0];
	v18 =	vadd.f32 v9, v55;
	v24 =	vadd.bf16 v24, v26;
	v33 =	vmul.bf16 v49, v5  }
0x73: {  	v44 =	vld [tilespmem:s11+$0xFFFFFEF0];
	v26 =	vunpack.i.l.bf16.f32 v35;
	v35 =	vmul.bf16 v52, v0;
	v23 =	vmul.bf16 v23, v0  }
0x74: {  	v45 =	vld [tilespmem:s11+$0xFFFFFEB0];
	v25 =	vadd.f32 v26, v25;
	v28 =	vmul.bf16 v28, v4;
	v21 =	vadd.bf16 v21, v24  }
0x75: {  	v56 =	vld [tilespmem:s11+$0xFFFFFEA0];
	v24 =	vunpack.i.u.bf16.f32 v22;
	v22 =	vunpack.i.l.bf16.f32 v22;
	v29 =	vmul.bf16 v29, v7  }
0x76: {  	v47 =	vld [tilespmem:s11+$0xFFFFFEE0];
	v30 =	vmul.bf16 v30, v5;
	v35 =	vadd.bf16 v60, v35;
	v61 =	vmul.bf16 v61, v7  }
0x77: {  	(xrf2) =	vadd.scan.msk.f32 $0xffff, v17;
	v9 =	vld [tilespmem:s11+$0x50];
	v23 =	vadd.bf16 v43, v23;
	v22 =	vadd.f32 v22, v24;
	v27 =	vmul.bf16 v27, v2  }
0x78: {  	(xrf2) =	vadd.scan.msk.f32 $0xffff, v15;
	v15 =	vld [tilespmem:s11+$0xFFFFFDC0];
	v28 =	vadd.bf16 v33, v28;
	v44 =	vmul.bf16 v44, v3;
	v33 =	vmul.bf16 v59, v0  }
0x79: {  	v48 =	vld [tilespmem:s11+$0xFFFFFE70];
	v54 =	vunpack.i.u.bf16.f32 v21;
	v21 =	vunpack.i.l.bf16.f32 v21;
	v29 =	vadd.bf16 v29, v34  }
0x7a: {  	v24 =	vld [tilespmem:s11+$0xFFFFFF60];
	v30 =	vadd.bf16 v30, v32;
	v32 =	vmul.bf16 v56, v6;
	v23 =	vadd.bf16 v31, v23  }
0x7b: {  	v34 =	vld [tilespmem:s11+$0xFFFFFE90];
	v56 =	vmul.bf16 v45, v7;
	v43 =	vadd.f32 v21, v54;
	v27 =	vadd.bf16 v40, v27  }
0x7c: {  	v31 =	vld [tilespmem:s11+$0xFFFFFF50];
	v46 =	vmul.bf16 v9, v1;
	v29 =	vadd.bf16 v29, v30;
	v30 =	vadd.bf16 v37, v39  }
0x7d: {  	v15 =	vmul.bf16 v15, v0;
	v21 =	vld [tilespmem:s11+$0xFFFFFF40];
	v39 =	vadd.bf16 v41, v57;
	v32 =	vadd.bf16 v56, v32  }
0x7e: {  	v13 =	vld [tilespmem:s11+$0xFFFFFDF0];
	v55 =	vunpack.i.u.bf16.f32 v23;
	v23 =	vunpack.i.l.bf16.f32 v23;
	v38 =	vadd.bf16 v46, v38  }
0x7f: {  	v53 =	vld [tilespmem:s11+$0xFFFFFE00];
	v27 =	vadd.bf16 v27, v35;
	v23 =	vadd.f32 v23, v55;
	v58 =	vunpack.i.u.bf16.f32 v29  }
0x80: {  	v37 =	vld [tilespmem:s11+$0xFFFFFE80];
	v29 =	vunpack.i.l.bf16.f32 v29;
	v28 =	vadd.bf16 v39, v28;
	v24 =	vmul.bf16 v24, v2  }
0x81: {  	v17 =	vld [tilespmem:s11+$0xFFFFFDD0];
	v29 =	vadd.f32 v29, v58;
	v34 =	vmul.bf16 v34, v5;
	v58 =	vmul.bf16 v47, v2  }
0x82: {  	(xrf2) =	vadd.scan.msk.f32 $0xffff, v16;
	v16 =	vld [tilespmem:s11+$0xFFFFFD30];
	v30 =	vadd.bf16 v30, v38;
	v21 =	vmul.bf16 v21, v0;
	v31 =	vmul.bf16 v31, v1  }
0x83: {  	v55 =	vld [tilespmem:s11+$0xFFFFFE50];
	v54 =	vunpack.i.u.bf16.f32 v28;
	v24 =	vadd.bf16 v36, v24;
	v28 =	vunpack.i.l.bf16.f32 v28  }
0x84: {  	v38 =	vld [tilespmem:s11+$0xFFFFFED0];
	v62 =	vunpack.i.u.bf16.f32 v30;
	v30 =	vunpack.i.l.bf16.f32 v30;
	v28 =	vadd.f32 v28, v54  }
0x85: {  	v63 =	vld [tilespmem:s11+$0xFFFFFE20];
	v37 =	vmul.bf16 v37, v4;
	v60 =	vadd.bf16 v44, v58;
	v39 =	vadd.f32 v30, v62  }
0x86: {  	v52 =	vld [tilespmem:s11+$0xFFFFFE10];
	v21 =	vadd.bf16 v31, v21;
	v30 =	vunpack.i.u.bf16.f32 v27;
	v27 =	vunpack.i.l.bf16.f32 v27  }
0x87: {  	(xrf2) =	vadd.scan.msk.f32 $0xffff, v18;
	v31 =	vld [tilespmem:s11+$0xFFFFFE60];
	v62 =	vmul.bf16 v53, v4;
	v53 =	vmul.bf16 v17, v1;
	v27 =	vadd.f32 v27, v30  }
0x88: {  	(xrf2) =	vadd.scan.msk.f32 $0xffff, v19;
	v16 =	vmul.bf16 v16, v7;
	v34 =	vadd.bf16 v34, v37;
	v21 =	vadd.bf16 v24, v21;
	v24 =	vld [tilespmem:s11+$0xFFFFFE40]  }
0x89: {  	(xrf2) =	vadd.scan.msk.f32 $0xffff, v25;
	v25 =	vld [tilespmem:s11+$0xFFFFFD00];
	v35 =	vmul.bf16 v55, v1;
	v59 =	vmul.bf16 v38, v1;
	v15 =	vadd.bf16 v53, v15  }
0x8a: {  	v50 =	vld [tilespmem:s11+$0xFFFFFD70];
	v32 =	vadd.bf16 v32, v34;
	v57 =	vunpack.i.u.bf16.f32 v21;
	v21 =	vunpack.i.l.bf16.f32 v21  }
0x8b: {  	v20 =	vld [tilespmem:s11+$0xB0];
	v36 =	vadd.f32 v21, v57;
	v21 =	vmul.bf16 v12, v5;
	v12 =	vmul.bf16 v63, v6  }
0x8c: {  	v51 =	vld [tilespmem:s11+$0xFFFFFD60];
	v33 =	vadd.bf16 v59, v33;
	v63 =	vmul.bf16 v52, v5;
	v19 =	vmul.bf16 v31, v2  }
0x8d: {  	v26 =	vld [tilespmem:s11+$0xFFFFFF30];
	v31 =	vmul.bf16 v48, v3;
	v12 =	vadd.bf16 v61, v12;
	v24 =	vmul.bf16 v24, v0  }
0x8e: {  	v46 =	vld [tilespmem:s11+$0xFFFFFD20];
	v25 =	vmul.bf16 v25, v4;
	v18 =	vadd.bf16 v60, v33;
	v49 =	vadd.bf16 v63, v62  }
0x8f: {  	(xrf2) =	vadd.scan.msk.f32 $0xffff, v22;
	v47 =	vld [tilespmem:s11+$0xFFFFFD10];
	v37 =	vmul.bf16 v50, v3;
	v19 =	vadd.bf16 v31, v19;
	v24 =	vadd.bf16 v35, v24  }
0x90: {  	(xrf2) =	vadd.scan.msk.f32 $0xffff, v43;
	v54 =	vld [tilespmem:s11+$0xFFFFFC30];
	v45 =	vunpack.i.u.bf16.f32 v32;
	v32 =	vunpack.i.l.bf16.f32 v32;
	v17 =	vunpack.i.l.bf16.f32 v18  }
0x91: {  	v58 =	vld [tilespmem:s11+$0xFFFFFC00];
	v31 =	vunpack.i.u.bf16.f32 v18;
	v22 =	vadd.bf16 v12, v49;
	v12, _, _ =	vpop (xrf2);
	(xrf2) =	vadd.scan.msk.f32 $0xffff, v23;
	v18 =	vadd.bf16 v19, v24  }
0x92: {  	v34 =	vmul.bf16 v51, v2;
	v52 =	vmul.bf16 v13, v3;
	v32 =	vadd.f32 v32, v45;
	v23 =	vld [tilespmem:s11+$0xFFFFFD50];
	v13, _, _ =	vpop (xrf2);
	(xrf2) =	vadd.scan.msk.f32 $0xffff, v29  }
0x93: {  	v19 =	vunpack.i.u.bf16.f32 v22;
	v24 =	vadd.f32 v17, v31;
	v22 =	vunpack.i.l.bf16.f32 v22;
	v29 =	vld [tilespmem:s11+$0xFFFFFD40];
	v17, _, _ =	vpop (xrf2);
	(xrf2) =	vadd.scan.msk.f32 $0xffff, v39  }
0x94: {  	v63 =	vld [tilespmem:s11+$0xFFFFFC80];
	v31 =	vadd.bf16 v52, v14;
	v57 =	vadd.f32 v22, v19;
	v22 =	vmul.bf16 v46, v6;
	v14, _, _ =	vpop (xrf2);
	(xrf2) =	vadd.scan.msk.f32 $0xffff, v28  }
0x95: {  	v33 =	vmul.bf16 v47, v5;
	v62 =	vld [tilespmem:s11+$0xFFFFFC90];
	v55 =	vunpack.i.u.bf16.f32 v18;
	v56 =	vunpack.i.l.bf16.f32 v18;
	v18, _, _ =	vpop (xrf2);
	(xrf2) =	vadd.scan.msk.f32 $0xffff, v27  }
0x96: {  	v8 =	vmov s29;
	v34 =	vadd.bf16 v37, v34;
	v28 =	vld [tilespmem:s11+$0xFFFFFC20];
	v19, _, _ =	vpop (xrf2);
	(xrf2) =	vadd.scan.msk.f32 $0xffff, v36  }
0x97: {  	v9 =	vmov s28;
	v30 =	vld [tilespmem:s11+$0xFFFFFDB0];
	v25 =	vadd.bf16 v33, v25;
	v31 =	vadd.bf16 v31, v15;
	v15, _, _ =	vpop (xrf2);
	(xrf2) =	vadd.scan.msk.f32 $0xffff, v32  }
0x98: {  	v59 =	vadd.bf16 v16, v22;
	v27 =	vld [tilespmem:s11+$0xFFFFFC10];
	v23 =	vmul.bf16 v23, v1;
	v29 =	vmul.bf16 v29, v0;
	v22, _, _ =	vpop (xrf2);
	(xrf2) =	vadd.scan.msk.f32 $0xffff, v24  }
0x99: {  	v52 =	vmul.bf16 v54, v7;
	v49 =	vmul.bf16 v63, v4;
	v42 =	vadd.f32 v56, v55;
	v32 =	vld [tilespmem:s11+$0xFFFFFCB0];
	v16, _, _ =	vpop (xrf2);
	(xrf2) =	vadd.scan.msk.f32 $0xffff, v57  }
0x9a: {  	v61 =	vld [tilespmem:s11+$0xFFFFFCA0];
	v33 =	vmul.bf16 v62, v5;
	v60 =	vunpack.i.u.bf16.f32 v31;
	v23 =	vadd.bf16 v23, v29;
	v24, _, _ =	vpop (xrf2)  }
0x9b: {  	v53 =	vld [tilespmem:s11+$0xFFFFFC70];
	v31 =	vunpack.i.l.bf16.f32 v31;
	v51 =	vadd.bf16 v59, v25;
	v28 =	vmul.bf16 v28, v6;
	(xrf2) =	vadd.scan.msk.f32 $0xffff, v42;
	v25, _, _ =	vpop (xrf2)  }
0x9c: {  	v38 =	vld [tilespmem:s11+$0xFFFFFCE0];
	v40 =	vadd.f32 v31, v60;
	v31 =	vmul.bf16 v20, v7;
	v29 =	vmul.bf16 v58, v4;
	v20, _, _ =	vpop (xrf2)  }
0x9d: {  	v37 =	vld [tilespmem:s11+$0xFFFFFC40];
	v56 =	vunpack.i.u.bf16.f32 v51;
	v59 =	vunpack.i.l.bf16.f32 v51;
	v54 =	vmul.bf16 v27, v5;
	v27, _, _ =	vpop (xrf2)  }
0x9e: {  	v55 =	vld [tilespmem:s11+$0xFFFFFC60];
	v50 =	vadd.f32 v59, v56;
	v58 =	vadd.bf16 v34, v23;
	(xrf2) =	vadd.scan.msk.f32 $0xffff, v40;
	v32 =	vmul.bf16 v32, v7;
	v23, _, _ =	vpop (xrf2)  }
0x9f: {  	v35 =	vld [tilespmem:s11+$0xFFFFFC50];
	v61 =	vmul.bf16 v61, v6;
	v57 =	vadd.bf16 v52, v28;
	v60 =	vadd.bf16 v54, v29;
	v28, _, _ =	vpop (xrf2)  }
0xa0: {  	v39 =	vld [tilespmem:s11+$0xFFFFFCD0];
	v49 =	vadd.bf16 v33, v49;
	v34 =	vmul.bf16 v26, v7;
	v62 =	vunpack.i.u.bf16.f32 v58;
	v29, _, _ =	vpop (xrf2)  }
0xa1: {  	v36 =	vld [tilespmem:s11+$0xFFFFFCF0];
	(xrf2) =	vadd.scan.msk.f32 $0xffff, v50;
	v63 =	vunpack.i.l.bf16.f32 v58;
	v41 =	vadd.bf16 v57, v60;
	v48 =	vadd.bf16 v32, v61;
	v26, _, _ =	vpop (xrf2)  }
0xa2: {  	v47 =	vmul.bf16 v53, v3;
	v33 =	vmul.bf16 v30, v7;
	v42 =	vld [tilespmem:s11+$0xFFFFFCC0];
	v40 =	vadd.f32 v63, v62;
	v32, _, _ =	vpop (xrf2)  }
0xa3: {  	s13 =	simm.s32 $0x40;
	s1 =	simm.s32 $0x0;
	v43 =	vld [tilespmem:s11+$0xFFFFFDA0];
	v46 =	vmul.bf16 v55, v2;
	v45 =	vunpack.i.u.bf16.f32 v41;
	v44 =	vadd.bf16 v48, v49;
	v30, _, _ =	vpop (xrf2)  }
.LBB2_4:
0xa4: {  	p0 =	sne.s32 s13, $0x1C0;
	v37 =	vmul.bf16 v37, v0;
	v35 =	vmul.bf16 v35, v1;
	v41 =	vunpack.i.l.bf16.f32 v41;
	v48 =	vld [tilespmem:s11+$0xFFFFFD90];
	(xrf2) =	vadd.scan.msk.f32 $0xffff, v40  }
0xa5: {  	v40 =	vadd.bf16 v47, v46;
	v41 =	vadd.f32 v41, v45;
	v45 =	vunpack.i.u.bf16.f32 v44;
	v46 =	vld [tilespmem:s11+$0xFFFFFD80];
	v47, _, _ =	vpop (xrf2)  }
0xa6: {  	v36 =	vmul.bf16 v36, v3;
	v35 =	vadd.bf16 v35, v37;
	v37 =	vmul.bf16 v38, v2;
	v38 =	vld [tilespmem:s11+$0xFFFFFF20]  }
0xa7: {  	v50 =	vunpack.i.l.bf16.f32 v44;
	v39 =	vmul.bf16 v39, v1;
	v42 =	vmul.bf16 v42, v0;
	v49 =	vld [tilespmem:s11+$0xFFFFFF10];
	(xrf2) =	vadd.scan.msk.f32 $0xffff, v41  }
0xa8: {  	v50 =	vadd.f32 v50, v45;
	v35 =	vadd.bf16 v40, v35;
	v41 =	vmul.bf16 v43, v6;
	v43 =	vld [tilespmem:s11+$0xFFFFFF00];
	v44, _, _ =	vpop (xrf2)  }
0xa9: {  	v36 =	vadd.bf16 v36, v37;
	v39 =	vadd.bf16 v39, v42;
	v37 =	vmul.bf16 v48, v5;
	v42 =	vld [tilespmem:s11+$0xA0]  }
0xaa: {  	v45 =	vunpack.i.u.bf16.f32 v35;
	v35 =	vunpack.i.l.bf16.f32 v35;
	v46 =	vmul.bf16 v46, v4;
	v48 =	vld [tilespmem:s11+$0x90];
	(xrf2) =	vadd.scan.msk.f32 $0xffff, v50  }
0xab: {  	v35 =	vadd.f32 v35, v45;
	v36 =	vadd.bf16 v36, v39;
	v38 =	vmul.bf16 v38, v6;
	v39 =	vld [tilespmem:s11+$0x80];
	v40, _, _ =	vpop (xrf2)  }
0xac: {  	v33 =	vadd.bf16 v33, v41;
	v50 =	vadd.bf16 v37, v46;
	v41 =	vmul.bf16 v49, v5;
	v45 =	vld [tilespmem:s11+$0x200]  }
0xad: {  	v46 =	vunpack.i.u.bf16.f32 v36;
	v36 =	vunpack.i.l.bf16.f32 v36;
	v43 =	vmul.bf16 v43, v4;
	(xrf2) =	vadd.scan.msk.f32 $0xffff, v35  }
0xae: {  	v35 =	vadd.f32 v36, v46;
	v33 =	vadd.bf16 v33, v50;
	v36 =	vmul.bf16 v42, v6;
	v37, _, _ =	vpop (xrf2)  }
0xaf: {  	v34 =	vadd.bf16 v34, v38;
	v43 =	vadd.bf16 v41, v43;
	v38 =	vmul.bf16 v48, v5  }
0xb0: {  	v42 =	vunpack.i.u.bf16.f32 v33;
	v33 =	vunpack.i.l.bf16.f32 v33;
	v39 =	vmul.bf16 v39, v4;
	(xrf2) =	vadd.scan.msk.f32 $0xffff, v35  }
0xb1: {  	v33 =	vadd.f32 v33, v42;
	v43 =	vadd.bf16 v34, v43;
	v35 =	vmul.bf16 v45, v4;
	v41, _, _ =	vpop (xrf2)  }
0xb2: {  	v31 =	vadd.bf16 v31, v36;
	v36 =	vunpack.i.u.bf16.f32 v10;
	v38 =	vadd.bf16 v38, v39  }
0xb3: {  	v39 =	vunpack.i.u.bf16.f32 v43;
	v42 =	vunpack.i.l.bf16.f32 v43;
	v21 =	vadd.bf16 v21, v35;
	(xrf2) =	vadd.scan.msk.f32 $0xffff, v33  }
0xb4: {  	v17 =	vbroadcast v17, $0xF;
	v33 =	vadd.f32 v42, v39;
	v38 =	vadd.bf16 v31, v38;
	v34, _, _ =	vpop (xrf2)  }
0xb5: {  	v19 =	vbroadcast v19, $0xF;
	v18 =	vbroadcast v18, $0xF;
	v11 =	vadd.bf16 v11, v21  }
0xb6: {  	v22 =	vbroadcast v22, $0xF;
	v21 =	vunpack.i.u.bf16.f32 v38;
	v35 =	vunpack.i.l.bf16.f32 v38;
	(xrf2) =	vadd.scan.msk.f32 $0xffff, v33  }
0xb7: {  	v25 =	vbroadcast v25, $0xF;
	v24 =	vbroadcast v24, $0xF;
	v21 =	vadd.f32 v35, v21;
	v31, _, _ =	vpop (xrf2)  }
0xb8: {  	v28 =	vbroadcast v28, $0xF;
	v27 =	vbroadcast v27, $0xF;
	v38 =	vunpack.i.u.bf16.f32 v11  }
0xb9: {  	v32 =	vbroadcast v32, $0xF;
	v29 =	vbroadcast v29, $0xF;
	v11 =	vunpack.i.l.bf16.f32 v11;
	(xrf2) =	vadd.scan.msk.f32 $0xffff, v21  }
0xba: {  	v35 =	vbroadcast v47, $0xF;
	v11 =	vadd.f32 v11, v38;
	v21 =	vbroadcast v37, $0xF;
	v33, _, _ =	vpop (xrf2)  }
0xbb: {  	v10 =	vunpack.i.l.bf16.f32 v10;
	v31 =	vbroadcast v31, $0xF;
	v33 =	vbroadcast v33, $0xF  }
0xbc: {  	v10 =	vadd.f32 v10, v36;
	v34 =	vbroadcast v34, $0xF;
	v37 =	vbroadcast v41, $0xF;
	(xrf2) =	vadd.scan.msk.f32 $0xffff, v11  }
0xbd: {  	v38 =	vbroadcast v40, $0xF;
	v11 =	vsel vm0, v31, v33;
	v33 =	vbroadcast v44, $0xF;
	v36, _, _ =	vpop (xrf2)  }
0xbe: {  	v34 =	vsel vm0, v37, v34;
	v11 =	vsel vm1, v11, v21;
	v21 =	vbroadcast v36, $0xF  }
0xbf: {  	v30 =	vbroadcast v30, $0xF;
	v34 =	vsel vm1, v34, v38;
	v11 =	vsel vm2, v11, v33  }
0xc0: {  	v26 =	vbroadcast v26, $0xF;
	v21 =	vsel vm2, v34, v21;
	v11 =	vsel vm3, v11, v35;
	v31, _, _ =	vpop (xrf2);
	(xrf2) =	vadd.scan.msk.f32 $0xffff, v10  }
0xc1: {  	v10 =	vsel vm3, v21, v30;
	v11 =	vsel vm4, v11, v32;
	v30 =	vbroadcast v31, $0xF  }
0xc2: {  	v23 =	vbroadcast v23, $0xF;
	v10 =	vsel vm4, v10, v26;
	v11 =	vsel vm5, v11, v29  }
0xc3: {  	v26 =	vbroadcast v20, $0xF;
	v10 =	vsel vm5, v10, v30;
	v11 =	vsel vm6, v11, v28;
	v21, _, _ =	vpop (xrf2)  }
0xc4: {  	v10 =	vsel vm6, v10, v23;
	v11 =	vsel vm7, v11, v27;
	v21 =	vbroadcast v21, $0xF  }
0xc5: {  	v16 =	vbroadcast v16, $0xF;
	v10 =	vsel vm7, v10, v26;
	v11 =	vsel vm8, v11, v25  }
0xc6: {  	v15 =	vbroadcast v15, $0xF;
	v10 =	vsel vm8, v10, v21;
	v11 =	vsel vm9, v11, v24;
	v20, _, _ =	vpop (xrf2)  }
0xc7: {  	v10 =	vsel vm9, v10, v16;
	v11 =	vsel vm10, v11, v22;
	v16 =	vbroadcast v20, $0xF  }
0xc8: {  	v10 =	vsel vm10, v10, v15;
	v11 =	vsel vm11, v11, v19;
	v15 =	vbroadcast v14, $0xF  }
0xc9: {  	v13 =	vbroadcast v13, $0xF;
	v10 =	vsel vm11, v10, v16;
	v11 =	vsel vm12, v11, v18  }
0xca: {  	v10 =	vsel vm12, v10, v15;
	v11 =	vsel vm13, v11, v17;
	v14, _, _ =	vpop (xrf2)  }
0xcb: {  	s14 =	sshra.s32 s1, $0x2;
	s1 =	smov.u32 s13;
	v10 =	vsel vm13, v10, v13;
	v11 =	vsel vm14, v11, v14  }
0xcc: {  	v10 =	vsel vm14, v10, v12;
	[tilespmem:v8+s14+$0x0 ss:$0x1] =	vst.idx.msk $0xffff, v11  }
0xcd: {  	s11 =	sadd.s32 $0x800, s11;
	[tilespmem:v9+s14+$0x0 ss:$0x1] =	vst.idx.msk $0xffff, v10  }
0xce: {  	v10 =	vld [tilespmem:s11+$0x3B0]  }
0xcf: {  	v11 =	vld [tilespmem:s11+$0x3A0]  }
0xd0: {  	v12 =	vld [tilespmem:s11+$0x390]  }
0xd1: {  	v13 =	vld [tilespmem:s11+$0x380]  }
0xd2: {  	v14 =	vld [tilespmem:s11+$0x3F0]  }
0xd3: {  	v15 =	vld [tilespmem:s11+$0x3E0]  }
0xd4: {  	v16 =	vld [tilespmem:s11+$0x3D0]  }
0xd5: {  	v17 =	vld [tilespmem:s11+$0x3C0]  }
0xd6: {  	v18 =	vld [tilespmem:s11+$0x330]  }
0xd7: {  	v19 =	vld [tilespmem:s11+$0x320]  }
0xd8: {  	v21 =	vld [tilespmem:s11+$0x310]  }
0xd9: {  	v22 =	vld [tilespmem:s11+$0x300]  }
0xda: {  	v23 =	vld [tilespmem:s11+$0x370]  }
0xdb: {  	v24 =	vld [tilespmem:s11+$0x360]  }
0xdc: {  	v25 =	vld [tilespmem:s11+$0x350]  }
0xdd: {  	v26 =	vld [tilespmem:s11+$0x340]  }
0xde: {  	v27 =	vld [tilespmem:s11+$0x2B0]  }
0xdf: {  	v28 =	vld [tilespmem:s11+$0x2A0]  }
0xe0: {  	v29 =	vld [tilespmem:s11+$0x290]  }
0xe1: {  	v30 =	vld [tilespmem:s11+$0x280]  }
0xe2: {  	v31 =	vld [tilespmem:s11+$0x2F0]  }
0xe3: {  	v32 =	vld [tilespmem:s11+$0x2E0]  }
0xe4: {  	v33 =	vld [tilespmem:s11+$0x2D0]  }
0xe5: {  	v34 =	vld [tilespmem:s11+$0x2C0]  }
0xe6: {  	v35 =	vld [tilespmem:s11+$0x230]  }
0xe7: {  	v36 =	vld [tilespmem:s11+$0x220]  }
0xe8: {  	v10 =	vmul.bf16 v10, v7;
	v11 =	vmul.bf16 v11, v6;
	v20 =	vld [tilespmem:s11+$0x210]  }
0xe9: {  	v12 =	vmul.bf16 v12, v5;
	v13 =	vmul.bf16 v13, v4;
	v37 =	vld [tilespmem:s11+$0x270]  }
0xea: {  	v38 =	vld [tilespmem:s11+$0x260]  }
0xeb: {  	v10 =	vadd.bf16 v10, v11;
	v12 =	vadd.bf16 v12, v13;
	v39 =	vld [tilespmem:s11+$0x250]  }
0xec: {  	v11 =	vld [tilespmem:s11+$0x240]  }
0xed: {  	v10 =	vadd.bf16 v10, v12;
	v13 =	vld [tilespmem:s11+$0x1B0]  }
0xee: {  	v14 =	vmul.bf16 v14, v3;
	v15 =	vmul.bf16 v15, v2;
	v12 =	vld [tilespmem:s11+$0x1A0]  }
0xef: {  	v18 =	vmul.bf16 v18, v7;
	v19 =	vmul.bf16 v19, v6;
	v41 =	vunpack.i.u.bf16.f32 v10;
	v40 =	vld [tilespmem:s11+$0x190]  }
0xf0: {  	v10 =	vunpack.i.l.bf16.f32 v10;
	v21 =	vmul.bf16 v21, v5;
	v22 =	vmul.bf16 v22, v4;
	v42 =	vld [tilespmem:s11+$0x180]  }
0xf1: {  	v16 =	vmul.bf16 v16, v1;
	v17 =	vmul.bf16 v17, v0;
	v41 =	vadd.f32 v10, v41;
	v43 =	vld [tilespmem:s11+$0x1F0]  }
0xf2: {  	v18 =	vadd.bf16 v18, v19;
	v10 =	vadd.bf16 v21, v22;
	v44 =	vld [tilespmem:s11+$0x1E0]  }
0xf3: {  	v14 =	vadd.bf16 v14, v15;
	v16 =	vadd.bf16 v16, v17;
	v19 =	vld [tilespmem:s11+$0x1D0]  }
0xf4: {  	v17 =	vmul.bf16 v24, v2;
	v21 =	vmul.bf16 v23, v3;
	v18 =	vadd.bf16 v18, v10;
	v15 =	vld [tilespmem:s11+$0x1C0]  }
0xf5: {  	v24 =	vmul.bf16 v25, v1;
	v23 =	vmul.bf16 v26, v0;
	v10 =	vadd.bf16 v14, v16;
	v22 =	vld [tilespmem:s11+$0x130]  }
0xf6: {  	v25 =	vmul.bf16 v27, v7;
	v16 =	vmul.bf16 v28, v6;
	v26 =	vunpack.i.u.bf16.f32 v18;
	v14 =	vld [tilespmem:s11+$0x120]  }
0xf7: {  	v17 =	vadd.bf16 v21, v17;
	v29 =	vmul.bf16 v29, v5;
	v28 =	vmul.bf16 v30, v4;
	v27 =	vld [tilespmem:s11+$0x110]  }
0xf8: {  	v23 =	vadd.bf16 v24, v23;
	v18 =	vunpack.i.l.bf16.f32 v18;
	v16 =	vadd.bf16 v25, v16;
	v21 =	vld [tilespmem:s11+$0x100]  }
0xf9: {  	v30 =	vmul.bf16 v31, v3;
	v25 =	vmul.bf16 v32, v2;
	v28 =	vadd.bf16 v29, v28;
	v24 =	vld [tilespmem:s11+$0x170]  }
0xfa: {  	v18 =	vadd.f32 v18, v26;
	v32 =	vmul.bf16 v33, v1;
	v31 =	vmul.bf16 v34, v0;
	v29 =	vld [tilespmem:s11+$0x160]  }
0xfb: {  	v17 =	vadd.bf16 v17, v23;
	v16 =	vadd.bf16 v16, v28;
	v33 =	vld [tilespmem:s11+$0x150]  }
0xfc: {  	v25 =	vadd.bf16 v30, v25;
	v28 =	vadd.bf16 v32, v31;
	v23 =	vld [tilespmem:s11+$0x140]  }
0xfd: {  	v30 =	vunpack.i.u.bf16.f32 v16;
	v31 =	vunpack.i.u.bf16.f32 v17;
	v17 =	vunpack.i.l.bf16.f32 v17;
	v26 =	vld [tilespmem:s11+$0xB0]  }
0xfe: {  	v37 =	vmul.bf16 v37, v3;
	v25 =	vadd.bf16 v25, v28;
	v34 =	vmul.bf16 v38, v2;
	v32 =	vld [tilespmem:s11+$0xF0]  }
0xff: {  	v16 =	vunpack.i.l.bf16.f32 v16;
	v38 =	vmul.bf16 v39, v1;
	v11 =	vmul.bf16 v11, v0;
	v28 =	vld [tilespmem:s11+$0xE0]  }
0x100: {  	v16 =	vadd.f32 v16, v30;
	v17 =	vadd.f32 v17, v31;
	v45 =	vunpack.i.u.bf16.f32 v25;
	v39 =	vld [tilespmem:s11+$0xD0]  }
0x101: {  	v25 =	vunpack.i.l.bf16.f32 v25;
	v31 =	vadd.bf16 v37, v34;
	v11 =	vadd.bf16 v38, v11;
	v30 =	vld [tilespmem:s11+$0xC0]  }
0x102: {  	v35 =	vmul.bf16 v35, v7;
	v36 =	vmul.bf16 v36, v6;
	v25 =	vadd.f32 v25, v45;
	v34 =	vld [tilespmem:s11+$0x30]  }
0x103: {  	v13 =	vmul.bf16 v13, v7;
	v12 =	vmul.bf16 v12, v6;
	v31 =	vadd.bf16 v31, v11;
	v37 =	vld [tilespmem:s11+$0x20];
	(xrf2) =	vadd.scan.msk.f32 $0xffff, v41  }
0x104: {  	v40 =	vmul.bf16 v40, v5;
	v11 =	vadd.bf16 v35, v36;
	v41 =	vmul.bf16 v42, v4;
	v38 =	vld [tilespmem:s11+$0x10]  }
0x105: {  	v12 =	vadd.bf16 v13, v12;
	v13 =	vunpack.i.u.bf16.f32 v31;
	v31 =	vunpack.i.l.bf16.f32 v31;
	v35 =	vld [tilespmem:s11+$0x0]  }
0x106: {  	v43 =	vmul.bf16 v43, v3;
	v42 =	vmul.bf16 v44, v2;
	v40 =	vadd.bf16 v40, v41;
	v36 =	vld [tilespmem:s11+$0x70];
	(xrf2) =	vadd.scan.msk.f32 $0xffff, v18  }
0x107: {  	v19 =	vmul.bf16 v19, v1;
	v31 =	vadd.f32 v31, v13;
	v15 =	vmul.bf16 v15, v0;
	v18 =	vld [tilespmem:s11+$0x60]  }
0x108: {  	v13 =	vadd.bf16 v43, v42;
	v12 =	vadd.bf16 v12, v40;
	v41 =	vld [tilespmem:s11+$0x50]  }
0x109: {  	v22 =	vmul.bf16 v22, v7;
	v14 =	vmul.bf16 v14, v6;
	v15 =	vadd.bf16 v19, v15;
	v40 =	vld [tilespmem:s11+$0x40];
	(xrf2) =	vadd.scan.msk.f32 $0xffff, v17  }
0x10a: {  	v17 =	vmul.bf16 v21, v4;
	v21 =	vmul.bf16 v27, v5;
	v27 =	vunpack.i.u.bf16.f32 v12;
	v19 =	vld [tilespmem:s11+$0xFFFFFFB0]  }
0x10b: {  	v14 =	vadd.bf16 v22, v14;
	v13 =	vadd.bf16 v13, v15;
	v43 =	vunpack.i.l.bf16.f32 v12;
	v42 =	vld [tilespmem:s11+$0xFFFFFFA0]  }
0x10c: {  	v24 =	vmul.bf16 v24, v3;
	v22 =	vmul.bf16 v29, v2;
	v17 =	vadd.bf16 v21, v17;
	v15 =	vld [tilespmem:s11+$0xFFFFFF90];
	(xrf2) =	vadd.scan.msk.f32 $0xffff, v16  }
0x10d: {  	v27 =	vadd.f32 v43, v27;
	v21 =	vmul.bf16 v23, v0;
	v23 =	vmul.bf16 v33, v1;
	v16 =	vld [tilespmem:s11+$0xFFFFFF80];
	v12, _, _ =	vpop (xrf2)  }
0x10e: {  	v14 =	vadd.bf16 v14, v17;
	v17 =	vadd.bf16 v24, v22;
	v22 =	vunpack.i.u.bf16.f32 v13;
	v29 =	vld [tilespmem:s11+$0xFFFFFFF0]  }
0x10f: {  	v32 =	vmul.bf16 v32, v3;
	v28 =	vmul.bf16 v28, v2;
	v21 =	vadd.bf16 v23, v21;
	v24 =	vld [tilespmem:s11+$0xFFFFFFE0];
	(xrf2) =	vadd.scan.msk.f32 $0xffff, v25  }
0x110: {  	v33 =	vmul.bf16 v39, v1;
	v25 =	vmul.bf16 v30, v0;
	v30 =	vunpack.i.l.bf16.f32 v13;
	v23 =	vld [tilespmem:s11+$0xFFFFFFD0];
	v13, _, _ =	vpop (xrf2)  }
0x111: {  	v43 =	vadd.bf16 v17, v21;
	v21 =	vunpack.i.u.bf16.f32 v14;
	v22 =	vadd.f32 v30, v22;
	v39 =	vld [tilespmem:s11+$0xFFFFFFC0]  }
0x112: {  	v28 =	vadd.bf16 v32, v28;
	v14 =	vunpack.i.l.bf16.f32 v14;
	v25 =	vadd.bf16 v33, v25;
	v30 =	vld [tilespmem:s11+$0xFFFFFF30];
	(xrf2) =	vadd.scan.msk.f32 $0xffff, v31  }
0x113: {  	v21 =	vadd.f32 v14, v21;
	v32 =	vunpack.i.u.bf16.f32 v43;
	v33 =	vunpack.i.l.bf16.f32 v43;
	v31 =	vld [tilespmem:s11+$0xFFFFFF70];
	v17, _, _ =	vpop (xrf2)  }
0x114: {  	v34 =	vmul.bf16 v34, v7;
	v44 =	vmul.bf16 v37, v6;
	v25 =	vadd.bf16 v28, v25;
	v43 =	vld [tilespmem:s11+$0xFFFFFF60]  }
0x115: {  	v37 =	vmul.bf16 v38, v5;
	v35 =	vmul.bf16 v35, v4;
	v32 =	vadd.f32 v33, v32;
	v28 =	vld [tilespmem:s11+$0xFFFFFF50];
	(xrf2) =	vadd.scan.msk.f32 $0xffff, v27  }
0x116: {  	v33 =	vadd.bf16 v34, v44;
	v34 =	vunpack.i.u.bf16.f32 v25;
	v25 =	vunpack.i.l.bf16.f32 v25;
	v27 =	vld [tilespmem:s11+$0xFFFFFF40];
	v14, _, _ =	vpop (xrf2)  }
0x117: {  	v36 =	vmul.bf16 v36, v3;
	v35 =	vadd.bf16 v37, v35;
	v44 =	vmul.bf16 v18, v2;
	v38 =	vld [tilespmem:s11+$0xFFFFFEB0]  }
0x118: {  	v41 =	vmul.bf16 v41, v1;
	v40 =	vmul.bf16 v40, v0;
	v25 =	vadd.f32 v25, v34;
	v37 =	vld [tilespmem:s11+$0xFFFFFEA0];
	(xrf2) =	vadd.scan.msk.f32 $0xffff, v22  }
0x119: {  	v22 =	vadd.bf16 v33, v35;
	v33 =	vadd.bf16 v36, v44;
	v34 =	vld [tilespmem:s11+$0xFFFFFE90];
	v18, _, _ =	vpop (xrf2)  }
0x11a: {  	v40 =	vadd.bf16 v41, v40;
	v36 =	vmul.bf16 v42, v6;
	v44 =	vmul.bf16 v19, v7;
	v35 =	vld [tilespmem:s11+$0xFFFFFE80]  }
0x11b: {  	v15 =	vmul.bf16 v15, v5;
	v16 =	vmul.bf16 v16, v4;
	v42 =	vunpack.i.u.bf16.f32 v22;
	v41 =	vld [tilespmem:s11+$0xFFFFFEF0];
	(xrf2) =	vadd.scan.msk.f32 $0xffff, v21  }
0x11c: {  	v36 =	vadd.bf16 v44, v36;
	v33 =	vadd.bf16 v33, v40;
	v22 =	vunpack.i.l.bf16.f32 v22;
	v21 =	vld [tilespmem:s11+$0xFFFFFEE0];
	v19, _, _ =	vpop (xrf2)  }
0x11d: {  	v29 =	vmul.bf16 v29, v3;
	v24 =	vmul.bf16 v24, v2;
	v45 =	vadd.bf16 v15, v16;
	v40 =	vld [tilespmem:s11+$0xFFFFFED0]  }
0x11e: {  	v23 =	vmul.bf16 v23, v1;
	v16 =	vmul.bf16 v39, v0;
	v39 =	vadd.f32 v22, v42;
	v44 =	vld [tilespmem:s11+$0xFFFFFEC0];
	(xrf2) =	vadd.scan.msk.f32 $0xffff, v32  }
0x11f: {  	v36 =	vadd.bf16 v36, v45;
	v45 =	vadd.bf16 v29, v24;
	v24 =	vunpack.i.u.bf16.f32 v33;
	v32 =	vld [tilespmem:s11+$0xFFFFFE30];
	v15, _, _ =	vpop (xrf2)  }
0x120: {  	v31 =	vmul.bf16 v31, v3;
	v16 =	vadd.bf16 v23, v16;
	v42 =	vmul.bf16 v43, v2;
	v29 =	vld [tilespmem:s11+$0xFFFFFE20]  }
0x121: {  	v28 =	vmul.bf16 v28, v1;
	v27 =	vmul.bf16 v27, v0;
	v33 =	vunpack.i.l.bf16.f32 v33;
	v23 =	vld [tilespmem:s11+$0xFFFFFE10];
	(xrf2) =	vadd.scan.msk.f32 $0xffff, v25  }
0x122: {  	v24 =	vadd.f32 v33, v24;
	v46 =	vadd.bf16 v45, v16;
	v25 =	vunpack.i.u.bf16.f32 v36;
	v43 =	vld [tilespmem:s11+$0xFFFFFE00];
	v22, _, _ =	vpop (xrf2)  }
0x123: {  	v27 =	vadd.bf16 v28, v27;
	v28 =	vadd.bf16 v31, v42;
	v31 =	vunpack.i.l.bf16.f32 v36;
	v45 =	vld [tilespmem:s11+$0xFFFFFE70]  }
0x124: {  	v33 =	vunpack.i.u.bf16.f32 v46;
	v42 =	vunpack.i.l.bf16.f32 v46;
	v25 =	vadd.f32 v31, v25;
	v36 =	vld [tilespmem:s11+$0xFFFFFE60];
	(xrf2) =	vadd.scan.msk.f32 $0xffff, v39  }
0x125: {  	v38 =	vmul.bf16 v38, v7;
	v37 =	vmul.bf16 v37, v6;
	v27 =	vadd.bf16 v28, v27;
	v31 =	vld [tilespmem:s11+$0xFFFFFE50];
	v16, _, _ =	vpop (xrf2)  }
0x126: {  	v34 =	vmul.bf16 v34, v5;
	v35 =	vmul.bf16 v35, v4;
	v39 =	vadd.f32 v42, v33;
	v28 =	vld [tilespmem:s11+$0xFFFFFE40]  }
0x127: {  	v37 =	vadd.bf16 v38, v37;
	v38 =	vunpack.i.u.bf16.f32 v27;
	v27 =	vunpack.i.l.bf16.f32 v27;
	v33 =	vld [tilespmem:s11+$0xFFFFFDB0];
	(xrf2) =	vadd.scan.msk.f32 $0xffff, v24  }
0x128: {  	v41 =	vmul.bf16 v41, v3;
	v21 =	vmul.bf16 v21, v2;
	v34 =	vadd.bf16 v34, v35;
	v42 =	vld [tilespmem:s11+$0xFFFFFDF0];
	v24, _, _ =	vpop (xrf2)  }
0x129: {  	v40 =	vmul.bf16 v40, v1;
	v27 =	vadd.f32 v27, v38;
	v44 =	vmul.bf16 v44, v0;
	v35 =	vld [tilespmem:s11+$0xFFFFFDE0]  }
0x12a: {  	v34 =	vadd.bf16 v37, v34;
	v37 =	vadd.bf16 v41, v21;
	v21 =	vmul.bf16 v20, v5;
	v38 =	vld [tilespmem:s11+$0xFFFFFDD0];
	(xrf2) =	vadd.scan.msk.f32 $0xffff, v25  }
0x12b: {  	v47 =	vmul.bf16 v29, v6;
	v29 =	vmul.bf16 v32, v7;
	v32 =	vadd.bf16 v40, v44;
	v41 =	vld [tilespmem:s11+$0xFFFFFDC0];
	v25, _, _ =	vpop (xrf2)  }
0x12c: {  	v44 =	vunpack.i.u.bf16.f32 v34;
	v23 =	vmul.bf16 v23, v5;
	v43 =	vmul.bf16 v43, v4;
	v40 =	vld [tilespmem:s11+$0xFFFFFD30]  }
0x12d: {  	v34 =	vunpack.i.l.bf16.f32 v34;
	v29 =	vadd.bf16 v29, v47;
	v32 =	vadd.bf16 v37, v32;
	v46 =	vld [tilespmem:s11+$0xFFFFFD20];
	(xrf2) =	vadd.scan.msk.f32 $0xffff, v39  }
0x12e: {  	v36 =	vmul.bf16 v36, v2;
	v23 =	vadd.bf16 v23, v43;
	v39 =	vmul.bf16 v45, v3;
	v37 =	vld [tilespmem:s11+$0xFFFFFD10];
	v20, _, _ =	vpop (xrf2)  }
0x12f: {  	v34 =	vadd.f32 v34, v44;
	v31 =	vmul.bf16 v31, v1;
	v28 =	vmul.bf16 v28, v0;
	v43 =	vld [tilespmem:s11+$0xFFFFFD00]  }
0x130: {  	v23 =	vadd.bf16 v29, v23;
	v29 =	vadd.bf16 v39, v36;
	v36 =	vunpack.i.u.bf16.f32 v32;
	v44 =	vld [tilespmem:s11+$0xFFFFFD70];
	(xrf2) =	vadd.scan.msk.f32 $0xffff, v27  }
0x131: {  	v42 =	vmul.bf16 v42, v3;
	v28 =	vadd.bf16 v31, v28;
	v35 =	vmul.bf16 v35, v2;
	v39 =	vld [tilespmem:s11+$0xFFFFFD60];
	v27, _, _ =	vpop (xrf2)  }
0x132: {  	v38 =	vmul.bf16 v38, v1;
	v32 =	vunpack.i.l.bf16.f32 v32;
	v41 =	vmul.bf16 v41, v0;
	v31 =	vld [tilespmem:s11+$0xFFFFFD50]  }
0x133: {  	v32 =	vadd.f32 v32, v36;
	v28 =	vadd.bf16 v29, v28;
	v29 =	vunpack.i.u.bf16.f32 v23;
	v45 =	vld [tilespmem:s11+$0xFFFFFD40];
	(xrf2) =	vadd.scan.msk.f32 $0xffff, v34  }
0x134: {  	v35 =	vadd.bf16 v42, v35;
	v36 =	vadd.bf16 v38, v41;
	v38 =	vunpack.i.l.bf16.f32 v23;
	v34 =	vld [tilespmem:s11+$0xFFFFFC30];
	v23, _, _ =	vpop (xrf2)  }
0x135: {  	v42 =	vunpack.i.u.bf16.f32 v28;
	v47 =	vunpack.i.l.bf16.f32 v28;
	v29 =	vadd.f32 v38, v29;
	v41 =	vld [tilespmem:s11+$0xFFFFFC20]  }
0x136: {  	v40 =	vmul.bf16 v40, v7;
	v46 =	vmul.bf16 v46, v6;
	v35 =	vadd.bf16 v35, v36;
	v38 =	vld [tilespmem:s11+$0xFFFFFC10];
	(xrf2) =	vadd.scan.msk.f32 $0xffff, v32  }
0x137: {  	v37 =	vmul.bf16 v37, v5;
	v36 =	vmul.bf16 v43, v4;
	v42 =	vadd.f32 v47, v42;
	v32 =	vld [tilespmem:s11+$0xFFFFFC00];
	v28, _, _ =	vpop (xrf2)  }
0x138: {  	v40 =	vadd.bf16 v40, v46;
	v46 =	vunpack.i.u.bf16.f32 v35;
	v35 =	vunpack.i.l.bf16.f32 v35;
	v43 =	vld [tilespmem:s11+$0xFFFFFCB0]  }
0x139: {  	v44 =	vmul.bf16 v44, v3;
	v39 =	vmul.bf16 v39, v2;
	v36 =	vadd.bf16 v37, v36;
	v47 =	vld [tilespmem:s11+$0xFFFFFCA0];
	(xrf2) =	vadd.scan.msk.f32 $0xffff, v29  }
0x13a: {  	v46 =	vadd.f32 v35, v46;
	v37 =	vmul.bf16 v45, v0;
	v45 =	vmul.bf16 v31, v1;
	v48 =	vld [tilespmem:s11+$0xFFFFFC90];
	v29, _, _ =	vpop (xrf2)  }
0x13b: {  	v36 =	vadd.bf16 v40, v36;
	v39 =	vadd.bf16 v44, v39;
	v31 =	vmul.bf16 v26, v7;
	v49 =	vld [tilespmem:s11+$0xFFFFFC80]  }
0x13c: {  	v34 =	vmul.bf16 v34, v7;
	v40 =	vmul.bf16 v41, v6;
	v37 =	vadd.bf16 v45, v37;
	v44 =	vld [tilespmem:s11+$0xFFFFFC70];
	(xrf2) =	vadd.scan.msk.f32 $0xffff, v42  }
0x13d: {  	v41 =	vunpack.i.u.bf16.f32 v36;
	v38 =	vmul.bf16 v38, v5;
	v51 =	vmul.bf16 v32, v4;
	v50 =	vld [tilespmem:s11+$0xFFFFFC60];
	v26, _, _ =	vpop (xrf2)  }
0x13e: {  	v34 =	vadd.bf16 v34, v40;
	v40 =	vadd.bf16 v39, v37;
	v39 =	vunpack.i.l.bf16.f32 v36;
	v35 =	vld [tilespmem:s11+$0xFFFFFC50]  }
0x13f: {  	v43 =	vmul.bf16 v43, v7;
	v38 =	vadd.bf16 v38, v51;
	v42 =	vmul.bf16 v47, v6;
	v37 =	vld [tilespmem:s11+$0xFFFFFC40];
	(xrf2) =	vadd.scan.msk.f32 $0xffff, v46  }
.Ltmp0:
0x140: {  	v47 =	vadd.f32 v39, v41;
	v46 =	vmul.bf16 v48, v5;
	v45 =	vmul.bf16 v49, v4;
	v36 =	vld [tilespmem:s11+$0xFFFFFCF0];
	v32, _, _ =	vpop (xrf2);
	(pc) =	sbr.rel @p0 .LBB2_4-.Ltmp0, $4  }
0x141: {  	v48 =	vunpack.i.u.bf16.f32 v40;
	v41 =	vadd.bf16 v34, v38;
	v34 =	vmul.bf16 v30, v7;
	v38 =	vld [tilespmem:s11+$0xFFFFFCE0]  }
0x142: {  	v43 =	vadd.bf16 v43, v42;
	v39 =	vld [tilespmem:s11+$0xFFFFFCD0];
	v49 =	vadd.bf16 v46, v45;
	v46 =	vunpack.i.l.bf16.f32 v40;
	(xrf2) =	vadd.scan.msk.f32 $0xffff, v47  }
0x143: {  	v33 =	vmul.bf16 v33, v7;
	v45 =	vunpack.i.u.bf16.f32 v41;
	v42 =	vld [tilespmem:s11+$0xFFFFFCC0];
	v40 =	vadd.f32 v46, v48;
	v30, _, _ =	vpop (xrf2)  }
0x144: {  	s13 =	sadd.s32 $0x40, s13;
	v47 =	vmul.bf16 v44, v3;
	v46 =	vmul.bf16 v50, v2;
	v44 =	vadd.bf16 v43, v49;
	v43 =	vld [tilespmem:s11+$0xFFFFFDA0]  }
0x145: {  	v48 =	vld [tilespmem:s11+$0xFFFFFD90]  }
0x146: {  	v56 =	vld [tilespmem:s11+$0xFFFFFD80]  }
0x147: {  	v37 =	vmul.bf16 v37, v0;
	v35 =	vmul.bf16 v35, v1;
	v41 =	vunpack.i.l.bf16.f32 v41;
	v58 =	vld [tilespmem:s11+$0xFFFFFF20]  }
0x148: {  	v36 =	vmul.bf16 v36, v3;
	v49 =	vld [tilespmem:s11+$0xFFFFFF10];
	v46 =	vadd.bf16 v47, v46;
	v41 =	vadd.f32 v41, v45  }
0x149: {  	v60 =	vld [tilespmem:s11+$0xFFFFFF00];
	v55 =	vunpack.i.u.bf16.f32 v44;
	v57 =	vmul.bf16 v38, v2;
	v35 =	vadd.bf16 v35, v37  }
0x14a: {  	v59 =	vunpack.i.l.bf16.f32 v44;
	v39 =	vmul.bf16 v39, v1;
	v42 =	vmul.bf16 v42, v0  }
0x14b: {  	v36 =	vadd.bf16 v36, v57;
	v35 =	vadd.bf16 v46, v35;
	v43 =	vmul.bf16 v43, v6  }
0x14c: {  	v39 =	vadd.bf16 v39, v42;
	v61 =	vmul.bf16 v48, v5;
	v47 =	vmul.bf16 v56, v4  }
0x14d: {  	v62 =	vld [tilespmem:s11+$0xA0];
	v44 =	vadd.f32 v59, v55;
	v38 =	vmul.bf16 v58, v6;
	v51 =	vmul.bf16 v49, v5  }
0x14e: {  	v52 =	vld [tilespmem:s11+$0x200];
	v45 =	vmul.bf16 v60, v4;
	v46 =	vunpack.i.u.bf16.f32 v35;
	v36 =	vadd.bf16 v36, v39  }
0x14f: {  	v63 =	vld [tilespmem:s11+$0x90];
	(xrf2) =	vadd.scan.msk.f32 $0xffff, v40;
	v35 =	vunpack.i.l.bf16.f32 v35;
	v33 =	vadd.bf16 v33, v43;
	v37 =	vadd.bf16 v61, v47  }
0x150: {  	v50 =	vld [tilespmem:s11+$0x80];
	(xrf2) =	vadd.scan.msk.f32 $0xffff, v41;
	v35 =	vadd.f32 v35, v46;
	v53 =	vunpack.i.u.bf16.f32 v36;
	v36 =	vunpack.i.l.bf16.f32 v36  }
0x151: {  	(xrf2) =	vadd.scan.msk.f32 $0xffff, v44;
	v33 =	vadd.bf16 v33, v37;
	v36 =	vadd.f32 v36, v53  }
0x152: {  	v55 =	vadd.bf16 v51, v45;
	v34 =	vadd.bf16 v34, v38;
	(xrf2) =	vadd.scan.msk.f32 $0xffff, v35  }
0x153: {  	v58 =	vmul.bf16 v52, v4;
	v57 =	vunpack.i.u.bf16.f32 v33;
	v33 =	vunpack.i.l.bf16.f32 v33;
	(xrf2) =	vadd.scan.msk.f32 $0xffff, v36  }
0x154: {  	v54 =	vmul.bf16 v62, v6;
	v34 =	vadd.bf16 v34, v55;
	v33 =	vadd.f32 v33, v57  }
0x155: {  	v56 =	vmul.bf16 v63, v5;
	v39 =	vmul.bf16 v50, v4;
	v21 =	vadd.bf16 v21, v58  }
0x156: {  	v31 =	vadd.bf16 v31, v54;
	v61, _, _ =	vpop (xrf2);
	v62 =	vunpack.i.u.bf16.f32 v34;
	v34 =	vunpack.i.l.bf16.f32 v34;
	(xrf2) =	vadd.scan.msk.f32 $0xffff, v33  }
0x157: {  	v59 =	vadd.bf16 v56, v39;
	v63, _, _ =	vpop (xrf2);
	v34 =	vadd.f32 v34, v62  }
0x158: {  	v19 =	vbroadcast v19, $0xF;
	v18 =	vbroadcast v18, $0xF;
	v44, _, _ =	vpop (xrf2)  }
0x159: {  	v22 =	vbroadcast v22, $0xF;
	v11 =	vadd.bf16 v11, v21;
	v31 =	vadd.bf16 v31, v59;
	v21, _, _ =	vpop (xrf2);
	(xrf2) =	vadd.scan.msk.f32 $0xffff, v34  }
0x15a: {  	v25 =	vbroadcast v25, $0xF;
	v24 =	vbroadcast v24, $0xF;
	v45, _, _ =	vpop (xrf2)  }
0x15b: {  	v30 =	vbroadcast v30, $0xF;
	v36 =	vunpack.i.u.bf16.f32 v31;
	v31 =	vunpack.i.l.bf16.f32 v31;
	v46, _, _ =	vpop (xrf2)  }
0x15c: {  	v60 =	vunpack.i.u.bf16.f32 v10;
	v47 =	vunpack.i.u.bf16.f32 v11;
	v31 =	vadd.f32 v31, v36;
	v48, _, _ =	vpop (xrf2)  }
0x15d: {  	v11 =	vunpack.i.l.bf16.f32 v11;
	v21 =	vbroadcast v21, $0xF;
	v34 =	vbroadcast v45, $0xF;
	v49, _, _ =	vpop (xrf2)  }
0x15e: {  	v11 =	vadd.f32 v11, v47;
	(xrf2) =	vadd.scan.msk.f32 $0xffff, v31;
	v50 =	vbroadcast v48, $0xF;
	v38 =	vbroadcast v49, $0xF  }
0x15f: {  	v10 =	vunpack.i.l.bf16.f32 v10;
	v36 =	vbroadcast v46, $0xF;
	v31 =	vbroadcast v61, $0xF  }
0x160: {  	v35 =	vbroadcast v44, $0xF;
	v33 =	vbroadcast v63, $0xF;
	(xrf2) =	vadd.scan.msk.f32 $0xffff, v11;
	v51, _, _ =	vpop (xrf2);
	v11 =	vsel vm0, v50, v38  }
0x161: {  	v34 =	vsel vm0, v34, v36;
	v11 =	vsel vm1, v11, v21;
	v21 =	vbroadcast v51, $0xF  }
0x162: {  	v10 =	vadd.f32 v10, v60;
	v34 =	vsel vm1, v34, v35;
	v11 =	vsel vm2, v11, v33  }
0x163: {  	v28 =	vbroadcast v28, $0xF;
	v21 =	vsel vm2, v34, v21;
	v11 =	vsel vm3, v11, v31;
	v31, _, _ =	vpop (xrf2)  }
0x164: {  	v32 =	vbroadcast v32, $0xF;
	(xrf2) =	vadd.scan.msk.f32 $0xffff, v10;
	v10 =	vsel vm3, v21, v30;
	v21 =	vbroadcast v31, $0xF  }
0x165: {  	v29 =	vbroadcast v29, $0xF;
	v26 =	vbroadcast v26, $0xF  }
0x166: {  	v27 =	vbroadcast v27, $0xF;
	v23 =	vbroadcast v23, $0xF;
	v11 =	vsel vm4, v11, v32  }
0x167: {  	v20 =	vbroadcast v20, $0xF;
	v10 =	vsel vm4, v10, v26;
	v11 =	vsel vm5, v11, v29  }
0x168: {  	v16 =	vbroadcast v16, $0xF;
	v10 =	vsel vm5, v10, v21;
	v11 =	vsel vm6, v11, v28;
	v21, _, _ =	vpop (xrf2)  }
0x169: {  	v10 =	vsel vm6, v10, v23;
	v11 =	vsel vm7, v11, v27;
	v21 =	vbroadcast v21, $0xF  }
0x16a: {  	v15 =	vbroadcast v15, $0xF;
	v10 =	vsel vm7, v10, v20;
	v11 =	vsel vm8, v11, v25  }
0x16b: {  	v14 =	vbroadcast v14, $0xF;
	v11 =	vsel vm9, v11, v24;
	v20, _, _ =	vpop (xrf2);
	v10 =	vsel vm8, v10, v21  }
0x16c: {  	v11 =	vsel vm10, v11, v22;
	v10 =	vsel vm9, v10, v16;
	v16 =	vbroadcast v20, $0xF  }
0x16d: {  	v17 =	vbroadcast v17, $0xF;
	v11 =	vsel vm11, v11, v19;
	v10 =	vsel vm10, v10, v15  }
0x16e: {  	v13 =	vbroadcast v13, $0xF;
	p0 =	seq.s32 s26, $0x3;
	v11 =	vsel vm12, v11, v18;
	v10 =	vsel vm11, v10, v16  }
0x16f: {  	s11 =	smul.u32 @!p0 $0x600, s26;
	v11 =	vsel vm13, v11, v17;
	v10 =	vsel vm12, v10, v14;
	v14, _, _ =	vpop (xrf2)  }
0x170: {  	s1 =	sshra.s32 s1, $0x2;
	v10 =	vsel vm13, v10, v13;
	v11 =	vsel vm14, v11, v14  }
0x171: {  	s11 =	sshra.s32 @!p0 s11, $0x2;
	v10 =	vsel vm14, v10, v12;
	[tilespmem:v8+s1+$0x0 ss:$0x1] =	vst.idx.msk $0xffff, v11  }
0x172: {  	s13 =	simm.s32 @!p0 $0x80;
	s14 =	simm.s32 @!p0 $0x800;
	[tilespmem:v9+s1+$0x0 ss:$0x1] =	vst.idx.msk $0xffff, v10;
	s1 =	sadd.s32 @!p0 $0x180, s11  }
0x173: {  	[tilespmem:s14], [sflag:$0x1] =	stream.indirect.gather @!p0 [hbm4b:s2+s13], $0x80, s1, s13, $0xb8;
	[tilespmem:$0xD500] =	vst v63  }
0x174: {  	_ =	swait.ge [sflag:s20], $0x4000  }
0x175: {  	[sflag:s20] =	ssyncset.done $0x0  }
0x176: {  	s1 =	simm.s32 $0x4C00;
	[sflag:s20] =	ssyncadd.s32 $0xFFFFC000  }
0x177: {  	v8 =	vld [tilespmem:s1+$0x3B0]  }
0x178: {  	v9 =	vld [tilespmem:s1+$0x3A0]  }
0x179: {  	v10 =	vld [tilespmem:s1+$0x390]  }
0x17a: {  	v11 =	vld [tilespmem:s1+$0x380]  }
0x17b: {  	v13 =	vld [tilespmem:s1+$0x3F0]  }
0x17c: {  	v14 =	vld [tilespmem:s1+$0x3E0]  }
0x17d: {  	v15 =	vld [tilespmem:s1+$0x3D0]  }
0x17e: {  	v16 =	vld [tilespmem:s1+$0x3C0]  }
0x17f: {  	v17 =	vld [tilespmem:s1+$0x330]  }
0x180: {  	v18 =	vld [tilespmem:s1+$0x320]  }
0x181: {  	v19 =	vld [tilespmem:s1+$0x310]  }
0x182: {  	v20 =	vld [tilespmem:s1+$0x300]  }
0x183: {  	v21 =	vld [tilespmem:s1+$0x370]  }
0x184: {  	v22 =	vld [tilespmem:s1+$0x360]  }
0x185: {  	v23 =	vld [tilespmem:s1+$0x350]  }
0x186: {  	v24 =	vld [tilespmem:s1+$0x340]  }
0x187: {  	v25 =	vld [tilespmem:s1+$0x2B0]  }
0x188: {  	v26 =	vld [tilespmem:s1+$0x2A0]  }
0x189: {  	v27 =	vld [tilespmem:s1+$0x290]  }
0x18a: {  	v28 =	vld [tilespmem:s1+$0x280]  }
0x18b: {  	v29 =	vld [tilespmem:s1+$0x2F0]  }
0x18c: {  	v30 =	vld [tilespmem:s1+$0x2E0]  }
0x18d: {  	v53 =	vld [tilespmem:s1+$0x230]  }
0x18e: {  	v54 =	vld [tilespmem:s1+$0x220]  }
0x18f: {  	v55 =	vld [tilespmem:s1+$0x270]  }
0x190: {  	v56 =	vld [tilespmem:s1+$0x260]  }
0x191: {  	v57 =	vld [tilespmem:s1+$0x250]  }
0x192: {  	v58 =	vld [tilespmem:s1+$0x1A0];
	v9 =	vmul.bf16 v9, v6  }
0x193: {  	v59 =	vld [tilespmem:s1+$0x190];
	v8 =	vmul.bf16 v8, v7;
	v11 =	vmul.bf16 v11, v4  }
0x194: {  	v61 =	vld [tilespmem:s1+$0x1F0];
	v10 =	vmul.bf16 v10, v5;
	v18 =	vmul.bf16 v18, v6  }
0x195: {  	v62 =	vld [tilespmem:s1+$0x1C0];
	v17 =	vmul.bf16 v17, v7;
	v20 =	vmul.bf16 v20, v4  }
0x196: {  	v36 =	vld [tilespmem:s1+$0xE0];
	v19 =	vmul.bf16 v19, v5;
	v16 =	vmul.bf16 v16, v0  }
0x197: {  	v43 =	vld [tilespmem:s1+$0xD0];
	v15 =	vmul.bf16 v15, v1;
	v27 =	vmul.bf16 v27, v5  }
0x198: {  	v34 =	vld [tilespmem:s1+$0x20];
	v63 =	vmul.bf16 v56, v2;
	v35 =	vmul.bf16 v55, v3  }
0x199: {  	v32 =	vld [tilespmem:s1+$0x0];
	v37 =	vmul.bf16 v57, v1;
	v49 =	vmul.bf16 v54, v6  }
0x19a: {  	v44 =	vld [tilespmem:s1+$0xFFFFFEF0];
	v33 =	vmul.bf16 v53, v7;
	v50 =	vmul.bf16 v58, v6  }
0x19b: {  	v31 =	vld [tilespmem:s1+$0x2D0];
	v39 =	vmul.bf16 v59, v5;
	v41 =	vmul.bf16 v61, v3  }
0x19c: {  	v52 =	vld [tilespmem:s1+$0x2C0];
	v42 =	vmul.bf16 v62, v0;
	v36 =	vmul.bf16 v36, v2  }
0x19d: {  	v12 =	vld [tilespmem:s1+$0x210];
	v43 =	vmul.bf16 v43, v1;
	v34 =	vmul.bf16 v34, v6  }
0x19e: {  	v32 =	vmul.bf16 v32, v4;
	v10 =	vadd.bf16 v10, v11;
	v8 =	vadd.bf16 v8, v9;
	v9 =	vld [tilespmem:s1+$0x240]  }
0x19f: {  	v44 =	vmul.bf16 v44, v3;
	v11 =	vld [tilespmem:s1+$0x1B0];
	v19 =	vadd.bf16 v19, v20;
	v17 =	vadd.bf16 v17, v18  }
0x1a0: {  	v18 =	vld [tilespmem:s1+$0x1D0];
	v15 =	vadd.bf16 v15, v16;
	v16 =	vmul.bf16 v21, v3;
	v20 =	vmul.bf16 v24, v0  }
0x1a1: {  	v21 =	vmul.bf16 v23, v1;
	v23 =	vmul.bf16 v25, v7;
	v25 =	vld [tilespmem:s1+$0x110];
	v8 =	vadd.bf16 v8, v10  }
0x1a2: {  	v60 =	vld [tilespmem:s1+$0x180];
	v10 =	vmul.bf16 v14, v2;
	v14 =	vmul.bf16 v13, v3;
	v17 =	vadd.bf16 v17, v19  }
0x1a3: {  	v56 =	vld [tilespmem:s1+$0x60];
	v20 =	vadd.bf16 v21, v20;
	v13 =	vunpack.i.u.bf16.f32 v8;
	v8 =	vunpack.i.l.bf16.f32 v8  }
0x1a4: {  	v19 =	vld [tilespmem:s1+$0x130];
	v10 =	vadd.bf16 v14, v10;
	v14 =	vmul.bf16 v22, v2;
	v24 =	vunpack.i.u.bf16.f32 v17  }
0x1a5: {  	v21 =	vld [tilespmem:s1+$0x170];
	v13 =	vadd.f32 v8, v13;
	v9 =	vmul.bf16 v9, v0;
	v51 =	vmul.bf16 v11, v7  }
0x1a6: {  	v59 =	vld [tilespmem:s1+$0x40];
	v11 =	vadd.bf16 v33, v49;
	v57 =	vmul.bf16 v18, v1;
	v25 =	vmul.bf16 v25, v5  }
0x1a7: {  	v61 =	vld [tilespmem:s1+$0xFFFFFFB0];
	v10 =	vadd.bf16 v10, v15;
	v15 =	vmul.bf16 v26, v6;
	v26 =	vmul.bf16 v28, v4  }
0x1a8: {  	v22 =	vld [tilespmem:s1+$0x120];
	v16 =	vadd.bf16 v16, v14;
	v14 =	vunpack.i.l.bf16.f32 v17;
	v17 =	vmul.bf16 v30, v2  }
0x1a9: {  	v8 =	vld [tilespmem:s1+$0x1E0];
	v30 =	vmul.bf16 v31, v1;
	v14 =	vadd.f32 v14, v24;
	v9 =	vadd.bf16 v37, v9  }
0x1aa: {  	v49 =	vld [tilespmem:s1+$0xFFFFFFF0];
	v53 =	vadd.bf16 v51, v50;
	v19 =	vmul.bf16 v19, v7;
	v21 =	vmul.bf16 v21, v3  }
0x1ab: {  	v28 =	vld [tilespmem:s1+$0x100];
	v15 =	vadd.bf16 v23, v15;
	v23 =	vmul.bf16 v29, v3;
	v26 =	vadd.bf16 v27, v26  }
0x1ac: {  	v31 =	vld [tilespmem:s1+$0xF0];
	v29 =	vmul.bf16 v52, v0;
	v16 =	vadd.bf16 v16, v20;
	v52 =	vmul.bf16 v60, v4  }
0x1ad: {  	v24 =	vld [tilespmem:s1+$0x150];
	v60 =	vadd.bf16 v57, v42;
	v22 =	vmul.bf16 v22, v6;
	v15 =	vadd.bf16 v15, v26  }
0x1ae: {  	v37 =	vld [tilespmem:s1+$0x70];
	v29 =	vadd.bf16 v30, v29;
	v17 =	vadd.bf16 v23, v17;
	v30 =	vunpack.i.u.bf16.f32 v16  }
0x1af: {  	v50 =	vld [tilespmem:s1+$0xFFFFFFD0];
	v55 =	vmul.bf16 v8, v2;
	v38 =	vadd.bf16 v39, v52;
	v39 =	vmul.bf16 v56, v2  }
0x1b0: {  	v27 =	vld [tilespmem:s1+$0x160];
	v16 =	vunpack.i.l.bf16.f32 v16;
	v40 =	vmul.bf16 v49, v3;
	v28 =	vmul.bf16 v28, v4  }
0x1b1: {  	v51 =	vld [tilespmem:s1+$0xFFFFFFC0];
	(xrf2) =	vadd.scan.msk.f32 $0xffff, v13;
	v22 =	vadd.bf16 v19, v22;
	v31 =	vmul.bf16 v31, v3;
	v23 =	vunpack.i.u.bf16.f32 v15  }
0x1b2: {  	(xrf2) =	vadd.scan.msk.f32 $0xffff, v14;
	v14 =	vld [tilespmem:s1+$0xFFFFFDE0];
	v29 =	vadd.bf16 v17, v29;
	v15 =	vunpack.i.l.bf16.f32 v15;
	v17 =	vadd.f32 v16, v30  }
0x1b3: {  	v26 =	vld [tilespmem:s1+$0x140];
	v30 =	vadd.bf16 v35, v63;
	v33 =	vadd.bf16 v53, v38;
	v24 =	vmul.bf16 v24, v1  }
0x1b4: {  	v52 =	vld [tilespmem:s1+$0xFFFFFF70];
	v58 =	vadd.bf16 v41, v55;
	v37 =	vmul.bf16 v37, v3;
	v38 =	vmul.bf16 v59, v0  }
0x1b5: {  	v63 =	vld [tilespmem:s1+$0xFFFFFFA0];
	v41 =	vmul.bf16 v61, v7;
	v15 =	vadd.f32 v15, v23;
	v27 =	vmul.bf16 v27, v2  }
0x1b6: {  	v23 =	vld [tilespmem:s1+$0xC0];
	v25 =	vadd.bf16 v25, v28;
	v31 =	vadd.bf16 v31, v36;
	v48 =	vunpack.i.u.bf16.f32 v29  }
0x1b7: {  	v28 =	vld [tilespmem:s1+$0xFFFFFF80];
	v16 =	vunpack.i.l.bf16.f32 v29;
	v9 =	vadd.bf16 v30, v9;
	v62 =	vunpack.i.u.bf16.f32 v33  }
0x1b8: {  	v29 =	vld [tilespmem:s1+$0x30];
	v35 =	vadd.bf16 v58, v60;
	v19 =	vunpack.i.l.bf16.f32 v33;
	v60 =	vmul.bf16 v50, v1  }
0x1b9: {  	v30 =	vld [tilespmem:s1+$0x10];
	v14 =	vmul.bf16 v14, v2;
	v16 =	vadd.f32 v16, v48;
	v19 =	vadd.f32 v19, v62  }
0x1ba: {  	v58 =	vld [tilespmem:s1+$0xFFFFFEE0];
	v26 =	vmul.bf16 v26, v0;
	v22 =	vadd.bf16 v22, v25;
	v21 =	vadd.bf16 v21, v27  }
0x1bb: {  	v48 =	vld [tilespmem:s1+$0xFFFFFF90];
	v36 =	vmul.bf16 v52, v3;
	v54 =	vunpack.i.u.bf16.f32 v9;
	v9 =	vunpack.i.l.bf16.f32 v9  }
0x1bc: {  	(xrf2) =	vadd.scan.msk.f32 $0xffff, v17;
	v27 =	vld [tilespmem:s1+$0xFFFFFFE0];
	v25 =	vunpack.i.u.bf16.f32 v35;
	v18 =	vadd.f32 v9, v54;
	v24 =	vadd.bf16 v24, v26  }
0x1bd: {  	(xrf2) =	vadd.scan.msk.f32 $0xffff, v15;
	v15 =	vld [tilespmem:s1+$0xFFFFFDC0];
	v26 =	vunpack.i.l.bf16.f32 v35;
	v56 =	vmul.bf16 v63, v6;
	v35 =	vmul.bf16 v51, v0  }
0x1be: {  	v45 =	vld [tilespmem:s1+$0xFFFFFEB0];
	v23 =	vmul.bf16 v23, v0;
	v25 =	vadd.f32 v26, v25;
	v28 =	vmul.bf16 v28, v4  }
0x1bf: {  	v46 =	vld [tilespmem:s1+$0xFFFFFD20];
	v21 =	vadd.bf16 v21, v24;
	v24 =	vunpack.i.u.bf16.f32 v22;
	v22 =	vunpack.i.l.bf16.f32 v22  }
0x1c0: {  	v9 =	vld [tilespmem:s1+$0x50];
	v29 =	vmul.bf16 v29, v7;
	v30 =	vmul.bf16 v30, v5;
	v35 =	vadd.bf16 v60, v35  }
0x1c1: {  	v59 =	vld [tilespmem:s1+$0xFFFFFEC0];
	v58 =	vmul.bf16 v58, v2;
	v23 =	vadd.bf16 v43, v23;
	v33 =	vmul.bf16 v48, v5  }
0x1c2: {  	v63 =	vld [tilespmem:s1+$0xFFFFFE10];
	v22 =	vadd.f32 v22, v24;
	v27 =	vmul.bf16 v27, v2;
	v15 =	vmul.bf16 v15, v0  }
0x1c3: {  	v47 =	vld [tilespmem:s1+$0xFFFFFD10];
	v53 =	vunpack.i.u.bf16.f32 v21;
	v29 =	vadd.bf16 v29, v34;
	v30 =	vadd.bf16 v30, v32  }
0x1c4: {  	v24 =	vld [tilespmem:s1+$0xFFFFFF60];
	v21 =	vunpack.i.l.bf16.f32 v21;
	v60 =	vadd.bf16 v44, v58;
	v23 =	vadd.bf16 v31, v23  }
0x1c5: {  	v32 =	vld [tilespmem:s1+$0xFFFFFEA0];
	v43 =	vadd.f32 v21, v53;
	v55 =	vmul.bf16 v9, v1;
	v28 =	vadd.bf16 v33, v28  }
0x1c6: {  	v34 =	vld [tilespmem:s1+$0xFFFFFE90];
	v27 =	vadd.bf16 v40, v27;
	v33 =	vmul.bf16 v59, v0;
	v29 =	vadd.bf16 v29, v30  }
0x1c7: {  	v21 =	vld [tilespmem:s1+$0xFFFFFF40];
	v63 =	vmul.bf16 v63, v5;
	v30 =	vadd.bf16 v37, v39;
	v39 =	vadd.bf16 v41, v56  }
0x1c8: {  	v31 =	vld [tilespmem:s1+$0xFFFFFF50];
	v54 =	vunpack.i.u.bf16.f32 v23;
	v23 =	vunpack.i.l.bf16.f32 v23;
	v38 =	vadd.bf16 v55, v38  }
0x1c9: {  	v42 =	vld [tilespmem:s1+$0xFFFFFE30];
	v56 =	vmul.bf16 v45, v7;
	v27 =	vadd.bf16 v27, v35;
	v23 =	vadd.f32 v23, v54  }
0x1ca: {  	v37 =	vld [tilespmem:s1+$0xFFFFFE80];
	v57 =	vunpack.i.u.bf16.f32 v29;
	v29 =	vunpack.i.l.bf16.f32 v29;
	v28 =	vadd.bf16 v39, v28  }
0x1cb: {  	v17 =	vld [tilespmem:s1+$0xFFFFFDD0];
	v24 =	vmul.bf16 v24, v2;
	v30 =	vadd.bf16 v30, v38;
	v32 =	vmul.bf16 v32, v6  }
0x1cc: {  	v62 =	vld [tilespmem:s1+$0xFFFFFE20];
	v29 =	vadd.f32 v29, v57;
	v34 =	vmul.bf16 v34, v5;
	v21 =	vmul.bf16 v21, v0  }
0x1cd: {  	v55 =	vld [tilespmem:s1+$0xFFFFFE50];
	v31 =	vmul.bf16 v31, v1;
	v53 =	vunpack.i.u.bf16.f32 v28;
	v24 =	vadd.bf16 v36, v24  }
0x1ce: {  	v38 =	vld [tilespmem:s1+$0xFFFFFED0];
	v28 =	vunpack.i.l.bf16.f32 v28;
	v61 =	vunpack.i.u.bf16.f32 v30;
	v30 =	vunpack.i.l.bf16.f32 v30  }
0x1cf: {  	v52 =	vld [tilespmem:s1+$0xFFFFFE00];
	v28 =	vadd.f32 v28, v53;
	v37 =	vmul.bf16 v37, v4;
	v32 =	vadd.bf16 v56, v32  }
0x1d0: {  	v54 =	vld [tilespmem:s1+$0xFFFFFE70];
	v53 =	vmul.bf16 v17, v1;
	v39 =	vadd.f32 v30, v61;
	v21 =	vadd.bf16 v31, v21  }
0x1d1: {  	(xrf2) =	vadd.scan.msk.f32 $0xffff, v16;
	v31 =	vld [tilespmem:s1+$0xFFFFFE60];
	v30 =	vunpack.i.u.bf16.f32 v27;
	v27 =	vunpack.i.l.bf16.f32 v27;
	v61 =	vmul.bf16 v42, v7  }
0x1d2: {  	(xrf2) =	vadd.scan.msk.f32 $0xffff, v18;
	v35 =	vmul.bf16 v55, v1;
	v34 =	vadd.bf16 v34, v37;
	v21 =	vadd.bf16 v24, v21;
	v24 =	vld [tilespmem:s1+$0xFFFFFE40]  }
0x1d3: {  	v16 =	vld [tilespmem:s1+$0xFFFFFD30];
	(xrf2) =	vadd.scan.msk.f32 $0xffff, v19;
	v27 =	vadd.f32 v27, v30;
	v15 =	vadd.bf16 v53, v15;
	v59 =	vmul.bf16 v38, v1  }
0x1d4: {  	(xrf2) =	vadd.scan.msk.f32 $0xffff, v25;
	v25 =	vld [tilespmem:s1+$0xFFFFFD00];
	v32 =	vadd.bf16 v32, v34;
	v57 =	vunpack.i.u.bf16.f32 v21;
	v21 =	vunpack.i.l.bf16.f32 v21  }
0x1d5: {  	v13 =	vld [tilespmem:s1+$0xFFFFFDF0];
	v36 =	vadd.f32 v21, v57;
	v21 =	vmul.bf16 v12, v5;
	v12 =	vmul.bf16 v62, v6  }
0x1d6: {  	v20 =	vld [tilespmem:s1+$0xB0];
	v33 =	vadd.bf16 v59, v33;
	v62 =	vmul.bf16 v52, v4;
	v19 =	vmul.bf16 v31, v2  }
0x1d7: {  	v50 =	vld [tilespmem:s1+$0xFFFFFD70];
	v31 =	vmul.bf16 v54, v3;
	v12 =	vadd.bf16 v61, v12;
	v24 =	vmul.bf16 v24, v0  }
0x1d8: {  	v51 =	vld [tilespmem:s1+$0xFFFFFD60];
	(xrf2) =	vadd.scan.msk.f32 $0xffff, v22;
	v16 =	vmul.bf16 v16, v7;
	v18 =	vadd.bf16 v60, v33;
	v49 =	vadd.bf16 v63, v62  }
0x1d9: {  	v26 =	vld [tilespmem:s1+$0xFFFFFF30];
	(xrf2) =	vadd.scan.msk.f32 $0xffff, v43;
	v25 =	vmul.bf16 v25, v4;
	v19 =	vadd.bf16 v31, v19;
	v24 =	vadd.bf16 v35, v24  }
0x1da: {  	(xrf2) =	vadd.scan.msk.f32 $0xffff, v23;
	v23 =	vld [tilespmem:s1+$0xFFFFFD50];
	v45 =	vunpack.i.u.bf16.f32 v32;
	v32 =	vunpack.i.l.bf16.f32 v32;
	v17 =	vunpack.i.l.bf16.f32 v18  }
0x1db: {  	v54 =	vld [tilespmem:s1+$0xFFFFFC30];
	v31 =	vunpack.i.u.bf16.f32 v18;
	v22 =	vadd.bf16 v12, v49;
	v12, _, _ =	vpop (xrf2);
	v18 =	vadd.bf16 v19, v24  }
0x1dc: {  	v37 =	vmul.bf16 v50, v3;
	v52 =	vmul.bf16 v13, v3;
	v32 =	vadd.f32 v32, v45;
	v62 =	vld [tilespmem:s1+$0xFFFFFC90];
	(xrf2) =	vadd.scan.msk.f32 $0xffff, v29;
	v13, _, _ =	vpop (xrf2)  }
0x1dd: {  	v29 =	vld [tilespmem:s1+$0xFFFFFD40];
	v19 =	vunpack.i.u.bf16.f32 v22;
	v24 =	vadd.f32 v17, v31;
	v22 =	vunpack.i.l.bf16.f32 v22;
	(xrf2) =	vadd.scan.msk.f32 $0xffff, v39;
	v17, _, _ =	vpop (xrf2)  }
0x1de: {  	v58 =	vld [tilespmem:s1+$0xFFFFFC00];
	v31 =	vadd.bf16 v52, v14;
	v57 =	vadd.f32 v22, v19;
	v22 =	vmul.bf16 v46, v6;
	v14, _, _ =	vpop (xrf2);
	(xrf2) =	vadd.scan.msk.f32 $0xffff, v28  }
0x1df: {  	v33 =	vmul.bf16 v47, v5;
	v61 =	vld [tilespmem:s1+$0xFFFFFCA0];
	v55 =	vunpack.i.u.bf16.f32 v18;
	v56 =	vunpack.i.l.bf16.f32 v18;
	v18, _, _ =	vpop (xrf2);
	(xrf2) =	vadd.scan.msk.f32 $0xffff, v27  }
0x1e0: {  	v8 =	vmov s31;
	v34 =	vmul.bf16 v51, v2;
	v23 =	vmul.bf16 v23, v1;
	v28 =	vld [tilespmem:s1+$0xFFFFFC20];
	v19, _, _ =	vpop (xrf2);
	(xrf2) =	vadd.scan.msk.f32 $0xffff, v36  }
0x1e1: {  	v63 =	vld [tilespmem:s1+$0xFFFFFC80];
	v25 =	vadd.bf16 v33, v25;
	v51 =	vmul.bf16 v54, v7;
	v31 =	vadd.bf16 v31, v15;
	v15, _, _ =	vpop (xrf2);
	(xrf2) =	vadd.scan.msk.f32 $0xffff, v32  }
0x1e2: {  	v33 =	vmul.bf16 v62, v5;
	v59 =	vadd.bf16 v16, v22;
	v27 =	vld [tilespmem:s1+$0xFFFFFC10];
	v29 =	vmul.bf16 v29, v0;
	v22, _, _ =	vpop (xrf2);
	(xrf2) =	vadd.scan.msk.f32 $0xffff, v24  }
0x1e3: {  	v42 =	vadd.f32 v56, v55;
	v60 =	vunpack.i.u.bf16.f32 v31;
	v31 =	vunpack.i.l.bf16.f32 v31;
	v32 =	vld [tilespmem:s1+$0xFFFFFCB0];
	v16, _, _ =	vpop (xrf2);
	(xrf2) =	vadd.scan.msk.f32 $0xffff, v57  }
0x1e4: {  	v30 =	vld [tilespmem:s1+$0xFFFFFDB0];
	v40 =	vadd.f32 v31, v60;
	v31 =	vmul.bf16 v20, v7;
	v23 =	vadd.bf16 v23, v29;
	v24, _, _ =	vpop (xrf2)  }
0x1e5: {  	v38 =	vld [tilespmem:s1+$0xFFFFFCE0];
	v50 =	vadd.bf16 v59, v25;
	v60 =	vmul.bf16 v61, v6;
	v28 =	vmul.bf16 v28, v6;
	(xrf2) =	vadd.scan.msk.f32 $0xffff, v42;
	v25, _, _ =	vpop (xrf2)  }
0x1e6: {  	v34 =	vadd.bf16 v37, v34;
	v54 =	vld [tilespmem:s1+$0xFFFFFC60];
	v61 =	vmul.bf16 v63, v4;
	v29 =	vmul.bf16 v58, v4;
	v20, _, _ =	vpop (xrf2)  }
0x1e7: {  	v52 =	vld [tilespmem:s1+$0xFFFFFC70];
	v55 =	vunpack.i.u.bf16.f32 v50;
	v58 =	vunpack.i.l.bf16.f32 v50;
	v53 =	vmul.bf16 v27, v5;
	v27, _, _ =	vpop (xrf2)  }
0x1e8: {  	v37 =	vld [tilespmem:s1+$0xFFFFFC40];
	v50 =	vadd.f32 v58, v55;
	v57 =	vadd.bf16 v34, v23;
	(xrf2) =	vadd.scan.msk.f32 $0xffff, v40;
	v32 =	vmul.bf16 v32, v7;
	v23, _, _ =	vpop (xrf2)  }
0x1e9: {  	v9 =	vmov s30;
	v35 =	vld [tilespmem:s1+$0xFFFFFC50];
	v56 =	vadd.bf16 v51, v28;
	v59 =	vadd.bf16 v53, v29;
	v28, _, _ =	vpop (xrf2)  }
0x1ea: {  	v39 =	vld [tilespmem:s1+$0xFFFFFCD0];
	v49 =	vadd.bf16 v33, v61;
	v34 =	vmul.bf16 v26, v7;
	v62 =	vunpack.i.u.bf16.f32 v57;
	v29, _, _ =	vpop (xrf2)  }
0x1eb: {  	v36 =	vld [tilespmem:s1+$0xFFFFFCF0];
	v63 =	vunpack.i.l.bf16.f32 v57;
	(xrf2) =	vadd.scan.msk.f32 $0xffff, v50;
	v41 =	vadd.bf16 v56, v59;
	v48 =	vadd.bf16 v32, v60;
	v26, _, _ =	vpop (xrf2)  }
0x1ec: {  	v46 =	vmul.bf16 v54, v2;
	v47 =	vmul.bf16 v52, v3;
	v42 =	vld [tilespmem:s1+$0xFFFFFCC0];
	v40 =	vadd.f32 v63, v62;
	v32, _, _ =	vpop (xrf2)  }
0x1ed: {  	s13 =	simm.s32 $0x0;
	s14 =	simm.s32 $0x40;
	v43 =	vld [tilespmem:s1+$0xFFFFFDA0];
	v33 =	vmul.bf16 v30, v7;
	v45 =	vunpack.i.u.bf16.f32 v41;
	v44 =	vadd.bf16 v48, v49;
	v30, _, _ =	vpop (xrf2)  }
.LBB2_6:
0x1ee: {  	p1 =	sne.s32 s14, $0x1C0;
	v37 =	vmul.bf16 v37, v0;
	v35 =	vmul.bf16 v35, v1;
	v41 =	vunpack.i.l.bf16.f32 v41;
	v48 =	vld [tilespmem:s1+$0xFFFFFD90];
	(xrf2) =	vadd.scan.msk.f32 $0xffff, v40  }
0x1ef: {  	v40 =	vadd.bf16 v47, v46;
	v41 =	vadd.f32 v41, v45;
	v45 =	vunpack.i.u.bf16.f32 v44;
	v46 =	vld [tilespmem:s1+$0xFFFFFD80];
	v47, _, _ =	vpop (xrf2)  }
0x1f0: {  	v36 =	vmul.bf16 v36, v3;
	v35 =	vadd.bf16 v35, v37;
	v37 =	vmul.bf16 v38, v2;
	v38 =	vld [tilespmem:s1+$0xFFFFFF20]  }
0x1f1: {  	v50 =	vunpack.i.l.bf16.f32 v44;
	v39 =	vmul.bf16 v39, v1;
	v42 =	vmul.bf16 v42, v0;
	v49 =	vld [tilespmem:s1+$0xFFFFFF10];
	(xrf2) =	vadd.scan.msk.f32 $0xffff, v41  }
0x1f2: {  	v50 =	vadd.f32 v50, v45;
	v35 =	vadd.bf16 v40, v35;
	v41 =	vmul.bf16 v43, v6;
	v43 =	vld [tilespmem:s1+$0xFFFFFF00];
	v44, _, _ =	vpop (xrf2)  }
0x1f3: {  	v36 =	vadd.bf16 v36, v37;
	v39 =	vadd.bf16 v39, v42;
	v37 =	vmul.bf16 v48, v5;
	v42 =	vld [tilespmem:s1+$0xA0]  }
0x1f4: {  	v45 =	vunpack.i.u.bf16.f32 v35;
	v35 =	vunpack.i.l.bf16.f32 v35;
	v46 =	vmul.bf16 v46, v4;
	v48 =	vld [tilespmem:s1+$0x90];
	(xrf2) =	vadd.scan.msk.f32 $0xffff, v50  }
0x1f5: {  	v35 =	vadd.f32 v35, v45;
	v36 =	vadd.bf16 v36, v39;
	v38 =	vmul.bf16 v38, v6;
	v39 =	vld [tilespmem:s1+$0x80];
	v40, _, _ =	vpop (xrf2)  }
0x1f6: {  	v33 =	vadd.bf16 v33, v41;
	v50 =	vadd.bf16 v37, v46;
	v41 =	vmul.bf16 v49, v5;
	v45 =	vld [tilespmem:s1+$0x200]  }
0x1f7: {  	v46 =	vunpack.i.u.bf16.f32 v36;
	v36 =	vunpack.i.l.bf16.f32 v36;
	v43 =	vmul.bf16 v43, v4;
	(xrf2) =	vadd.scan.msk.f32 $0xffff, v35  }
0x1f8: {  	v35 =	vadd.f32 v36, v46;
	v33 =	vadd.bf16 v33, v50;
	v36 =	vmul.bf16 v42, v6;
	v37, _, _ =	vpop (xrf2)  }
0x1f9: {  	v34 =	vadd.bf16 v34, v38;
	v43 =	vadd.bf16 v41, v43;
	v38 =	vmul.bf16 v48, v5  }
0x1fa: {  	v42 =	vunpack.i.u.bf16.f32 v33;
	v33 =	vunpack.i.l.bf16.f32 v33;
	v39 =	vmul.bf16 v39, v4;
	(xrf2) =	vadd.scan.msk.f32 $0xffff, v35  }
0x1fb: {  	v33 =	vadd.f32 v33, v42;
	v43 =	vadd.bf16 v34, v43;
	v35 =	vmul.bf16 v45, v4;
	v41, _, _ =	vpop (xrf2)  }
0x1fc: {  	v31 =	vadd.bf16 v31, v36;
	v36 =	vunpack.i.u.bf16.f32 v10;
	v38 =	vadd.bf16 v38, v39  }
0x1fd: {  	v39 =	vunpack.i.u.bf16.f32 v43;
	v42 =	vunpack.i.l.bf16.f32 v43;
	v21 =	vadd.bf16 v21, v35;
	(xrf2) =	vadd.scan.msk.f32 $0xffff, v33  }
0x1fe: {  	v17 =	vbroadcast v17, $0xF;
	v33 =	vadd.f32 v42, v39;
	v38 =	vadd.bf16 v31, v38;
	v34, _, _ =	vpop (xrf2)  }
0x1ff: {  	v19 =	vbroadcast v19, $0xF;
	v18 =	vbroadcast v18, $0xF;
	v11 =	vadd.bf16 v11, v21  }
0x200: {  	v22 =	vbroadcast v22, $0xF;
	v21 =	vunpack.i.u.bf16.f32 v38;
	v35 =	vunpack.i.l.bf16.f32 v38;
	(xrf2) =	vadd.scan.msk.f32 $0xffff, v33  }
0x201: {  	v25 =	vbroadcast v25, $0xF;
	v24 =	vbroadcast v24, $0xF;
	v21 =	vadd.f32 v35, v21;
	v31, _, _ =	vpop (xrf2)  }
0x202: {  	v28 =	vbroadcast v28, $0xF;
	v27 =	vbroadcast v27, $0xF;
	v38 =	vunpack.i.u.bf16.f32 v11  }
0x203: {  	v32 =	vbroadcast v32, $0xF;
	v29 =	vbroadcast v29, $0xF;
	v11 =	vunpack.i.l.bf16.f32 v11;
	(xrf2) =	vadd.scan.msk.f32 $0xffff, v21  }
0x204: {  	v35 =	vbroadcast v47, $0xF;
	v11 =	vadd.f32 v11, v38;
	v21 =	vbroadcast v37, $0xF;
	v33, _, _ =	vpop (xrf2)  }
0x205: {  	v10 =	vunpack.i.l.bf16.f32 v10;
	v31 =	vbroadcast v31, $0xF;
	v33 =	vbroadcast v33, $0xF  }
0x206: {  	v10 =	vadd.f32 v10, v36;
	v34 =	vbroadcast v34, $0xF;
	v37 =	vbroadcast v41, $0xF;
	(xrf2) =	vadd.scan.msk.f32 $0xffff, v11  }
0x207: {  	v38 =	vbroadcast v40, $0xF;
	v11 =	vsel vm0, v31, v33;
	v33 =	vbroadcast v44, $0xF;
	v36, _, _ =	vpop (xrf2)  }
0x208: {  	v34 =	vsel vm0, v37, v34;
	v11 =	vsel vm1, v11, v21;
	v21 =	vbroadcast v36, $0xF  }
0x209: {  	v30 =	vbroadcast v30, $0xF;
	v34 =	vsel vm1, v34, v38;
	v11 =	vsel vm2, v11, v33  }
0x20a: {  	v26 =	vbroadcast v26, $0xF;
	v21 =	vsel vm2, v34, v21;
	v11 =	vsel vm3, v11, v35;
	v31, _, _ =	vpop (xrf2);
	(xrf2) =	vadd.scan.msk.f32 $0xffff, v10  }
0x20b: {  	v10 =	vsel vm3, v21, v30;
	v11 =	vsel vm4, v11, v32;
	v30 =	vbroadcast v31, $0xF  }
0x20c: {  	v23 =	vbroadcast v23, $0xF;
	v10 =	vsel vm4, v10, v26;
	v11 =	vsel vm5, v11, v29  }
0x20d: {  	v26 =	vbroadcast v20, $0xF;
	v10 =	vsel vm5, v10, v30;
	v11 =	vsel vm6, v11, v28;
	v21, _, _ =	vpop (xrf2)  }
0x20e: {  	v10 =	vsel vm6, v10, v23;
	v11 =	vsel vm7, v11, v27;
	v21 =	vbroadcast v21, $0xF  }
0x20f: {  	v16 =	vbroadcast v16, $0xF;
	v10 =	vsel vm7, v10, v26;
	v11 =	vsel vm8, v11, v25  }
0x210: {  	v15 =	vbroadcast v15, $0xF;
	v10 =	vsel vm8, v10, v21;
	v11 =	vsel vm9, v11, v24;
	v20, _, _ =	vpop (xrf2)  }
0x211: {  	v10 =	vsel vm9, v10, v16;
	v11 =	vsel vm10, v11, v22;
	v16 =	vbroadcast v20, $0xF  }
0x212: {  	v10 =	vsel vm10, v10, v15;
	v11 =	vsel vm11, v11, v19;
	v15 =	vbroadcast v14, $0xF  }
0x213: {  	v13 =	vbroadcast v13, $0xF;
	v10 =	vsel vm11, v10, v16;
	v11 =	vsel vm12, v11, v18  }
0x214: {  	v10 =	vsel vm12, v10, v15;
	v11 =	vsel vm13, v11, v17;
	v14, _, _ =	vpop (xrf2)  }
0x215: {  	s16 =	sshra.s32 s13, $0x2;
	s13 =	smov.u32 s14;
	v10 =	vsel vm13, v10, v13;
	v11 =	vsel vm14, v11, v14  }
0x216: {  	v10 =	vsel vm14, v10, v12;
	[tilespmem:v8+s16+$0x0 ss:$0x1] =	vst.idx.msk $0xffff, v11  }
0x217: {  	s1 =	sadd.s32 $0x800, s1;
	[tilespmem:v9+s16+$0x0 ss:$0x1] =	vst.idx.msk $0xffff, v10  }
0x218: {  	v10 =	vld [tilespmem:s1+$0x3B0]  }
0x219: {  	v11 =	vld [tilespmem:s1+$0x3A0]  }
0x21a: {  	v12 =	vld [tilespmem:s1+$0x390]  }
0x21b: {  	v13 =	vld [tilespmem:s1+$0x380]  }
0x21c: {  	v14 =	vld [tilespmem:s1+$0x3F0]  }
0x21d: {  	v15 =	vld [tilespmem:s1+$0x3E0]  }
0x21e: {  	v16 =	vld [tilespmem:s1+$0x3D0]  }
0x21f: {  	v17 =	vld [tilespmem:s1+$0x3C0]  }
0x220: {  	v18 =	vld [tilespmem:s1+$0x330]  }
0x221: {  	v19 =	vld [tilespmem:s1+$0x320]  }
0x222: {  	v21 =	vld [tilespmem:s1+$0x310]  }
0x223: {  	v22 =	vld [tilespmem:s1+$0x300]  }
0x224: {  	v23 =	vld [tilespmem:s1+$0x370]  }
0x225: {  	v24 =	vld [tilespmem:s1+$0x360]  }
0x226: {  	v25 =	vld [tilespmem:s1+$0x350]  }
0x227: {  	v26 =	vld [tilespmem:s1+$0x340]  }
0x228: {  	v27 =	vld [tilespmem:s1+$0x2B0]  }
0x229: {  	v28 =	vld [tilespmem:s1+$0x2A0]  }
0x22a: {  	v29 =	vld [tilespmem:s1+$0x290]  }
0x22b: {  	v30 =	vld [tilespmem:s1+$0x280]  }
0x22c: {  	v31 =	vld [tilespmem:s1+$0x2F0]  }
0x22d: {  	v32 =	vld [tilespmem:s1+$0x2E0]  }
0x22e: {  	v33 =	vld [tilespmem:s1+$0x2D0]  }
0x22f: {  	v34 =	vld [tilespmem:s1+$0x2C0]  }
0x230: {  	v35 =	vld [tilespmem:s1+$0x230]  }
0x231: {  	v36 =	vld [tilespmem:s1+$0x220]  }
0x232: {  	v10 =	vmul.bf16 v10, v7;
	v11 =	vmul.bf16 v11, v6;
	v20 =	vld [tilespmem:s1+$0x210]  }
0x233: {  	v12 =	vmul.bf16 v12, v5;
	v13 =	vmul.bf16 v13, v4;
	v37 =	vld [tilespmem:s1+$0x270]  }
0x234: {  	v38 =	vld [tilespmem:s1+$0x260]  }
0x235: {  	v10 =	vadd.bf16 v10, v11;
	v12 =	vadd.bf16 v12, v13;
	v39 =	vld [tilespmem:s1+$0x250]  }
0x236: {  	v11 =	vld [tilespmem:s1+$0x240]  }
0x237: {  	v10 =	vadd.bf16 v10, v12;
	v13 =	vld [tilespmem:s1+$0x1B0]  }
0x238: {  	v14 =	vmul.bf16 v14, v3;
	v15 =	vmul.bf16 v15, v2;
	v12 =	vld [tilespmem:s1+$0x1A0]  }
0x239: {  	v18 =	vmul.bf16 v18, v7;
	v19 =	vmul.bf16 v19, v6;
	v41 =	vunpack.i.u.bf16.f32 v10;
	v40 =	vld [tilespmem:s1+$0x190]  }
0x23a: {  	v10 =	vunpack.i.l.bf16.f32 v10;
	v21 =	vmul.bf16 v21, v5;
	v22 =	vmul.bf16 v22, v4;
	v42 =	vld [tilespmem:s1+$0x180]  }
0x23b: {  	v16 =	vmul.bf16 v16, v1;
	v17 =	vmul.bf16 v17, v0;
	v41 =	vadd.f32 v10, v41;
	v43 =	vld [tilespmem:s1+$0x1F0]  }
0x23c: {  	v18 =	vadd.bf16 v18, v19;
	v10 =	vadd.bf16 v21, v22;
	v44 =	vld [tilespmem:s1+$0x1E0]  }
0x23d: {  	v14 =	vadd.bf16 v14, v15;
	v16 =	vadd.bf16 v16, v17;
	v19 =	vld [tilespmem:s1+$0x1D0]  }
0x23e: {  	v17 =	vmul.bf16 v24, v2;
	v21 =	vmul.bf16 v23, v3;
	v18 =	vadd.bf16 v18, v10;
	v15 =	vld [tilespmem:s1+$0x1C0]  }
0x23f: {  	v24 =	vmul.bf16 v25, v1;
	v23 =	vmul.bf16 v26, v0;
	v10 =	vadd.bf16 v14, v16;
	v22 =	vld [tilespmem:s1+$0x130]  }
0x240: {  	v25 =	vmul.bf16 v27, v7;
	v16 =	vmul.bf16 v28, v6;
	v26 =	vunpack.i.u.bf16.f32 v18;
	v14 =	vld [tilespmem:s1+$0x120]  }
0x241: {  	v17 =	vadd.bf16 v21, v17;
	v29 =	vmul.bf16 v29, v5;
	v28 =	vmul.bf16 v30, v4;
	v27 =	vld [tilespmem:s1+$0x110]  }
0x242: {  	v23 =	vadd.bf16 v24, v23;
	v18 =	vunpack.i.l.bf16.f32 v18;
	v16 =	vadd.bf16 v25, v16;
	v21 =	vld [tilespmem:s1+$0x100]  }
0x243: {  	v30 =	vmul.bf16 v31, v3;
	v25 =	vmul.bf16 v32, v2;
	v28 =	vadd.bf16 v29, v28;
	v24 =	vld [tilespmem:s1+$0x170]  }
0x244: {  	v18 =	vadd.f32 v18, v26;
	v32 =	vmul.bf16 v33, v1;
	v31 =	vmul.bf16 v34, v0;
	v29 =	vld [tilespmem:s1+$0x160]  }
0x245: {  	v17 =	vadd.bf16 v17, v23;
	v16 =	vadd.bf16 v16, v28;
	v33 =	vld [tilespmem:s1+$0x150]  }
0x246: {  	v25 =	vadd.bf16 v30, v25;
	v28 =	vadd.bf16 v32, v31;
	v23 =	vld [tilespmem:s1+$0x140]  }
0x247: {  	v30 =	vunpack.i.u.bf16.f32 v16;
	v31 =	vunpack.i.u.bf16.f32 v17;
	v17 =	vunpack.i.l.bf16.f32 v17;
	v26 =	vld [tilespmem:s1+$0xB0]  }
0x248: {  	v37 =	vmul.bf16 v37, v3;
	v25 =	vadd.bf16 v25, v28;
	v34 =	vmul.bf16 v38, v2;
	v32 =	vld [tilespmem:s1+$0xF0]  }
0x249: {  	v16 =	vunpack.i.l.bf16.f32 v16;
	v38 =	vmul.bf16 v39, v1;
	v11 =	vmul.bf16 v11, v0;
	v28 =	vld [tilespmem:s1+$0xE0]  }
0x24a: {  	v16 =	vadd.f32 v16, v30;
	v17 =	vadd.f32 v17, v31;
	v45 =	vunpack.i.u.bf16.f32 v25;
	v39 =	vld [tilespmem:s1+$0xD0]  }
0x24b: {  	v25 =	vunpack.i.l.bf16.f32 v25;
	v31 =	vadd.bf16 v37, v34;
	v11 =	vadd.bf16 v38, v11;
	v30 =	vld [tilespmem:s1+$0xC0]  }
0x24c: {  	v35 =	vmul.bf16 v35, v7;
	v36 =	vmul.bf16 v36, v6;
	v25 =	vadd.f32 v25, v45;
	v34 =	vld [tilespmem:s1+$0x30]  }
0x24d: {  	v13 =	vmul.bf16 v13, v7;
	v12 =	vmul.bf16 v12, v6;
	v31 =	vadd.bf16 v31, v11;
	v37 =	vld [tilespmem:s1+$0x20];
	(xrf2) =	vadd.scan.msk.f32 $0xffff, v41  }
0x24e: {  	v40 =	vmul.bf16 v40, v5;
	v11 =	vadd.bf16 v35, v36;
	v41 =	vmul.bf16 v42, v4;
	v38 =	vld [tilespmem:s1+$0x10]  }
0x24f: {  	v12 =	vadd.bf16 v13, v12;
	v13 =	vunpack.i.u.bf16.f32 v31;
	v31 =	vunpack.i.l.bf16.f32 v31;
	v35 =	vld [tilespmem:s1+$0x0]  }
0x250: {  	v43 =	vmul.bf16 v43, v3;
	v42 =	vmul.bf16 v44, v2;
	v40 =	vadd.bf16 v40, v41;
	v36 =	vld [tilespmem:s1+$0x70];
	(xrf2) =	vadd.scan.msk.f32 $0xffff, v18  }
0x251: {  	v19 =	vmul.bf16 v19, v1;
	v31 =	vadd.f32 v31, v13;
	v15 =	vmul.bf16 v15, v0;
	v18 =	vld [tilespmem:s1+$0x60]  }
0x252: {  	v13 =	vadd.bf16 v43, v42;
	v12 =	vadd.bf16 v12, v40;
	v41 =	vld [tilespmem:s1+$0x50]  }
0x253: {  	v22 =	vmul.bf16 v22, v7;
	v14 =	vmul.bf16 v14, v6;
	v15 =	vadd.bf16 v19, v15;
	v40 =	vld [tilespmem:s1+$0x40];
	(xrf2) =	vadd.scan.msk.f32 $0xffff, v17  }
0x254: {  	v17 =	vmul.bf16 v21, v4;
	v21 =	vmul.bf16 v27, v5;
	v27 =	vunpack.i.u.bf16.f32 v12;
	v19 =	vld [tilespmem:s1+$0xFFFFFFB0]  }
0x255: {  	v14 =	vadd.bf16 v22, v14;
	v13 =	vadd.bf16 v13, v15;
	v43 =	vunpack.i.l.bf16.f32 v12;
	v42 =	vld [tilespmem:s1+$0xFFFFFFA0]  }
0x256: {  	v24 =	vmul.bf16 v24, v3;
	v22 =	vmul.bf16 v29, v2;
	v17 =	vadd.bf16 v21, v17;
	v15 =	vld [tilespmem:s1+$0xFFFFFF90];
	(xrf2) =	vadd.scan.msk.f32 $0xffff, v16  }
0x257: {  	v27 =	vadd.f32 v43, v27;
	v21 =	vmul.bf16 v23, v0;
	v23 =	vmul.bf16 v33, v1;
	v16 =	vld [tilespmem:s1+$0xFFFFFF80];
	v12, _, _ =	vpop (xrf2)  }
0x258: {  	v14 =	vadd.bf16 v14, v17;
	v17 =	vadd.bf16 v24, v22;
	v22 =	vunpack.i.u.bf16.f32 v13;
	v29 =	vld [tilespmem:s1+$0xFFFFFFF0]  }
0x259: {  	v32 =	vmul.bf16 v32, v3;
	v28 =	vmul.bf16 v28, v2;
	v21 =	vadd.bf16 v23, v21;
	v24 =	vld [tilespmem:s1+$0xFFFFFFE0];
	(xrf2) =	vadd.scan.msk.f32 $0xffff, v25  }
0x25a: {  	v33 =	vmul.bf16 v39, v1;
	v25 =	vmul.bf16 v30, v0;
	v30 =	vunpack.i.l.bf16.f32 v13;
	v23 =	vld [tilespmem:s1+$0xFFFFFFD0];
	v13, _, _ =	vpop (xrf2)  }
0x25b: {  	v43 =	vadd.bf16 v17, v21;
	v21 =	vunpack.i.u.bf16.f32 v14;
	v22 =	vadd.f32 v30, v22;
	v39 =	vld [tilespmem:s1+$0xFFFFFFC0]  }
0x25c: {  	v28 =	vadd.bf16 v32, v28;
	v14 =	vunpack.i.l.bf16.f32 v14;
	v25 =	vadd.bf16 v33, v25;
	v30 =	vld [tilespmem:s1+$0xFFFFFF30];
	(xrf2) =	vadd.scan.msk.f32 $0xffff, v31  }
0x25d: {  	v21 =	vadd.f32 v14, v21;
	v32 =	vunpack.i.u.bf16.f32 v43;
	v33 =	vunpack.i.l.bf16.f32 v43;
	v31 =	vld [tilespmem:s1+$0xFFFFFF70];
	v17, _, _ =	vpop (xrf2)  }
0x25e: {  	v34 =	vmul.bf16 v34, v7;
	v44 =	vmul.bf16 v37, v6;
	v25 =	vadd.bf16 v28, v25;
	v43 =	vld [tilespmem:s1+$0xFFFFFF60]  }
0x25f: {  	v37 =	vmul.bf16 v38, v5;
	v35 =	vmul.bf16 v35, v4;
	v32 =	vadd.f32 v33, v32;
	v28 =	vld [tilespmem:s1+$0xFFFFFF50];
	(xrf2) =	vadd.scan.msk.f32 $0xffff, v27  }
0x260: {  	v33 =	vadd.bf16 v34, v44;
	v34 =	vunpack.i.u.bf16.f32 v25;
	v25 =	vunpack.i.l.bf16.f32 v25;
	v27 =	vld [tilespmem:s1+$0xFFFFFF40];
	v14, _, _ =	vpop (xrf2)  }
0x261: {  	v36 =	vmul.bf16 v36, v3;
	v35 =	vadd.bf16 v37, v35;
	v44 =	vmul.bf16 v18, v2;
	v38 =	vld [tilespmem:s1+$0xFFFFFEB0]  }
0x262: {  	v41 =	vmul.bf16 v41, v1;
	v40 =	vmul.bf16 v40, v0;
	v25 =	vadd.f32 v25, v34;
	v37 =	vld [tilespmem:s1+$0xFFFFFEA0];
	(xrf2) =	vadd.scan.msk.f32 $0xffff, v22  }
0x263: {  	v22 =	vadd.bf16 v33, v35;
	v33 =	vadd.bf16 v36, v44;
	v34 =	vld [tilespmem:s1+$0xFFFFFE90];
	v18, _, _ =	vpop (xrf2)  }
0x264: {  	v40 =	vadd.bf16 v41, v40;
	v36 =	vmul.bf16 v42, v6;
	v44 =	vmul.bf16 v19, v7;
	v35 =	vld [tilespmem:s1+$0xFFFFFE80]  }
0x265: {  	v15 =	vmul.bf16 v15, v5;
	v16 =	vmul.bf16 v16, v4;
	v42 =	vunpack.i.u.bf16.f32 v22;
	v41 =	vld [tilespmem:s1+$0xFFFFFEF0];
	(xrf2) =	vadd.scan.msk.f32 $0xffff, v21  }
0x266: {  	v36 =	vadd.bf16 v44, v36;
	v33 =	vadd.bf16 v33, v40;
	v22 =	vunpack.i.l.bf16.f32 v22;
	v21 =	vld [tilespmem:s1+$0xFFFFFEE0];
	v19, _, _ =	vpop (xrf2)  }
0x267: {  	v29 =	vmul.bf16 v29, v3;
	v24 =	vmul.bf16 v24, v2;
	v45 =	vadd.bf16 v15, v16;
	v40 =	vld [tilespmem:s1+$0xFFFFFED0]  }
0x268: {  	v23 =	vmul.bf16 v23, v1;
	v16 =	vmul.bf16 v39, v0;
	v39 =	vadd.f32 v22, v42;
	v44 =	vld [tilespmem:s1+$0xFFFFFEC0];
	(xrf2) =	vadd.scan.msk.f32 $0xffff, v32  }
0x269: {  	v36 =	vadd.bf16 v36, v45;
	v45 =	vadd.bf16 v29, v24;
	v24 =	vunpack.i.u.bf16.f32 v33;
	v32 =	vld [tilespmem:s1+$0xFFFFFE30];
	v15, _, _ =	vpop (xrf2)  }
0x26a: {  	v31 =	vmul.bf16 v31, v3;
	v16 =	vadd.bf16 v23, v16;
	v42 =	vmul.bf16 v43, v2;
	v29 =	vld [tilespmem:s1+$0xFFFFFE20]  }
0x26b: {  	v28 =	vmul.bf16 v28, v1;
	v27 =	vmul.bf16 v27, v0;
	v33 =	vunpack.i.l.bf16.f32 v33;
	v23 =	vld [tilespmem:s1+$0xFFFFFE10];
	(xrf2) =	vadd.scan.msk.f32 $0xffff, v25  }
0x26c: {  	v24 =	vadd.f32 v33, v24;
	v46 =	vadd.bf16 v45, v16;
	v25 =	vunpack.i.u.bf16.f32 v36;
	v43 =	vld [tilespmem:s1+$0xFFFFFE00];
	v22, _, _ =	vpop (xrf2)  }
0x26d: {  	v27 =	vadd.bf16 v28, v27;
	v28 =	vadd.bf16 v31, v42;
	v31 =	vunpack.i.l.bf16.f32 v36;
	v45 =	vld [tilespmem:s1+$0xFFFFFE70]  }
0x26e: {  	v33 =	vunpack.i.u.bf16.f32 v46;
	v42 =	vunpack.i.l.bf16.f32 v46;
	v25 =	vadd.f32 v31, v25;
	v36 =	vld [tilespmem:s1+$0xFFFFFE60];
	(xrf2) =	vadd.scan.msk.f32 $0xffff, v39  }
0x26f: {  	v38 =	vmul.bf16 v38, v7;
	v37 =	vmul.bf16 v37, v6;
	v27 =	vadd.bf16 v28, v27;
	v31 =	vld [tilespmem:s1+$0xFFFFFE50];
	v16, _, _ =	vpop (xrf2)  }
0x270: {  	v34 =	vmul.bf16 v34, v5;
	v35 =	vmul.bf16 v35, v4;
	v39 =	vadd.f32 v42, v33;
	v28 =	vld [tilespmem:s1+$0xFFFFFE40]  }
0x271: {  	v37 =	vadd.bf16 v38, v37;
	v38 =	vunpack.i.u.bf16.f32 v27;
	v27 =	vunpack.i.l.bf16.f32 v27;
	v33 =	vld [tilespmem:s1+$0xFFFFFDB0];
	(xrf2) =	vadd.scan.msk.f32 $0xffff, v24  }
0x272: {  	v41 =	vmul.bf16 v41, v3;
	v21 =	vmul.bf16 v21, v2;
	v34 =	vadd.bf16 v34, v35;
	v42 =	vld [tilespmem:s1+$0xFFFFFDF0];
	v24, _, _ =	vpop (xrf2)  }
0x273: {  	v40 =	vmul.bf16 v40, v1;
	v27 =	vadd.f32 v27, v38;
	v44 =	vmul.bf16 v44, v0;
	v35 =	vld [tilespmem:s1+$0xFFFFFDE0]  }
0x274: {  	v34 =	vadd.bf16 v37, v34;
	v37 =	vadd.bf16 v41, v21;
	v21 =	vmul.bf16 v20, v5;
	v38 =	vld [tilespmem:s1+$0xFFFFFDD0];
	(xrf2) =	vadd.scan.msk.f32 $0xffff, v25  }
0x275: {  	v47 =	vmul.bf16 v29, v6;
	v29 =	vmul.bf16 v32, v7;
	v32 =	vadd.bf16 v40, v44;
	v41 =	vld [tilespmem:s1+$0xFFFFFDC0];
	v25, _, _ =	vpop (xrf2)  }
0x276: {  	v44 =	vunpack.i.u.bf16.f32 v34;
	v23 =	vmul.bf16 v23, v5;
	v43 =	vmul.bf16 v43, v4;
	v40 =	vld [tilespmem:s1+$0xFFFFFD30]  }
0x277: {  	v34 =	vunpack.i.l.bf16.f32 v34;
	v29 =	vadd.bf16 v29, v47;
	v32 =	vadd.bf16 v37, v32;
	v46 =	vld [tilespmem:s1+$0xFFFFFD20];
	(xrf2) =	vadd.scan.msk.f32 $0xffff, v39  }
0x278: {  	v36 =	vmul.bf16 v36, v2;
	v23 =	vadd.bf16 v23, v43;
	v39 =	vmul.bf16 v45, v3;
	v37 =	vld [tilespmem:s1+$0xFFFFFD10];
	v20, _, _ =	vpop (xrf2)  }
0x279: {  	v34 =	vadd.f32 v34, v44;
	v31 =	vmul.bf16 v31, v1;
	v28 =	vmul.bf16 v28, v0;
	v43 =	vld [tilespmem:s1+$0xFFFFFD00]  }
0x27a: {  	v23 =	vadd.bf16 v29, v23;
	v29 =	vadd.bf16 v39, v36;
	v36 =	vunpack.i.u.bf16.f32 v32;
	v44 =	vld [tilespmem:s1+$0xFFFFFD70];
	(xrf2) =	vadd.scan.msk.f32 $0xffff, v27  }
0x27b: {  	v42 =	vmul.bf16 v42, v3;
	v28 =	vadd.bf16 v31, v28;
	v35 =	vmul.bf16 v35, v2;
	v39 =	vld [tilespmem:s1+$0xFFFFFD60];
	v27, _, _ =	vpop (xrf2)  }
0x27c: {  	v38 =	vmul.bf16 v38, v1;
	v32 =	vunpack.i.l.bf16.f32 v32;
	v41 =	vmul.bf16 v41, v0;
	v31 =	vld [tilespmem:s1+$0xFFFFFD50]  }
0x27d: {  	v32 =	vadd.f32 v32, v36;
	v28 =	vadd.bf16 v29, v28;
	v29 =	vunpack.i.u.bf16.f32 v23;
	v45 =	vld [tilespmem:s1+$0xFFFFFD40];
	(xrf2) =	vadd.scan.msk.f32 $0xffff, v34  }
0x27e: {  	v35 =	vadd.bf16 v42, v35;
	v36 =	vadd.bf16 v38, v41;
	v38 =	vunpack.i.l.bf16.f32 v23;
	v34 =	vld [tilespmem:s1+$0xFFFFFC30];
	v23, _, _ =	vpop (xrf2)  }
0x27f: {  	v42 =	vunpack.i.u.bf16.f32 v28;
	v47 =	vunpack.i.l.bf16.f32 v28;
	v29 =	vadd.f32 v38, v29;
	v41 =	vld [tilespmem:s1+$0xFFFFFC20]  }
0x280: {  	v40 =	vmul.bf16 v40, v7;
	v46 =	vmul.bf16 v46, v6;
	v35 =	vadd.bf16 v35, v36;
	v38 =	vld [tilespmem:s1+$0xFFFFFC10];
	(xrf2) =	vadd.scan.msk.f32 $0xffff, v32  }
0x281: {  	v37 =	vmul.bf16 v37, v5;
	v36 =	vmul.bf16 v43, v4;
	v42 =	vadd.f32 v47, v42;
	v32 =	vld [tilespmem:s1+$0xFFFFFC00];
	v28, _, _ =	vpop (xrf2)  }
0x282: {  	v40 =	vadd.bf16 v40, v46;
	v46 =	vunpack.i.u.bf16.f32 v35;
	v35 =	vunpack.i.l.bf16.f32 v35;
	v43 =	vld [tilespmem:s1+$0xFFFFFCB0]  }
0x283: {  	v44 =	vmul.bf16 v44, v3;
	v39 =	vmul.bf16 v39, v2;
	v36 =	vadd.bf16 v37, v36;
	v47 =	vld [tilespmem:s1+$0xFFFFFCA0];
	(xrf2) =	vadd.scan.msk.f32 $0xffff, v29  }
0x284: {  	v46 =	vadd.f32 v35, v46;
	v37 =	vmul.bf16 v45, v0;
	v45 =	vmul.bf16 v31, v1;
	v48 =	vld [tilespmem:s1+$0xFFFFFC90];
	v29, _, _ =	vpop (xrf2)  }
0x285: {  	v36 =	vadd.bf16 v40, v36;
	v39 =	vadd.bf16 v44, v39;
	v31 =	vmul.bf16 v26, v7;
	v49 =	vld [tilespmem:s1+$0xFFFFFC80]  }
0x286: {  	v34 =	vmul.bf16 v34, v7;
	v40 =	vmul.bf16 v41, v6;
	v37 =	vadd.bf16 v45, v37;
	v44 =	vld [tilespmem:s1+$0xFFFFFC70];
	(xrf2) =	vadd.scan.msk.f32 $0xffff, v42  }
0x287: {  	v41 =	vunpack.i.u.bf16.f32 v36;
	v38 =	vmul.bf16 v38, v5;
	v51 =	vmul.bf16 v32, v4;
	v50 =	vld [tilespmem:s1+$0xFFFFFC60];
	v26, _, _ =	vpop (xrf2)  }
0x288: {  	v34 =	vadd.bf16 v34, v40;
	v40 =	vadd.bf16 v39, v37;
	v39 =	vunpack.i.l.bf16.f32 v36;
	v35 =	vld [tilespmem:s1+$0xFFFFFC50]  }
0x289: {  	v43 =	vmul.bf16 v43, v7;
	v38 =	vadd.bf16 v38, v51;
	v42 =	vmul.bf16 v47, v6;
	v37 =	vld [tilespmem:s1+$0xFFFFFC40];
	(xrf2) =	vadd.scan.msk.f32 $0xffff, v46  }
.Ltmp1:
0x28a: {  	v47 =	vadd.f32 v39, v41;
	v46 =	vmul.bf16 v48, v5;
	v45 =	vmul.bf16 v49, v4;
	v36 =	vld [tilespmem:s1+$0xFFFFFCF0];
	v32, _, _ =	vpop (xrf2);
	(pc) =	sbr.rel @p1 .LBB2_6-.Ltmp1, $4  }
0x28b: {  	v48 =	vunpack.i.u.bf16.f32 v40;
	v41 =	vadd.bf16 v34, v38;
	v34 =	vmul.bf16 v30, v7;
	v38 =	vld [tilespmem:s1+$0xFFFFFCE0]  }
0x28c: {  	v43 =	vadd.bf16 v43, v42;
	v39 =	vld [tilespmem:s1+$0xFFFFFCD0];
	v49 =	vadd.bf16 v46, v45;
	v46 =	vunpack.i.l.bf16.f32 v40;
	(xrf2) =	vadd.scan.msk.f32 $0xffff, v47  }
0x28d: {  	v33 =	vmul.bf16 v33, v7;
	v45 =	vunpack.i.u.bf16.f32 v41;
	v42 =	vld [tilespmem:s1+$0xFFFFFCC0];
	v40 =	vadd.f32 v46, v48;
	v30, _, _ =	vpop (xrf2)  }
0x28e: {  	s14 =	sadd.s32 $0x40, s14;
	v47 =	vmul.bf16 v44, v3;
	v46 =	vmul.bf16 v50, v2;
	v44 =	vadd.bf16 v43, v49;
	v43 =	vld [tilespmem:s1+$0xFFFFFDA0]  }
0x28f: {  	v48 =	vld [tilespmem:s1+$0xFFFFFD90]  }
0x290: {  	v56 =	vld [tilespmem:s1+$0xFFFFFD80]  }
0x291: {  	v37 =	vmul.bf16 v37, v0;
	v35 =	vmul.bf16 v35, v1;
	v41 =	vunpack.i.l.bf16.f32 v41;
	v58 =	vld [tilespmem:s1+$0xFFFFFF20]  }
0x292: {  	v36 =	vmul.bf16 v36, v3;
	v49 =	vld [tilespmem:s1+$0xFFFFFF10];
	v46 =	vadd.bf16 v47, v46;
	v41 =	vadd.f32 v41, v45  }
0x293: {  	v60 =	vld [tilespmem:s1+$0xFFFFFF00];
	v55 =	vunpack.i.u.bf16.f32 v44;
	v57 =	vmul.bf16 v38, v2;
	v35 =	vadd.bf16 v35, v37  }
0x294: {  	v59 =	vunpack.i.l.bf16.f32 v44;
	v39 =	vmul.bf16 v39, v1;
	v42 =	vmul.bf16 v42, v0  }
0x295: {  	v36 =	vadd.bf16 v36, v57;
	v35 =	vadd.bf16 v46, v35;
	v43 =	vmul.bf16 v43, v6  }
0x296: {  	v39 =	vadd.bf16 v39, v42;
	v61 =	vmul.bf16 v48, v5;
	v47 =	vmul.bf16 v56, v4  }
0x297: {  	v62 =	vld [tilespmem:s1+$0xA0];
	v44 =	vadd.f32 v59, v55;
	v38 =	vmul.bf16 v58, v6;
	v51 =	vmul.bf16 v49, v5  }
0x298: {  	v52 =	vld [tilespmem:s1+$0x200];
	v45 =	vmul.bf16 v60, v4;
	v46 =	vunpack.i.u.bf16.f32 v35;
	v36 =	vadd.bf16 v36, v39  }
0x299: {  	v63 =	vld [tilespmem:s1+$0x90];
	(xrf2) =	vadd.scan.msk.f32 $0xffff, v40;
	v35 =	vunpack.i.l.bf16.f32 v35;
	v33 =	vadd.bf16 v33, v43;
	v37 =	vadd.bf16 v61, v47  }
0x29a: {  	v50 =	vld [tilespmem:s1+$0x80];
	(xrf2) =	vadd.scan.msk.f32 $0xffff, v41;
	v35 =	vadd.f32 v35, v46;
	v53 =	vunpack.i.u.bf16.f32 v36;
	v36 =	vunpack.i.l.bf16.f32 v36  }
0x29b: {  	(xrf2) =	vadd.scan.msk.f32 $0xffff, v44;
	v33 =	vadd.bf16 v33, v37;
	v36 =	vadd.f32 v36, v53  }
0x29c: {  	v55 =	vadd.bf16 v51, v45;
	v34 =	vadd.bf16 v34, v38;
	(xrf2) =	vadd.scan.msk.f32 $0xffff, v35  }
0x29d: {  	v58 =	vmul.bf16 v52, v4;
	v57 =	vunpack.i.u.bf16.f32 v33;
	v33 =	vunpack.i.l.bf16.f32 v33;
	(xrf2) =	vadd.scan.msk.f32 $0xffff, v36  }
0x29e: {  	v54 =	vmul.bf16 v62, v6;
	v34 =	vadd.bf16 v34, v55;
	v33 =	vadd.f32 v33, v57  }
0x29f: {  	v56 =	vmul.bf16 v63, v5;
	v39 =	vmul.bf16 v50, v4;
	v21 =	vadd.bf16 v21, v58  }
0x2a0: {  	v31 =	vadd.bf16 v31, v54;
	v61, _, _ =	vpop (xrf2);
	v62 =	vunpack.i.u.bf16.f32 v34;
	v34 =	vunpack.i.l.bf16.f32 v34;
	(xrf2) =	vadd.scan.msk.f32 $0xffff, v33  }
0x2a1: {  	v59 =	vadd.bf16 v56, v39;
	v63, _, _ =	vpop (xrf2);
	v34 =	vadd.f32 v34, v62  }
0x2a2: {  	v19 =	vbroadcast v19, $0xF;
	v18 =	vbroadcast v18, $0xF;
	v44, _, _ =	vpop (xrf2)  }
0x2a3: {  	v22 =	vbroadcast v22, $0xF;
	v11 =	vadd.bf16 v11, v21;
	v31 =	vadd.bf16 v31, v59;
	v21, _, _ =	vpop (xrf2);
	(xrf2) =	vadd.scan.msk.f32 $0xffff, v34  }
0x2a4: {  	v25 =	vbroadcast v25, $0xF;
	v24 =	vbroadcast v24, $0xF;
	v45, _, _ =	vpop (xrf2)  }
0x2a5: {  	v30 =	vbroadcast v30, $0xF;
	v36 =	vunpack.i.u.bf16.f32 v31;
	v31 =	vunpack.i.l.bf16.f32 v31;
	v46, _, _ =	vpop (xrf2)  }
0x2a6: {  	v60 =	vunpack.i.u.bf16.f32 v10;
	v47 =	vunpack.i.u.bf16.f32 v11;
	v31 =	vadd.f32 v31, v36;
	v48, _, _ =	vpop (xrf2)  }
0x2a7: {  	v11 =	vunpack.i.l.bf16.f32 v11;
	v21 =	vbroadcast v21, $0xF;
	v34 =	vbroadcast v45, $0xF;
	v49, _, _ =	vpop (xrf2)  }
0x2a8: {  	v11 =	vadd.f32 v11, v47;
	(xrf2) =	vadd.scan.msk.f32 $0xffff, v31;
	v50 =	vbroadcast v48, $0xF;
	v38 =	vbroadcast v49, $0xF  }
0x2a9: {  	v10 =	vunpack.i.l.bf16.f32 v10;
	v36 =	vbroadcast v46, $0xF;
	v31 =	vbroadcast v61, $0xF  }
0x2aa: {  	v35 =	vbroadcast v44, $0xF;
	v33 =	vbroadcast v63, $0xF;
	(xrf2) =	vadd.scan.msk.f32 $0xffff, v11;
	v51, _, _ =	vpop (xrf2);
	v11 =	vsel vm0, v50, v38  }
0x2ab: {  	v34 =	vsel vm0, v34, v36;
	v11 =	vsel vm1, v11, v21;
	v21 =	vbroadcast v51, $0xF  }
0x2ac: {  	v10 =	vadd.f32 v10, v60;
	v34 =	vsel vm1, v34, v35;
	v11 =	vsel vm2, v11, v33  }
0x2ad: {  	v28 =	vbroadcast v28, $0xF;
	v21 =	vsel vm2, v34, v21;
	v11 =	vsel vm3, v11, v31;
	v31, _, _ =	vpop (xrf2)  }
0x2ae: {  	v32 =	vbroadcast v32, $0xF;
	(xrf2) =	vadd.scan.msk.f32 $0xffff, v10;
	v10 =	vsel vm3, v21, v30;
	v21 =	vbroadcast v31, $0xF  }
0x2af: {  	v29 =	vbroadcast v29, $0xF;
	v26 =	vbroadcast v26, $0xF  }
0x2b0: {  	v27 =	vbroadcast v27, $0xF;
	v23 =	vbroadcast v23, $0xF;
	v11 =	vsel vm4, v11, v32  }
0x2b1: {  	v20 =	vbroadcast v20, $0xF;
	v10 =	vsel vm4, v10, v26;
	v11 =	vsel vm5, v11, v29  }
0x2b2: {  	v16 =	vbroadcast v16, $0xF;
	v10 =	vsel vm5, v10, v21;
	v11 =	vsel vm6, v11, v28;
	v21, _, _ =	vpop (xrf2)  }
0x2b3: {  	v10 =	vsel vm6, v10, v23;
	v11 =	vsel vm7, v11, v27;
	v21 =	vbroadcast v21, $0xF  }
0x2b4: {  	v15 =	vbroadcast v15, $0xF;
	v10 =	vsel vm7, v10, v20;
	v11 =	vsel vm8, v11, v25  }
0x2b5: {  	v14 =	vbroadcast v14, $0xF;
	v11 =	vsel vm9, v11, v24;
	v20, _, _ =	vpop (xrf2);
	v10 =	vsel vm8, v10, v21  }
0x2b6: {  	v11 =	vsel vm10, v11, v22;
	v10 =	vsel vm9, v10, v16;
	v16 =	vbroadcast v20, $0xF  }
0x2b7: {  	v17 =	vbroadcast v17, $0xF;
	v11 =	vsel vm11, v11, v19;
	v10 =	vsel vm10, v10, v15  }
0x2b8: {  	v13 =	vbroadcast v13, $0xF;
	v11 =	vsel vm12, v11, v18;
	v10 =	vsel vm11, v10, v16  }
0x2b9: {  	v11 =	vsel vm13, v11, v17;
	v10 =	vsel vm12, v10, v14;
	v14, _, _ =	vpop (xrf2)  }
0x2ba: {  	s16 =	sshra.s32 s13, $0x2;
	v10 =	vsel vm13, v10, v13;
	v11 =	vsel vm14, v11, v14  }
0x2bb: {  	v10 =	vsel vm14, v10, v12;
	[tilespmem:v8+s16+$0x0 ss:$0x1] =	vst.idx.msk $0xffff, v11  }
0x2bc: {  	s1 =	sadd.s32 @!p0 $0x200, s11;
	s11 =	simm.s32 @!p0 $0x80;
	s13 =	simm.s32 @!p0 $0x4800;
	[tilespmem:v9+s16+$0x0 ss:$0x1] =	vst.idx.msk $0xffff, v10  }
0x2bd: {  	[tilespmem:s13], [sflag:$0x2] =	stream.indirect.gather @!p0 [hbm4b:s2+s11], $0x80, s1, s11, $0xb8;
	[tilespmem:$0xD500] =	vst v63  }
0x2be: {  	_ =	swait.ge [sflag:s21], $0x4000  }
0x2bf: {  	[sflag:s21] =	ssyncset.done $0x0  }
0x2c0: {  	s1 =	simm.s32 $0x8C00;
	[sflag:s21] =	ssyncadd.s32 $0xFFFFC000  }
0x2c1: {  	v8 =	vld [tilespmem:s1+$0x3B0]  }
0x2c2: {  	v9 =	vld [tilespmem:s1+$0x3A0]  }
0x2c3: {  	v10 =	vld [tilespmem:s1+$0x390]  }
0x2c4: {  	v11 =	vld [tilespmem:s1+$0x380]  }
0x2c5: {  	v13 =	vld [tilespmem:s1+$0x3F0]  }
0x2c6: {  	v14 =	vld [tilespmem:s1+$0x3E0]  }
0x2c7: {  	v15 =	vld [tilespmem:s1+$0x3D0]  }
0x2c8: {  	v16 =	vld [tilespmem:s1+$0x3C0]  }
0x2c9: {  	v17 =	vld [tilespmem:s1+$0x330]  }
0x2ca: {  	v18 =	vld [tilespmem:s1+$0x320]  }
0x2cb: {  	v19 =	vld [tilespmem:s1+$0x310]  }
0x2cc: {  	v20 =	vld [tilespmem:s1+$0x300]  }
0x2cd: {  	v21 =	vld [tilespmem:s1+$0x370]  }
0x2ce: {  	v22 =	vld [tilespmem:s1+$0x360]  }
0x2cf: {  	v23 =	vld [tilespmem:s1+$0x350]  }
0x2d0: {  	v24 =	vld [tilespmem:s1+$0x340]  }
0x2d1: {  	v25 =	vld [tilespmem:s1+$0x2B0]  }
0x2d2: {  	v26 =	vld [tilespmem:s1+$0x2A0]  }
0x2d3: {  	v27 =	vld [tilespmem:s1+$0x290]  }
0x2d4: {  	v28 =	vld [tilespmem:s1+$0x280]  }
0x2d5: {  	v29 =	vld [tilespmem:s1+$0x2F0]  }
0x2d6: {  	v30 =	vld [tilespmem:s1+$0x2E0]  }
0x2d7: {  	v53 =	vld [tilespmem:s1+$0x230]  }
0x2d8: {  	v54 =	vld [tilespmem:s1+$0x220]  }
0x2d9: {  	v55 =	vld [tilespmem:s1+$0x270]  }
0x2da: {  	v56 =	vld [tilespmem:s1+$0x260]  }
0x2db: {  	v57 =	vld [tilespmem:s1+$0x250]  }
0x2dc: {  	v58 =	vld [tilespmem:s1+$0x1A0];
	v9 =	vmul.bf16 v9, v6  }
0x2dd: {  	v59 =	vld [tilespmem:s1+$0x190];
	v8 =	vmul.bf16 v8, v7;
	v11 =	vmul.bf16 v11, v4  }
0x2de: {  	v61 =	vld [tilespmem:s1+$0x1F0];
	v10 =	vmul.bf16 v10, v5;
	v18 =	vmul.bf16 v18, v6  }
0x2df: {  	v62 =	vld [tilespmem:s1+$0x1C0];
	v17 =	vmul.bf16 v17, v7;
	v20 =	vmul.bf16 v20, v4  }
0x2e0: {  	v36 =	vld [tilespmem:s1+$0xE0];
	v19 =	vmul.bf16 v19, v5;
	v16 =	vmul.bf16 v16, v0  }
0x2e1: {  	v43 =	vld [tilespmem:s1+$0xD0];
	v15 =	vmul.bf16 v15, v1;
	v27 =	vmul.bf16 v27, v5  }
0x2e2: {  	v34 =	vld [tilespmem:s1+$0x20];
	v63 =	vmul.bf16 v56, v2;
	v35 =	vmul.bf16 v55, v3  }
0x2e3: {  	v32 =	vld [tilespmem:s1+$0x0];
	v37 =	vmul.bf16 v57, v1;
	v49 =	vmul.bf16 v54, v6  }
0x2e4: {  	v44 =	vld [tilespmem:s1+$0xFFFFFEF0];
	v33 =	vmul.bf16 v53, v7;
	v50 =	vmul.bf16 v58, v6  }
0x2e5: {  	v31 =	vld [tilespmem:s1+$0x2D0];
	v39 =	vmul.bf16 v59, v5;
	v41 =	vmul.bf16 v61, v3  }
0x2e6: {  	v52 =	vld [tilespmem:s1+$0x2C0];
	v42 =	vmul.bf16 v62, v0;
	v36 =	vmul.bf16 v36, v2  }
0x2e7: {  	v12 =	vld [tilespmem:s1+$0x210];
	v43 =	vmul.bf16 v43, v1;
	v34 =	vmul.bf16 v34, v6  }
0x2e8: {  	v32 =	vmul.bf16 v32, v4;
	v10 =	vadd.bf16 v10, v11;
	v8 =	vadd.bf16 v8, v9;
	v9 =	vld [tilespmem:s1+$0x240]  }
0x2e9: {  	v44 =	vmul.bf16 v44, v3;
	v11 =	vld [tilespmem:s1+$0x1B0];
	v19 =	vadd.bf16 v19, v20;
	v17 =	vadd.bf16 v17, v18  }
0x2ea: {  	v18 =	vld [tilespmem:s1+$0x1D0];
	v15 =	vadd.bf16 v15, v16;
	v16 =	vmul.bf16 v21, v3;
	v20 =	vmul.bf16 v24, v0  }
0x2eb: {  	v21 =	vmul.bf16 v23, v1;
	v23 =	vmul.bf16 v25, v7;
	v25 =	vld [tilespmem:s1+$0x110];
	v8 =	vadd.bf16 v8, v10  }
0x2ec: {  	v60 =	vld [tilespmem:s1+$0x180];
	v10 =	vmul.bf16 v14, v2;
	v14 =	vmul.bf16 v13, v3;
	v17 =	vadd.bf16 v17, v19  }
0x2ed: {  	v56 =	vld [tilespmem:s1+$0x60];
	v20 =	vadd.bf16 v21, v20;
	v13 =	vunpack.i.u.bf16.f32 v8;
	v8 =	vunpack.i.l.bf16.f32 v8  }
0x2ee: {  	v19 =	vld [tilespmem:s1+$0x130];
	v10 =	vadd.bf16 v14, v10;
	v14 =	vmul.bf16 v22, v2;
	v24 =	vunpack.i.u.bf16.f32 v17  }
0x2ef: {  	v21 =	vld [tilespmem:s1+$0x170];
	v13 =	vadd.f32 v8, v13;
	v9 =	vmul.bf16 v9, v0;
	v51 =	vmul.bf16 v11, v7  }
0x2f0: {  	v59 =	vld [tilespmem:s1+$0x40];
	v11 =	vadd.bf16 v33, v49;
	v57 =	vmul.bf16 v18, v1;
	v25 =	vmul.bf16 v25, v5  }
0x2f1: {  	v61 =	vld [tilespmem:s1+$0xFFFFFFB0];
	v10 =	vadd.bf16 v10, v15;
	v15 =	vmul.bf16 v26, v6;
	v26 =	vmul.bf16 v28, v4  }
0x2f2: {  	v22 =	vld [tilespmem:s1+$0x120];
	v16 =	vadd.bf16 v16, v14;
	v14 =	vunpack.i.l.bf16.f32 v17;
	v17 =	vmul.bf16 v30, v2  }
0x2f3: {  	v8 =	vld [tilespmem:s1+$0x1E0];
	v30 =	vmul.bf16 v31, v1;
	v14 =	vadd.f32 v14, v24;
	v9 =	vadd.bf16 v37, v9  }
0x2f4: {  	v49 =	vld [tilespmem:s1+$0xFFFFFFF0];
	v53 =	vadd.bf16 v51, v50;
	v19 =	vmul.bf16 v19, v7;
	v21 =	vmul.bf16 v21, v3  }
0x2f5: {  	v28 =	vld [tilespmem:s1+$0x100];
	v15 =	vadd.bf16 v23, v15;
	v23 =	vmul.bf16 v29, v3;
	v26 =	vadd.bf16 v27, v26  }
0x2f6: {  	v31 =	vld [tilespmem:s1+$0xF0];
	v29 =	vmul.bf16 v52, v0;
	v16 =	vadd.bf16 v16, v20;
	v52 =	vmul.bf16 v60, v4  }
0x2f7: {  	v24 =	vld [tilespmem:s1+$0x150];
	v60 =	vadd.bf16 v57, v42;
	v22 =	vmul.bf16 v22, v6;
	v15 =	vadd.bf16 v15, v26  }
0x2f8: {  	v37 =	vld [tilespmem:s1+$0x70];
	v29 =	vadd.bf16 v30, v29;
	v17 =	vadd.bf16 v23, v17;
	v30 =	vunpack.i.u.bf16.f32 v16  }
0x2f9: {  	v50 =	vld [tilespmem:s1+$0xFFFFFFD0];
	v55 =	vmul.bf16 v8, v2;
	v38 =	vadd.bf16 v39, v52;
	v39 =	vmul.bf16 v56, v2  }
0x2fa: {  	v27 =	vld [tilespmem:s1+$0x160];
	v16 =	vunpack.i.l.bf16.f32 v16;
	v40 =	vmul.bf16 v49, v3;
	v28 =	vmul.bf16 v28, v4  }
0x2fb: {  	v51 =	vld [tilespmem:s1+$0xFFFFFFC0];
	(xrf2) =	vadd.scan.msk.f32 $0xffff, v13;
	v22 =	vadd.bf16 v19, v22;
	v31 =	vmul.bf16 v31, v3;
	v23 =	vunpack.i.u.bf16.f32 v15  }
0x2fc: {  	(xrf2) =	vadd.scan.msk.f32 $0xffff, v14;
	v14 =	vld [tilespmem:s1+$0xFFFFFDE0];
	v29 =	vadd.bf16 v17, v29;
	v15 =	vunpack.i.l.bf16.f32 v15;
	v17 =	vadd.f32 v16, v30  }
0x2fd: {  	v26 =	vld [tilespmem:s1+$0x140];
	v30 =	vadd.bf16 v35, v63;
	v33 =	vadd.bf16 v53, v38;
	v24 =	vmul.bf16 v24, v1  }
0x2fe: {  	v52 =	vld [tilespmem:s1+$0xFFFFFF70];
	v58 =	vadd.bf16 v41, v55;
	v37 =	vmul.bf16 v37, v3;
	v38 =	vmul.bf16 v59, v0  }
0x2ff: {  	v63 =	vld [tilespmem:s1+$0xFFFFFFA0];
	v41 =	vmul.bf16 v61, v7;
	v15 =	vadd.f32 v15, v23;
	v27 =	vmul.bf16 v27, v2  }
0x300: {  	v23 =	vld [tilespmem:s1+$0xC0];
	v25 =	vadd.bf16 v25, v28;
	v31 =	vadd.bf16 v31, v36;
	v48 =	vunpack.i.u.bf16.f32 v29  }
0x301: {  	v28 =	vld [tilespmem:s1+$0xFFFFFF80];
	v16 =	vunpack.i.l.bf16.f32 v29;
	v9 =	vadd.bf16 v30, v9;
	v62 =	vunpack.i.u.bf16.f32 v33  }
0x302: {  	v29 =	vld [tilespmem:s1+$0x30];
	v35 =	vadd.bf16 v58, v60;
	v19 =	vunpack.i.l.bf16.f32 v33;
	v60 =	vmul.bf16 v50, v1  }
0x303: {  	v30 =	vld [tilespmem:s1+$0x10];
	v14 =	vmul.bf16 v14, v2;
	v16 =	vadd.f32 v16, v48;
	v19 =	vadd.f32 v19, v62  }
0x304: {  	v58 =	vld [tilespmem:s1+$0xFFFFFEE0];
	v26 =	vmul.bf16 v26, v0;
	v22 =	vadd.bf16 v22, v25;
	v21 =	vadd.bf16 v21, v27  }
0x305: {  	v48 =	vld [tilespmem:s1+$0xFFFFFF90];
	v36 =	vmul.bf16 v52, v3;
	v54 =	vunpack.i.u.bf16.f32 v9;
	v9 =	vunpack.i.l.bf16.f32 v9  }
0x306: {  	(xrf2) =	vadd.scan.msk.f32 $0xffff, v17;
	v27 =	vld [tilespmem:s1+$0xFFFFFFE0];
	v25 =	vunpack.i.u.bf16.f32 v35;
	v18 =	vadd.f32 v9, v54;
	v24 =	vadd.bf16 v24, v26  }
0x307: {  	(xrf2) =	vadd.scan.msk.f32 $0xffff, v15;
	v15 =	vld [tilespmem:s1+$0xFFFFFDC0];
	v26 =	vunpack.i.l.bf16.f32 v35;
	v56 =	vmul.bf16 v63, v6;
	v35 =	vmul.bf16 v51, v0  }
0x308: {  	v45 =	vld [tilespmem:s1+$0xFFFFFEB0];
	v23 =	vmul.bf16 v23, v0;
	v25 =	vadd.f32 v26, v25;
	v28 =	vmul.bf16 v28, v4  }
0x309: {  	v46 =	vld [tilespmem:s1+$0xFFFFFD20];
	v21 =	vadd.bf16 v21, v24;
	v24 =	vunpack.i.u.bf16.f32 v22;
	v22 =	vunpack.i.l.bf16.f32 v22  }
0x30a: {  	v9 =	vld [tilespmem:s1+$0x50];
	v29 =	vmul.bf16 v29, v7;
	v30 =	vmul.bf16 v30, v5;
	v35 =	vadd.bf16 v60, v35  }
0x30b: {  	v59 =	vld [tilespmem:s1+$0xFFFFFEC0];
	v58 =	vmul.bf16 v58, v2;
	v23 =	vadd.bf16 v43, v23;
	v33 =	vmul.bf16 v48, v5  }
0x30c: {  	v63 =	vld [tilespmem:s1+$0xFFFFFE10];
	v22 =	vadd.f32 v22, v24;
	v27 =	vmul.bf16 v27, v2;
	v15 =	vmul.bf16 v15, v0  }
0x30d: {  	v47 =	vld [tilespmem:s1+$0xFFFFFD10];
	v53 =	vunpack.i.u.bf16.f32 v21;
	v29 =	vadd.bf16 v29, v34;
	v30 =	vadd.bf16 v30, v32  }
0x30e: {  	v24 =	vld [tilespmem:s1+$0xFFFFFF60];
	v21 =	vunpack.i.l.bf16.f32 v21;
	v60 =	vadd.bf16 v44, v58;
	v23 =	vadd.bf16 v31, v23  }
0x30f: {  	v32 =	vld [tilespmem:s1+$0xFFFFFEA0];
	v43 =	vadd.f32 v21, v53;
	v55 =	vmul.bf16 v9, v1;
	v28 =	vadd.bf16 v33, v28  }
0x310: {  	v34 =	vld [tilespmem:s1+$0xFFFFFE90];
	v27 =	vadd.bf16 v40, v27;
	v33 =	vmul.bf16 v59, v0;
	v29 =	vadd.bf16 v29, v30  }
0x311: {  	v21 =	vld [tilespmem:s1+$0xFFFFFF40];
	v63 =	vmul.bf16 v63, v5;
	v30 =	vadd.bf16 v37, v39;
	v39 =	vadd.bf16 v41, v56  }
0x312: {  	v31 =	vld [tilespmem:s1+$0xFFFFFF50];
	v54 =	vunpack.i.u.bf16.f32 v23;
	v23 =	vunpack.i.l.bf16.f32 v23;
	v38 =	vadd.bf16 v55, v38  }
0x313: {  	v42 =	vld [tilespmem:s1+$0xFFFFFE30];
	v56 =	vmul.bf16 v45, v7;
	v27 =	vadd.bf16 v27, v35;
	v23 =	vadd.f32 v23, v54  }
0x314: {  	v37 =	vld [tilespmem:s1+$0xFFFFFE80];
	v57 =	vunpack.i.u.bf16.f32 v29;
	v29 =	vunpack.i.l.bf16.f32 v29;
	v28 =	vadd.bf16 v39, v28  }
0x315: {  	v17 =	vld [tilespmem:s1+$0xFFFFFDD0];
	v24 =	vmul.bf16 v24, v2;
	v30 =	vadd.bf16 v30, v38;
	v32 =	vmul.bf16 v32, v6  }
0x316: {  	v62 =	vld [tilespmem:s1+$0xFFFFFE20];
	v29 =	vadd.f32 v29, v57;
	v34 =	vmul.bf16 v34, v5;
	v21 =	vmul.bf16 v21, v0  }
0x317: {  	v55 =	vld [tilespmem:s1+$0xFFFFFE50];
	v31 =	vmul.bf16 v31, v1;
	v53 =	vunpack.i.u.bf16.f32 v28;
	v24 =	vadd.bf16 v36, v24  }
0x318: {  	v38 =	vld [tilespmem:s1+$0xFFFFFED0];
	v28 =	vunpack.i.l.bf16.f32 v28;
	v61 =	vunpack.i.u.bf16.f32 v30;
	v30 =	vunpack.i.l.bf16.f32 v30  }
0x319: {  	v52 =	vld [tilespmem:s1+$0xFFFFFE00];
	v28 =	vadd.f32 v28, v53;
	v37 =	vmul.bf16 v37, v4;
	v32 =	vadd.bf16 v56, v32  }
0x31a: {  	v54 =	vld [tilespmem:s1+$0xFFFFFE70];
	v53 =	vmul.bf16 v17, v1;
	v39 =	vadd.f32 v30, v61;
	v21 =	vadd.bf16 v31, v21  }
0x31b: {  	(xrf2) =	vadd.scan.msk.f32 $0xffff, v16;
	v31 =	vld [tilespmem:s1+$0xFFFFFE60];
	v30 =	vunpack.i.u.bf16.f32 v27;
	v27 =	vunpack.i.l.bf16.f32 v27;
	v61 =	vmul.bf16 v42, v7  }
0x31c: {  	(xrf2) =	vadd.scan.msk.f32 $0xffff, v18;
	v35 =	vmul.bf16 v55, v1;
	v34 =	vadd.bf16 v34, v37;
	v21 =	vadd.bf16 v24, v21;
	v24 =	vld [tilespmem:s1+$0xFFFFFE40]  }
0x31d: {  	v16 =	vld [tilespmem:s1+$0xFFFFFD30];
	(xrf2) =	vadd.scan.msk.f32 $0xffff, v19;
	v27 =	vadd.f32 v27, v30;
	v15 =	vadd.bf16 v53, v15;
	v59 =	vmul.bf16 v38, v1  }
0x31e: {  	(xrf2) =	vadd.scan.msk.f32 $0xffff, v25;
	v25 =	vld [tilespmem:s1+$0xFFFFFD00];
	v32 =	vadd.bf16 v32, v34;
	v57 =	vunpack.i.u.bf16.f32 v21;
	v21 =	vunpack.i.l.bf16.f32 v21  }
0x31f: {  	v13 =	vld [tilespmem:s1+$0xFFFFFDF0];
	v36 =	vadd.f32 v21, v57;
	v21 =	vmul.bf16 v12, v5;
	v12 =	vmul.bf16 v62, v6  }
0x320: {  	v20 =	vld [tilespmem:s1+$0xB0];
	v33 =	vadd.bf16 v59, v33;
	v62 =	vmul.bf16 v52, v4;
	v19 =	vmul.bf16 v31, v2  }
0x321: {  	v50 =	vld [tilespmem:s1+$0xFFFFFD70];
	v31 =	vmul.bf16 v54, v3;
	v12 =	vadd.bf16 v61, v12;
	v24 =	vmul.bf16 v24, v0  }
0x322: {  	v51 =	vld [tilespmem:s1+$0xFFFFFD60];
	(xrf2) =	vadd.scan.msk.f32 $0xffff, v22;
	v16 =	vmul.bf16 v16, v7;
	v18 =	vadd.bf16 v60, v33;
	v49 =	vadd.bf16 v63, v62  }
0x323: {  	v26 =	vld [tilespmem:s1+$0xFFFFFF30];
	(xrf2) =	vadd.scan.msk.f32 $0xffff, v43;
	v25 =	vmul.bf16 v25, v4;
	v19 =	vadd.bf16 v31, v19;
	v24 =	vadd.bf16 v35, v24  }
0x324: {  	(xrf2) =	vadd.scan.msk.f32 $0xffff, v23;
	v23 =	vld [tilespmem:s1+$0xFFFFFD50];
	v45 =	vunpack.i.u.bf16.f32 v32;
	v32 =	vunpack.i.l.bf16.f32 v32;
	v17 =	vunpack.i.l.bf16.f32 v18  }
0x325: {  	v54 =	vld [tilespmem:s1+$0xFFFFFC30];
	v31 =	vunpack.i.u.bf16.f32 v18;
	v22 =	vadd.bf16 v12, v49;
	v12, _, _ =	vpop (xrf2);
	v18 =	vadd.bf16 v19, v24  }
0x326: {  	v37 =	vmul.bf16 v50, v3;
	v52 =	vmul.bf16 v13, v3;
	v32 =	vadd.f32 v32, v45;
	v62 =	vld [tilespmem:s1+$0xFFFFFC90];
	(xrf2) =	vadd.scan.msk.f32 $0xffff, v29;
	v13, _, _ =	vpop (xrf2)  }
0x327: {  	v29 =	vld [tilespmem:s1+$0xFFFFFD40];
	v19 =	vunpack.i.u.bf16.f32 v22;
	v24 =	vadd.f32 v17, v31;
	v22 =	vunpack.i.l.bf16.f32 v22;
	(xrf2) =	vadd.scan.msk.f32 $0xffff, v39;
	v17, _, _ =	vpop (xrf2)  }
0x328: {  	v58 =	vld [tilespmem:s1+$0xFFFFFC00];
	v31 =	vadd.bf16 v52, v14;
	v57 =	vadd.f32 v22, v19;
	v22 =	vmul.bf16 v46, v6;
	v14, _, _ =	vpop (xrf2);
	(xrf2) =	vadd.scan.msk.f32 $0xffff, v28  }
0x329: {  	v33 =	vmul.bf16 v47, v5;
	v61 =	vld [tilespmem:s1+$0xFFFFFCA0];
	v55 =	vunpack.i.u.bf16.f32 v18;
	v56 =	vunpack.i.l.bf16.f32 v18;
	v18, _, _ =	vpop (xrf2);
	(xrf2) =	vadd.scan.msk.f32 $0xffff, v27  }
0x32a: {  	v8 =	vmov s3;
	v34 =	vmul.bf16 v51, v2;
	v23 =	vmul.bf16 v23, v1;
	v28 =	vld [tilespmem:s1+$0xFFFFFC20];
	v19, _, _ =	vpop (xrf2);
	(xrf2) =	vadd.scan.msk.f32 $0xffff, v36  }
0x32b: {  	v63 =	vld [tilespmem:s1+$0xFFFFFC80];
	v25 =	vadd.bf16 v33, v25;
	v51 =	vmul.bf16 v54, v7;
	v31 =	vadd.bf16 v31, v15;
	v15, _, _ =	vpop (xrf2);
	(xrf2) =	vadd.scan.msk.f32 $0xffff, v32  }
0x32c: {  	v33 =	vmul.bf16 v62, v5;
	v59 =	vadd.bf16 v16, v22;
	v27 =	vld [tilespmem:s1+$0xFFFFFC10];
	v29 =	vmul.bf16 v29, v0;
	v22, _, _ =	vpop (xrf2);
	(xrf2) =	vadd.scan.msk.f32 $0xffff, v24  }
0x32d: {  	v42 =	vadd.f32 v56, v55;
	v60 =	vunpack.i.u.bf16.f32 v31;
	v31 =	vunpack.i.l.bf16.f32 v31;
	v32 =	vld [tilespmem:s1+$0xFFFFFCB0];
	v16, _, _ =	vpop (xrf2);
	(xrf2) =	vadd.scan.msk.f32 $0xffff, v57  }
0x32e: {  	v30 =	vld [tilespmem:s1+$0xFFFFFDB0];
	v40 =	vadd.f32 v31, v60;
	v31 =	vmul.bf16 v20, v7;
	v23 =	vadd.bf16 v23, v29;
	v24, _, _ =	vpop (xrf2)  }
0x32f: {  	v38 =	vld [tilespmem:s1+$0xFFFFFCE0];
	v50 =	vadd.bf16 v59, v25;
	v60 =	vmul.bf16 v61, v6;
	v28 =	vmul.bf16 v28, v6;
	(xrf2) =	vadd.scan.msk.f32 $0xffff, v42;
	v25, _, _ =	vpop (xrf2)  }
0x330: {  	v34 =	vadd.bf16 v37, v34;
	v54 =	vld [tilespmem:s1+$0xFFFFFC60];
	v61 =	vmul.bf16 v63, v4;
	v29 =	vmul.bf16 v58, v4;
	v20, _, _ =	vpop (xrf2)  }
0x331: {  	v52 =	vld [tilespmem:s1+$0xFFFFFC70];
	v55 =	vunpack.i.u.bf16.f32 v50;
	v58 =	vunpack.i.l.bf16.f32 v50;
	v53 =	vmul.bf16 v27, v5;
	v27, _, _ =	vpop (xrf2)  }
0x332: {  	v37 =	vld [tilespmem:s1+$0xFFFFFC40];
	v50 =	vadd.f32 v58, v55;
	v57 =	vadd.bf16 v34, v23;
	(xrf2) =	vadd.scan.msk.f32 $0xffff, v40;
	v32 =	vmul.bf16 v32, v7;
	v23, _, _ =	vpop (xrf2)  }
0x333: {  	v9 =	vmov s0;
	v35 =	vld [tilespmem:s1+$0xFFFFFC50];
	v56 =	vadd.bf16 v51, v28;
	v59 =	vadd.bf16 v53, v29;
	v28, _, _ =	vpop (xrf2)  }
0x334: {  	v39 =	vld [tilespmem:s1+$0xFFFFFCD0];
	v49 =	vadd.bf16 v33, v61;
	v34 =	vmul.bf16 v26, v7;
	v62 =	vunpack.i.u.bf16.f32 v57;
	v29, _, _ =	vpop (xrf2)  }
0x335: {  	v36 =	vld [tilespmem:s1+$0xFFFFFCF0];
	v63 =	vunpack.i.l.bf16.f32 v57;
	(xrf2) =	vadd.scan.msk.f32 $0xffff, v50;
	v41 =	vadd.bf16 v56, v59;
	v48 =	vadd.bf16 v32, v60;
	v26, _, _ =	vpop (xrf2)  }
0x336: {  	v46 =	vmul.bf16 v54, v2;
	v47 =	vmul.bf16 v52, v3;
	v42 =	vld [tilespmem:s1+$0xFFFFFCC0];
	v40 =	vadd.f32 v63, v62;
	v32, _, _ =	vpop (xrf2)  }
0x337: {  	s11 =	simm.s32 $0x0;
	s13 =	simm.s32 $0x40;
	v43 =	vld [tilespmem:s1+$0xFFFFFDA0];
	v33 =	vmul.bf16 v30, v7;
	v45 =	vunpack.i.u.bf16.f32 v41;
	v44 =	vadd.bf16 v48, v49;
	v30, _, _ =	vpop (xrf2)  }
.LBB2_8:
0x338: {  	p0 =	sne.s32 s13, $0x1C0;
	v37 =	vmul.bf16 v37, v0;
	v35 =	vmul.bf16 v35, v1;
	v41 =	vunpack.i.l.bf16.f32 v41;
	v48 =	vld [tilespmem:s1+$0xFFFFFD90];
	(xrf2) =	vadd.scan.msk.f32 $0xffff, v40  }
0x339: {  	v40 =	vadd.bf16 v47, v46;
	v41 =	vadd.f32 v41, v45;
	v45 =	vunpack.i.u.bf16.f32 v44;
	v46 =	vld [tilespmem:s1+$0xFFFFFD80];
	v47, _, _ =	vpop (xrf2)  }
0x33a: {  	v36 =	vmul.bf16 v36, v3;
	v35 =	vadd.bf16 v35, v37;
	v37 =	vmul.bf16 v38, v2;
	v38 =	vld [tilespmem:s1+$0xFFFFFF20]  }
0x33b: {  	v50 =	vunpack.i.l.bf16.f32 v44;
	v39 =	vmul.bf16 v39, v1;
	v42 =	vmul.bf16 v42, v0;
	v49 =	vld [tilespmem:s1+$0xFFFFFF10];
	(xrf2) =	vadd.scan.msk.f32 $0xffff, v41  }
0x33c: {  	v50 =	vadd.f32 v50, v45;
	v35 =	vadd.bf16 v40, v35;
	v41 =	vmul.bf16 v43, v6;
	v43 =	vld [tilespmem:s1+$0xFFFFFF00];
	v44, _, _ =	vpop (xrf2)  }
0x33d: {  	v36 =	vadd.bf16 v36, v37;
	v39 =	vadd.bf16 v39, v42;
	v37 =	vmul.bf16 v48, v5;
	v42 =	vld [tilespmem:s1+$0xA0]  }
0x33e: {  	v45 =	vunpack.i.u.bf16.f32 v35;
	v35 =	vunpack.i.l.bf16.f32 v35;
	v46 =	vmul.bf16 v46, v4;
	v48 =	vld [tilespmem:s1+$0x90];
	(xrf2) =	vadd.scan.msk.f32 $0xffff, v50  }
0x33f: {  	v35 =	vadd.f32 v35, v45;
	v36 =	vadd.bf16 v36, v39;
	v38 =	vmul.bf16 v38, v6;
	v39 =	vld [tilespmem:s1+$0x80];
	v40, _, _ =	vpop (xrf2)  }
0x340: {  	v33 =	vadd.bf16 v33, v41;
	v50 =	vadd.bf16 v37, v46;
	v41 =	vmul.bf16 v49, v5;
	v45 =	vld [tilespmem:s1+$0x200]  }
0x341: {  	v46 =	vunpack.i.u.bf16.f32 v36;
	v36 =	vunpack.i.l.bf16.f32 v36;
	v43 =	vmul.bf16 v43, v4;
	(xrf2) =	vadd.scan.msk.f32 $0xffff, v35  }
0x342: {  	v35 =	vadd.f32 v36, v46;
	v33 =	vadd.bf16 v33, v50;
	v36 =	vmul.bf16 v42, v6;
	v37, _, _ =	vpop (xrf2)  }
0x343: {  	v34 =	vadd.bf16 v34, v38;
	v43 =	vadd.bf16 v41, v43;
	v38 =	vmul.bf16 v48, v5  }
0x344: {  	v42 =	vunpack.i.u.bf16.f32 v33;
	v33 =	vunpack.i.l.bf16.f32 v33;
	v39 =	vmul.bf16 v39, v4;
	(xrf2) =	vadd.scan.msk.f32 $0xffff, v35  }
0x345: {  	v33 =	vadd.f32 v33, v42;
	v43 =	vadd.bf16 v34, v43;
	v35 =	vmul.bf16 v45, v4;
	v41, _, _ =	vpop (xrf2)  }
0x346: {  	v31 =	vadd.bf16 v31, v36;
	v36 =	vunpack.i.u.bf16.f32 v10;
	v38 =	vadd.bf16 v38, v39  }
0x347: {  	v39 =	vunpack.i.u.bf16.f32 v43;
	v42 =	vunpack.i.l.bf16.f32 v43;
	v21 =	vadd.bf16 v21, v35;
	(xrf2) =	vadd.scan.msk.f32 $0xffff, v33  }
0x348: {  	v17 =	vbroadcast v17, $0xF;
	v33 =	vadd.f32 v42, v39;
	v38 =	vadd.bf16 v31, v38;
	v34, _, _ =	vpop (xrf2)  }
0x349: {  	v19 =	vbroadcast v19, $0xF;
	v18 =	vbroadcast v18, $0xF;
	v11 =	vadd.bf16 v11, v21  }
0x34a: {  	v22 =	vbroadcast v22, $0xF;
	v21 =	vunpack.i.u.bf16.f32 v38;
	v35 =	vunpack.i.l.bf16.f32 v38;
	(xrf2) =	vadd.scan.msk.f32 $0xffff, v33  }
0x34b: {  	v25 =	vbroadcast v25, $0xF;
	v24 =	vbroadcast v24, $0xF;
	v21 =	vadd.f32 v35, v21;
	v31, _, _ =	vpop (xrf2)  }
0x34c: {  	v28 =	vbroadcast v28, $0xF;
	v27 =	vbroadcast v27, $0xF;
	v38 =	vunpack.i.u.bf16.f32 v11  }
0x34d: {  	v32 =	vbroadcast v32, $0xF;
	v29 =	vbroadcast v29, $0xF;
	v11 =	vunpack.i.l.bf16.f32 v11;
	(xrf2) =	vadd.scan.msk.f32 $0xffff, v21  }
0x34e: {  	v35 =	vbroadcast v47, $0xF;
	v11 =	vadd.f32 v11, v38;
	v21 =	vbroadcast v37, $0xF;
	v33, _, _ =	vpop (xrf2)  }
0x34f: {  	v10 =	vunpack.i.l.bf16.f32 v10;
	v31 =	vbroadcast v31, $0xF;
	v33 =	vbroadcast v33, $0xF  }
0x350: {  	v10 =	vadd.f32 v10, v36;
	v34 =	vbroadcast v34, $0xF;
	v37 =	vbroadcast v41, $0xF;
	(xrf2) =	vadd.scan.msk.f32 $0xffff, v11  }
0x351: {  	v38 =	vbroadcast v40, $0xF;
	v11 =	vsel vm0, v31, v33;
	v33 =	vbroadcast v44, $0xF;
	v36, _, _ =	vpop (xrf2)  }
0x352: {  	v34 =	vsel vm0, v37, v34;
	v11 =	vsel vm1, v11, v21;
	v21 =	vbroadcast v36, $0xF  }
0x353: {  	v30 =	vbroadcast v30, $0xF;
	v34 =	vsel vm1, v34, v38;
	v11 =	vsel vm2, v11, v33  }
0x354: {  	v26 =	vbroadcast v26, $0xF;
	v21 =	vsel vm2, v34, v21;
	v11 =	vsel vm3, v11, v35;
	v31, _, _ =	vpop (xrf2);
	(xrf2) =	vadd.scan.msk.f32 $0xffff, v10  }
0x355: {  	v10 =	vsel vm3, v21, v30;
	v11 =	vsel vm4, v11, v32;
	v30 =	vbroadcast v31, $0xF  }
0x356: {  	v23 =	vbroadcast v23, $0xF;
	v10 =	vsel vm4, v10, v26;
	v11 =	vsel vm5, v11, v29  }
0x357: {  	v26 =	vbroadcast v20, $0xF;
	v10 =	vsel vm5, v10, v30;
	v11 =	vsel vm6, v11, v28;
	v21, _, _ =	vpop (xrf2)  }
0x358: {  	v10 =	vsel vm6, v10, v23;
	v11 =	vsel vm7, v11, v27;
	v21 =	vbroadcast v21, $0xF  }
0x359: {  	v16 =	vbroadcast v16, $0xF;
	v10 =	vsel vm7, v10, v26;
	v11 =	vsel vm8, v11, v25  }
0x35a: {  	v15 =	vbroadcast v15, $0xF;
	v10 =	vsel vm8, v10, v21;
	v11 =	vsel vm9, v11, v24;
	v20, _, _ =	vpop (xrf2)  }
0x35b: {  	v10 =	vsel vm9, v10, v16;
	v11 =	vsel vm10, v11, v22;
	v16 =	vbroadcast v20, $0xF  }
0x35c: {  	v10 =	vsel vm10, v10, v15;
	v11 =	vsel vm11, v11, v19;
	v15 =	vbroadcast v14, $0xF  }
0x35d: {  	v13 =	vbroadcast v13, $0xF;
	v10 =	vsel vm11, v10, v16;
	v11 =	vsel vm12, v11, v18  }
0x35e: {  	v10 =	vsel vm12, v10, v15;
	v11 =	vsel vm13, v11, v17;
	v14, _, _ =	vpop (xrf2)  }
0x35f: {  	s14 =	sshra.s32 s11, $0x2;
	s11 =	smov.u32 s13;
	v10 =	vsel vm13, v10, v13;
	v11 =	vsel vm14, v11, v14  }
0x360: {  	v10 =	vsel vm14, v10, v12;
	[tilespmem:v8+s14+$0x0 ss:$0x1] =	vst.idx.msk $0xffff, v11  }
0x361: {  	s1 =	sadd.s32 $0x800, s1;
	[tilespmem:v9+s14+$0x0 ss:$0x1] =	vst.idx.msk $0xffff, v10  }
0x362: {  	v10 =	vld [tilespmem:s1+$0x3B0]  }
0x363: {  	v11 =	vld [tilespmem:s1+$0x3A0]  }
0x364: {  	v12 =	vld [tilespmem:s1+$0x390]  }
0x365: {  	v13 =	vld [tilespmem:s1+$0x380]  }
0x366: {  	v14 =	vld [tilespmem:s1+$0x3F0]  }
0x367: {  	v15 =	vld [tilespmem:s1+$0x3E0]  }
0x368: {  	v16 =	vld [tilespmem:s1+$0x3D0]  }
0x369: {  	v17 =	vld [tilespmem:s1+$0x3C0]  }
0x36a: {  	v18 =	vld [tilespmem:s1+$0x330]  }
0x36b: {  	v19 =	vld [tilespmem:s1+$0x320]  }
0x36c: {  	v21 =	vld [tilespmem:s1+$0x310]  }
0x36d: {  	v22 =	vld [tilespmem:s1+$0x300]  }
0x36e: {  	v23 =	vld [tilespmem:s1+$0x370]  }
0x36f: {  	v24 =	vld [tilespmem:s1+$0x360]  }
0x370: {  	v25 =	vld [tilespmem:s1+$0x350]  }
0x371: {  	v26 =	vld [tilespmem:s1+$0x340]  }
0x372: {  	v27 =	vld [tilespmem:s1+$0x2B0]  }
0x373: {  	v28 =	vld [tilespmem:s1+$0x2A0]  }
0x374: {  	v29 =	vld [tilespmem:s1+$0x290]  }
0x375: {  	v30 =	vld [tilespmem:s1+$0x280]  }
0x376: {  	v31 =	vld [tilespmem:s1+$0x2F0]  }
0x377: {  	v32 =	vld [tilespmem:s1+$0x2E0]  }
0x378: {  	v33 =	vld [tilespmem:s1+$0x2D0]  }
0x379: {  	v34 =	vld [tilespmem:s1+$0x2C0]  }
0x37a: {  	v35 =	vld [tilespmem:s1+$0x230]  }
0x37b: {  	v36 =	vld [tilespmem:s1+$0x220]  }
0x37c: {  	v10 =	vmul.bf16 v10, v7;
	v11 =	vmul.bf16 v11, v6;
	v20 =	vld [tilespmem:s1+$0x210]  }
0x37d: {  	v12 =	vmul.bf16 v12, v5;
	v13 =	vmul.bf16 v13, v4;
	v37 =	vld [tilespmem:s1+$0x270]  }
0x37e: {  	v38 =	vld [tilespmem:s1+$0x260]  }
0x37f: {  	v10 =	vadd.bf16 v10, v11;
	v12 =	vadd.bf16 v12, v13;
	v39 =	vld [tilespmem:s1+$0x250]  }
0x380: {  	v11 =	vld [tilespmem:s1+$0x240]  }
0x381: {  	v10 =	vadd.bf16 v10, v12;
	v13 =	vld [tilespmem:s1+$0x1B0]  }
0x382: {  	v14 =	vmul.bf16 v14, v3;
	v15 =	vmul.bf16 v15, v2;
	v12 =	vld [tilespmem:s1+$0x1A0]  }
0x383: {  	v18 =	vmul.bf16 v18, v7;
	v19 =	vmul.bf16 v19, v6;
	v41 =	vunpack.i.u.bf16.f32 v10;
	v40 =	vld [tilespmem:s1+$0x190]  }
0x384: {  	v10 =	vunpack.i.l.bf16.f32 v10;
	v21 =	vmul.bf16 v21, v5;
	v22 =	vmul.bf16 v22, v4;
	v42 =	vld [tilespmem:s1+$0x180]  }
0x385: {  	v16 =	vmul.bf16 v16, v1;
	v17 =	vmul.bf16 v17, v0;
	v41 =	vadd.f32 v10, v41;
	v43 =	vld [tilespmem:s1+$0x1F0]  }
0x386: {  	v18 =	vadd.bf16 v18, v19;
	v10 =	vadd.bf16 v21, v22;
	v44 =	vld [tilespmem:s1+$0x1E0]  }
0x387: {  	v14 =	vadd.bf16 v14, v15;
	v16 =	vadd.bf16 v16, v17;
	v19 =	vld [tilespmem:s1+$0x1D0]  }
0x388: {  	v17 =	vmul.bf16 v24, v2;
	v21 =	vmul.bf16 v23, v3;
	v18 =	vadd.bf16 v18, v10;
	v15 =	vld [tilespmem:s1+$0x1C0]  }
0x389: {  	v24 =	vmul.bf16 v25, v1;
	v23 =	vmul.bf16 v26, v0;
	v10 =	vadd.bf16 v14, v16;
	v22 =	vld [tilespmem:s1+$0x130]  }
0x38a: {  	v25 =	vmul.bf16 v27, v7;
	v16 =	vmul.bf16 v28, v6;
	v26 =	vunpack.i.u.bf16.f32 v18;
	v14 =	vld [tilespmem:s1+$0x120]  }
0x38b: {  	v17 =	vadd.bf16 v21, v17;
	v29 =	vmul.bf16 v29, v5;
	v28 =	vmul.bf16 v30, v4;
	v27 =	vld [tilespmem:s1+$0x110]  }
0x38c: {  	v23 =	vadd.bf16 v24, v23;
	v18 =	vunpack.i.l.bf16.f32 v18;
	v16 =	vadd.bf16 v25, v16;
	v21 =	vld [tilespmem:s1+$0x100]  }
0x38d: {  	v30 =	vmul.bf16 v31, v3;
	v25 =	vmul.bf16 v32, v2;
	v28 =	vadd.bf16 v29, v28;
	v24 =	vld [tilespmem:s1+$0x170]  }
0x38e: {  	v18 =	vadd.f32 v18, v26;
	v32 =	vmul.bf16 v33, v1;
	v31 =	vmul.bf16 v34, v0;
	v29 =	vld [tilespmem:s1+$0x160]  }
0x38f: {  	v17 =	vadd.bf16 v17, v23;
	v16 =	vadd.bf16 v16, v28;
	v33 =	vld [tilespmem:s1+$0x150]  }
0x390: {  	v25 =	vadd.bf16 v30, v25;
	v28 =	vadd.bf16 v32, v31;
	v23 =	vld [tilespmem:s1+$0x140]  }
0x391: {  	v30 =	vunpack.i.u.bf16.f32 v16;
	v31 =	vunpack.i.u.bf16.f32 v17;
	v17 =	vunpack.i.l.bf16.f32 v17;
	v26 =	vld [tilespmem:s1+$0xB0]  }
0x392: {  	v37 =	vmul.bf16 v37, v3;
	v25 =	vadd.bf16 v25, v28;
	v34 =	vmul.bf16 v38, v2;
	v32 =	vld [tilespmem:s1+$0xF0]  }
0x393: {  	v16 =	vunpack.i.l.bf16.f32 v16;
	v38 =	vmul.bf16 v39, v1;
	v11 =	vmul.bf16 v11, v0;
	v28 =	vld [tilespmem:s1+$0xE0]  }
0x394: {  	v16 =	vadd.f32 v16, v30;
	v17 =	vadd.f32 v17, v31;
	v45 =	vunpack.i.u.bf16.f32 v25;
	v39 =	vld [tilespmem:s1+$0xD0]  }
0x395: {  	v25 =	vunpack.i.l.bf16.f32 v25;
	v31 =	vadd.bf16 v37, v34;
	v11 =	vadd.bf16 v38, v11;
	v30 =	vld [tilespmem:s1+$0xC0]  }
0x396: {  	v35 =	vmul.bf16 v35, v7;
	v36 =	vmul.bf16 v36, v6;
	v25 =	vadd.f32 v25, v45;
	v34 =	vld [tilespmem:s1+$0x30]  }
0x397: {  	v13 =	vmul.bf16 v13, v7;
	v12 =	vmul.bf16 v12, v6;
	v31 =	vadd.bf16 v31, v11;
	v37 =	vld [tilespmem:s1+$0x20];
	(xrf2) =	vadd.scan.msk.f32 $0xffff, v41  }
0x398: {  	v40 =	vmul.bf16 v40, v5;
	v11 =	vadd.bf16 v35, v36;
	v41 =	vmul.bf16 v42, v4;
	v38 =	vld [tilespmem:s1+$0x10]  }
0x399: {  	v12 =	vadd.bf16 v13, v12;
	v13 =	vunpack.i.u.bf16.f32 v31;
	v31 =	vunpack.i.l.bf16.f32 v31;
	v35 =	vld [tilespmem:s1+$0x0]  }
0x39a: {  	v43 =	vmul.bf16 v43, v3;
	v42 =	vmul.bf16 v44, v2;
	v40 =	vadd.bf16 v40, v41;
	v36 =	vld [tilespmem:s1+$0x70];
	(xrf2) =	vadd.scan.msk.f32 $0xffff, v18  }
0x39b: {  	v19 =	vmul.bf16 v19, v1;
	v31 =	vadd.f32 v31, v13;
	v15 =	vmul.bf16 v15, v0;
	v18 =	vld [tilespmem:s1+$0x60]  }
0x39c: {  	v13 =	vadd.bf16 v43, v42;
	v12 =	vadd.bf16 v12, v40;
	v41 =	vld [tilespmem:s1+$0x50]  }
0x39d: {  	v22 =	vmul.bf16 v22, v7;
	v14 =	vmul.bf16 v14, v6;
	v15 =	vadd.bf16 v19, v15;
	v40 =	vld [tilespmem:s1+$0x40];
	(xrf2) =	vadd.scan.msk.f32 $0xffff, v17  }
0x39e: {  	v17 =	vmul.bf16 v21, v4;
	v21 =	vmul.bf16 v27, v5;
	v27 =	vunpack.i.u.bf16.f32 v12;
	v19 =	vld [tilespmem:s1+$0xFFFFFFB0]  }
0x39f: {  	v14 =	vadd.bf16 v22, v14;
	v13 =	vadd.bf16 v13, v15;
	v43 =	vunpack.i.l.bf16.f32 v12;
	v42 =	vld [tilespmem:s1+$0xFFFFFFA0]  }
0x3a0: {  	v24 =	vmul.bf16 v24, v3;
	v22 =	vmul.bf16 v29, v2;
	v17 =	vadd.bf16 v21, v17;
	v15 =	vld [tilespmem:s1+$0xFFFFFF90];
	(xrf2) =	vadd.scan.msk.f32 $0xffff, v16  }
0x3a1: {  	v27 =	vadd.f32 v43, v27;
	v21 =	vmul.bf16 v23, v0;
	v23 =	vmul.bf16 v33, v1;
	v16 =	vld [tilespmem:s1+$0xFFFFFF80];
	v12, _, _ =	vpop (xrf2)  }
0x3a2: {  	v14 =	vadd.bf16 v14, v17;
	v17 =	vadd.bf16 v24, v22;
	v22 =	vunpack.i.u.bf16.f32 v13;
	v29 =	vld [tilespmem:s1+$0xFFFFFFF0]  }
0x3a3: {  	v32 =	vmul.bf16 v32, v3;
	v28 =	vmul.bf16 v28, v2;
	v21 =	vadd.bf16 v23, v21;
	v24 =	vld [tilespmem:s1+$0xFFFFFFE0];
	(xrf2) =	vadd.scan.msk.f32 $0xffff, v25  }
0x3a4: {  	v33 =	vmul.bf16 v39, v1;
	v25 =	vmul.bf16 v30, v0;
	v30 =	vunpack.i.l.bf16.f32 v13;
	v23 =	vld [tilespmem:s1+$0xFFFFFFD0];
	v13, _, _ =	vpop (xrf2)  }
0x3a5: {  	v43 =	vadd.bf16 v17, v21;
	v21 =	vunpack.i.u.bf16.f32 v14;
	v22 =	vadd.f32 v30, v22;
	v39 =	vld [tilespmem:s1+$0xFFFFFFC0]  }
0x3a6: {  	v28 =	vadd.bf16 v32, v28;
	v14 =	vunpack.i.l.bf16.f32 v14;
	v25 =	vadd.bf16 v33, v25;
	v30 =	vld [tilespmem:s1+$0xFFFFFF30];
	(xrf2) =	vadd.scan.msk.f32 $0xffff, v31  }
0x3a7: {  	v21 =	vadd.f32 v14, v21;
	v32 =	vunpack.i.u.bf16.f32 v43;
	v33 =	vunpack.i.l.bf16.f32 v43;
	v31 =	vld [tilespmem:s1+$0xFFFFFF70];
	v17, _, _ =	vpop (xrf2)  }
0x3a8: {  	v34 =	vmul.bf16 v34, v7;
	v44 =	vmul.bf16 v37, v6;
	v25 =	vadd.bf16 v28, v25;
	v43 =	vld [tilespmem:s1+$0xFFFFFF60]  }
0x3a9: {  	v37 =	vmul.bf16 v38, v5;
	v35 =	vmul.bf16 v35, v4;
	v32 =	vadd.f32 v33, v32;
	v28 =	vld [tilespmem:s1+$0xFFFFFF50];
	(xrf2) =	vadd.scan.msk.f32 $0xffff, v27  }
0x3aa: {  	v33 =	vadd.bf16 v34, v44;
	v34 =	vunpack.i.u.bf16.f32 v25;
	v25 =	vunpack.i.l.bf16.f32 v25;
	v27 =	vld [tilespmem:s1+$0xFFFFFF40];
	v14, _, _ =	vpop (xrf2)  }
0x3ab: {  	v36 =	vmul.bf16 v36, v3;
	v35 =	vadd.bf16 v37, v35;
	v44 =	vmul.bf16 v18, v2;
	v38 =	vld [tilespmem:s1+$0xFFFFFEB0]  }
0x3ac: {  	v41 =	vmul.bf16 v41, v1;
	v40 =	vmul.bf16 v40, v0;
	v25 =	vadd.f32 v25, v34;
	v37 =	vld [tilespmem:s1+$0xFFFFFEA0];
	(xrf2) =	vadd.scan.msk.f32 $0xffff, v22  }
0x3ad: {  	v22 =	vadd.bf16 v33, v35;
	v33 =	vadd.bf16 v36, v44;
	v34 =	vld [tilespmem:s1+$0xFFFFFE90];
	v18, _, _ =	vpop (xrf2)  }
0x3ae: {  	v40 =	vadd.bf16 v41, v40;
	v36 =	vmul.bf16 v42, v6;
	v44 =	vmul.bf16 v19, v7;
	v35 =	vld [tilespmem:s1+$0xFFFFFE80]  }
0x3af: {  	v15 =	vmul.bf16 v15, v5;
	v16 =	vmul.bf16 v16, v4;
	v42 =	vunpack.i.u.bf16.f32 v22;
	v41 =	vld [tilespmem:s1+$0xFFFFFEF0];
	(xrf2) =	vadd.scan.msk.f32 $0xffff, v21  }
0x3b0: {  	v36 =	vadd.bf16 v44, v36;
	v33 =	vadd.bf16 v33, v40;
	v22 =	vunpack.i.l.bf16.f32 v22;
	v21 =	vld [tilespmem:s1+$0xFFFFFEE0];
	v19, _, _ =	vpop (xrf2)  }
0x3b1: {  	v29 =	vmul.bf16 v29, v3;
	v24 =	vmul.bf16 v24, v2;
	v45 =	vadd.bf16 v15, v16;
	v40 =	vld [tilespmem:s1+$0xFFFFFED0]  }
0x3b2: {  	v23 =	vmul.bf16 v23, v1;
	v16 =	vmul.bf16 v39, v0;
	v39 =	vadd.f32 v22, v42;
	v44 =	vld [tilespmem:s1+$0xFFFFFEC0];
	(xrf2) =	vadd.scan.msk.f32 $0xffff, v32  }
0x3b3: {  	v36 =	vadd.bf16 v36, v45;
	v45 =	vadd.bf16 v29, v24;
	v24 =	vunpack.i.u.bf16.f32 v33;
	v32 =	vld [tilespmem:s1+$0xFFFFFE30];
	v15, _, _ =	vpop (xrf2)  }
0x3b4: {  	v31 =	vmul.bf16 v31, v3;
	v16 =	vadd.bf16 v23, v16;
	v42 =	vmul.bf16 v43, v2;
	v29 =	vld [tilespmem:s1+$0xFFFFFE20]  }
0x3b5: {  	v28 =	vmul.bf16 v28, v1;
	v27 =	vmul.bf16 v27, v0;
	v33 =	vunpack.i.l.bf16.f32 v33;
	v23 =	vld [tilespmem:s1+$0xFFFFFE10];
	(xrf2) =	vadd.scan.msk.f32 $0xffff, v25  }
0x3b6: {  	v24 =	vadd.f32 v33, v24;
	v46 =	vadd.bf16 v45, v16;
	v25 =	vunpack.i.u.bf16.f32 v36;
	v43 =	vld [tilespmem:s1+$0xFFFFFE00];
	v22, _, _ =	vpop (xrf2)  }
0x3b7: {  	v27 =	vadd.bf16 v28, v27;
	v28 =	vadd.bf16 v31, v42;
	v31 =	vunpack.i.l.bf16.f32 v36;
	v45 =	vld [tilespmem:s1+$0xFFFFFE70]  }
0x3b8: {  	v33 =	vunpack.i.u.bf16.f32 v46;
	v42 =	vunpack.i.l.bf16.f32 v46;
	v25 =	vadd.f32 v31, v25;
	v36 =	vld [tilespmem:s1+$0xFFFFFE60];
	(xrf2) =	vadd.scan.msk.f32 $0xffff, v39  }
0x3b9: {  	v38 =	vmul.bf16 v38, v7;
	v37 =	vmul.bf16 v37, v6;
	v27 =	vadd.bf16 v28, v27;
	v31 =	vld [tilespmem:s1+$0xFFFFFE50];
	v16, _, _ =	vpop (xrf2)  }
0x3ba: {  	v34 =	vmul.bf16 v34, v5;
	v35 =	vmul.bf16 v35, v4;
	v39 =	vadd.f32 v42, v33;
	v28 =	vld [tilespmem:s1+$0xFFFFFE40]  }
0x3bb: {  	v37 =	vadd.bf16 v38, v37;
	v38 =	vunpack.i.u.bf16.f32 v27;
	v27 =	vunpack.i.l.bf16.f32 v27;
	v33 =	vld [tilespmem:s1+$0xFFFFFDB0];
	(xrf2) =	vadd.scan.msk.f32 $0xffff, v24  }
0x3bc: {  	v41 =	vmul.bf16 v41, v3;
	v21 =	vmul.bf16 v21, v2;
	v34 =	vadd.bf16 v34, v35;
	v42 =	vld [tilespmem:s1+$0xFFFFFDF0];
	v24, _, _ =	vpop (xrf2)  }
0x3bd: {  	v40 =	vmul.bf16 v40, v1;
	v27 =	vadd.f32 v27, v38;
	v44 =	vmul.bf16 v44, v0;
	v35 =	vld [tilespmem:s1+$0xFFFFFDE0]  }
0x3be: {  	v34 =	vadd.bf16 v37, v34;
	v37 =	vadd.bf16 v41, v21;
	v21 =	vmul.bf16 v20, v5;
	v38 =	vld [tilespmem:s1+$0xFFFFFDD0];
	(xrf2) =	vadd.scan.msk.f32 $0xffff, v25  }
0x3bf: {  	v47 =	vmul.bf16 v29, v6;
	v29 =	vmul.bf16 v32, v7;
	v32 =	vadd.bf16 v40, v44;
	v41 =	vld [tilespmem:s1+$0xFFFFFDC0];
	v25, _, _ =	vpop (xrf2)  }
0x3c0: {  	v44 =	vunpack.i.u.bf16.f32 v34;
	v23 =	vmul.bf16 v23, v5;
	v43 =	vmul.bf16 v43, v4;
	v40 =	vld [tilespmem:s1+$0xFFFFFD30]  }
0x3c1: {  	v34 =	vunpack.i.l.bf16.f32 v34;
	v29 =	vadd.bf16 v29, v47;
	v32 =	vadd.bf16 v37, v32;
	v46 =	vld [tilespmem:s1+$0xFFFFFD20];
	(xrf2) =	vadd.scan.msk.f32 $0xffff, v39  }
0x3c2: {  	v36 =	vmul.bf16 v36, v2;
	v23 =	vadd.bf16 v23, v43;
	v39 =	vmul.bf16 v45, v3;
	v37 =	vld [tilespmem:s1+$0xFFFFFD10];
	v20, _, _ =	vpop (xrf2)  }
0x3c3: {  	v34 =	vadd.f32 v34, v44;
	v31 =	vmul.bf16 v31, v1;
	v28 =	vmul.bf16 v28, v0;
	v43 =	vld [tilespmem:s1+$0xFFFFFD00]  }
0x3c4: {  	v23 =	vadd.bf16 v29, v23;
	v29 =	vadd.bf16 v39, v36;
	v36 =	vunpack.i.u.bf16.f32 v32;
	v44 =	vld [tilespmem:s1+$0xFFFFFD70];
	(xrf2) =	vadd.scan.msk.f32 $0xffff, v27  }
0x3c5: {  	v42 =	vmul.bf16 v42, v3;
	v28 =	vadd.bf16 v31, v28;
	v35 =	vmul.bf16 v35, v2;
	v39 =	vld [tilespmem:s1+$0xFFFFFD60];
	v27, _, _ =	vpop (xrf2)  }
0x3c6: {  	v38 =	vmul.bf16 v38, v1;
	v32 =	vunpack.i.l.bf16.f32 v32;
	v41 =	vmul.bf16 v41, v0;
	v31 =	vld [tilespmem:s1+$0xFFFFFD50]  }
0x3c7: {  	v32 =	vadd.f32 v32, v36;
	v28 =	vadd.bf16 v29, v28;
	v29 =	vunpack.i.u.bf16.f32 v23;
	v45 =	vld [tilespmem:s1+$0xFFFFFD40];
	(xrf2) =	vadd.scan.msk.f32 $0xffff, v34  }
0x3c8: {  	v35 =	vadd.bf16 v42, v35;
	v36 =	vadd.bf16 v38, v41;
	v38 =	vunpack.i.l.bf16.f32 v23;
	v34 =	vld [tilespmem:s1+$0xFFFFFC30];
	v23, _, _ =	vpop (xrf2)  }
0x3c9: {  	v42 =	vunpack.i.u.bf16.f32 v28;
	v47 =	vunpack.i.l.bf16.f32 v28;
	v29 =	vadd.f32 v38, v29;
	v41 =	vld [tilespmem:s1+$0xFFFFFC20]  }
0x3ca: {  	v40 =	vmul.bf16 v40, v7;
	v46 =	vmul.bf16 v46, v6;
	v35 =	vadd.bf16 v35, v36;
	v38 =	vld [tilespmem:s1+$0xFFFFFC10];
	(xrf2) =	vadd.scan.msk.f32 $0xffff, v32  }
0x3cb: {  	v37 =	vmul.bf16 v37, v5;
	v36 =	vmul.bf16 v43, v4;
	v42 =	vadd.f32 v47, v42;
	v32 =	vld [tilespmem:s1+$0xFFFFFC00];
	v28, _, _ =	vpop (xrf2)  }
0x3cc: {  	v40 =	vadd.bf16 v40, v46;
	v46 =	vunpack.i.u.bf16.f32 v35;
	v35 =	vunpack.i.l.bf16.f32 v35;
	v43 =	vld [tilespmem:s1+$0xFFFFFCB0]  }
0x3cd: {  	v44 =	vmul.bf16 v44, v3;
	v39 =	vmul.bf16 v39, v2;
	v36 =	vadd.bf16 v37, v36;
	v47 =	vld [tilespmem:s1+$0xFFFFFCA0];
	(xrf2) =	vadd.scan.msk.f32 $0xffff, v29  }
0x3ce: {  	v46 =	vadd.f32 v35, v46;
	v37 =	vmul.bf16 v45, v0;
	v45 =	vmul.bf16 v31, v1;
	v48 =	vld [tilespmem:s1+$0xFFFFFC90];
	v29, _, _ =	vpop (xrf2)  }
0x3cf: {  	v36 =	vadd.bf16 v40, v36;
	v39 =	vadd.bf16 v44, v39;
	v31 =	vmul.bf16 v26, v7;
	v49 =	vld [tilespmem:s1+$0xFFFFFC80]  }
0x3d0: {  	v34 =	vmul.bf16 v34, v7;
	v40 =	vmul.bf16 v41, v6;
	v37 =	vadd.bf16 v45, v37;
	v44 =	vld [tilespmem:s1+$0xFFFFFC70];
	(xrf2) =	vadd.scan.msk.f32 $0xffff, v42  }
0x3d1: {  	v41 =	vunpack.i.u.bf16.f32 v36;
	v38 =	vmul.bf16 v38, v5;
	v51 =	vmul.bf16 v32, v4;
	v50 =	vld [tilespmem:s1+$0xFFFFFC60];
	v26, _, _ =	vpop (xrf2)  }
0x3d2: {  	v34 =	vadd.bf16 v34, v40;
	v40 =	vadd.bf16 v39, v37;
	v39 =	vunpack.i.l.bf16.f32 v36;
	v35 =	vld [tilespmem:s1+$0xFFFFFC50]  }
0x3d3: {  	v43 =	vmul.bf16 v43, v7;
	v38 =	vadd.bf16 v38, v51;
	v42 =	vmul.bf16 v47, v6;
	v37 =	vld [tilespmem:s1+$0xFFFFFC40];
	(xrf2) =	vadd.scan.msk.f32 $0xffff, v46  }
.Ltmp2:
0x3d4: {  	v47 =	vadd.f32 v39, v41;
	v46 =	vmul.bf16 v48, v5;
	v45 =	vmul.bf16 v49, v4;
	v36 =	vld [tilespmem:s1+$0xFFFFFCF0];
	v32, _, _ =	vpop (xrf2);
	(pc) =	sbr.rel @p0 .LBB2_8-.Ltmp2, $4  }
0x3d5: {  	v48 =	vunpack.i.u.bf16.f32 v40;
	v41 =	vadd.bf16 v34, v38;
	v34 =	vmul.bf16 v30, v7;
	v38 =	vld [tilespmem:s1+$0xFFFFFCE0]  }
0x3d6: {  	v43 =	vadd.bf16 v43, v42;
	v39 =	vld [tilespmem:s1+$0xFFFFFCD0];
	v49 =	vadd.bf16 v46, v45;
	v46 =	vunpack.i.l.bf16.f32 v40;
	(xrf2) =	vadd.scan.msk.f32 $0xffff, v47  }
0x3d7: {  	v33 =	vmul.bf16 v33, v7;
	v45 =	vunpack.i.u.bf16.f32 v41;
	v42 =	vld [tilespmem:s1+$0xFFFFFCC0];
	v40 =	vadd.f32 v46, v48;
	v30, _, _ =	vpop (xrf2)  }
0x3d8: {  	s13 =	sadd.s32 $0x40, s13;
	v47 =	vmul.bf16 v44, v3;
	v46 =	vmul.bf16 v50, v2;
	v44 =	vadd.bf16 v43, v49;
	v43 =	vld [tilespmem:s1+$0xFFFFFDA0]  }
0x3d9: {  	v48 =	vld [tilespmem:s1+$0xFFFFFD90]  }
0x3da: {  	v37 =	vmul.bf16 v37, v0;
	v56 =	vld [tilespmem:s1+$0xFFFFFD80]  }
0x3db: {  	v35 =	vmul.bf16 v35, v1;
	v41 =	vunpack.i.l.bf16.f32 v41;
	v36 =	vmul.bf16 v36, v3;
	v58 =	vld [tilespmem:s1+$0xFFFFFF20]  }
0x3dc: {  	v49 =	vld [tilespmem:s1+$0xFFFFFF10];
	v17 =	vbroadcast v17, $0xF;
	v46 =	vadd.bf16 v47, v46;
	v41 =	vadd.f32 v41, v45  }
0x3dd: {  	v60 =	vld [tilespmem:s1+$0xFFFFFF00];
	v55 =	vunpack.i.u.bf16.f32 v44;
	v57 =	vmul.bf16 v38, v2;
	v35 =	vadd.bf16 v35, v37  }
0x3de: {  	v59 =	vunpack.i.l.bf16.f32 v44;
	v39 =	vmul.bf16 v39, v1;
	v42 =	vmul.bf16 v42, v0  }
0x3df: {  	v36 =	vadd.bf16 v36, v57;
	v35 =	vadd.bf16 v46, v35;
	v43 =	vmul.bf16 v43, v6  }
0x3e0: {  	v62 =	vld [tilespmem:s1+$0xA0];
	v39 =	vadd.bf16 v39, v42;
	v61 =	vmul.bf16 v48, v5;
	v47 =	vmul.bf16 v56, v4  }
0x3e1: {  	v63 =	vld [tilespmem:s1+$0x90];
	v44 =	vadd.f32 v59, v55;
	v38 =	vmul.bf16 v58, v6;
	v51 =	vmul.bf16 v49, v5  }
0x3e2: {  	v50 =	vld [tilespmem:s1+$0x80];
	v45 =	vmul.bf16 v60, v4;
	v46 =	vunpack.i.u.bf16.f32 v35;
	v36 =	vadd.bf16 v36, v39  }
0x3e3: {  	(xrf2) =	vadd.scan.msk.f32 $0xffff, v40;
	v35 =	vunpack.i.l.bf16.f32 v35;
	v33 =	vadd.bf16 v33, v43;
	v37 =	vadd.bf16 v61, v47  }
0x3e4: {  	(xrf2) =	vadd.scan.msk.f32 $0xffff, v41;
	v35 =	vadd.f32 v35, v46;
	v53 =	vunpack.i.u.bf16.f32 v36;
	v36 =	vunpack.i.l.bf16.f32 v36  }
0x3e5: {  	v52 =	vld [tilespmem:s1+$0x200];
	(xrf2) =	vadd.scan.msk.f32 $0xffff, v44;
	v54 =	vmul.bf16 v62, v6;
	v33 =	vadd.bf16 v33, v37;
	v36 =	vadd.f32 v36, v53  }
0x3e6: {  	v56 =	vmul.bf16 v63, v5;
	v55 =	vadd.bf16 v51, v45;
	v34 =	vadd.bf16 v34, v38;
	(xrf2) =	vadd.scan.msk.f32 $0xffff, v35  }
0x3e7: {  	v39 =	vmul.bf16 v50, v4;
	v57 =	vunpack.i.u.bf16.f32 v33;
	v33 =	vunpack.i.l.bf16.f32 v33;
	(xrf2) =	vadd.scan.msk.f32 $0xffff, v36  }
0x3e8: {  	v19 =	vbroadcast v19, $0xF;
	v34 =	vadd.bf16 v34, v55;
	v33 =	vadd.f32 v33, v57  }
0x3e9: {  	v18 =	vbroadcast v18, $0xF;
	v31 =	vadd.bf16 v31, v54;
	v59 =	vadd.bf16 v56, v39  }
0x3ea: {  	v58 =	vmul.bf16 v52, v4;
	v61, _, _ =	vpop (xrf2);
	v62 =	vunpack.i.u.bf16.f32 v34;
	v34 =	vunpack.i.l.bf16.f32 v34;
	(xrf2) =	vadd.scan.msk.f32 $0xffff, v33  }
0x3eb: {  	v22 =	vbroadcast v22, $0xF;
	v63, _, _ =	vpop (xrf2);
	v31 =	vadd.bf16 v31, v59;
	v34 =	vadd.f32 v34, v62  }
0x3ec: {  	v25 =	vbroadcast v25, $0xF;
	v24 =	vbroadcast v24, $0xF;
	v21 =	vadd.bf16 v21, v58;
	v44, _, _ =	vpop (xrf2)  }
0x3ed: {  	v28 =	vbroadcast v28, $0xF;
	v45, _, _ =	vpop (xrf2);
	v36 =	vunpack.i.u.bf16.f32 v31;
	v31 =	vunpack.i.l.bf16.f32 v31;
	(xrf2) =	vadd.scan.msk.f32 $0xffff, v34  }
0x3ee: {  	v27 =	vbroadcast v27, $0xF;
	v11 =	vadd.bf16 v11, v21;
	v46, _, _ =	vpop (xrf2);
	v31 =	vadd.f32 v31, v36  }
0x3ef: {  	v32 =	vbroadcast v32, $0xF;
	v29 =	vbroadcast v29, $0xF;
	v47, _, _ =	vpop (xrf2)  }
0x3f0: {  	v60 =	vunpack.i.u.bf16.f32 v10;
	v48 =	vunpack.i.u.bf16.f32 v11;
	v11 =	vunpack.i.l.bf16.f32 v11;
	(xrf2) =	vadd.scan.msk.f32 $0xffff, v31;
	v49, _, _ =	vpop (xrf2)  }
0x3f1: {  	v50 =	vbroadcast v61, $0xF;
	v11 =	vadd.f32 v11, v48;
	v21 =	vbroadcast v45, $0xF;
	v51, _, _ =	vpop (xrf2)  }
0x3f2: {  	v53 =	vunpack.i.l.bf16.f32 v10;
	v52 =	vbroadcast v49, $0xF;
	v38 =	vbroadcast v51, $0xF  }
0x3f3: {  	v10 =	vadd.f32 v53, v60;
	v34 =	vbroadcast v46, $0xF;
	v36 =	vbroadcast v47, $0xF;
	(xrf2) =	vadd.scan.msk.f32 $0xffff, v11  }
0x3f4: {  	v35 =	vbroadcast v44, $0xF;
	v33 =	vbroadcast v63, $0xF;
	v55, _, _ =	vpop (xrf2);
	v54 =	vsel vm0, v52, v38  }
0x3f5: {  	v34 =	vsel vm0, v34, v36;
	v56 =	vbroadcast v55, $0xF;
	v11 =	vsel vm1, v54, v21  }
0x3f6: {  	v30 =	vbroadcast v30, $0xF;
	v34 =	vsel vm1, v34, v35;
	v11 =	vsel vm2, v11, v33  }
0x3f7: {  	v26 =	vbroadcast v26, $0xF;
	(xrf2) =	vadd.scan.msk.f32 $0xffff, v10;
	v57, _, _ =	vpop (xrf2);
	v21 =	vsel vm2, v34, v56;
	v11 =	vsel vm3, v11, v50  }
0x3f8: {  	v59 =	vbroadcast v57, $0xF;
	v58 =	vsel vm3, v21, v30;
	v11 =	vsel vm4, v11, v32  }
0x3f9: {  	v23 =	vbroadcast v23, $0xF;
	v10 =	vsel vm4, v58, v26;
	v11 =	vsel vm5, v11, v29  }
0x3fa: {  	v20 =	vbroadcast v20, $0xF;
	v60, _, _ =	vpop (xrf2);
	v10 =	vsel vm5, v10, v59;
	v11 =	vsel vm6, v11, v28  }
0x3fb: {  	v21 =	vbroadcast v60, $0xF;
	v10 =	vsel vm6, v10, v23;
	v11 =	vsel vm7, v11, v27  }
0x3fc: {  	v16 =	vbroadcast v16, $0xF;
	v10 =	vsel vm7, v10, v20;
	v11 =	vsel vm8, v11, v25  }
0x3fd: {  	v15 =	vbroadcast v15, $0xF;
	v61, _, _ =	vpop (xrf2);
	v10 =	vsel vm8, v10, v21;
	v11 =	vsel vm9, v11, v24  }
0x3fe: {  	s26 =	sadd.s32 $0x1, s26;
	v62 =	vbroadcast v61, $0xF;
	v10 =	vsel vm9, v10, v16;
	v11 =	vsel vm10, v11, v22  }
0x3ff: {  	v14 =	vbroadcast v14, $0xF;
	p0 =	sne.s32 s26, $0x4;
	v10 =	vsel vm10, v10, v15;
	v11 =	vsel vm11, v11, v19  }
.Ltmp3:
0x400: {  	v13 =	vbroadcast v13, $0xF;
	v10 =	vsel vm11, v10, v62;
	v11 =	vsel vm12, v11, v18;
	(pc) =	sbr.rel @p0 .LBB2_3-.Ltmp3, $4  }
0x401: {  	v63, _, _ =	vpop (xrf2);
	v10 =	vsel vm12, v10, v14;
	v11 =	vsel vm13, v11, v17  }
0x402: {  	s16 =	sshra.s32 s11, $0x2;
	v10 =	vsel vm13, v10, v13;
	v11 =	vsel vm14, v11, v63  }
0x403: {  	s28 =	sadd.s32 $0x180, s28;
	s29 =	sadd.s32 $0x180, s29;
	s30 =	sadd.s32 $0x180, s30;
	v10 =	vsel vm14, v10, v12;
	[tilespmem:v8+s16+$0x0 ss:$0x1] =	vst.idx.msk $0xffff, v11  }
0x404: {  	s31 =	sadd.s32 $0x180, s31;
	s0 =	sadd.s32 $0x180, s0;
	s3 =	sadd.s32 $0x180, s3;
	[tilespmem:v9+s16+$0x0 ss:$0x1] =	vst.idx.msk $0xffff, v10  }
0x405: {  	s0 =	sshll.u32 s25, $0x7  }
0x406: {  	s0 =	sadd.s32 s10, s0  }
0x407: {  	s0 =	sshrl.u32 s0, $0x3  }
0x408: {  	s1 =	sadd.s32 s7, s0  }
0x409: {  	[hbm4b:s1+s15] =	stream.strided.scatter [tilespmem:s23], [sflag:$0x4], $0x600, s22, s15, $0x38;
	[tilespmem:$0xD500] =	vst v63  }
0x40a: {  	s25 =	sadd.s32 $0x1, s25;
	_ =	swait.ge [sflag:s12], $0x600  }
0x40b: {  	p0 =	sne.s32 s25, $0x8;
	[sflag:s12] =	ssyncset.done $0x0  }
.Ltmp4:
0x40c: {  	s0 =	sadd.s32 s9, s0;
	[sflag:s12] =	ssyncadd.s32 $0xFFFFFA00;
	(pc) =	sbr.rel @p0 .LBB2_2-.Ltmp4, $4  }
0x40d: {  	[hbm4b:s0+s15] =	stream.strided.scatter [tilespmem:s24], [sflag:$0x4], $0x600, s22, s15, $0x38;
	[tilespmem:$0xD500] =	vst v63  }
0x40e: {  	_ =	swait.ge [sflag:s12], $0x600  }
0x40f: {  	[sflag:s12] =	ssyncset.done $0x0  }
0x410: {  	[sflag:s12] =	ssyncadd.s32 $0xFFFFFA00  }
0x411: {  	s11 =	rddreg [dreg:$0x2]  }
0x412: {  	s0 =	rddreg [dreg:$0x3];
	s11 =	sadd.s32 $0x1, s11  }
0x413: {  	p0 =	sne.s32 s11, s0  }
.Ltmp5:
0x414: {  	_ = 	snop;
	(pc) =	sbr.rel @p0 .LBB2_1-.Ltmp5, $1  }
0x415: {  	_ =	sdelay $0x3  }
0x416: {  	_ =	sfence.sel $0x180000  }
0x417: {  	[bflag:$0x0] =	sbarrier.arrive $0xFFFF  }
0x418: {  	_ =	strace $0x90000047  }
0x419: {  	s0 =	stileid.u32;
	[bflag:$0x2] =	sbarrier.arrive $0xFFFF  }
0x41a: {  	p0 =	sne.s32 s0, $0x0;
	s0 =	rddreg [dreg:$0x1]  }
0x41b: {  	s0 =	sadd.s32 @!p0 $0x100000, s0  }
0x41c: {  	[sflag:s0] =	ssyncadd.tile.s32 @!p0 $0x1;
	_ =	shalt  }
.Lfunc_end2:
_tile_overlayer_lowered:
.L_overlay_start_2:
0x41d: {  	(tag) =	ssettag $0x2  }
0x41e: {  	s0 =	rddreg [dreg:$0x0];
	s2 =	stileid.u32  }
0x41f: {  	s1 =	rddreg [dreg:$0x1];
	p0 =	sne.s32 s2, $0x0  }
0x420: {  	s3 =	rddreg [dreg:$0x2];
	[bflag:$0x3] =	sbarrier.arrive $0xFFFF;
	s2 =	simm.s32 @!p0 $0x1C04  }
0x421: {  	[timem:s3], [sflag:s2] =	dma.local @!p0 [hbm:s0], s1  }
0x422: {  	s0 =	simm.s32 @!p0 $0x4  }
0x423: {  	_ =	swait.ge @!p0 [sflag:s0], s1  }
0x424: {  	s1 =	ssub.s32 @!p0 $0x0, s1;
	[sflag:s0] =	ssyncset.done @!p0 $0x0  }
0x425: {  	[sflag:s0] =	ssyncadd.s32 @!p0 s1  }
0x426: {  	[bflag:$0x3] =	sbarrier.arrive $0xFFFF  }
0x427: {  	_ =	shalt  }

</sc_bundles>
